<compile_context>
chip_gen: v7x
topology: tpu7x:2x2x1
jax: 0.10.2.dev20260603
libtpu: 0.0.44.dev20260713+nightly
codegen_flags: <defaults>
</compile_context>

<pallas_src>
import functools

import jax
import jax.numpy as jnp
from jax import lax
from jax.experimental import pallas as pl
from jax.experimental.pallas import tpu as pltpu
from jax.experimental.pallas import tpu_sc as plsc

_N = 10000
_E = 320000
_D = 128

_NC = 2
_NS = 16
_NW = _NC * _NS

_C = 64
_CHUNKS = 160
_TPT = _C * _CHUNKS
_EPAD = _TPT * _NW
_EROWS = _EPAD // _C
_CPT = _EROWS // _NW
_SCPT = 40
_CH0 = 280
_CH1 = 40

_NROWS = 10112
_RPT = _NROWS // _NS
_DROWS = 80

_mesh = plsc.VectorSubcoreMesh(core_axis_name="c", subcore_axis_name="s")


@functools.partial(
    pl.kernel,
    mesh=_mesh,
    out_type=jax.ShapeDtypeStruct((_NC * _NROWS, _D), jnp.float32),
    scratch_types=[
        pltpu.VMEM((_CPT, _C), jnp.int32),
        pltpu.VMEM((_C, _D), jnp.float32),
        pltpu.VMEM_SHARED((_NROWS, _D), jnp.float32),
        pltpu.SemaphoreType.DMA,
    ],
)
def _deg_kernel(dst_hbm, out_hbm, didx, ones_v, acc, sem):
    cid = lax.axis_index("c")
    sid = lax.axis_index("s")
    wid = cid * _NS + sid

    def _zero(i, _):
        for c in range(_D // 16):
            ones_v[i, pl.ds(c * 16, 16)] = jnp.zeros((16,), jnp.float32)
        return 0

    lax.fori_loop(0, _C, _zero, 0)

    r0 = sid * _RPT
    for j in range(_RPT // _C):
        pltpu.sync_copy(ones_v, acc.at[pl.ds(r0 + j * _C, _C)])
    pltpu.sync_copy(ones_v.at[pl.ds(0, _RPT % _C)],
                    acc.at[pl.ds(r0 + (_RPT // _C) * _C, _RPT % _C)])

    def _fill(i, _):
        for c in range(_D // 16):
            ones_v[i, pl.ds(c * 16, 16)] = jnp.full((16,), 1.0, jnp.float32)
        return 0

    lax.fori_loop(0, _C, _fill, 0)

    pltpu.sync_copy(dst_hbm.at[pl.ds(wid * _CPT, _CPT)], didx)
    plsc.subcore_barrier()

    def _body(i, _):
        pltpu.sync_copy(ones_v, acc.at[didx.at[i]], add=True)
        return 0

    lax.fori_loop(0, _CHUNKS, _body, 0)
    plsc.subcore_barrier()

    pltpu.sync_copy(acc.at[pl.ds(r0, _RPT)],
                    out_hbm.at[pl.ds(cid * _NROWS + r0, _RPT)])


@functools.partial(
    pl.kernel,
    mesh=_mesh,
    out_type=jax.ShapeDtypeStruct((_NC * _NROWS, _D), jnp.float32),
    scratch_types=[
        pltpu.VMEM((_SCPT, _C), jnp.int32),
        pltpu.VMEM((_SCPT, _C), jnp.int32),
        pltpu.VMEM((_C, _D), jnp.float32),
        pltpu.VMEM((_C, _D), jnp.float32),
        pltpu.VMEM((_C, _D), jnp.float32),
        pltpu.VMEM((_C, _D), jnp.float32),
        pltpu.VMEM_SHARED((_NROWS, _D), jnp.float32),
        pltpu.SemaphoreType.DMA,
        pltpu.SemaphoreType.DMA,
        pltpu.SemaphoreType.DMA,
        pltpu.SemaphoreType.DMA,
        pltpu.SemaphoreType.DMA,
        pltpu.SemaphoreType.DMA,
        pltpu.SemaphoreType.DMA,
        pltpu.SemaphoreType.DMA,
    ],
)
def _agg_kernel(src_hbm, dst_hbm, h_hbm, out_hbm, sidx, didx,
                rows0, rows1, rows2, rows3, acc,
                g0, g1, g2, g3, s0, s1, s2, s3):
    cid = lax.axis_index("c")
    sid = lax.axis_index("s")
    wid = cid * _NS + sid
    bufs = [(rows0, g0, s0), (rows1, g1, s1), (rows2, g2, s2), (rows3, g3, s3)]

    def _zero(i, _):
        for c in range(_D // 16):
            rows0[i, pl.ds(c * 16, 16)] = jnp.zeros((16,), jnp.float32)
        return 0

    lax.fori_loop(0, _C, _zero, 0)

    r0 = sid * _RPT
    for j in range(_RPT // _C):
        pltpu.sync_copy(rows0, acc.at[pl.ds(r0 + j * _C, _C)])
    pltpu.sync_copy(rows0.at[pl.ds(0, _RPT % _C)],
                    acc.at[pl.ds(r0 + (_RPT // _C) * _C, _RPT % _C)])
    plsc.subcore_barrier()

    def _step(i, rb, gb, sb, rf, gf, sf):
        pltpu.make_async_copy(h_hbm.at[pl.ds(0, _C)], rb, gb).wait()

        @pl.when(i >= 2)
        def _():
            pltpu.make_async_copy(rf, acc.at[pl.ds(0, _C)], sf).wait()

        @pl.when(i + 2 < _SCPT)
        def _():
            pltpu.async_copy(h_hbm.at[sidx.at[i + 2]], rf, gf)

        pltpu.async_copy(rb, acc.at[didx.at[i]], sb, add=True)

    tile_base = jnp.where(cid == 0, sid * _CH0, _NS * _CH0 + sid * _CH1)
    nstages = jnp.where(cid == 0, _CH0 // _SCPT, _CH1 // _SCPT)

    def _stage(stage, _):
        base = tile_base + stage * _SCPT
        pltpu.sync_copy(src_hbm.at[pl.ds(base, _SCPT)], sidx)
        pltpu.sync_copy(dst_hbm.at[pl.ds(base, _SCPT)], didx)
        pltpu.async_copy(h_hbm.at[sidx.at[0]], rows0, g0)
        pltpu.async_copy(h_hbm.at[sidx.at[1]], rows1, g1)

        def _body(i, _):
            for k in range(4):
                @pl.when(lax.rem(i, 4) == k)
                def _(k=k):
                    rb, gb, sb = bufs[k]
                    rf, gf, sf = bufs[(k + 2) % 4]
                    _step(i, rb, gb, sb, rf, gf, sf)

            return 0

        lax.fori_loop(0, _SCPT, _body, 0)
        pltpu.make_async_copy(rows2, acc.at[pl.ds(0, _C)], s2).wait()
        pltpu.make_async_copy(rows3, acc.at[pl.ds(0, _C)], s3).wait()
        return 0

    lax.fori_loop(0, nstages, _stage, 0)

    plsc.subcore_barrier()
    pltpu.sync_copy(acc.at[pl.ds(r0, _RPT)],
                    out_hbm.at[pl.ds(cid * _NROWS + r0, _RPT)])


_BLK = 1000
_GRID = _N // _BLK


def _rowspec(width=_D):
    return pl.BlockSpec((_BLK, width), lambda i: (i, 0))


def _aggspec(width):
    return pl.BlockSpec((_NC, _BLK, width), lambda i: (0, i, 0))


def _wspec(shape):
    return pl.BlockSpec(shape, lambda i: tuple(0 for _ in shape))


def _phase1_body(deg_ref, x_ref, wf_ref, bf_ref, wc_ref, x1_ref, h1_ref,
                 dinv_ref):
    deg = deg_ref[0, :, 0:1] + deg_ref[1, :, 0:1]
    dinv = jnp.where(deg > 0.0, lax.rsqrt(jnp.maximum(deg, 1.0)), 0.0)
    x = x_ref[...]
    x1_ref[...] = jnp.maximum(
        jnp.dot(x, wf_ref[...], preferred_element_type=jnp.float32)
        + bf_ref[...], 0.0)
    h1_ref[...] = dinv * jnp.dot(
        x, wc_ref[...], preferred_element_type=jnp.float32)
    dinv_ref[...] = dinv


_phase1 = pl.pallas_call(
    _phase1_body,
    grid=(_GRID,),
    in_specs=[
        _aggspec(_D),
        _rowspec(),
        _wspec((_D, _D)),
        _wspec((1, _D)),
        _wspec((_D, _D)),
    ],
    out_specs=[_rowspec(), _rowspec(), _rowspec(1)],
    out_shape=[
        jax.ShapeDtypeStruct((_N, _D), jnp.float32),
        jax.ShapeDtypeStruct((_N, _D), jnp.float32),
        jax.ShapeDtypeStruct((_N, 1), jnp.float32),
    ],
)


def _mid_body(agg_ref, dinv_ref, prev_ref, b_in_ref, w1_ref, b1_ref, w2_ref,
              o1_ref, o2_ref):
    agg = agg_ref[0] + agg_ref[1]
    dinv = dinv_ref[...]
    g = jnp.maximum(dinv * agg + b_in_ref[...], 0.0)
    prev = prev_ref[...]
    w1 = w1_ref[...]
    o1 = (jnp.dot(prev, w1[:_D], preferred_element_type=jnp.float32)
          + jnp.dot(g, w1[_D:], preferred_element_type=jnp.float32)
          + b1_ref[...])
    o1_ref[...] = jnp.maximum(o1, 0.0)
    w2 = w2_ref[...]
    o2_ref[...] = dinv * (
        jnp.dot(prev, w2[:_D], preferred_element_type=jnp.float32)
        + jnp.dot(g, w2[_D:], preferred_element_type=jnp.float32))


_mid = pl.pallas_call(
    _mid_body,
    grid=(_GRID,),
    in_specs=[
        _aggspec(_D),
        _rowspec(1),
        _rowspec(),
        _wspec((1, _D)),
        _wspec((2 * _D, _D)),
        _wspec((1, _D)),
        _wspec((2 * _D, _D)),
    ],
    out_specs=[_rowspec(), _rowspec()],
    out_shape=[
        jax.ShapeDtypeStruct((_N, _D), jnp.float32),
        jax.ShapeDtypeStruct((_N, _D), jnp.float32),
    ],
)


def _final_body(agg_ref, dinv_ref, x4_ref, b_ref, out_ref):
    agg = agg_ref[0] + agg_ref[1]
    out_ref[...] = x4_ref[...] + jnp.maximum(
        dinv_ref[...] * agg + b_ref[...], 0.0)


_final = pl.pallas_call(
    _final_body,
    grid=(_GRID,),
    in_specs=[
        _aggspec(_D),
        _rowspec(1),
        _rowspec(),
        _wspec((1, _D)),
    ],
    out_specs=_rowspec(),
    out_shape=jax.ShapeDtypeStruct((_N, _D), jnp.float32),
)


def kernel(x, edge_index, W_fc1, b_fc1, W_c1, b_c1, W_m0, b_m0, W_mc0, b_mc0,
           W_ff, b_ff, W_fc, b_fc):
    src = edge_index[0]
    dst = edge_index[1]
    pad = _EPAD - _E
    src_p = jnp.concatenate([src, jnp.zeros((pad,), jnp.int32)]).reshape(
        _EROWS, _C)
    dst_p = jnp.concatenate([dst, jnp.full((pad,), _N, jnp.int32)]).reshape(
        _EROWS, _C)

    deg = _deg_kernel(dst_p).reshape(_NC, _NROWS, _D)
    x1, h1, dinv = _phase1(deg, x, W_fc1, b_fc1.reshape(1, _D), W_c1)

    agg1 = _agg_kernel(src_p, dst_p, h1).reshape(_NC, _NROWS, _D)
    m1, h2 = _mid(agg1, dinv, x1, b_c1.reshape(1, _D), W_m0,
                  b_m0.reshape(1, _D), W_mc0)

    agg2 = _agg_kernel(src_p, dst_p, h2).reshape(_NC, _NROWS, _D)
    x4, h3 = _mid(agg2, dinv, m1, b_mc0.reshape(1, _D), W_ff,
                  b_ff.reshape(1, _D), W_fc)

    agg3 = _agg_kernel(src_p, dst_p, h3).reshape(_NC, _NROWS, _D)
    return _final(agg3, dinv, x4, b_fc.reshape(1, _D))

# --- scband reference (transcript-rebuilt; emitter-appended) ---
"""Pipeline reference for scband-network-feature-extractor-858993459726 (READ-ONLY COPY).

The authoritative reference and input builder live on the scoring server;
editing this copy changes nothing except your own understanding.
"""

import jax, jax.numpy as jnp
import numpy as np

N = 10000
E = 320000
D = 128
H = 128
O = 128


def _gcn(x, edge_index, W, b):
    # GCNConv with add_self_loops=False: symmetric gcn_norm then scatter-add aggregation
    src = edge_index[0]
    dst = edge_index[1]
    h = x @ W
    ones = jnp.ones((edge_index.shape[1],), dtype=x.dtype)
    deg = jax.ops.segment_sum(ones, dst, num_segments=N)
    dinv = jnp.where(deg > 0, jax.lax.rsqrt(jnp.where(deg > 0, deg, 1.0)), 0.0)
    norm = dinv[src] * dinv[dst]
    out = jax.ops.segment_sum(h[src] * norm[:, None], dst, num_segments=N)
    return out + b


def setup_inputs(seed: int = 0):
    key = jax.random.key(seed)
    ks = jax.random.split(key, 10)
    x = jax.random.normal(ks[0], (N, D), dtype=jnp.float32)
    edge_index = jax.random.randint(ks[1], (2, E), 0, N, dtype=jnp.int32)

    def w(k, shape):
        return jax.random.normal(k, shape, dtype=jnp.float32) * 0.05

    return {
        "x": x,
        "edge_index": edge_index,
        "W_fc1": w(ks[2], (D, H)), "b_fc1": jnp.zeros((H,), jnp.float32),
        "W_c1": w(ks[3], (D, H)), "b_c1": jnp.zeros((H,), jnp.float32),
        "W_m0": w(ks[4], (2 * H, H)), "b_m0": jnp.zeros((H,), jnp.float32),
        "W_mc0": w(ks[5], (2 * H, H)), "b_mc0": jnp.zeros((H,), jnp.float32),
        "W_ff": w(ks[6], (2 * H, O)), "b_ff": jnp.zeros((O,), jnp.float32),
        "W_fc": w(ks[7], (2 * H, O)), "b_fc": jnp.zeros((O,), jnp.float32),
    }


def reference(x, edge_index, W_fc1, b_fc1, W_c1, b_c1, W_m0, b_m0, W_mc0, b_mc0, W_ff, b_ff, W_fc, b_fc):
    # eval mode: dropout and dropout_edge are no-ops
    x1 = jax.nn.relu(x @ W_fc1 + b_fc1)
    x2 = jax.nn.relu(_gcn(x, edge_index, W_c1, b_c1))
    first = jnp.concatenate([x1, x2], axis=1)
    # num_layers == 2 -> one mid layer, i=0 so layer_input = current_output
    layer_input = first
    m1 = jax.nn.relu(layer_input @ W_m0 + b_m0)
    m2 = jax.nn.relu(_gcn(layer_input, edge_index, W_mc0, b_mc0))
    current = jnp.concatenate([m1, m2], axis=1)
    final_input = current
    x4 = jax.nn.relu(final_input @ W_ff + b_ff)
    x5 = jax.nn.relu(_gcn(final_input, edge_index, W_fc, b_fc))
    return x4 + x5

if __name__ == "__main__":
    import jax
    _d = setup_inputs()
    print(jax.jit(kernel)(*tuple(_d.values())))

</pallas_src>

<mosaic_0001>
#map = affine_map<(d0, d1) -> (0, 0)>
module attributes {stable_mosaic.version = 14 : i64} {
  func.func @_deg_kernel(%arg0: i32, %arg1: i32, %arg2: memref<5120x64xi32, #tpu.memory_space<hbm>>, %arg3: memref<20224x128xf32, #tpu.memory_space<hbm>>, %arg4: memref<160x64xi32, #tpu.memory_space<vmem>>, %arg5: memref<64x128xf32, #tpu.memory_space<vmem>>, %arg6: memref<10112x128xf32, #tpu.memory_space<vmem_shared>>, %arg7: memref<!tpu.dma_semaphore, #tpu.memory_space<semaphore_mem>>) attributes {dimension_semantics = [#tpu.dimension_semantics<core_parallel>, #tpu.dimension_semantics<subcore_parallel>], iteration_bounds = array<i64: 2, 16>, scalar_prefetch = 0 : i64, scratch_operands = 4 : i64, tpu.core_type = #tpu.core_type<sc_vector_subcore>, window_params = [{transform_indices = #map}, {transform_indices = #map}]} {
    %mul3A = arith.constant 16 : i32
    %mul3A_0 = arith.muli %arg0, %mul3A : i32
    %add3A = arith.addi %mul3A_0, %arg1 : i32
    %scan3A = arith.constant 0 : i32
    %scan3A_1 = arith.constant 0 : i32
    %scan3A_2 = arith.constant 64 : i32
    %scan3A_3 = arith.addi %scan3A_1, %scan3A_2 : i32
    %scan3A_4 = arith.constant 1 : i32
    %scan3A_5 = scf.for %scan3A_49 = %scan3A_1 to %scan3A_3 step %scan3A_4 iter_args(%scan3A_50 = %scan3A) -> (i32)  : i32 {
      %broadcast_in_dim3A = arith.constant 0.000000e+00 : f32
      %broadcast_in_dim3A_51 = vector.broadcast %broadcast_in_dim3A : f32 to vector<16xf32>
      %swap3A = arith.index_cast %scan3A_49 : i32 to index
      %swap3A_52 = arith.constant 0 : index
      %swap3A_53 = tpu.vector_load %arg5[%swap3A, %swap3A_52] {strides = array<i32>} : memref<64x128xf32, #tpu.memory_space<vmem>>, vector<1x16xf32>,
      %swap3A_54 = vector.shape_cast %swap3A_53 : vector<1x16xf32> to vector<16xf32>
      %swap3A_55 = vector.shape_cast %broadcast_in_dim3A_51 : vector<16xf32> to vector<1x16xf32>
      tpu.vector_store %arg5[%swap3A, %swap3A_52], %swap3A_55 {strides = array<i32>} : memref<64x128xf32, #tpu.memory_space<vmem>>, vector<1x16xf32>,
      %broadcast_in_dim3A_56 = arith.constant 0.000000e+00 : f32
      %broadcast_in_dim3A_57 = vector.broadcast %broadcast_in_dim3A_56 : f32 to vector<16xf32>
      %swap3A_58 = arith.index_cast %scan3A_49 : i32 to index
      %swap3A_59 = arith.constant 16 : index
      %swap3A_60 = tpu.vector_load %arg5[%swap3A_58, %swap3A_59] {strides = array<i32>} : memref<64x128xf32, #tpu.memory_space<vmem>>, vector<1x16xf32>,
      %swap3A_61 = vector.shape_cast %swap3A_60 : vector<1x16xf32> to vector<16xf32>
      %swap3A_62 = vector.shape_cast %broadcast_in_dim3A_57 : vector<16xf32> to vector<1x16xf32>
      tpu.vector_store %arg5[%swap3A_58, %swap3A_59], %swap3A_62 {strides = array<i32>} : memref<64x128xf32, #tpu.memory_space<vmem>>, vector<1x16xf32>,
      %broadcast_in_dim3A_63 = arith.constant 0.000000e+00 : f32
      %broadcast_in_dim3A_64 = vector.broadcast %broadcast_in_dim3A_63 : f32 to vector<16xf32>
      %swap3A_65 = arith.index_cast %scan3A_49 : i32 to index
      %swap3A_66 = arith.constant 32 : index
      %swap3A_67 = tpu.vector_load %arg5[%swap3A_65, %swap3A_66] {strides = array<i32>} : memref<64x128xf32, #tpu.memory_space<vmem>>, vector<1x16xf32>,
      %swap3A_68 = vector.shape_cast %swap3A_67 : vector<1x16xf32> to vector<16xf32>
      %swap3A_69 = vector.shape_cast %broadcast_in_dim3A_64 : vector<16xf32> to vector<1x16xf32>
      tpu.vector_store %arg5[%swap3A_65, %swap3A_66], %swap3A_69 {strides = array<i32>} : memref<64x128xf32, #tpu.memory_space<vmem>>, vector<1x16xf32>,
      %broadcast_in_dim3A_70 = arith.constant 0.000000e+00 : f32
      %broadcast_in_dim3A_71 = vector.broadcast %broadcast_in_dim3A_70 : f32 to vector<16xf32>
      %swap3A_72 = arith.index_cast %scan3A_49 : i32 to index
      %swap3A_73 = arith.constant 48 : index
      %swap3A_74 = tpu.vector_load %arg5[%swap3A_72, %swap3A_73] {strides = array<i32>} : memref<64x128xf32, #tpu.memory_space<vmem>>, vector<1x16xf32>,
      %swap3A_75 = vector.shape_cast %swap3A_74 : vector<1x16xf32> to vector<16xf32>
      %swap3A_76 = vector.shape_cast %broadcast_in_dim3A_71 : vector<16xf32> to vector<1x16xf32>
      tpu.vector_store %arg5[%swap3A_72, %swap3A_73], %swap3A_76 {strides = array<i32>} : memref<64x128xf32, #tpu.memory_space<vmem>>, vector<1x16xf32>,
      %broadcast_in_dim3A_77 = arith.constant 0.000000e+00 : f32
      %broadcast_in_dim3A_78 = vector.broadcast %broadcast_in_dim3A_77 : f32 to vector<16xf32>
      %swap3A_79 = arith.index_cast %scan3A_49 : i32 to index
      %swap3A_80 = arith.constant 64 : index
      %swap3A_81 = tpu.vector_load %arg5[%swap3A_79, %swap3A_80] {strides = array<i32>} : memref<64x128xf32, #tpu.memory_space<vmem>>, vector<1x16xf32>,
      %swap3A_82 = vector.shape_cast %swap3A_81 : vector<1x16xf32> to vector<16xf32>
      %swap3A_83 = vector.shape_cast %broadcast_in_dim3A_78 : vector<16xf32> to vector<1x16xf32>
      tpu.vector_store %arg5[%swap3A_79, %swap3A_80], %swap3A_83 {strides = array<i32>} : memref<64x128xf32, #tpu.memory_space<vmem>>, vector<1x16xf32>,
      %broadcast_in_dim3A_84 = arith.constant 0.000000e+00 : f32
      %broadcast_in_dim3A_85 = vector.broadcast %broadcast_in_dim3A_84 : f32 to vector<16xf32>
      %swap3A_86 = arith.index_cast %scan3A_49 : i32 to index
      %swap3A_87 = arith.constant 80 : index
      %swap3A_88 = tpu.vector_load %arg5[%swap3A_86, %swap3A_87] {strides = array<i32>} : memref<64x128xf32, #tpu.memory_space<vmem>>, vector<1x16xf32>,
      %swap3A_89 = vector.shape_cast %swap3A_88 : vector<1x16xf32> to vector<16xf32>
      %swap3A_90 = vector.shape_cast %broadcast_in_dim3A_85 : vector<16xf32> to vector<1x16xf32>
      tpu.vector_store %arg5[%swap3A_86, %swap3A_87], %swap3A_90 {strides = array<i32>} : memref<64x128xf32, #tpu.memory_space<vmem>>, vector<1x16xf32>,
      %broadcast_in_dim3A_91 = arith.constant 0.000000e+00 : f32
      %broadcast_in_dim3A_92 = vector.broadcast %broadcast_in_dim3A_91 : f32 to vector<16xf32>
      %swap3A_93 = arith.index_cast %scan3A_49 : i32 to index
      %swap3A_94 = arith.constant 96 : index
      %swap3A_95 = tpu.vector_load %arg5[%swap3A_93, %swap3A_94] {strides = array<i32>} : memref<64x128xf32, #tpu.memory_space<vmem>>, vector<1x16xf32>,
      %swap3A_96 = vector.shape_cast %swap3A_95 : vector<1x16xf32> to vector<16xf32>
      %swap3A_97 = vector.shape_cast %broadcast_in_dim3A_92 : vector<16xf32> to vector<1x16xf32>
      tpu.vector_store %arg5[%swap3A_93, %swap3A_94], %swap3A_97 {strides = array<i32>} : memref<64x128xf32, #tpu.memory_space<vmem>>, vector<1x16xf32>,
      %broadcast_in_dim3A_98 = arith.constant 0.000000e+00 : f32
      %broadcast_in_dim3A_99 = vector.broadcast %broadcast_in_dim3A_98 : f32 to vector<16xf32>
      %swap3A_100 = arith.index_cast %scan3A_49 : i32 to index
      %swap3A_101 = arith.constant 112 : index
      %swap3A_102 = tpu.vector_load %arg5[%swap3A_100, %swap3A_101] {strides = array<i32>} : memref<64x128xf32, #tpu.memory_space<vmem>>, vector<1x16xf32>,
      %swap3A_103 = vector.shape_cast %swap3A_102 : vector<1x16xf32> to vector<16xf32>
      %swap3A_104 = vector.shape_cast %broadcast_in_dim3A_99 : vector<16xf32> to vector<1x16xf32>
      tpu.vector_store %arg5[%swap3A_100, %swap3A_101], %swap3A_104 {strides = array<i32>} : memref<64x128xf32, #tpu.memory_space<vmem>>, vector<1x16xf32>,
      %scan3A_105 = arith.constant 0 : i32
      scf.yield %scan3A_105 : i32
    }
    %scan3A_6 = arith.constant 64 : i32
    %mul3A_7 = arith.constant 632 : i32
    %mul3A_8 = arith.muli %arg1, %mul3A_7 : i32
    %add3A_9 = arith.constant 0 : i32
    %add3A_10 = arith.addi %mul3A_8, %add3A_9 : i32
    "tpu.region"() ({
      %run_scoped3A = tpu.sem_alloc : memref<!tpu.dma_semaphore, #tpu.memory_space<semaphore_mem>>
      %dma_start3A = arith.constant 0 : i32
      %dma_start3A_49 = tpu.memref_slice %arg6[%add3A_10, %dma_start3A] : memref<10112x128xf32, #tpu.memory_space<vmem_shared>> -> memref<64x128xf32, #tpu.memory_space<vmem_shared>>
      %dma_start3A_50 = arith.constant 0 : i32
      %dma_start3A_51 = tpu.memref_slice %arg6[%add3A_10, %dma_start3A_50] : memref<10112x128xf32, #tpu.memory_space<vmem_shared>> -> memref<64x128xf32, #tpu.memory_space<vmem_shared>>
      tpu.enqueue_dma source(%arg5 : memref<64x128xf32, #tpu.memory_space<vmem>>) target(%dma_start3A_51 : memref<64x128xf32, #tpu.memory_space<vmem_shared>>) target_semaphore(%run_scoped3A : memref<!tpu.dma_semaphore, #tpu.memory_space<semaphore_mem>>)
      %dma_wait3A = arith.constant 0 : i32
      %dma_wait3A_52 = tpu.memref_slice %arg6[%add3A_10, %dma_wait3A] : memref<10112x128xf32, #tpu.memory_space<vmem_shared>> -> memref<64x128xf32, #tpu.memory_space<vmem_shared>>
      %dma_wait3A_53 = arith.constant 0 : i32
      %dma_wait3A_54 = tpu.memref_slice %arg6[%add3A_10, %dma_wait3A_53] : memref<10112x128xf32, #tpu.memory_space<vmem_shared>> -> memref<64x128xf32, #tpu.memory_space<vmem_shared>>
      tpu.wait_dma2 semaphore(%run_scoped3A : memref<!tpu.dma_semaphore, #tpu.memory_space<semaphore_mem>>) src(%arg5 : memref<64x128xf32, #tpu.memory_space<vmem>>) dst(%dma_wait3A_54 : memref<64x128xf32, #tpu.memory_space<vmem_shared>>)
      tpu.yield
    }) : () -> ()
    %add3A_11 = arith.constant 64 : i32
    %add3A_12 = arith.addi %mul3A_8, %add3A_11 : i32
    "tpu.region"() ({
      %run_scoped3A = tpu.sem_alloc : memref<!tpu.dma_semaphore, #tpu.memory_space<semaphore_mem>>
      %dma_start3A = arith.constant 0 : i32
      %dma_start3A_49 = tpu.memref_slice %arg6[%add3A_12, %dma_start3A] : memref<10112x128xf32, #tpu.memory_space<vmem_shared>> -> memref<64x128xf32, #tpu.memory_space<vmem_shared>>
      %dma_start3A_50 = arith.constant 0 : i32
      %dma_start3A_51 = tpu.memref_slice %arg6[%add3A_12, %dma_start3A_50] : memref<10112x128xf32, #tpu.memory_space<vmem_shared>> -> memref<64x128xf32, #tpu.memory_space<vmem_shared>>
      tpu.enqueue_dma source(%arg5 : memref<64x128xf32, #tpu.memory_space<vmem>>) target(%dma_start3A_51 : memref<64x128xf32, #tpu.memory_space<vmem_shared>>) target_semaphore(%run_scoped3A : memref<!tpu.dma_semaphore, #tpu.memory_space<semaphore_mem>>)
      %dma_wait3A = arith.constant 0 : i32
      %dma_wait3A_52 = tpu.memref_slice %arg6[%add3A_12, %dma_wait3A] : memref<10112x128xf32, #tpu.memory_space<vmem_shared>> -> memref<64x128xf32, #tpu.memory_space<vmem_shared>>
      %dma_wait3A_53 = arith.constant 0 : i32
      %dma_wait3A_54 = tpu.memref_slice %arg6[%add3A_12, %dma_wait3A_53] : memref<10112x128xf32, #tpu.memory_space<vmem_shared>> -> memref<64x128xf32, #tpu.memory_space<vmem_shared>>
      tpu.wait_dma2 semaphore(%run_scoped3A : memref<!tpu.dma_semaphore, #tpu.memory_space<semaphore_mem>>) src(%arg5 : memref<64x128xf32, #tpu.memory_space<vmem>>) dst(%dma_wait3A_54 : memref<64x128xf32, #tpu.memory_space<vmem_shared>>)
      tpu.yield
    }) : () -> ()
    %add3A_13 = arith.constant 128 : i32
    %add3A_14 = arith.addi %mul3A_8, %add3A_13 : i32
    "tpu.region"() ({
      %run_scoped3A = tpu.sem_alloc : memref<!tpu.dma_semaphore, #tpu.memory_space<semaphore_mem>>
      %dma_start3A = arith.constant 0 : i32
      %dma_start3A_49 = tpu.memref_slice %arg6[%add3A_14, %dma_start3A] : memref<10112x128xf32, #tpu.memory_space<vmem_shared>> -> memref<64x128xf32, #tpu.memory_space<vmem_shared>>
      %dma_start3A_50 = arith.constant 0 : i32
      %dma_start3A_51 = tpu.memref_slice %arg6[%add3A_14, %dma_start3A_50] : memref<10112x128xf32, #tpu.memory_space<vmem_shared>> -> memref<64x128xf32, #tpu.memory_space<vmem_shared>>
      tpu.enqueue_dma source(%arg5 : memref<64x128xf32, #tpu.memory_space<vmem>>) target(%dma_start3A_51 : memref<64x128xf32, #tpu.memory_space<vmem_shared>>) target_semaphore(%run_scoped3A : memref<!tpu.dma_semaphore, #tpu.memory_space<semaphore_mem>>)
      %dma_wait3A = arith.constant 0 : i32
      %dma_wait3A_52 = tpu.memref_slice %arg6[%add3A_14, %dma_wait3A] : memref<10112x128xf32, #tpu.memory_space<vmem_shared>> -> memref<64x128xf32, #tpu.memory_space<vmem_shared>>
      %dma_wait3A_53 = arith.constant 0 : i32
      %dma_wait3A_54 = tpu.memref_slice %arg6[%add3A_14, %dma_wait3A_53] : memref<10112x128xf32, #tpu.memory_space<vmem_shared>> -> memref<64x128xf32, #tpu.memory_space<vmem_shared>>
      tpu.wait_dma2 semaphore(%run_scoped3A : memref<!tpu.dma_semaphore, #tpu.memory_space<semaphore_mem>>) src(%arg5 : memref<64x128xf32, #tpu.memory_space<vmem>>) dst(%dma_wait3A_54 : memref<64x128xf32, #tpu.memory_space<vmem_shared>>)
      tpu.yield
    }) : () -> ()
    %add3A_15 = arith.constant 192 : i32
    %add3A_16 = arith.addi %mul3A_8, %add3A_15 : i32
    "tpu.region"() ({
      %run_scoped3A = tpu.sem_alloc : memref<!tpu.dma_semaphore, #tpu.memory_space<semaphore_mem>>
      %dma_start3A = arith.constant 0 : i32
      %dma_start3A_49 = tpu.memref_slice %arg6[%add3A_16, %dma_start3A] : memref<10112x128xf32, #tpu.memory_space<vmem_shared>> -> memref<64x128xf32, #tpu.memory_space<vmem_shared>>
      %dma_start3A_50 = arith.constant 0 : i32
      %dma_start3A_51 = tpu.memref_slice %arg6[%add3A_16, %dma_start3A_50] : memref<10112x128xf32, #tpu.memory_space<vmem_shared>> -> memref<64x128xf32, #tpu.memory_space<vmem_shared>>
      tpu.enqueue_dma source(%arg5 : memref<64x128xf32, #tpu.memory_space<vmem>>) target(%dma_start3A_51 : memref<64x128xf32, #tpu.memory_space<vmem_shared>>) target_semaphore(%run_scoped3A : memref<!tpu.dma_semaphore, #tpu.memory_space<semaphore_mem>>)
      %dma_wait3A = arith.constant 0 : i32
      %dma_wait3A_52 = tpu.memref_slice %arg6[%add3A_16, %dma_wait3A] : memref<10112x128xf32, #tpu.memory_space<vmem_shared>> -> memref<64x128xf32, #tpu.memory_space<vmem_shared>>
      %dma_wait3A_53 = arith.constant 0 : i32
      %dma_wait3A_54 = tpu.memref_slice %arg6[%add3A_16, %dma_wait3A_53] : memref<10112x128xf32, #tpu.memory_space<vmem_shared>> -> memref<64x128xf32, #tpu.memory_space<vmem_shared>>
      tpu.wait_dma2 semaphore(%run_scoped3A : memref<!tpu.dma_semaphore, #tpu.memory_space<semaphore_mem>>) src(%arg5 : memref<64x128xf32, #tpu.memory_space<vmem>>) dst(%dma_wait3A_54 : memref<64x128xf32, #tpu.memory_space<vmem_shared>>)
      tpu.yield
    }) : () -> ()
    %add3A_17 = arith.constant 256 : i32
    %add3A_18 = arith.addi %mul3A_8, %add3A_17 : i32
    "tpu.region"() ({
      %run_scoped3A = tpu.sem_alloc : memref<!tpu.dma_semaphore, #tpu.memory_space<semaphore_mem>>
      %dma_start3A = arith.constant 0 : i32
      %dma_start3A_49 = tpu.memref_slice %arg6[%add3A_18, %dma_start3A] : memref<10112x128xf32, #tpu.memory_space<vmem_shared>> -> memref<64x128xf32, #tpu.memory_space<vmem_shared>>
      %dma_start3A_50 = arith.constant 0 : i32
      %dma_start3A_51 = tpu.memref_slice %arg6[%add3A_18, %dma_start3A_50] : memref<10112x128xf32, #tpu.memory_space<vmem_shared>> -> memref<64x128xf32, #tpu.memory_space<vmem_shared>>
      tpu.enqueue_dma source(%arg5 : memref<64x128xf32, #tpu.memory_space<vmem>>) target(%dma_start3A_51 : memref<64x128xf32, #tpu.memory_space<vmem_shared>>) target_semaphore(%run_scoped3A : memref<!tpu.dma_semaphore, #tpu.memory_space<semaphore_mem>>)
      %dma_wait3A = arith.constant 0 : i32
      %dma_wait3A_52 = tpu.memref_slice %arg6[%add3A_18, %dma_wait3A] : memref<10112x128xf32, #tpu.memory_space<vmem_shared>> -> memref<64x128xf32, #tpu.memory_space<vmem_shared>>
      %dma_wait3A_53 = arith.constant 0 : i32
      %dma_wait3A_54 = tpu.memref_slice %arg6[%add3A_18, %dma_wait3A_53] : memref<10112x128xf32, #tpu.memory_space<vmem_shared>> -> memref<64x128xf32, #tpu.memory_space<vmem_shared>>
      tpu.wait_dma2 semaphore(%run_scoped3A : memref<!tpu.dma_semaphore, #tpu.memory_space<semaphore_mem>>) src(%arg5 : memref<64x128xf32, #tpu.memory_space<vmem>>) dst(%dma_wait3A_54 : memref<64x128xf32, #tpu.memory_space<vmem_shared>>)
      tpu.yield
    }) : () -> ()
    %add3A_19 = arith.constant 320 : i32
    %add3A_20 = arith.addi %mul3A_8, %add3A_19 : i32
    "tpu.region"() ({
      %run_scoped3A = tpu.sem_alloc : memref<!tpu.dma_semaphore, #tpu.memory_space<semaphore_mem>>
      %dma_start3A = arith.constant 0 : i32
      %dma_start3A_49 = tpu.memref_slice %arg6[%add3A_20, %dma_start3A] : memref<10112x128xf32, #tpu.memory_space<vmem_shared>> -> memref<64x128xf32, #tpu.memory_space<vmem_shared>>
      %dma_start3A_50 = arith.constant 0 : i32
      %dma_start3A_51 = tpu.memref_slice %arg6[%add3A_20, %dma_start3A_50] : memref<10112x128xf32, #tpu.memory_space<vmem_shared>> -> memref<64x128xf32, #tpu.memory_space<vmem_shared>>
      tpu.enqueue_dma source(%arg5 : memref<64x128xf32, #tpu.memory_space<vmem>>) target(%dma_start3A_51 : memref<64x128xf32, #tpu.memory_space<vmem_shared>>) target_semaphore(%run_scoped3A : memref<!tpu.dma_semaphore, #tpu.memory_space<semaphore_mem>>)
      %dma_wait3A = arith.constant 0 : i32
      %dma_wait3A_52 = tpu.memref_slice %arg6[%add3A_20, %dma_wait3A] : memref<10112x128xf32, #tpu.memory_space<vmem_shared>> -> memref<64x128xf32, #tpu.memory_space<vmem_shared>>
      %dma_wait3A_53 = arith.constant 0 : i32
      %dma_wait3A_54 = tpu.memref_slice %arg6[%add3A_20, %dma_wait3A_53] : memref<10112x128xf32, #tpu.memory_space<vmem_shared>> -> memref<64x128xf32, #tpu.memory_space<vmem_shared>>
      tpu.wait_dma2 semaphore(%run_scoped3A : memref<!tpu.dma_semaphore, #tpu.memory_space<semaphore_mem>>) src(%arg5 : memref<64x128xf32, #tpu.memory_space<vmem>>) dst(%dma_wait3A_54 : memref<64x128xf32, #tpu.memory_space<vmem_shared>>)
      tpu.yield
    }) : () -> ()
    %add3A_21 = arith.constant 384 : i32
    %add3A_22 = arith.addi %mul3A_8, %add3A_21 : i32
    "tpu.region"() ({
      %run_scoped3A = tpu.sem_alloc : memref<!tpu.dma_semaphore, #tpu.memory_space<semaphore_mem>>
      %dma_start3A = arith.constant 0 : i32
      %dma_start3A_49 = tpu.memref_slice %arg6[%add3A_22, %dma_start3A] : memref<10112x128xf32, #tpu.memory_space<vmem_shared>> -> memref<64x128xf32, #tpu.memory_space<vmem_shared>>
      %dma_start3A_50 = arith.constant 0 : i32
      %dma_start3A_51 = tpu.memref_slice %arg6[%add3A_22, %dma_start3A_50] : memref<10112x128xf32, #tpu.memory_space<vmem_shared>> -> memref<64x128xf32, #tpu.memory_space<vmem_shared>>
      tpu.enqueue_dma source(%arg5 : memref<64x128xf32, #tpu.memory_space<vmem>>) target(%dma_start3A_51 : memref<64x128xf32, #tpu.memory_space<vmem_shared>>) target_semaphore(%run_scoped3A : memref<!tpu.dma_semaphore, #tpu.memory_space<semaphore_mem>>)
      %dma_wait3A = arith.constant 0 : i32
      %dma_wait3A_52 = tpu.memref_slice %arg6[%add3A_22, %dma_wait3A] : memref<10112x128xf32, #tpu.memory_space<vmem_shared>> -> memref<64x128xf32, #tpu.memory_space<vmem_shared>>
      %dma_wait3A_53 = arith.constant 0 : i32
      %dma_wait3A_54 = tpu.memref_slice %arg6[%add3A_22, %dma_wait3A_53] : memref<10112x128xf32, #tpu.memory_space<vmem_shared>> -> memref<64x128xf32, #tpu.memory_space<vmem_shared>>
      tpu.wait_dma2 semaphore(%run_scoped3A : memref<!tpu.dma_semaphore, #tpu.memory_space<semaphore_mem>>) src(%arg5 : memref<64x128xf32, #tpu.memory_space<vmem>>) dst(%dma_wait3A_54 : memref<64x128xf32, #tpu.memory_space<vmem_shared>>)
      tpu.yield
    }) : () -> ()
    %add3A_23 = arith.constant 448 : i32
    %add3A_24 = arith.addi %mul3A_8, %add3A_23 : i32
    "tpu.region"() ({
      %run_scoped3A = tpu.sem_alloc : memref<!tpu.dma_semaphore, #tpu.memory_space<semaphore_mem>>
      %dma_start3A = arith.constant 0 : i32
      %dma_start3A_49 = tpu.memref_slice %arg6[%add3A_24, %dma_start3A] : memref<10112x128xf32, #tpu.memory_space<vmem_shared>> -> memref<64x128xf32, #tpu.memory_space<vmem_shared>>
      %dma_start3A_50 = arith.constant 0 : i32
      %dma_start3A_51 = tpu.memref_slice %arg6[%add3A_24, %dma_start3A_50] : memref<10112x128xf32, #tpu.memory_space<vmem_shared>> -> memref<64x128xf32, #tpu.memory_space<vmem_shared>>
      tpu.enqueue_dma source(%arg5 : memref<64x128xf32, #tpu.memory_space<vmem>>) target(%dma_start3A_51 : memref<64x128xf32, #tpu.memory_space<vmem_shared>>) target_semaphore(%run_scoped3A : memref<!tpu.dma_semaphore, #tpu.memory_space<semaphore_mem>>)
      %dma_wait3A = arith.constant 0 : i32
      %dma_wait3A_52 = tpu.memref_slice %arg6[%add3A_24, %dma_wait3A] : memref<10112x128xf32, #tpu.memory_space<vmem_shared>> -> memref<64x128xf32, #tpu.memory_space<vmem_shared>>
      %dma_wait3A_53 = arith.constant 0 : i32
      %dma_wait3A_54 = tpu.memref_slice %arg6[%add3A_24, %dma_wait3A_53] : memref<10112x128xf32, #tpu.memory_space<vmem_shared>> -> memref<64x128xf32, #tpu.memory_space<vmem_shared>>
      tpu.wait_dma2 semaphore(%run_scoped3A : memref<!tpu.dma_semaphore, #tpu.memory_space<semaphore_mem>>) src(%arg5 : memref<64x128xf32, #tpu.memory_space<vmem>>) dst(%dma_wait3A_54 : memref<64x128xf32, #tpu.memory_space<vmem_shared>>)
      tpu.yield
    }) : () -> ()
    %add3A_25 = arith.constant 512 : i32
    %add3A_26 = arith.addi %mul3A_8, %add3A_25 : i32
    "tpu.region"() ({
      %run_scoped3A = tpu.sem_alloc : memref<!tpu.dma_semaphore, #tpu.memory_space<semaphore_mem>>
      %dma_start3A = arith.constant 0 : i32
      %dma_start3A_49 = tpu.memref_slice %arg6[%add3A_26, %dma_start3A] : memref<10112x128xf32, #tpu.memory_space<vmem_shared>> -> memref<64x128xf32, #tpu.memory_space<vmem_shared>>
      %dma_start3A_50 = arith.constant 0 : i32
      %dma_start3A_51 = tpu.memref_slice %arg6[%add3A_26, %dma_start3A_50] : memref<10112x128xf32, #tpu.memory_space<vmem_shared>> -> memref<64x128xf32, #tpu.memory_space<vmem_shared>>
      tpu.enqueue_dma source(%arg5 : memref<64x128xf32, #tpu.memory_space<vmem>>) target(%dma_start3A_51 : memref<64x128xf32, #tpu.memory_space<vmem_shared>>) target_semaphore(%run_scoped3A : memref<!tpu.dma_semaphore, #tpu.memory_space<semaphore_mem>>)
      %dma_wait3A = arith.constant 0 : i32
      %dma_wait3A_52 = tpu.memref_slice %arg6[%add3A_26, %dma_wait3A] : memref<10112x128xf32, #tpu.memory_space<vmem_shared>> -> memref<64x128xf32, #tpu.memory_space<vmem_shared>>
      %dma_wait3A_53 = arith.constant 0 : i32
      %dma_wait3A_54 = tpu.memref_slice %arg6[%add3A_26, %dma_wait3A_53] : memref<10112x128xf32, #tpu.memory_space<vmem_shared>> -> memref<64x128xf32, #tpu.memory_space<vmem_shared>>
      tpu.wait_dma2 semaphore(%run_scoped3A : memref<!tpu.dma_semaphore, #tpu.memory_space<semaphore_mem>>) src(%arg5 : memref<64x128xf32, #tpu.memory_space<vmem>>) dst(%dma_wait3A_54 : memref<64x128xf32, #tpu.memory_space<vmem_shared>>)
      tpu.yield
    }) : () -> ()
    %add3A_27 = arith.constant 576 : i32
    %add3A_28 = arith.addi %mul3A_8, %add3A_27 : i32
    "tpu.region"() ({
      %run_scoped3A = tpu.sem_alloc : memref<!tpu.dma_semaphore, #tpu.memory_space<semaphore_mem>>
      %dma_start3A = arith.constant 0 : i32
      %dma_start3A_49 = arith.constant 0 : i32
      %dma_start3A_50 = tpu.memref_slice %arg5[%dma_start3A, %dma_start3A_49] : memref<64x128xf32, #tpu.memory_space<vmem>> -> memref<56x128xf32, #tpu.memory_space<vmem>>
      %dma_start3A_51 = arith.constant 0 : i32
      %dma_start3A_52 = tpu.memref_slice %arg6[%add3A_28, %dma_start3A_51] : memref<10112x128xf32, #tpu.memory_space<vmem_shared>> -> memref<56x128xf32, #tpu.memory_space<vmem_shared>>
      %dma_start3A_53 = arith.constant 0 : i32
      %dma_start3A_54 = tpu.memref_slice %arg6[%add3A_28, %dma_start3A_53] : memref<10112x128xf32, #tpu.memory_space<vmem_shared>> -> memref<56x128xf32, #tpu.memory_space<vmem_shared>>
      %dma_start3A_55 = arith.constant 0 : i32
      %dma_start3A_56 = arith.constant 0 : i32
      %dma_start3A_57 = tpu.memref_slice %arg5[%dma_start3A_55, %dma_start3A_56] : memref<64x128xf32, #tpu.memory_space<vmem>> -> memref<56x128xf32, #tpu.memory_space<vmem>>
      tpu.enqueue_dma source(%dma_start3A_57 : memref<56x128xf32, #tpu.memory_space<vmem>>) target(%dma_start3A_54 : memref<56x128xf32, #tpu.memory_space<vmem_shared>>) target_semaphore(%run_scoped3A : memref<!tpu.dma_semaphore, #tpu.memory_space<semaphore_mem>>)
      %dma_wait3A = arith.constant 0 : i32
      %dma_wait3A_58 = arith.constant 0 : i32
      %dma_wait3A_59 = tpu.memref_slice %arg5[%dma_wait3A, %dma_wait3A_58] : memref<64x128xf32, #tpu.memory_space<vmem>> -> memref<56x128xf32, #tpu.memory_space<vmem>>
      %dma_wait3A_60 = arith.constant 0 : i32
      %dma_wait3A_61 = tpu.memref_slice %arg6[%add3A_28, %dma_wait3A_60] : memref<10112x128xf32, #tpu.memory_space<vmem_shared>> -> memref<56x128xf32, #tpu.memory_space<vmem_shared>>
      %dma_wait3A_62 = arith.constant 0 : i32
      %dma_wait3A_63 = tpu.memref_slice %arg6[%add3A_28, %dma_wait3A_62] : memref<10112x128xf32, #tpu.memory_space<vmem_shared>> -> memref<56x128xf32, #tpu.memory_space<vmem_shared>>
      %dma_wait3A_64 = arith.constant 0 : i32
      %dma_wait3A_65 = arith.constant 0 : i32
      %dma_wait3A_66 = tpu.memref_slice %arg5[%dma_wait3A_64, %dma_wait3A_65] : memref<64x128xf32, #tpu.memory_space<vmem>> -> memref<56x128xf32, #tpu.memory_space<vmem>>
      tpu.wait_dma2 semaphore(%run_scoped3A : memref<!tpu.dma_semaphore, #tpu.memory_space<semaphore_mem>>) src(%dma_wait3A_66 : memref<56x128xf32, #tpu.memory_space<vmem>>) dst(%dma_wait3A_63 : memref<56x128xf32, #tpu.memory_space<vmem_shared>>)
      tpu.yield
    }) : () -> ()
    %scan3A_29 = arith.constant 0 : i32
    %scan3A_30 = arith.constant 0 : i32
    %scan3A_31 = arith.constant 64 : i32
    %scan3A_32 = arith.addi %scan3A_30, %scan3A_31 : i32
    %scan3A_33 = arith.constant 1 : i32
    %scan3A_34 = scf.for %scan3A_49 = %scan3A_30 to %scan3A_32 step %scan3A_33 iter_args(%scan3A_50 = %scan3A_29) -> (i32)  : i32 {
      %broadcast_in_dim3A = arith.constant 1.000000e+00 : f32
      %broadcast_in_dim3A_51 = vector.broadcast %broadcast_in_dim3A : f32 to vector<16xf32>
      %swap3A = arith.index_cast %scan3A_49 : i32 to index
      %swap3A_52 = arith.constant 0 : index
      %swap3A_53 = tpu.vector_load %arg5[%swap3A, %swap3A_52] {strides = array<i32>} : memref<64x128xf32, #tpu.memory_space<vmem>>, vector<1x16xf32>,
      %swap3A_54 = vector.shape_cast %swap3A_53 : vector<1x16xf32> to vector<16xf32>
      %swap3A_55 = vector.shape_cast %broadcast_in_dim3A_51 : vector<16xf32> to vector<1x16xf32>
      tpu.vector_store %arg5[%swap3A, %swap3A_52], %swap3A_55 {strides = array<i32>} : memref<64x128xf32, #tpu.memory_space<vmem>>, vector<1x16xf32>,
      %broadcast_in_dim3A_56 = arith.constant 1.000000e+00 : f32
      %broadcast_in_dim3A_57 = vector.broadcast %broadcast_in_dim3A_56 : f32 to vector<16xf32>
      %swap3A_58 = arith.index_cast %scan3A_49 : i32 to index
      %swap3A_59 = arith.constant 16 : index
      %swap3A_60 = tpu.vector_load %arg5[%swap3A_58, %swap3A_59] {strides = array<i32>} : memref<64x128xf32, #tpu.memory_space<vmem>>, vector<1x16xf32>,
      %swap3A_61 = vector.shape_cast %swap3A_60 : vector<1x16xf32> to vector<16xf32>
      %swap3A_62 = vector.shape_cast %broadcast_in_dim3A_57 : vector<16xf32> to vector<1x16xf32>
      tpu.vector_store %arg5[%swap3A_58, %swap3A_59], %swap3A_62 {strides = array<i32>} : memref<64x128xf32, #tpu.memory_space<vmem>>, vector<1x16xf32>,
      %broadcast_in_dim3A_63 = arith.constant 1.000000e+00 : f32
      %broadcast_in_dim3A_64 = vector.broadcast %broadcast_in_dim3A_63 : f32 to vector<16xf32>
      %swap3A_65 = arith.index_cast %scan3A_49 : i32 to index
      %swap3A_66 = arith.constant 32 : index
      %swap3A_67 = tpu.vector_load %arg5[%swap3A_65, %swap3A_66] {strides = array<i32>} : memref<64x128xf32, #tpu.memory_space<vmem>>, vector<1x16xf32>,
      %swap3A_68 = vector.shape_cast %swap3A_67 : vector<1x16xf32> to vector<16xf32>
      %swap3A_69 = vector.shape_cast %broadcast_in_dim3A_64 : vector<16xf32> to vector<1x16xf32>
      tpu.vector_store %arg5[%swap3A_65, %swap3A_66], %swap3A_69 {strides = array<i32>} : memref<64x128xf32, #tpu.memory_space<vmem>>, vector<1x16xf32>,
      %broadcast_in_dim3A_70 = arith.constant 1.000000e+00 : f32
      %broadcast_in_dim3A_71 = vector.broadcast %broadcast_in_dim3A_70 : f32 to vector<16xf32>
      %swap3A_72 = arith.index_cast %scan3A_49 : i32 to index
      %swap3A_73 = arith.constant 48 : index
      %swap3A_74 = tpu.vector_load %arg5[%swap3A_72, %swap3A_73] {strides = array<i32>} : memref<64x128xf32, #tpu.memory_space<vmem>>, vector<1x16xf32>,
      %swap3A_75 = vector.shape_cast %swap3A_74 : vector<1x16xf32> to vector<16xf32>
      %swap3A_76 = vector.shape_cast %broadcast_in_dim3A_71 : vector<16xf32> to vector<1x16xf32>
      tpu.vector_store %arg5[%swap3A_72, %swap3A_73], %swap3A_76 {strides = array<i32>} : memref<64x128xf32, #tpu.memory_space<vmem>>, vector<1x16xf32>,
      %broadcast_in_dim3A_77 = arith.constant 1.000000e+00 : f32
      %broadcast_in_dim3A_78 = vector.broadcast %broadcast_in_dim3A_77 : f32 to vector<16xf32>
      %swap3A_79 = arith.index_cast %scan3A_49 : i32 to index
      %swap3A_80 = arith.constant 64 : index
      %swap3A_81 = tpu.vector_load %arg5[%swap3A_79, %swap3A_80] {strides = array<i32>} : memref<64x128xf32, #tpu.memory_space<vmem>>, vector<1x16xf32>,
      %swap3A_82 = vector.shape_cast %swap3A_81 : vector<1x16xf32> to vector<16xf32>
      %swap3A_83 = vector.shape_cast %broadcast_in_dim3A_78 : vector<16xf32> to vector<1x16xf32>
      tpu.vector_store %arg5[%swap3A_79, %swap3A_80], %swap3A_83 {strides = array<i32>} : memref<64x128xf32, #tpu.memory_space<vmem>>, vector<1x16xf32>,
      %broadcast_in_dim3A_84 = arith.constant 1.000000e+00 : f32
      %broadcast_in_dim3A_85 = vector.broadcast %broadcast_in_dim3A_84 : f32 to vector<16xf32>
      %swap3A_86 = arith.index_cast %scan3A_49 : i32 to index
      %swap3A_87 = arith.constant 80 : index
      %swap3A_88 = tpu.vector_load %arg5[%swap3A_86, %swap3A_87] {strides = array<i32>} : memref<64x128xf32, #tpu.memory_space<vmem>>, vector<1x16xf32>,
      %swap3A_89 = vector.shape_cast %swap3A_88 : vector<1x16xf32> to vector<16xf32>
      %swap3A_90 = vector.shape_cast %broadcast_in_dim3A_85 : vector<16xf32> to vector<1x16xf32>
      tpu.vector_store %arg5[%swap3A_86, %swap3A_87], %swap3A_90 {strides = array<i32>} : memref<64x128xf32, #tpu.memory_space<vmem>>, vector<1x16xf32>,
      %broadcast_in_dim3A_91 = arith.constant 1.000000e+00 : f32
      %broadcast_in_dim3A_92 = vector.broadcast %broadcast_in_dim3A_91 : f32 to vector<16xf32>
      %swap3A_93 = arith.index_cast %scan3A_49 : i32 to index
      %swap3A_94 = arith.constant 96 : index
      %swap3A_95 = tpu.vector_load %arg5[%swap3A_93, %swap3A_94] {strides = array<i32>} : memref<64x128xf32, #tpu.memory_space<vmem>>, vector<1x16xf32>,
      %swap3A_96 = vector.shape_cast %swap3A_95 : vector<1x16xf32> to vector<16xf32>
      %swap3A_97 = vector.shape_cast %broadcast_in_dim3A_92 : vector<16xf32> to vector<1x16xf32>
      tpu.vector_store %arg5[%swap3A_93, %swap3A_94], %swap3A_97 {strides = array<i32>} : memref<64x128xf32, #tpu.memory_space<vmem>>, vector<1x16xf32>,
      %broadcast_in_dim3A_98 = arith.constant 1.000000e+00 : f32
      %broadcast_in_dim3A_99 = vector.broadcast %broadcast_in_dim3A_98 : f32 to vector<16xf32>
      %swap3A_100 = arith.index_cast %scan3A_49 : i32 to index
      %swap3A_101 = arith.constant 112 : index
      %swap3A_102 = tpu.vector_load %arg5[%swap3A_100, %swap3A_101] {strides = array<i32>} : memref<64x128xf32, #tpu.memory_space<vmem>>, vector<1x16xf32>,
      %swap3A_103 = vector.shape_cast %swap3A_102 : vector<1x16xf32> to vector<16xf32>
      %swap3A_104 = vector.shape_cast %broadcast_in_dim3A_99 : vector<16xf32> to vector<1x16xf32>
      tpu.vector_store %arg5[%swap3A_100, %swap3A_101], %swap3A_104 {strides = array<i32>} : memref<64x128xf32, #tpu.memory_space<vmem>>, vector<1x16xf32>,
      %scan3A_105 = arith.constant 0 : i32
      scf.yield %scan3A_105 : i32
    }
    %scan3A_35 = arith.constant 64 : i32
    %mul3A_36 = arith.constant 160 : i32
    %mul3A_37 = arith.muli %add3A, %mul3A_36 : i32
    "tpu.region"() ({
      %run_scoped3A = tpu.sem_alloc : memref<!tpu.dma_semaphore, #tpu.memory_space<semaphore_mem>>
      %dma_start3A = arith.constant 0 : i32
      %dma_start3A_49 = tpu.memref_slice %arg2[%mul3A_37, %dma_start3A] : memref<5120x64xi32, #tpu.memory_space<hbm>> -> memref<160x64xi32, #tpu.memory_space<hbm>>
      %dma_start3A_50 = arith.constant 0 : i32
      %dma_start3A_51 = tpu.memref_slice %arg2[%mul3A_37, %dma_start3A_50] : memref<5120x64xi32, #tpu.memory_space<hbm>> -> memref<160x64xi32, #tpu.memory_space<hbm>>
      tpu.enqueue_dma source(%dma_start3A_51 : memref<160x64xi32, #tpu.memory_space<hbm>>) target(%arg4 : memref<160x64xi32, #tpu.memory_space<vmem>>) target_semaphore(%run_scoped3A : memref<!tpu.dma_semaphore, #tpu.memory_space<semaphore_mem>>)
      %dma_wait3A = arith.constant 0 : i32
      %dma_wait3A_52 = tpu.memref_slice %arg2[%mul3A_37, %dma_wait3A] : memref<5120x64xi32, #tpu.memory_space<hbm>> -> memref<160x64xi32, #tpu.memory_space<hbm>>
      %dma_wait3A_53 = arith.constant 0 : i32
      %dma_wait3A_54 = tpu.memref_slice %arg2[%mul3A_37, %dma_wait3A_53] : memref<5120x64xi32, #tpu.memory_space<hbm>> -> memref<160x64xi32, #tpu.memory_space<hbm>>
      tpu.wait_dma2 semaphore(%run_scoped3A : memref<!tpu.dma_semaphore, #tpu.memory_space<semaphore_mem>>) src(%dma_wait3A_54 : memref<160x64xi32, #tpu.memory_space<hbm>>) dst(%arg4 : memref<160x64xi32, #tpu.memory_space<vmem>>)
      tpu.yield
    }) : () -> ()
    %barrier3A = arith.constant 0 : index
    tpu.barrier barrier_id(%barrier3A)
    %scan3A_38 = arith.constant 0 : i32
    %scan3A_39 = arith.constant 0 : i32
    %scan3A_40 = arith.constant 160 : i32
    %scan3A_41 = arith.addi %scan3A_39, %scan3A_40 : i32
    %scan3A_42 = arith.constant 1 : i32
    %scan3A_43 = scf.for %scan3A_49 = %scan3A_39 to %scan3A_41 step %scan3A_42 iter_args(%scan3A_50 = %scan3A_38) -> (i32)  : i32 {
      "tpu.region"() ({
        %run_scoped3A = tpu.sem_alloc : memref<!tpu.dma_semaphore, #tpu.memory_space<semaphore_mem>>
        %dma_start3A = arith.constant 0 : i32
        %dma_start3A_52 = tpu.memref_slice %arg4[%scan3A_49, %dma_start3A] : memref<160x64xi32, #tpu.memory_space<vmem>> -> memref<1x64xi32, #tpu.memory_space<vmem>>
        %dma_start3A_53 = tpu.memref_squeeze %dma_start3A_52 : memref<1x64xi32, #tpu.memory_space<vmem>> -> memref<64xi32, #tpu.memory_space<vmem>>
        %dma_start3A_54 = arith.constant 0 : i32
        %dma_start3A_55 = arith.constant 0 : i32
        %dma_start3A_56 = tpu.memref_slice %arg6[%dma_start3A_54, %dma_start3A_55] : memref<10112x128xf32, #tpu.memory_space<vmem_shared>> -> memref<10112x128xf32, #tpu.memory_space<vmem_shared>>
        tpu.enqueue_indirect_dma source(%arg5 : memref<64x128xf32, #tpu.memory_space<vmem>>) target(%dma_start3A_56 : memref<10112x128xf32, #tpu.memory_space<vmem_shared>>) offsets(%dma_start3A_53 : memref<64xi32, #tpu.memory_space<vmem>>) semaphore(%run_scoped3A : memref<!tpu.dma_semaphore, #tpu.memory_space<semaphore_mem>>) {add = true}
        %dma_wait3A = arith.constant 0 : i32
        %dma_wait3A_57 = tpu.memref_slice %arg4[%scan3A_49, %dma_wait3A] : memref<160x64xi32, #tpu.memory_space<vmem>> -> memref<1x64xi32, #tpu.memory_space<vmem>>
        %dma_wait3A_58 = tpu.memref_squeeze %dma_wait3A_57 : memref<1x64xi32, #tpu.memory_space<vmem>> -> memref<64xi32, #tpu.memory_space<vmem>>
        %dma_wait3A_59 = arith.constant 0 : i32
        %dma_wait3A_60 = arith.constant 0 : i32
        %dma_wait3A_61 = tpu.memref_slice %arg6[%dma_wait3A_59, %dma_wait3A_60] : memref<10112x128xf32, #tpu.memory_space<vmem_shared>> -> memref<10112x128xf32, #tpu.memory_space<vmem_shared>>
        tpu.wait_indirect_dma semaphore(%run_scoped3A : memref<!tpu.dma_semaphore, #tpu.memory_space<semaphore_mem>>) src(%arg5 : memref<64x128xf32, #tpu.memory_space<vmem>>) dst(%dma_wait3A_61 : memref<10112x128xf32, #tpu.memory_space<vmem_shared>>)
        tpu.yield
      }) : () -> ()
      %scan3A_51 = arith.constant 0 : i32
      scf.yield %scan3A_51 : i32
    }
    %scan3A_44 = arith.constant 160 : i32
    %barrier3A_45 = arith.constant 0 : index
    tpu.barrier barrier_id(%barrier3A_45)
    %mul3A_46 = arith.constant 10112 : i32
    %mul3A_47 = arith.muli %arg0, %mul3A_46 : i32
    %add3A_48 = arith.addi %mul3A_47, %mul3A_8 : i32
    "tpu.region"() ({
      %run_scoped3A = tpu.sem_alloc : memref<!tpu.dma_semaphore, #tpu.memory_space<semaphore_mem>>
      %dma_start3A = arith.constant 0 : i32
      %dma_start3A_49 = tpu.memref_slice %arg3[%add3A_48, %dma_start3A] : memref<20224x128xf32, #tpu.memory_space<hbm>> -> memref<632x128xf32, #tpu.memory_space<hbm>>
      %dma_start3A_50 = arith.constant 0 : i32
      %dma_start3A_51 = tpu.memref_slice %arg6[%mul3A_8, %dma_start3A_50] : memref<10112x128xf32, #tpu.memory_space<vmem_shared>> -> memref<632x128xf32, #tpu.memory_space<vmem_shared>>
      tpu.enqueue_dma source(%dma_start3A_51 : memref<632x128xf32, #tpu.memory_space<vmem_shared>>) target(%dma_start3A_49 : memref<632x128xf32, #tpu.memory_space<hbm>>) target_semaphore(%run_scoped3A : memref<!tpu.dma_semaphore, #tpu.memory_space<semaphore_mem>>)
      %dma_wait3A = arith.constant 0 : i32
      %dma_wait3A_52 = tpu.memref_slice %arg3[%add3A_48, %dma_wait3A] : memref<20224x128xf32, #tpu.memory_space<hbm>> -> memref<632x128xf32, #tpu.memory_space<hbm>>
      %dma_wait3A_53 = arith.constant 0 : i32
      %dma_wait3A_54 = tpu.memref_slice %arg6[%mul3A_8, %dma_wait3A_53] : memref<10112x128xf32, #tpu.memory_space<vmem_shared>> -> memref<632x128xf32, #tpu.memory_space<vmem_shared>>
      tpu.wait_dma2 semaphore(%run_scoped3A : memref<!tpu.dma_semaphore, #tpu.memory_space<semaphore_mem>>) src(%dma_wait3A_54 : memref<632x128xf32, #tpu.memory_space<vmem_shared>>) dst(%dma_wait3A_52 : memref<632x128xf32, #tpu.memory_space<hbm>>)
      tpu.yield
    }) : () -> ()
    return
  }
}

#map = affine_map<(d0, d1) -> (0, 0)>
module attributes {stable_mosaic.version = 14 : i64} {
  func.func @_agg_kernel(%arg0: i32, %arg1: i32, %arg2: memref<5120x64xi32, #tpu.memory_space<hbm>>, %arg3: memref<5120x64xi32, #tpu.memory_space<hbm>>, %arg4: memref<10000x128xf32, #tpu.memory_space<hbm>>, %arg5: memref<20224x128xf32, #tpu.memory_space<hbm>>, %arg6: memref<40x64xi32, #tpu.memory_space<vmem>>, %arg7: memref<40x64xi32, #tpu.memory_space<vmem>>, %arg8: memref<64x128xf32, #tpu.memory_space<vmem>>, %arg9: memref<64x128xf32, #tpu.memory_space<vmem>>, %arg10: memref<64x128xf32, #tpu.memory_space<vmem>>, %arg11: memref<64x128xf32, #tpu.memory_space<vmem>>, %arg12: memref<10112x128xf32, #tpu.memory_space<vmem_shared>>, %arg13: memref<!tpu.dma_semaphore, #tpu.memory_space<semaphore_mem>>, %arg14: memref<!tpu.dma_semaphore, #tpu.memory_space<semaphore_mem>>, %arg15: memref<!tpu.dma_semaphore, #tpu.memory_space<semaphore_mem>>, %arg16: memref<!tpu.dma_semaphore, #tpu.memory_space<semaphore_mem>>, %arg17: memref<!tpu.dma_semaphore, #tpu.memory_space<semaphore_mem>>, %arg18: memref<!tpu.dma_semaphore, #tpu.memory_space<semaphore_mem>>, %arg19: memref<!tpu.dma_semaphore, #tpu.memory_space<semaphore_mem>>, %arg20: memref<!tpu.dma_semaphore, #tpu.memory_space<semaphore_mem>>) attributes {dimension_semantics = [#tpu.dimension_semantics<core_parallel>, #tpu.dimension_semantics<subcore_parallel>], iteration_bounds = array<i64: 2, 16>, scalar_prefetch = 0 : i64, scratch_operands = 15 : i64, tpu.core_type = #tpu.core_type<sc_vector_subcore>, window_params = [{transform_indices = #map}, {transform_indices = #map}, {transform_indices = #map}, {transform_indices = #map}]} {
    %mul3A = arith.constant 16 : i32
    %mul3A_0 = arith.muli %arg0, %mul3A : i32
    %add3A = arith.addi %mul3A_0, %arg1 : i32
    %scan3A = arith.constant 0 : i32
    %scan3A_1 = arith.constant 0 : i32
    %scan3A_2 = arith.constant 64 : i32
    %scan3A_3 = arith.addi %scan3A_1, %scan3A_2 : i32
    %scan3A_4 = arith.constant 1 : i32
    %scan3A_5 = scf.for %scan3A_55 = %scan3A_1 to %scan3A_3 step %scan3A_4 iter_args(%scan3A_56 = %scan3A) -> (i32)  : i32 {
      %broadcast_in_dim3A = arith.constant 0.000000e+00 : f32
      %broadcast_in_dim3A_57 = vector.broadcast %broadcast_in_dim3A : f32 to vector<16xf32>
      %swap3A = arith.index_cast %scan3A_55 : i32 to index
      %swap3A_58 = arith.constant 0 : index
      %swap3A_59 = tpu.vector_load %arg8[%swap3A, %swap3A_58] {strides = array<i32>} : memref<64x128xf32, #tpu.memory_space<vmem>>, vector<1x16xf32>,
      %swap3A_60 = vector.shape_cast %swap3A_59 : vector<1x16xf32> to vector<16xf32>
      %swap3A_61 = vector.shape_cast %broadcast_in_dim3A_57 : vector<16xf32> to vector<1x16xf32>
      tpu.vector_store %arg8[%swap3A, %swap3A_58], %swap3A_61 {strides = array<i32>} : memref<64x128xf32, #tpu.memory_space<vmem>>, vector<1x16xf32>,
      %broadcast_in_dim3A_62 = arith.constant 0.000000e+00 : f32
      %broadcast_in_dim3A_63 = vector.broadcast %broadcast_in_dim3A_62 : f32 to vector<16xf32>
      %swap3A_64 = arith.index_cast %scan3A_55 : i32 to index
      %swap3A_65 = arith.constant 16 : index
      %swap3A_66 = tpu.vector_load %arg8[%swap3A_64, %swap3A_65] {strides = array<i32>} : memref<64x128xf32, #tpu.memory_space<vmem>>, vector<1x16xf32>,
      %swap3A_67 = vector.shape_cast %swap3A_66 : vector<1x16xf32> to vector<16xf32>
      %swap3A_68 = vector.shape_cast %broadcast_in_dim3A_63 : vector<16xf32> to vector<1x16xf32>
      tpu.vector_store %arg8[%swap3A_64, %swap3A_65], %swap3A_68 {strides = array<i32>} : memref<64x128xf32, #tpu.memory_space<vmem>>, vector<1x16xf32>,
      %broadcast_in_dim3A_69 = arith.constant 0.000000e+00 : f32
      %broadcast_in_dim3A_70 = vector.broadcast %broadcast_in_dim3A_69 : f32 to vector<16xf32>
      %swap3A_71 = arith.index_cast %scan3A_55 : i32 to index
      %swap3A_72 = arith.constant 32 : index
      %swap3A_73 = tpu.vector_load %arg8[%swap3A_71, %swap3A_72] {strides = array<i32>} : memref<64x128xf32, #tpu.memory_space<vmem>>, vector<1x16xf32>,
      %swap3A_74 = vector.shape_cast %swap3A_73 : vector<1x16xf32> to vector<16xf32>
      %swap3A_75 = vector.shape_cast %broadcast_in_dim3A_70 : vector<16xf32> to vector<1x16xf32>
      tpu.vector_store %arg8[%swap3A_71, %swap3A_72], %swap3A_75 {strides = array<i32>} : memref<64x128xf32, #tpu.memory_space<vmem>>, vector<1x16xf32>,
      %broadcast_in_dim3A_76 = arith.constant 0.000000e+00 : f32
      %broadcast_in_dim3A_77 = vector.broadcast %broadcast_in_dim3A_76 : f32 to vector<16xf32>
      %swap3A_78 = arith.index_cast %scan3A_55 : i32 to index
      %swap3A_79 = arith.constant 48 : index
      %swap3A_80 = tpu.vector_load %arg8[%swap3A_78, %swap3A_79] {strides = array<i32>} : memref<64x128xf32, #tpu.memory_space<vmem>>, vector<1x16xf32>,
      %swap3A_81 = vector.shape_cast %swap3A_80 : vector<1x16xf32> to vector<16xf32>
      %swap3A_82 = vector.shape_cast %broadcast_in_dim3A_77 : vector<16xf32> to vector<1x16xf32>
      tpu.vector_store %arg8[%swap3A_78, %swap3A_79], %swap3A_82 {strides = array<i32>} : memref<64x128xf32, #tpu.memory_space<vmem>>, vector<1x16xf32>,
      %broadcast_in_dim3A_83 = arith.constant 0.000000e+00 : f32
      %broadcast_in_dim3A_84 = vector.broadcast %broadcast_in_dim3A_83 : f32 to vector<16xf32>
      %swap3A_85 = arith.index_cast %scan3A_55 : i32 to index
      %swap3A_86 = arith.constant 64 : index
      %swap3A_87 = tpu.vector_load %arg8[%swap3A_85, %swap3A_86] {strides = array<i32>} : memref<64x128xf32, #tpu.memory_space<vmem>>, vector<1x16xf32>,
      %swap3A_88 = vector.shape_cast %swap3A_87 : vector<1x16xf32> to vector<16xf32>
      %swap3A_89 = vector.shape_cast %broadcast_in_dim3A_84 : vector<16xf32> to vector<1x16xf32>
      tpu.vector_store %arg8[%swap3A_85, %swap3A_86], %swap3A_89 {strides = array<i32>} : memref<64x128xf32, #tpu.memory_space<vmem>>, vector<1x16xf32>,
      %broadcast_in_dim3A_90 = arith.constant 0.000000e+00 : f32
      %broadcast_in_dim3A_91 = vector.broadcast %broadcast_in_dim3A_90 : f32 to vector<16xf32>
      %swap3A_92 = arith.index_cast %scan3A_55 : i32 to index
      %swap3A_93 = arith.constant 80 : index
      %swap3A_94 = tpu.vector_load %arg8[%swap3A_92, %swap3A_93] {strides = array<i32>} : memref<64x128xf32, #tpu.memory_space<vmem>>, vector<1x16xf32>,
      %swap3A_95 = vector.shape_cast %swap3A_94 : vector<1x16xf32> to vector<16xf32>
      %swap3A_96 = vector.shape_cast %broadcast_in_dim3A_91 : vector<16xf32> to vector<1x16xf32>
      tpu.vector_store %arg8[%swap3A_92, %swap3A_93], %swap3A_96 {strides = array<i32>} : memref<64x128xf32, #tpu.memory_space<vmem>>, vector<1x16xf32>,
      %broadcast_in_dim3A_97 = arith.constant 0.000000e+00 : f32
      %broadcast_in_dim3A_98 = vector.broadcast %broadcast_in_dim3A_97 : f32 to vector<16xf32>
      %swap3A_99 = arith.index_cast %scan3A_55 : i32 to index
      %swap3A_100 = arith.constant 96 : index
      %swap3A_101 = tpu.vector_load %arg8[%swap3A_99, %swap3A_100] {strides = array<i32>} : memref<64x128xf32, #tpu.memory_space<vmem>>, vector<1x16xf32>,
      %swap3A_102 = vector.shape_cast %swap3A_101 : vector<1x16xf32> to vector<16xf32>
      %swap3A_103 = vector.shape_cast %broadcast_in_dim3A_98 : vector<16xf32> to vector<1x16xf32>
      tpu.vector_store %arg8[%swap3A_99, %swap3A_100], %swap3A_103 {strides = array<i32>} : memref<64x128xf32, #tpu.memory_space<vmem>>, vector<1x16xf32>,
      %broadcast_in_dim3A_104 = arith.constant 0.000000e+00 : f32
      %broadcast_in_dim3A_105 = vector.broadcast %broadcast_in_dim3A_104 : f32 to vector<16xf32>
      %swap3A_106 = arith.index_cast %scan3A_55 : i32 to index
      %swap3A_107 = arith.constant 112 : index
      %swap3A_108 = tpu.vector_load %arg8[%swap3A_106, %swap3A_107] {strides = array<i32>} : memref<64x128xf32, #tpu.memory_space<vmem>>, vector<1x16xf32>,
      %swap3A_109 = vector.shape_cast %swap3A_108 : vector<1x16xf32> to vector<16xf32>
      %swap3A_110 = vector.shape_cast %broadcast_in_dim3A_105 : vector<16xf32> to vector<1x16xf32>
      tpu.vector_store %arg8[%swap3A_106, %swap3A_107], %swap3A_110 {strides = array<i32>} : memref<64x128xf32, #tpu.memory_space<vmem>>, vector<1x16xf32>,
      %scan3A_111 = arith.constant 0 : i32
      scf.yield %scan3A_111 : i32
    }
    %scan3A_6 = arith.constant 64 : i32
    %mul3A_7 = arith.constant 632 : i32
    %mul3A_8 = arith.muli %arg1, %mul3A_7 : i32
    %add3A_9 = arith.constant 0 : i32
    %add3A_10 = arith.addi %mul3A_8, %add3A_9 : i32
    "tpu.region"() ({
      %run_scoped3A = tpu.sem_alloc : memref<!tpu.dma_semaphore, #tpu.memory_space<semaphore_mem>>
      %dma_start3A = arith.constant 0 : i32
      %dma_start3A_55 = tpu.memref_slice %arg12[%add3A_10, %dma_start3A] : memref<10112x128xf32, #tpu.memory_space<vmem_shared>> -> memref<64x128xf32, #tpu.memory_space<vmem_shared>>
      %dma_start3A_56 = arith.constant 0 : i32
      %dma_start3A_57 = tpu.memref_slice %arg12[%add3A_10, %dma_start3A_56] : memref<10112x128xf32, #tpu.memory_space<vmem_shared>> -> memref<64x128xf32, #tpu.memory_space<vmem_shared>>
      tpu.enqueue_dma source(%arg8 : memref<64x128xf32, #tpu.memory_space<vmem>>) target(%dma_start3A_57 : memref<64x128xf32, #tpu.memory_space<vmem_shared>>) target_semaphore(%run_scoped3A : memref<!tpu.dma_semaphore, #tpu.memory_space<semaphore_mem>>)
      %dma_wait3A = arith.constant 0 : i32
      %dma_wait3A_58 = tpu.memref_slice %arg12[%add3A_10, %dma_wait3A] : memref<10112x128xf32, #tpu.memory_space<vmem_shared>> -> memref<64x128xf32, #tpu.memory_space<vmem_shared>>
      %dma_wait3A_59 = arith.constant 0 : i32
      %dma_wait3A_60 = tpu.memref_slice %arg12[%add3A_10, %dma_wait3A_59] : memref<10112x128xf32, #tpu.memory_space<vmem_shared>> -> memref<64x128xf32, #tpu.memory_space<vmem_shared>>
      tpu.wait_dma2 semaphore(%run_scoped3A : memref<!tpu.dma_semaphore, #tpu.memory_space<semaphore_mem>>) src(%arg8 : memref<64x128xf32, #tpu.memory_space<vmem>>) dst(%dma_wait3A_60 : memref<64x128xf32, #tpu.memory_space<vmem_shared>>)
      tpu.yield
    }) : () -> ()
    %add3A_11 = arith.constant 64 : i32
    %add3A_12 = arith.addi %mul3A_8, %add3A_11 : i32
    "tpu.region"() ({
      %run_scoped3A = tpu.sem_alloc : memref<!tpu.dma_semaphore, #tpu.memory_space<semaphore_mem>>
      %dma_start3A = arith.constant 0 : i32
      %dma_start3A_55 = tpu.memref_slice %arg12[%add3A_12, %dma_start3A] : memref<10112x128xf32, #tpu.memory_space<vmem_shared>> -> memref<64x128xf32, #tpu.memory_space<vmem_shared>>
      %dma_start3A_56 = arith.constant 0 : i32
      %dma_start3A_57 = tpu.memref_slice %arg12[%add3A_12, %dma_start3A_56] : memref<10112x128xf32, #tpu.memory_space<vmem_shared>> -> memref<64x128xf32, #tpu.memory_space<vmem_shared>>
      tpu.enqueue_dma source(%arg8 : memref<64x128xf32, #tpu.memory_space<vmem>>) target(%dma_start3A_57 : memref<64x128xf32, #tpu.memory_space<vmem_shared>>) target_semaphore(%run_scoped3A : memref<!tpu.dma_semaphore, #tpu.memory_space<semaphore_mem>>)
      %dma_wait3A = arith.constant 0 : i32
      %dma_wait3A_58 = tpu.memref_slice %arg12[%add3A_12, %dma_wait3A] : memref<10112x128xf32, #tpu.memory_space<vmem_shared>> -> memref<64x128xf32, #tpu.memory_space<vmem_shared>>
      %dma_wait3A_59 = arith.constant 0 : i32
      %dma_wait3A_60 = tpu.memref_slice %arg12[%add3A_12, %dma_wait3A_59] : memref<10112x128xf32, #tpu.memory_space<vmem_shared>> -> memref<64x128xf32, #tpu.memory_space<vmem_shared>>
      tpu.wait_dma2 semaphore(%run_scoped3A : memref<!tpu.dma_semaphore, #tpu.memory_space<semaphore_mem>>) src(%arg8 : memref<64x128xf32, #tpu.memory_space<vmem>>) dst(%dma_wait3A_60 : memref<64x128xf32, #tpu.memory_space<vmem_shared>>)
      tpu.yield
    }) : () -> ()
    %add3A_13 = arith.constant 128 : i32
    %add3A_14 = arith.addi %mul3A_8, %add3A_13 : i32
    "tpu.region"() ({
      %run_scoped3A = tpu.sem_alloc : memref<!tpu.dma_semaphore, #tpu.memory_space<semaphore_mem>>
      %dma_start3A = arith.constant 0 : i32
      %dma_start3A_55 = tpu.memref_slice %arg12[%add3A_14, %dma_start3A] : memref<10112x128xf32, #tpu.memory_space<vmem_shared>> -> memref<64x128xf32, #tpu.memory_space<vmem_shared>>
      %dma_start3A_56 = arith.constant 0 : i32
      %dma_start3A_57 = tpu.memref_slice %arg12[%add3A_14, %dma_start3A_56] : memref<10112x128xf32, #tpu.memory_space<vmem_shared>> -> memref<64x128xf32, #tpu.memory_space<vmem_shared>>
      tpu.enqueue_dma source(%arg8 : memref<64x128xf32, #tpu.memory_space<vmem>>) target(%dma_start3A_57 : memref<64x128xf32, #tpu.memory_space<vmem_shared>>) target_semaphore(%run_scoped3A : memref<!tpu.dma_semaphore, #tpu.memory_space<semaphore_mem>>)
      %dma_wait3A = arith.constant 0 : i32
      %dma_wait3A_58 = tpu.memref_slice %arg12[%add3A_14, %dma_wait3A] : memref<10112x128xf32, #tpu.memory_space<vmem_shared>> -> memref<64x128xf32, #tpu.memory_space<vmem_shared>>
      %dma_wait3A_59 = arith.constant 0 : i32
      %dma_wait3A_60 = tpu.memref_slice %arg12[%add3A_14, %dma_wait3A_59] : memref<10112x128xf32, #tpu.memory_space<vmem_shared>> -> memref<64x128xf32, #tpu.memory_space<vmem_shared>>
      tpu.wait_dma2 semaphore(%run_scoped3A : memref<!tpu.dma_semaphore, #tpu.memory_space<semaphore_mem>>) src(%arg8 : memref<64x128xf32, #tpu.memory_space<vmem>>) dst(%dma_wait3A_60 : memref<64x128xf32, #tpu.memory_space<vmem_shared>>)
      tpu.yield
    }) : () -> ()
    %add3A_15 = arith.constant 192 : i32
    %add3A_16 = arith.addi %mul3A_8, %add3A_15 : i32
    "tpu.region"() ({
      %run_scoped3A = tpu.sem_alloc : memref<!tpu.dma_semaphore, #tpu.memory_space<semaphore_mem>>
      %dma_start3A = arith.constant 0 : i32
      %dma_start3A_55 = tpu.memref_slice %arg12[%add3A_16, %dma_start3A] : memref<10112x128xf32, #tpu.memory_space<vmem_shared>> -> memref<64x128xf32, #tpu.memory_space<vmem_shared>>
      %dma_start3A_56 = arith.constant 0 : i32
      %dma_start3A_57 = tpu.memref_slice %arg12[%add3A_16, %dma_start3A_56] : memref<10112x128xf32, #tpu.memory_space<vmem_shared>> -> memref<64x128xf32, #tpu.memory_space<vmem_shared>>
      tpu.enqueue_dma source(%arg8 : memref<64x128xf32, #tpu.memory_space<vmem>>) target(%dma_start3A_57 : memref<64x128xf32, #tpu.memory_space<vmem_shared>>) target_semaphore(%run_scoped3A : memref<!tpu.dma_semaphore, #tpu.memory_space<semaphore_mem>>)
      %dma_wait3A = arith.constant 0 : i32
      %dma_wait3A_58 = tpu.memref_slice %arg12[%add3A_16, %dma_wait3A] : memref<10112x128xf32, #tpu.memory_space<vmem_shared>> -> memref<64x128xf32, #tpu.memory_space<vmem_shared>>
      %dma_wait3A_59 = arith.constant 0 : i32
      %dma_wait3A_60 = tpu.memref_slice %arg12[%add3A_16, %dma_wait3A_59] : memref<10112x128xf32, #tpu.memory_space<vmem_shared>> -> memref<64x128xf32, #tpu.memory_space<vmem_shared>>
      tpu.wait_dma2 semaphore(%run_scoped3A : memref<!tpu.dma_semaphore, #tpu.memory_space<semaphore_mem>>) src(%arg8 : memref<64x128xf32, #tpu.memory_space<vmem>>) dst(%dma_wait3A_60 : memref<64x128xf32, #tpu.memory_space<vmem_shared>>)
      tpu.yield
    }) : () -> ()
    %add3A_17 = arith.constant 256 : i32
    %add3A_18 = arith.addi %mul3A_8, %add3A_17 : i32
    "tpu.region"() ({
      %run_scoped3A = tpu.sem_alloc : memref<!tpu.dma_semaphore, #tpu.memory_space<semaphore_mem>>
      %dma_start3A = arith.constant 0 : i32
      %dma_start3A_55 = tpu.memref_slice %arg12[%add3A_18, %dma_start3A] : memref<10112x128xf32, #tpu.memory_space<vmem_shared>> -> memref<64x128xf32, #tpu.memory_space<vmem_shared>>
      %dma_start3A_56 = arith.constant 0 : i32
      %dma_start3A_57 = tpu.memref_slice %arg12[%add3A_18, %dma_start3A_56] : memref<10112x128xf32, #tpu.memory_space<vmem_shared>> -> memref<64x128xf32, #tpu.memory_space<vmem_shared>>
      tpu.enqueue_dma source(%arg8 : memref<64x128xf32, #tpu.memory_space<vmem>>) target(%dma_start3A_57 : memref<64x128xf32, #tpu.memory_space<vmem_shared>>) target_semaphore(%run_scoped3A : memref<!tpu.dma_semaphore, #tpu.memory_space<semaphore_mem>>)
      %dma_wait3A = arith.constant 0 : i32
      %dma_wait3A_58 = tpu.memref_slice %arg12[%add3A_18, %dma_wait3A] : memref<10112x128xf32, #tpu.memory_space<vmem_shared>> -> memref<64x128xf32, #tpu.memory_space<vmem_shared>>
      %dma_wait3A_59 = arith.constant 0 : i32
      %dma_wait3A_60 = tpu.memref_slice %arg12[%add3A_18, %dma_wait3A_59] : memref<10112x128xf32, #tpu.memory_space<vmem_shared>> -> memref<64x128xf32, #tpu.memory_space<vmem_shared>>
      tpu.wait_dma2 semaphore(%run_scoped3A : memref<!tpu.dma_semaphore, #tpu.memory_space<semaphore_mem>>) src(%arg8 : memref<64x128xf32, #tpu.memory_space<vmem>>) dst(%dma_wait3A_60 : memref<64x128xf32, #tpu.memory_space<vmem_shared>>)
      tpu.yield
    }) : () -> ()
    %add3A_19 = arith.constant 320 : i32
    %add3A_20 = arith.addi %mul3A_8, %add3A_19 : i32
    "tpu.region"() ({
      %run_scoped3A = tpu.sem_alloc : memref<!tpu.dma_semaphore, #tpu.memory_space<semaphore_mem>>
      %dma_start3A = arith.constant 0 : i32
      %dma_start3A_55 = tpu.memref_slice %arg12[%add3A_20, %dma_start3A] : memref<10112x128xf32, #tpu.memory_space<vmem_shared>> -> memref<64x128xf32, #tpu.memory_space<vmem_shared>>
      %dma_start3A_56 = arith.constant 0 : i32
      %dma_start3A_57 = tpu.memref_slice %arg12[%add3A_20, %dma_start3A_56] : memref<10112x128xf32, #tpu.memory_space<vmem_shared>> -> memref<64x128xf32, #tpu.memory_space<vmem_shared>>
      tpu.enqueue_dma source(%arg8 : memref<64x128xf32, #tpu.memory_space<vmem>>) target(%dma_start3A_57 : memref<64x128xf32, #tpu.memory_space<vmem_shared>>) target_semaphore(%run_scoped3A : memref<!tpu.dma_semaphore, #tpu.memory_space<semaphore_mem>>)
      %dma_wait3A = arith.constant 0 : i32
      %dma_wait3A_58 = tpu.memref_slice %arg12[%add3A_20, %dma_wait3A] : memref<10112x128xf32, #tpu.memory_space<vmem_shared>> -> memref<64x128xf32, #tpu.memory_space<vmem_shared>>
      %dma_wait3A_59 = arith.constant 0 : i32
      %dma_wait3A_60 = tpu.memref_slice %arg12[%add3A_20, %dma_wait3A_59] : memref<10112x128xf32, #tpu.memory_space<vmem_shared>> -> memref<64x128xf32, #tpu.memory_space<vmem_shared>>
      tpu.wait_dma2 semaphore(%run_scoped3A : memref<!tpu.dma_semaphore, #tpu.memory_space<semaphore_mem>>) src(%arg8 : memref<64x128xf32, #tpu.memory_space<vmem>>) dst(%dma_wait3A_60 : memref<64x128xf32, #tpu.memory_space<vmem_shared>>)
      tpu.yield
    }) : () -> ()
    %add3A_21 = arith.constant 384 : i32
    %add3A_22 = arith.addi %mul3A_8, %add3A_21 : i32
    "tpu.region"() ({
      %run_scoped3A = tpu.sem_alloc : memref<!tpu.dma_semaphore, #tpu.memory_space<semaphore_mem>>
      %dma_start3A = arith.constant 0 : i32
      %dma_start3A_55 = tpu.memref_slice %arg12[%add3A_22, %dma_start3A] : memref<10112x128xf32, #tpu.memory_space<vmem_shared>> -> memref<64x128xf32, #tpu.memory_space<vmem_shared>>
      %dma_start3A_56 = arith.constant 0 : i32
      %dma_start3A_57 = tpu.memref_slice %arg12[%add3A_22, %dma_start3A_56] : memref<10112x128xf32, #tpu.memory_space<vmem_shared>> -> memref<64x128xf32, #tpu.memory_space<vmem_shared>>
      tpu.enqueue_dma source(%arg8 : memref<64x128xf32, #tpu.memory_space<vmem>>) target(%dma_start3A_57 : memref<64x128xf32, #tpu.memory_space<vmem_shared>>) target_semaphore(%run_scoped3A : memref<!tpu.dma_semaphore, #tpu.memory_space<semaphore_mem>>)
      %dma_wait3A = arith.constant 0 : i32
      %dma_wait3A_58 = tpu.memref_slice %arg12[%add3A_22, %dma_wait3A] : memref<10112x128xf32, #tpu.memory_space<vmem_shared>> -> memref<64x128xf32, #tpu.memory_space<vmem_shared>>
      %dma_wait3A_59 = arith.constant 0 : i32
      %dma_wait3A_60 = tpu.memref_slice %arg12[%add3A_22, %dma_wait3A_59] : memref<10112x128xf32, #tpu.memory_space<vmem_shared>> -> memref<64x128xf32, #tpu.memory_space<vmem_shared>>
      tpu.wait_dma2 semaphore(%run_scoped3A : memref<!tpu.dma_semaphore, #tpu.memory_space<semaphore_mem>>) src(%arg8 : memref<64x128xf32, #tpu.memory_space<vmem>>) dst(%dma_wait3A_60 : memref<64x128xf32, #tpu.memory_space<vmem_shared>>)
      tpu.yield
    }) : () -> ()
    %add3A_23 = arith.constant 448 : i32
    %add3A_24 = arith.addi %mul3A_8, %add3A_23 : i32
    "tpu.region"() ({
      %run_scoped3A = tpu.sem_alloc : memref<!tpu.dma_semaphore, #tpu.memory_space<semaphore_mem>>
      %dma_start3A = arith.constant 0 : i32
      %dma_start3A_55 = tpu.memref_slice %arg12[%add3A_24, %dma_start3A] : memref<10112x128xf32, #tpu.memory_space<vmem_shared>> -> memref<64x128xf32, #tpu.memory_space<vmem_shared>>
      %dma_start3A_56 = arith.constant 0 : i32
      %dma_start3A_57 = tpu.memref_slice %arg12[%add3A_24, %dma_start3A_56] : memref<10112x128xf32, #tpu.memory_space<vmem_shared>> -> memref<64x128xf32, #tpu.memory_space<vmem_shared>>
      tpu.enqueue_dma source(%arg8 : memref<64x128xf32, #tpu.memory_space<vmem>>) target(%dma_start3A_57 : memref<64x128xf32, #tpu.memory_space<vmem_shared>>) target_semaphore(%run_scoped3A : memref<!tpu.dma_semaphore, #tpu.memory_space<semaphore_mem>>)
      %dma_wait3A = arith.constant 0 : i32
      %dma_wait3A_58 = tpu.memref_slice %arg12[%add3A_24, %dma_wait3A] : memref<10112x128xf32, #tpu.memory_space<vmem_shared>> -> memref<64x128xf32, #tpu.memory_space<vmem_shared>>
      %dma_wait3A_59 = arith.constant 0 : i32
      %dma_wait3A_60 = tpu.memref_slice %arg12[%add3A_24, %dma_wait3A_59] : memref<10112x128xf32, #tpu.memory_space<vmem_shared>> -> memref<64x128xf32, #tpu.memory_space<vmem_shared>>
      tpu.wait_dma2 semaphore(%run_scoped3A : memref<!tpu.dma_semaphore, #tpu.memory_space<semaphore_mem>>) src(%arg8 : memref<64x128xf32, #tpu.memory_space<vmem>>) dst(%dma_wait3A_60 : memref<64x128xf32, #tpu.memory_space<vmem_shared>>)
      tpu.yield
    }) : () -> ()
    %add3A_25 = arith.constant 512 : i32
    %add3A_26 = arith.addi %mul3A_8, %add3A_25 : i32
    "tpu.region"() ({
      %run_scoped3A = tpu.sem_alloc : memref<!tpu.dma_semaphore, #tpu.memory_space<semaphore_mem>>
      %dma_start3A = arith.constant 0 : i32
      %dma_start3A_55 = tpu.memref_slice %arg12[%add3A_26, %dma_start3A] : memref<10112x128xf32, #tpu.memory_space<vmem_shared>> -> memref<64x128xf32, #tpu.memory_space<vmem_shared>>
      %dma_start3A_56 = arith.constant 0 : i32
      %dma_start3A_57 = tpu.memref_slice %arg12[%add3A_26, %dma_start3A_56] : memref<10112x128xf32, #tpu.memory_space<vmem_shared>> -> memref<64x128xf32, #tpu.memory_space<vmem_shared>>
      tpu.enqueue_dma source(%arg8 : memref<64x128xf32, #tpu.memory_space<vmem>>) target(%dma_start3A_57 : memref<64x128xf32, #tpu.memory_space<vmem_shared>>) target_semaphore(%run_scoped3A : memref<!tpu.dma_semaphore, #tpu.memory_space<semaphore_mem>>)
      %dma_wait3A = arith.constant 0 : i32
      %dma_wait3A_58 = tpu.memref_slice %arg12[%add3A_26, %dma_wait3A] : memref<10112x128xf32, #tpu.memory_space<vmem_shared>> -> memref<64x128xf32, #tpu.memory_space<vmem_shared>>
      %dma_wait3A_59 = arith.constant 0 : i32
      %dma_wait3A_60 = tpu.memref_slice %arg12[%add3A_26, %dma_wait3A_59] : memref<10112x128xf32, #tpu.memory_space<vmem_shared>> -> memref<64x128xf32, #tpu.memory_space<vmem_shared>>
      tpu.wait_dma2 semaphore(%run_scoped3A : memref<!tpu.dma_semaphore, #tpu.memory_space<semaphore_mem>>) src(%arg8 : memref<64x128xf32, #tpu.memory_space<vmem>>) dst(%dma_wait3A_60 : memref<64x128xf32, #tpu.memory_space<vmem_shared>>)
      tpu.yield
    }) : () -> ()
    %add3A_27 = arith.constant 576 : i32
    %add3A_28 = arith.addi %mul3A_8, %add3A_27 : i32
    "tpu.region"() ({
      %run_scoped3A = tpu.sem_alloc : memref<!tpu.dma_semaphore, #tpu.memory_space<semaphore_mem>>
      %dma_start3A = arith.constant 0 : i32
      %dma_start3A_55 = arith.constant 0 : i32
      %dma_start3A_56 = tpu.memref_slice %arg8[%dma_start3A, %dma_start3A_55] : memref<64x128xf32, #tpu.memory_space<vmem>> -> memref<56x128xf32, #tpu.memory_space<vmem>>
      %dma_start3A_57 = arith.constant 0 : i32
      %dma_start3A_58 = tpu.memref_slice %arg12[%add3A_28, %dma_start3A_57] : memref<10112x128xf32, #tpu.memory_space<vmem_shared>> -> memref<56x128xf32, #tpu.memory_space<vmem_shared>>
      %dma_start3A_59 = arith.constant 0 : i32
      %dma_start3A_60 = tpu.memref_slice %arg12[%add3A_28, %dma_start3A_59] : memref<10112x128xf32, #tpu.memory_space<vmem_shared>> -> memref<56x128xf32, #tpu.memory_space<vmem_shared>>
      %dma_start3A_61 = arith.constant 0 : i32
      %dma_start3A_62 = arith.constant 0 : i32
      %dma_start3A_63 = tpu.memref_slice %arg8[%dma_start3A_61, %dma_start3A_62] : memref<64x128xf32, #tpu.memory_space<vmem>> -> memref<56x128xf32, #tpu.memory_space<vmem>>
      tpu.enqueue_dma source(%dma_start3A_63 : memref<56x128xf32, #tpu.memory_space<vmem>>) target(%dma_start3A_60 : memref<56x128xf32, #tpu.memory_space<vmem_shared>>) target_semaphore(%run_scoped3A : memref<!tpu.dma_semaphore, #tpu.memory_space<semaphore_mem>>)
      %dma_wait3A = arith.constant 0 : i32
      %dma_wait3A_64 = arith.constant 0 : i32
      %dma_wait3A_65 = tpu.memref_slice %arg8[%dma_wait3A, %dma_wait3A_64] : memref<64x128xf32, #tpu.memory_space<vmem>> -> memref<56x128xf32, #tpu.memory_space<vmem>>
      %dma_wait3A_66 = arith.constant 0 : i32
      %dma_wait3A_67 = tpu.memref_slice %arg12[%add3A_28, %dma_wait3A_66] : memref<10112x128xf32, #tpu.memory_space<vmem_shared>> -> memref<56x128xf32, #tpu.memory_space<vmem_shared>>
      %dma_wait3A_68 = arith.constant 0 : i32
      %dma_wait3A_69 = tpu.memref_slice %arg12[%add3A_28, %dma_wait3A_68] : memref<10112x128xf32, #tpu.memory_space<vmem_shared>> -> memref<56x128xf32, #tpu.memory_space<vmem_shared>>
      %dma_wait3A_70 = arith.constant 0 : i32
      %dma_wait3A_71 = arith.constant 0 : i32
      %dma_wait3A_72 = tpu.memref_slice %arg8[%dma_wait3A_70, %dma_wait3A_71] : memref<64x128xf32, #tpu.memory_space<vmem>> -> memref<56x128xf32, #tpu.memory_space<vmem>>
      tpu.wait_dma2 semaphore(%run_scoped3A : memref<!tpu.dma_semaphore, #tpu.memory_space<semaphore_mem>>) src(%dma_wait3A_72 : memref<56x128xf32, #tpu.memory_space<vmem>>) dst(%dma_wait3A_69 : memref<56x128xf32, #tpu.memory_space<vmem_shared>>)
      tpu.yield
    }) : () -> ()
    %barrier3A = arith.constant 0 : index
    tpu.barrier barrier_id(%barrier3A)
    %eq3A = arith.constant 0 : i32
    %eq3A_29 = arith.cmpi eq, %arg0, %eq3A : i32
    %mul3A_30 = arith.constant 280 : i32
    %mul3A_31 = arith.muli %arg1, %mul3A_30 : i32
    %mul3A_32 = arith.constant 40 : i32
    %mul3A_33 = arith.muli %arg1, %mul3A_32 : i32
    %add3A_34 = arith.constant 4480 : i32
    %add3A_35 = arith.addi %add3A_34, %mul3A_33 : i32
    %select_n3A = arith.select %eq3A_29, %mul3A_31, %add3A_35 : i32
    %eq3A_36 = arith.constant 0 : i32
    %eq3A_37 = arith.cmpi eq, %arg0, %eq3A_36 : i32
    %jit3A = arith.constant 7 : i32
    %jit3A_38 = arith.constant 1 : i32
    %select_n3A_39 = arith.select %eq3A_37, %jit3A, %jit3A_38 : i32
    %while3A = arith.constant 0 : i32
    %while3A_40 = arith.constant 0 : i32
    %while3A_41 = arith.subi %select_n3A_39, %while3A : i32
    %while3A_42 = arith.addi %while3A, %while3A_41 : i32
    %while3A_43 = arith.constant 1 : i32
    %while3A_44 = arith.divsi %while3A_41, %while3A_43 : i32
    %while3A_45 = arith.muli %while3A_44, %while3A_43 : i32
    %while3A_46 = arith.addi %while3A, %while3A_45 : i32
    %while3A_47 = arith.constant 1 : i32
    %while3A_48 = scf.for %while3A_55 = %while3A to %while3A_46 step %while3A_47 iter_args(%while3A_56 = %while3A_40) -> (i32)  : i32 {
      %mul3A_57 = arith.constant 40 : i32
      %mul3A_58 = arith.muli %while3A_55, %mul3A_57 : i32
      %add3A_59 = arith.addi %select_n3A, %mul3A_58 : i32
      "tpu.region"() ({
        %run_scoped3A = tpu.sem_alloc : memref<!tpu.dma_semaphore, #tpu.memory_space<semaphore_mem>>
        %dma_start3A_92 = arith.constant 0 : i32
        %dma_start3A_93 = tpu.memref_slice %arg2[%add3A_59, %dma_start3A_92] : memref<5120x64xi32, #tpu.memory_space<hbm>> -> memref<40x64xi32, #tpu.memory_space<hbm>>
        %dma_start3A_94 = arith.constant 0 : i32
        %dma_start3A_95 = tpu.memref_slice %arg2[%add3A_59, %dma_start3A_94] : memref<5120x64xi32, #tpu.memory_space<hbm>> -> memref<40x64xi32, #tpu.memory_space<hbm>>
        tpu.enqueue_dma source(%dma_start3A_95 : memref<40x64xi32, #tpu.memory_space<hbm>>) target(%arg6 : memref<40x64xi32, #tpu.memory_space<vmem>>) target_semaphore(%run_scoped3A : memref<!tpu.dma_semaphore, #tpu.memory_space<semaphore_mem>>)
        %dma_wait3A_96 = arith.constant 0 : i32
        %dma_wait3A_97 = tpu.memref_slice %arg2[%add3A_59, %dma_wait3A_96] : memref<5120x64xi32, #tpu.memory_space<hbm>> -> memref<40x64xi32, #tpu.memory_space<hbm>>
        %dma_wait3A_98 = arith.constant 0 : i32
        %dma_wait3A_99 = tpu.memref_slice %arg2[%add3A_59, %dma_wait3A_98] : memref<5120x64xi32, #tpu.memory_space<hbm>> -> memref<40x64xi32, #tpu.memory_space<hbm>>
        tpu.wait_dma2 semaphore(%run_scoped3A : memref<!tpu.dma_semaphore, #tpu.memory_space<semaphore_mem>>) src(%dma_wait3A_99 : memref<40x64xi32, #tpu.memory_space<hbm>>) dst(%arg6 : memref<40x64xi32, #tpu.memory_space<vmem>>)
        tpu.yield
      }) : () -> ()
      "tpu.region"() ({
        %run_scoped3A = tpu.sem_alloc : memref<!tpu.dma_semaphore, #tpu.memory_space<semaphore_mem>>
        %dma_start3A_92 = arith.constant 0 : i32
        %dma_start3A_93 = tpu.memref_slice %arg3[%add3A_59, %dma_start3A_92] : memref<5120x64xi32, #tpu.memory_space<hbm>> -> memref<40x64xi32, #tpu.memory_space<hbm>>
        %dma_start3A_94 = arith.constant 0 : i32
        %dma_start3A_95 = tpu.memref_slice %arg3[%add3A_59, %dma_start3A_94] : memref<5120x64xi32, #tpu.memory_space<hbm>> -> memref<40x64xi32, #tpu.memory_space<hbm>>
        tpu.enqueue_dma source(%dma_start3A_95 : memref<40x64xi32, #tpu.memory_space<hbm>>) target(%arg7 : memref<40x64xi32, #tpu.memory_space<vmem>>) target_semaphore(%run_scoped3A : memref<!tpu.dma_semaphore, #tpu.memory_space<semaphore_mem>>)
        %dma_wait3A_96 = arith.constant 0 : i32
        %dma_wait3A_97 = tpu.memref_slice %arg3[%add3A_59, %dma_wait3A_96] : memref<5120x64xi32, #tpu.memory_space<hbm>> -> memref<40x64xi32, #tpu.memory_space<hbm>>
        %dma_wait3A_98 = arith.constant 0 : i32
        %dma_wait3A_99 = tpu.memref_slice %arg3[%add3A_59, %dma_wait3A_98] : memref<5120x64xi32, #tpu.memory_space<hbm>> -> memref<40x64xi32, #tpu.memory_space<hbm>>
        tpu.wait_dma2 semaphore(%run_scoped3A : memref<!tpu.dma_semaphore, #tpu.memory_space<semaphore_mem>>) src(%dma_wait3A_99 : memref<40x64xi32, #tpu.memory_space<hbm>>) dst(%arg7 : memref<40x64xi32, #tpu.memory_space<vmem>>)
        tpu.yield
      }) : () -> ()
      %dma_start3A = arith.constant 0 : i32
      %dma_start3A_60 = arith.constant 0 : i32
      %dma_start3A_61 = tpu.memref_slice %arg6[%dma_start3A, %dma_start3A_60] : memref<40x64xi32, #tpu.memory_space<vmem>> -> memref<1x64xi32, #tpu.memory_space<vmem>>
      %dma_start3A_62 = tpu.memref_squeeze %dma_start3A_61 : memref<1x64xi32, #tpu.memory_space<vmem>> -> memref<64xi32, #tpu.memory_space<vmem>>
      %dma_start3A_63 = arith.constant 0 : i32
      %dma_start3A_64 = arith.constant 0 : i32
      %dma_start3A_65 = tpu.memref_slice %arg4[%dma_start3A_63, %dma_start3A_64] : memref<10000x128xf32, #tpu.memory_space<hbm>> -> memref<10000x128xf32, #tpu.memory_space<hbm>>
      tpu.enqueue_indirect_dma source(%dma_start3A_65 : memref<10000x128xf32, #tpu.memory_space<hbm>>) target(%arg8 : memref<64x128xf32, #tpu.memory_space<vmem>>) offsets(%dma_start3A_62 : memref<64xi32, #tpu.memory_space<vmem>>) semaphore(%arg13 : memref<!tpu.dma_semaphore, #tpu.memory_space<semaphore_mem>>)
      %dma_start3A_66 = arith.constant 1 : i32
      %dma_start3A_67 = arith.constant 0 : i32
      %dma_start3A_68 = tpu.memref_slice %arg6[%dma_start3A_66, %dma_start3A_67] : memref<40x64xi32, #tpu.memory_space<vmem>> -> memref<1x64xi32, #tpu.memory_space<vmem>>
      %dma_start3A_69 = tpu.memref_squeeze %dma_start3A_68 : memref<1x64xi32, #tpu.memory_space<vmem>> -> memref<64xi32, #tpu.memory_space<vmem>>
      %dma_start3A_70 = arith.constant 0 : i32
      %dma_start3A_71 = arith.constant 0 : i32
      %dma_start3A_72 = tpu.memref_slice %arg4[%dma_start3A_70, %dma_start3A_71] : memref<10000x128xf32, #tpu.memory_space<hbm>> -> memref<10000x128xf32, #tpu.memory_space<hbm>>
      tpu.enqueue_indirect_dma source(%dma_start3A_72 : memref<10000x128xf32, #tpu.memory_space<hbm>>) target(%arg9 : memref<64x128xf32, #tpu.memory_space<vmem>>) offsets(%dma_start3A_69 : memref<64xi32, #tpu.memory_space<vmem>>) semaphore(%arg14 : memref<!tpu.dma_semaphore, #tpu.memory_space<semaphore_mem>>)
      %scan3A_73 = arith.constant 0 : i32
      %scan3A_74 = arith.constant 0 : i32
      %scan3A_75 = arith.constant 40 : i32
      %scan3A_76 = arith.addi %scan3A_74, %scan3A_75 : i32
      %scan3A_77 = arith.constant 1 : i32
      %scan3A_78 = scf.for %scan3A_92 = %scan3A_74 to %scan3A_76 step %scan3A_77 iter_args(%scan3A_93 = %scan3A_73) -> (i32)  : i32 {
        %rem3A = arith.constant 4 : i32
        %rem3A_94 = arith.remsi %scan3A_92, %rem3A : i32
        %eq3A_95 = arith.constant 0 : i32
        %eq3A_96 = arith.cmpi eq, %rem3A_94, %eq3A_95 : i32
        %convert_element_type3A = arith.extui %eq3A_96 : i1 to i32
        %cond3A = arith.constant 0 : i32
        %cond3A_97 = arith.cmpi ne, %convert_element_type3A, %cond3A : i32
        scf.if %cond3A_97 {
          %dma_wait3A_120 = arith.constant 0 : i32
          %dma_wait3A_121 = arith.constant 0 : i32
          %dma_wait3A_122 = tpu.memref_slice %arg4[%dma_wait3A_120, %dma_wait3A_121] : memref<10000x128xf32, #tpu.memory_space<hbm>> -> memref<64x128xf32, #tpu.memory_space<hbm>>
          %dma_wait3A_123 = arith.constant 0 : i32
          %dma_wait3A_124 = arith.constant 0 : i32
          %dma_wait3A_125 = tpu.memref_slice %arg4[%dma_wait3A_123, %dma_wait3A_124] : memref<10000x128xf32, #tpu.memory_space<hbm>> -> memref<64x128xf32, #tpu.memory_space<hbm>>
          tpu.wait_dma2 semaphore(%arg13 : memref<!tpu.dma_semaphore, #tpu.memory_space<semaphore_mem>>) src(%dma_wait3A_125 : memref<64x128xf32, #tpu.memory_space<hbm>>) dst(%arg8 : memref<64x128xf32, #tpu.memory_space<vmem>>)
          %ge3A = arith.constant 2 : i32
          %ge3A_126 = arith.cmpi sge, %scan3A_92, %ge3A : i32
          %convert_element_type3A_127 = arith.extui %ge3A_126 : i1 to i32
          %cond3A_128 = arith.constant 0 : i32
          %cond3A_129 = arith.cmpi ne, %convert_element_type3A_127, %cond3A_128 : i32
          scf.if %cond3A_129 {
            %dma_wait3A_142 = arith.constant 0 : i32
            %dma_wait3A_143 = arith.constant 0 : i32
            %dma_wait3A_144 = tpu.memref_slice %arg12[%dma_wait3A_142, %dma_wait3A_143] : memref<10112x128xf32, #tpu.memory_space<vmem_shared>> -> memref<64x128xf32, #tpu.memory_space<vmem_shared>>
            %dma_wait3A_145 = arith.constant 0 : i32
            %dma_wait3A_146 = arith.constant 0 : i32
            %dma_wait3A_147 = tpu.memref_slice %arg12[%dma_wait3A_145, %dma_wait3A_146] : memref<10112x128xf32, #tpu.memory_space<vmem_shared>> -> memref<64x128xf32, #tpu.memory_space<vmem_shared>>
            tpu.wait_dma2 semaphore(%arg19 : memref<!tpu.dma_semaphore, #tpu.memory_space<semaphore_mem>>) src(%arg10 : memref<64x128xf32, #tpu.memory_space<vmem>>) dst(%dma_wait3A_147 : memref<64x128xf32, #tpu.memory_space<vmem_shared>>)
          } else {
          }
          %add3A_130 = arith.constant 2 : i32
          %add3A_131 = arith.addi %scan3A_92, %add3A_130 : i32
          %lt3A = arith.constant 40 : i32
          %lt3A_132 = arith.cmpi slt, %add3A_131, %lt3A : i32
          %convert_element_type3A_133 = arith.extui %lt3A_132 : i1 to i32
          %cond3A_134 = arith.constant 0 : i32
          %cond3A_135 = arith.cmpi ne, %convert_element_type3A_133, %cond3A_134 : i32
          scf.if %cond3A_135 {
            %add3A_142 = arith.constant 2 : i32
            %add3A_143 = arith.addi %scan3A_92, %add3A_142 : i32
            %dma_start3A_144 = arith.constant 0 : i32
            %dma_start3A_145 = tpu.memref_slice %arg6[%add3A_143, %dma_start3A_144] : memref<40x64xi32, #tpu.memory_space<vmem>> -> memref<1x64xi32, #tpu.memory_space<vmem>>
            %dma_start3A_146 = tpu.memref_squeeze %dma_start3A_145 : memref<1x64xi32, #tpu.memory_space<vmem>> -> memref<64xi32, #tpu.memory_space<vmem>>
            %dma_start3A_147 = arith.constant 0 : i32
            %dma_start3A_148 = arith.constant 0 : i32
            %dma_start3A_149 = tpu.memref_slice %arg4[%dma_start3A_147, %dma_start3A_148] : memref<10000x128xf32, #tpu.memory_space<hbm>> -> memref<10000x128xf32, #tpu.memory_space<hbm>>
            tpu.enqueue_indirect_dma source(%dma_start3A_149 : memref<10000x128xf32, #tpu.memory_space<hbm>>) target(%arg10 : memref<64x128xf32, #tpu.memory_space<vmem>>) offsets(%dma_start3A_146 : memref<64xi32, #tpu.memory_space<vmem>>) semaphore(%arg15 : memref<!tpu.dma_semaphore, #tpu.memory_space<semaphore_mem>>)
          } else {
          }
          %dma_start3A_136 = arith.constant 0 : i32
          %dma_start3A_137 = tpu.memref_slice %arg7[%scan3A_92, %dma_start3A_136] : memref<40x64xi32, #tpu.memory_space<vmem>> -> memref<1x64xi32, #tpu.memory_space<vmem>>
          %dma_start3A_138 = tpu.memref_squeeze %dma_start3A_137 : memref<1x64xi32, #tpu.memory_space<vmem>> -> memref<64xi32, #tpu.memory_space<vmem>>
          %dma_start3A_139 = arith.constant 0 : i32
          %dma_start3A_140 = arith.constant 0 : i32
          %dma_start3A_141 = tpu.memref_slice %arg12[%dma_start3A_139, %dma_start3A_140] : memref<10112x128xf32, #tpu.memory_space<vmem_shared>> -> memref<10112x128xf32, #tpu.memory_space<vmem_shared>>
          tpu.enqueue_indirect_dma source(%arg8 : memref<64x128xf32, #tpu.memory_space<vmem>>) target(%dma_start3A_141 : memref<10112x128xf32, #tpu.memory_space<vmem_shared>>) offsets(%dma_start3A_138 : memref<64xi32, #tpu.memory_space<vmem>>) semaphore(%arg17 : memref<!tpu.dma_semaphore, #tpu.memory_space<semaphore_mem>>) {add = true}
        } else {
        }
        %rem3A_98 = arith.constant 4 : i32
        %rem3A_99 = arith.remsi %scan3A_92, %rem3A_98 : i32
        %eq3A_100 = arith.constant 1 : i32
        %eq3A_101 = arith.cmpi eq, %rem3A_99, %eq3A_100 : i32
        %convert_element_type3A_102 = arith.extui %eq3A_101 : i1 to i32
        %cond3A_103 = arith.constant 0 : i32
        %cond3A_104 = arith.cmpi ne, %convert_element_type3A_102, %cond3A_103 : i32
        scf.if %cond3A_104 {
          %dma_wait3A_120 = arith.constant 0 : i32
          %dma_wait3A_121 = arith.constant 0 : i32
          %dma_wait3A_122 = tpu.memref_slice %arg4[%dma_wait3A_120, %dma_wait3A_121] : memref<10000x128xf32, #tpu.memory_space<hbm>> -> memref<64x128xf32, #tpu.memory_space<hbm>>
          %dma_wait3A_123 = arith.constant 0 : i32
          %dma_wait3A_124 = arith.constant 0 : i32
          %dma_wait3A_125 = tpu.memref_slice %arg4[%dma_wait3A_123, %dma_wait3A_124] : memref<10000x128xf32, #tpu.memory_space<hbm>> -> memref<64x128xf32, #tpu.memory_space<hbm>>
          tpu.wait_dma2 semaphore(%arg14 : memref<!tpu.dma_semaphore, #tpu.memory_space<semaphore_mem>>) src(%dma_wait3A_125 : memref<64x128xf32, #tpu.memory_space<hbm>>) dst(%arg9 : memref<64x128xf32, #tpu.memory_space<vmem>>)
          %ge3A = arith.constant 2 : i32
          %ge3A_126 = arith.cmpi sge, %scan3A_92, %ge3A : i32
          %convert_element_type3A_127 = arith.extui %ge3A_126 : i1 to i32
          %cond3A_128 = arith.constant 0 : i32
          %cond3A_129 = arith.cmpi ne, %convert_element_type3A_127, %cond3A_128 : i32
          scf.if %cond3A_129 {
            %dma_wait3A_142 = arith.constant 0 : i32
            %dma_wait3A_143 = arith.constant 0 : i32
            %dma_wait3A_144 = tpu.memref_slice %arg12[%dma_wait3A_142, %dma_wait3A_143] : memref<10112x128xf32, #tpu.memory_space<vmem_shared>> -> memref<64x128xf32, #tpu.memory_space<vmem_shared>>
            %dma_wait3A_145 = arith.constant 0 : i32
            %dma_wait3A_146 = arith.constant 0 : i32
            %dma_wait3A_147 = tpu.memref_slice %arg12[%dma_wait3A_145, %dma_wait3A_146] : memref<10112x128xf32, #tpu.memory_space<vmem_shared>> -> memref<64x128xf32, #tpu.memory_space<vmem_shared>>
            tpu.wait_dma2 semaphore(%arg20 : memref<!tpu.dma_semaphore, #tpu.memory_space<semaphore_mem>>) src(%arg11 : memref<64x128xf32, #tpu.memory_space<vmem>>) dst(%dma_wait3A_147 : memref<64x128xf32, #tpu.memory_space<vmem_shared>>)
          } else {
          }
          %add3A_130 = arith.constant 2 : i32
          %add3A_131 = arith.addi %scan3A_92, %add3A_130 : i32
          %lt3A = arith.constant 40 : i32
          %lt3A_132 = arith.cmpi slt, %add3A_131, %lt3A : i32
          %convert_element_type3A_133 = arith.extui %lt3A_132 : i1 to i32
          %cond3A_134 = arith.constant 0 : i32
          %cond3A_135 = arith.cmpi ne, %convert_element_type3A_133, %cond3A_134 : i32
          scf.if %cond3A_135 {
            %add3A_142 = arith.constant 2 : i32
            %add3A_143 = arith.addi %scan3A_92, %add3A_142 : i32
            %dma_start3A_144 = arith.constant 0 : i32
            %dma_start3A_145 = tpu.memref_slice %arg6[%add3A_143, %dma_start3A_144] : memref<40x64xi32, #tpu.memory_space<vmem>> -> memref<1x64xi32, #tpu.memory_space<vmem>>
            %dma_start3A_146 = tpu.memref_squeeze %dma_start3A_145 : memref<1x64xi32, #tpu.memory_space<vmem>> -> memref<64xi32, #tpu.memory_space<vmem>>
            %dma_start3A_147 = arith.constant 0 : i32
            %dma_start3A_148 = arith.constant 0 : i32
            %dma_start3A_149 = tpu.memref_slice %arg4[%dma_start3A_147, %dma_start3A_148] : memref<10000x128xf32, #tpu.memory_space<hbm>> -> memref<10000x128xf32, #tpu.memory_space<hbm>>
            tpu.enqueue_indirect_dma source(%dma_start3A_149 : memref<10000x128xf32, #tpu.memory_space<hbm>>) target(%arg11 : memref<64x128xf32, #tpu.memory_space<vmem>>) offsets(%dma_start3A_146 : memref<64xi32, #tpu.memory_space<vmem>>) semaphore(%arg16 : memref<!tpu.dma_semaphore, #tpu.memory_space<semaphore_mem>>)
          } else {
          }
          %dma_start3A_136 = arith.constant 0 : i32
          %dma_start3A_137 = tpu.memref_slice %arg7[%scan3A_92, %dma_start3A_136] : memref<40x64xi32, #tpu.memory_space<vmem>> -> memref<1x64xi32, #tpu.memory_space<vmem>>
          %dma_start3A_138 = tpu.memref_squeeze %dma_start3A_137 : memref<1x64xi32, #tpu.memory_space<vmem>> -> memref<64xi32, #tpu.memory_space<vmem>>
          %dma_start3A_139 = arith.constant 0 : i32
          %dma_start3A_140 = arith.constant 0 : i32
          %dma_start3A_141 = tpu.memref_slice %arg12[%dma_start3A_139, %dma_start3A_140] : memref<10112x128xf32, #tpu.memory_space<vmem_shared>> -> memref<10112x128xf32, #tpu.memory_space<vmem_shared>>
          tpu.enqueue_indirect_dma source(%arg9 : memref<64x128xf32, #tpu.memory_space<vmem>>) target(%dma_start3A_141 : memref<10112x128xf32, #tpu.memory_space<vmem_shared>>) offsets(%dma_start3A_138 : memref<64xi32, #tpu.memory_space<vmem>>) semaphore(%arg18 : memref<!tpu.dma_semaphore, #tpu.memory_space<semaphore_mem>>) {add = true}
        } else {
        }
        %rem3A_105 = arith.constant 4 : i32
        %rem3A_106 = arith.remsi %scan3A_92, %rem3A_105 : i32
        %eq3A_107 = arith.constant 2 : i32
        %eq3A_108 = arith.cmpi eq, %rem3A_106, %eq3A_107 : i32
        %convert_element_type3A_109 = arith.extui %eq3A_108 : i1 to i32
        %cond3A_110 = arith.constant 0 : i32
        %cond3A_111 = arith.cmpi ne, %convert_element_type3A_109, %cond3A_110 : i32
        scf.if %cond3A_111 {
          %dma_wait3A_120 = arith.constant 0 : i32
          %dma_wait3A_121 = arith.constant 0 : i32
          %dma_wait3A_122 = tpu.memref_slice %arg4[%dma_wait3A_120, %dma_wait3A_121] : memref<10000x128xf32, #tpu.memory_space<hbm>> -> memref<64x128xf32, #tpu.memory_space<hbm>>
          %dma_wait3A_123 = arith.constant 0 : i32
          %dma_wait3A_124 = arith.constant 0 : i32
          %dma_wait3A_125 = tpu.memref_slice %arg4[%dma_wait3A_123, %dma_wait3A_124] : memref<10000x128xf32, #tpu.memory_space<hbm>> -> memref<64x128xf32, #tpu.memory_space<hbm>>
          tpu.wait_dma2 semaphore(%arg15 : memref<!tpu.dma_semaphore, #tpu.memory_space<semaphore_mem>>) src(%dma_wait3A_125 : memref<64x128xf32, #tpu.memory_space<hbm>>) dst(%arg10 : memref<64x128xf32, #tpu.memory_space<vmem>>)
          %ge3A = arith.constant 2 : i32
          %ge3A_126 = arith.cmpi sge, %scan3A_92, %ge3A : i32
          %convert_element_type3A_127 = arith.extui %ge3A_126 : i1 to i32
          %cond3A_128 = arith.constant 0 : i32
          %cond3A_129 = arith.cmpi ne, %convert_element_type3A_127, %cond3A_128 : i32
          scf.if %cond3A_129 {
            %dma_wait3A_142 = arith.constant 0 : i32
            %dma_wait3A_143 = arith.constant 0 : i32
            %dma_wait3A_144 = tpu.memref_slice %arg12[%dma_wait3A_142, %dma_wait3A_143] : memref<10112x128xf32, #tpu.memory_space<vmem_shared>> -> memref<64x128xf32, #tpu.memory_space<vmem_shared>>
            %dma_wait3A_145 = arith.constant 0 : i32
            %dma_wait3A_146 = arith.constant 0 : i32
            %dma_wait3A_147 = tpu.memref_slice %arg12[%dma_wait3A_145, %dma_wait3A_146] : memref<10112x128xf32, #tpu.memory_space<vmem_shared>> -> memref<64x128xf32, #tpu.memory_space<vmem_shared>>
            tpu.wait_dma2 semaphore(%arg17 : memref<!tpu.dma_semaphore, #tpu.memory_space<semaphore_mem>>) src(%arg8 : memref<64x128xf32, #tpu.memory_space<vmem>>) dst(%dma_wait3A_147 : memref<64x128xf32, #tpu.memory_space<vmem_shared>>)
          } else {
          }
          %add3A_130 = arith.constant 2 : i32
          %add3A_131 = arith.addi %scan3A_92, %add3A_130 : i32
          %lt3A = arith.constant 40 : i32
          %lt3A_132 = arith.cmpi slt, %add3A_131, %lt3A : i32
          %convert_element_type3A_133 = arith.extui %lt3A_132 : i1 to i32
          %cond3A_134 = arith.constant 0 : i32
          %cond3A_135 = arith.cmpi ne, %convert_element_type3A_133, %cond3A_134 : i32
          scf.if %cond3A_135 {
            %add3A_142 = arith.constant 2 : i32
            %add3A_143 = arith.addi %scan3A_92, %add3A_142 : i32
            %dma_start3A_144 = arith.constant 0 : i32
            %dma_start3A_145 = tpu.memref_slice %arg6[%add3A_143, %dma_start3A_144] : memref<40x64xi32, #tpu.memory_space<vmem>> -> memref<1x64xi32, #tpu.memory_space<vmem>>
            %dma_start3A_146 = tpu.memref_squeeze %dma_start3A_145 : memref<1x64xi32, #tpu.memory_space<vmem>> -> memref<64xi32, #tpu.memory_space<vmem>>
            %dma_start3A_147 = arith.constant 0 : i32
            %dma_start3A_148 = arith.constant 0 : i32
            %dma_start3A_149 = tpu.memref_slice %arg4[%dma_start3A_147, %dma_start3A_148] : memref<10000x128xf32, #tpu.memory_space<hbm>> -> memref<10000x128xf32, #tpu.memory_space<hbm>>
            tpu.enqueue_indirect_dma source(%dma_start3A_149 : memref<10000x128xf32, #tpu.memory_space<hbm>>) target(%arg8 : memref<64x128xf32, #tpu.memory_space<vmem>>) offsets(%dma_start3A_146 : memref<64xi32, #tpu.memory_space<vmem>>) semaphore(%arg13 : memref<!tpu.dma_semaphore, #tpu.memory_space<semaphore_mem>>)
          } else {
          }
          %dma_start3A_136 = arith.constant 0 : i32
          %dma_start3A_137 = tpu.memref_slice %arg7[%scan3A_92, %dma_start3A_136] : memref<40x64xi32, #tpu.memory_space<vmem>> -> memref<1x64xi32, #tpu.memory_space<vmem>>
          %dma_start3A_138 = tpu.memref_squeeze %dma_start3A_137 : memref<1x64xi32, #tpu.memory_space<vmem>> -> memref<64xi32, #tpu.memory_space<vmem>>
          %dma_start3A_139 = arith.constant 0 : i32
          %dma_start3A_140 = arith.constant 0 : i32
          %dma_start3A_141 = tpu.memref_slice %arg12[%dma_start3A_139, %dma_start3A_140] : memref<10112x128xf32, #tpu.memory_space<vmem_shared>> -> memref<10112x128xf32, #tpu.memory_space<vmem_shared>>
          tpu.enqueue_indirect_dma source(%arg10 : memref<64x128xf32, #tpu.memory_space<vmem>>) target(%dma_start3A_141 : memref<10112x128xf32, #tpu.memory_space<vmem_shared>>) offsets(%dma_start3A_138 : memref<64xi32, #tpu.memory_space<vmem>>) semaphore(%arg19 : memref<!tpu.dma_semaphore, #tpu.memory_space<semaphore_mem>>) {add = true}
        } else {
        }
        %rem3A_112 = arith.constant 4 : i32
        %rem3A_113 = arith.remsi %scan3A_92, %rem3A_112 : i32
        %eq3A_114 = arith.constant 3 : i32
        %eq3A_115 = arith.cmpi eq, %rem3A_113, %eq3A_114 : i32
        %convert_element_type3A_116 = arith.extui %eq3A_115 : i1 to i32
        %cond3A_117 = arith.constant 0 : i32
        %cond3A_118 = arith.cmpi ne, %convert_element_type3A_116, %cond3A_117 : i32
        scf.if %cond3A_118 {
          %dma_wait3A_120 = arith.constant 0 : i32
          %dma_wait3A_121 = arith.constant 0 : i32
          %dma_wait3A_122 = tpu.memref_slice %arg4[%dma_wait3A_120, %dma_wait3A_121] : memref<10000x128xf32, #tpu.memory_space<hbm>> -> memref<64x128xf32, #tpu.memory_space<hbm>>
          %dma_wait3A_123 = arith.constant 0 : i32
          %dma_wait3A_124 = arith.constant 0 : i32
          %dma_wait3A_125 = tpu.memref_slice %arg4[%dma_wait3A_123, %dma_wait3A_124] : memref<10000x128xf32, #tpu.memory_space<hbm>> -> memref<64x128xf32, #tpu.memory_space<hbm>>
          tpu.wait_dma2 semaphore(%arg16 : memref<!tpu.dma_semaphore, #tpu.memory_space<semaphore_mem>>) src(%dma_wait3A_125 : memref<64x128xf32, #tpu.memory_space<hbm>>) dst(%arg11 : memref<64x128xf32, #tpu.memory_space<vmem>>)
          %ge3A = arith.constant 2 : i32
          %ge3A_126 = arith.cmpi sge, %scan3A_92, %ge3A : i32
          %convert_element_type3A_127 = arith.extui %ge3A_126 : i1 to i32
          %cond3A_128 = arith.constant 0 : i32
          %cond3A_129 = arith.cmpi ne, %convert_element_type3A_127, %cond3A_128 : i32
          scf.if %cond3A_129 {
            %dma_wait3A_142 = arith.constant 0 : i32
            %dma_wait3A_143 = arith.constant 0 : i32
            %dma_wait3A_144 = tpu.memref_slice %arg12[%dma_wait3A_142, %dma_wait3A_143] : memref<10112x128xf32, #tpu.memory_space<vmem_shared>> -> memref<64x128xf32, #tpu.memory_space<vmem_shared>>
            %dma_wait3A_145 = arith.constant 0 : i32
            %dma_wait3A_146 = arith.constant 0 : i32
            %dma_wait3A_147 = tpu.memref_slice %arg12[%dma_wait3A_145, %dma_wait3A_146] : memref<10112x128xf32, #tpu.memory_space<vmem_shared>> -> memref<64x128xf32, #tpu.memory_space<vmem_shared>>
            tpu.wait_dma2 semaphore(%arg18 : memref<!tpu.dma_semaphore, #tpu.memory_space<semaphore_mem>>) src(%arg9 : memref<64x128xf32, #tpu.memory_space<vmem>>) dst(%dma_wait3A_147 : memref<64x128xf32, #tpu.memory_space<vmem_shared>>)
          } else {
          }
          %add3A_130 = arith.constant 2 : i32
          %add3A_131 = arith.addi %scan3A_92, %add3A_130 : i32
          %lt3A = arith.constant 40 : i32
          %lt3A_132 = arith.cmpi slt, %add3A_131, %lt3A : i32
          %convert_element_type3A_133 = arith.extui %lt3A_132 : i1 to i32
          %cond3A_134 = arith.constant 0 : i32
          %cond3A_135 = arith.cmpi ne, %convert_element_type3A_133, %cond3A_134 : i32
          scf.if %cond3A_135 {
            %add3A_142 = arith.constant 2 : i32
            %add3A_143 = arith.addi %scan3A_92, %add3A_142 : i32
            %dma_start3A_144 = arith.constant 0 : i32
            %dma_start3A_145 = tpu.memref_slice %arg6[%add3A_143, %dma_start3A_144] : memref<40x64xi32, #tpu.memory_space<vmem>> -> memref<1x64xi32, #tpu.memory_space<vmem>>
            %dma_start3A_146 = tpu.memref_squeeze %dma_start3A_145 : memref<1x64xi32, #tpu.memory_space<vmem>> -> memref<64xi32, #tpu.memory_space<vmem>>
            %dma_start3A_147 = arith.constant 0 : i32
            %dma_start3A_148 = arith.constant 0 : i32
            %dma_start3A_149 = tpu.memref_slice %arg4[%dma_start3A_147, %dma_start3A_148] : memref<10000x128xf32, #tpu.memory_space<hbm>> -> memref<10000x128xf32, #tpu.memory_space<hbm>>
            tpu.enqueue_indirect_dma source(%dma_start3A_149 : memref<10000x128xf32, #tpu.memory_space<hbm>>) target(%arg9 : memref<64x128xf32, #tpu.memory_space<vmem>>) offsets(%dma_start3A_146 : memref<64xi32, #tpu.memory_space<vmem>>) semaphore(%arg14 : memref<!tpu.dma_semaphore, #tpu.memory_space<semaphore_mem>>)
          } else {
          }
          %dma_start3A_136 = arith.constant 0 : i32
          %dma_start3A_137 = tpu.memref_slice %arg7[%scan3A_92, %dma_start3A_136] : memref<40x64xi32, #tpu.memory_space<vmem>> -> memref<1x64xi32, #tpu.memory_space<vmem>>
          %dma_start3A_138 = tpu.memref_squeeze %dma_start3A_137 : memref<1x64xi32, #tpu.memory_space<vmem>> -> memref<64xi32, #tpu.memory_space<vmem>>
          %dma_start3A_139 = arith.constant 0 : i32
          %dma_start3A_140 = arith.constant 0 : i32
          %dma_start3A_141 = tpu.memref_slice %arg12[%dma_start3A_139, %dma_start3A_140] : memref<10112x128xf32, #tpu.memory_space<vmem_shared>> -> memref<10112x128xf32, #tpu.memory_space<vmem_shared>>
          tpu.enqueue_indirect_dma source(%arg11 : memref<64x128xf32, #tpu.memory_space<vmem>>) target(%dma_start3A_141 : memref<10112x128xf32, #tpu.memory_space<vmem_shared>>) offsets(%dma_start3A_138 : memref<64xi32, #tpu.memory_space<vmem>>) semaphore(%arg20 : memref<!tpu.dma_semaphore, #tpu.memory_space<semaphore_mem>>) {add = true}
        } else {
        }
        %scan3A_119 = arith.constant 0 : i32
        scf.yield %scan3A_119 : i32
      }
      %scan3A_79 = arith.constant 40 : i32
      %dma_wait3A = arith.constant 0 : i32
      %dma_wait3A_80 = arith.constant 0 : i32
      %dma_wait3A_81 = tpu.memref_slice %arg12[%dma_wait3A, %dma_wait3A_80] : memref<10112x128xf32, #tpu.memory_space<vmem_shared>> -> memref<64x128xf32, #tpu.memory_space<vmem_shared>>
      %dma_wait3A_82 = arith.constant 0 : i32
      %dma_wait3A_83 = arith.constant 0 : i32
      %dma_wait3A_84 = tpu.memref_slice %arg12[%dma_wait3A_82, %dma_wait3A_83] : memref<10112x128xf32, #tpu.memory_space<vmem_shared>> -> memref<64x128xf32, #tpu.memory_space<vmem_shared>>
      tpu.wait_dma2 semaphore(%arg19 : memref<!tpu.dma_semaphore, #tpu.memory_space<semaphore_mem>>) src(%arg10 : memref<64x128xf32, #tpu.memory_space<vmem>>) dst(%dma_wait3A_84 : memref<64x128xf32, #tpu.memory_space<vmem_shared>>)
      %dma_wait3A_85 = arith.constant 0 : i32
      %dma_wait3A_86 = arith.constant 0 : i32
      %dma_wait3A_87 = tpu.memref_slice %arg12[%dma_wait3A_85, %dma_wait3A_86] : memref<10112x128xf32, #tpu.memory_space<vmem_shared>> -> memref<64x128xf32, #tpu.memory_space<vmem_shared>>
      %dma_wait3A_88 = arith.constant 0 : i32
      %dma_wait3A_89 = arith.constant 0 : i32
      %dma_wait3A_90 = tpu.memref_slice %arg12[%dma_wait3A_88, %dma_wait3A_89] : memref<10112x128xf32, #tpu.memory_space<vmem_shared>> -> memref<64x128xf32, #tpu.memory_space<vmem_shared>>
      tpu.wait_dma2 semaphore(%arg20 : memref<!tpu.dma_semaphore, #tpu.memory_space<semaphore_mem>>) src(%arg11 : memref<64x128xf32, #tpu.memory_space<vmem>>) dst(%dma_wait3A_90 : memref<64x128xf32, #tpu.memory_space<vmem_shared>>)
      %while3A_91 = arith.constant 0 : i32
      scf.yield %while3A_91 : i32
    }
    %while3A_49 = arith.constant 1 : i32
    %while3A_50 = scf.for %while3A_55 = %while3A_46 to %while3A_42 step %while3A_49 iter_args(%while3A_56 = %while3A_48) -> (i32)  : i32 {
      %mul3A_57 = arith.constant 40 : i32
      %mul3A_58 = arith.muli %while3A_55, %mul3A_57 : i32
      %add3A_59 = arith.addi %select_n3A, %mul3A_58 : i32
      "tpu.region"() ({
        %run_scoped3A = tpu.sem_alloc : memref<!tpu.dma_semaphore, #tpu.memory_space<semaphore_mem>>
        %dma_start3A_92 = arith.constant 0 : i32
        %dma_start3A_93 = tpu.memref_slice %arg2[%add3A_59, %dma_start3A_92] : memref<5120x64xi32, #tpu.memory_space<hbm>> -> memref<40x64xi32, #tpu.memory_space<hbm>>
        %dma_start3A_94 = arith.constant 0 : i32
        %dma_start3A_95 = tpu.memref_slice %arg2[%add3A_59, %dma_start3A_94] : memref<5120x64xi32, #tpu.memory_space<hbm>> -> memref<40x64xi32, #tpu.memory_space<hbm>>
        tpu.enqueue_dma source(%dma_start3A_95 : memref<40x64xi32, #tpu.memory_space<hbm>>) target(%arg6 : memref<40x64xi32, #tpu.memory_space<vmem>>) target_semaphore(%run_scoped3A : memref<!tpu.dma_semaphore, #tpu.memory_space<semaphore_mem>>)
        %dma_wait3A_96 = arith.constant 0 : i32
        %dma_wait3A_97 = tpu.memref_slice %arg2[%add3A_59, %dma_wait3A_96] : memref<5120x64xi32, #tpu.memory_space<hbm>> -> memref<40x64xi32, #tpu.memory_space<hbm>>
        %dma_wait3A_98 = arith.constant 0 : i32
        %dma_wait3A_99 = tpu.memref_slice %arg2[%add3A_59, %dma_wait3A_98] : memref<5120x64xi32, #tpu.memory_space<hbm>> -> memref<40x64xi32, #tpu.memory_space<hbm>>
        tpu.wait_dma2 semaphore(%run_scoped3A : memref<!tpu.dma_semaphore, #tpu.memory_space<semaphore_mem>>) src(%dma_wait3A_99 : memref<40x64xi32, #tpu.memory_space<hbm>>) dst(%arg6 : memref<40x64xi32, #tpu.memory_space<vmem>>)
        tpu.yield
      }) : () -> ()
      "tpu.region"() ({
        %run_scoped3A = tpu.sem_alloc : memref<!tpu.dma_semaphore, #tpu.memory_space<semaphore_mem>>
        %dma_start3A_92 = arith.constant 0 : i32
        %dma_start3A_93 = tpu.memref_slice %arg3[%add3A_59, %dma_start3A_92] : memref<5120x64xi32, #tpu.memory_space<hbm>> -> memref<40x64xi32, #tpu.memory_space<hbm>>
        %dma_start3A_94 = arith.constant 0 : i32
        %dma_start3A_95 = tpu.memref_slice %arg3[%add3A_59, %dma_start3A_94] : memref<5120x64xi32, #tpu.memory_space<hbm>> -> memref<40x64xi32, #tpu.memory_space<hbm>>
        tpu.enqueue_dma source(%dma_start3A_95 : memref<40x64xi32, #tpu.memory_space<hbm>>) target(%arg7 : memref<40x64xi32, #tpu.memory_space<vmem>>) target_semaphore(%run_scoped3A : memref<!tpu.dma_semaphore, #tpu.memory_space<semaphore_mem>>)
        %dma_wait3A_96 = arith.constant 0 : i32
        %dma_wait3A_97 = tpu.memref_slice %arg3[%add3A_59, %dma_wait3A_96] : memref<5120x64xi32, #tpu.memory_space<hbm>> -> memref<40x64xi32, #tpu.memory_space<hbm>>
        %dma_wait3A_98 = arith.constant 0 : i32
        %dma_wait3A_99 = tpu.memref_slice %arg3[%add3A_59, %dma_wait3A_98] : memref<5120x64xi32, #tpu.memory_space<hbm>> -> memref<40x64xi32, #tpu.memory_space<hbm>>
        tpu.wait_dma2 semaphore(%run_scoped3A : memref<!tpu.dma_semaphore, #tpu.memory_space<semaphore_mem>>) src(%dma_wait3A_99 : memref<40x64xi32, #tpu.memory_space<hbm>>) dst(%arg7 : memref<40x64xi32, #tpu.memory_space<vmem>>)
        tpu.yield
      }) : () -> ()
      %dma_start3A = arith.constant 0 : i32
      %dma_start3A_60 = arith.constant 0 : i32
      %dma_start3A_61 = tpu.memref_slice %arg6[%dma_start3A, %dma_start3A_60] : memref<40x64xi32, #tpu.memory_space<vmem>> -> memref<1x64xi32, #tpu.memory_space<vmem>>
      %dma_start3A_62 = tpu.memref_squeeze %dma_start3A_61 : memref<1x64xi32, #tpu.memory_space<vmem>> -> memref<64xi32, #tpu.memory_space<vmem>>
      %dma_start3A_63 = arith.constant 0 : i32
      %dma_start3A_64 = arith.constant 0 : i32
      %dma_start3A_65 = tpu.memref_slice %arg4[%dma_start3A_63, %dma_start3A_64] : memref<10000x128xf32, #tpu.memory_space<hbm>> -> memref<10000x128xf32, #tpu.memory_space<hbm>>
      tpu.enqueue_indirect_dma source(%dma_start3A_65 : memref<10000x128xf32, #tpu.memory_space<hbm>>) target(%arg8 : memref<64x128xf32, #tpu.memory_space<vmem>>) offsets(%dma_start3A_62 : memref<64xi32, #tpu.memory_space<vmem>>) semaphore(%arg13 : memref<!tpu.dma_semaphore, #tpu.memory_space<semaphore_mem>>)
      %dma_start3A_66 = arith.constant 1 : i32
      %dma_start3A_67 = arith.constant 0 : i32
      %dma_start3A_68 = tpu.memref_slice %arg6[%dma_start3A_66, %dma_start3A_67] : memref<40x64xi32, #tpu.memory_space<vmem>> -> memref<1x64xi32, #tpu.memory_space<vmem>>
      %dma_start3A_69 = tpu.memref_squeeze %dma_start3A_68 : memref<1x64xi32, #tpu.memory_space<vmem>> -> memref<64xi32, #tpu.memory_space<vmem>>
      %dma_start3A_70 = arith.constant 0 : i32
      %dma_start3A_71 = arith.constant 0 : i32
      %dma_start3A_72 = tpu.memref_slice %arg4[%dma_start3A_70, %dma_start3A_71] : memref<10000x128xf32, #tpu.memory_space<hbm>> -> memref<10000x128xf32, #tpu.memory_space<hbm>>
      tpu.enqueue_indirect_dma source(%dma_start3A_72 : memref<10000x128xf32, #tpu.memory_space<hbm>>) target(%arg9 : memref<64x128xf32, #tpu.memory_space<vmem>>) offsets(%dma_start3A_69 : memref<64xi32, #tpu.memory_space<vmem>>) semaphore(%arg14 : memref<!tpu.dma_semaphore, #tpu.memory_space<semaphore_mem>>)
      %scan3A_73 = arith.constant 0 : i32
      %scan3A_74 = arith.constant 0 : i32
      %scan3A_75 = arith.constant 40 : i32
      %scan3A_76 = arith.addi %scan3A_74, %scan3A_75 : i32
      %scan3A_77 = arith.constant 1 : i32
      %scan3A_78 = scf.for %scan3A_92 = %scan3A_74 to %scan3A_76 step %scan3A_77 iter_args(%scan3A_93 = %scan3A_73) -> (i32)  : i32 {
        %rem3A = arith.constant 4 : i32
        %rem3A_94 = arith.remsi %scan3A_92, %rem3A : i32
        %eq3A_95 = arith.constant 0 : i32
        %eq3A_96 = arith.cmpi eq, %rem3A_94, %eq3A_95 : i32
        %convert_element_type3A = arith.extui %eq3A_96 : i1 to i32
        %cond3A = arith.constant 0 : i32
        %cond3A_97 = arith.cmpi ne, %convert_element_type3A, %cond3A : i32
        scf.if %cond3A_97 {
          %dma_wait3A_120 = arith.constant 0 : i32
          %dma_wait3A_121 = arith.constant 0 : i32
          %dma_wait3A_122 = tpu.memref_slice %arg4[%dma_wait3A_120, %dma_wait3A_121] : memref<10000x128xf32, #tpu.memory_space<hbm>> -> memref<64x128xf32, #tpu.memory_space<hbm>>
          %dma_wait3A_123 = arith.constant 0 : i32
          %dma_wait3A_124 = arith.constant 0 : i32
          %dma_wait3A_125 = tpu.memref_slice %arg4[%dma_wait3A_123, %dma_wait3A_124] : memref<10000x128xf32, #tpu.memory_space<hbm>> -> memref<64x128xf32, #tpu.memory_space<hbm>>
          tpu.wait_dma2 semaphore(%arg13 : memref<!tpu.dma_semaphore, #tpu.memory_space<semaphore_mem>>) src(%dma_wait3A_125 : memref<64x128xf32, #tpu.memory_space<hbm>>) dst(%arg8 : memref<64x128xf32, #tpu.memory_space<vmem>>)
          %ge3A = arith.constant 2 : i32
          %ge3A_126 = arith.cmpi sge, %scan3A_92, %ge3A : i32
          %convert_element_type3A_127 = arith.extui %ge3A_126 : i1 to i32
          %cond3A_128 = arith.constant 0 : i32
          %cond3A_129 = arith.cmpi ne, %convert_element_type3A_127, %cond3A_128 : i32
          scf.if %cond3A_129 {
            %dma_wait3A_142 = arith.constant 0 : i32
            %dma_wait3A_143 = arith.constant 0 : i32
            %dma_wait3A_144 = tpu.memref_slice %arg12[%dma_wait3A_142, %dma_wait3A_143] : memref<10112x128xf32, #tpu.memory_space<vmem_shared>> -> memref<64x128xf32, #tpu.memory_space<vmem_shared>>
            %dma_wait3A_145 = arith.constant 0 : i32
            %dma_wait3A_146 = arith.constant 0 : i32
            %dma_wait3A_147 = tpu.memref_slice %arg12[%dma_wait3A_145, %dma_wait3A_146] : memref<10112x128xf32, #tpu.memory_space<vmem_shared>> -> memref<64x128xf32, #tpu.memory_space<vmem_shared>>
            tpu.wait_dma2 semaphore(%arg19 : memref<!tpu.dma_semaphore, #tpu.memory_space<semaphore_mem>>) src(%arg10 : memref<64x128xf32, #tpu.memory_space<vmem>>) dst(%dma_wait3A_147 : memref<64x128xf32, #tpu.memory_space<vmem_shared>>)
          } else {
          }
          %add3A_130 = arith.constant 2 : i32
          %add3A_131 = arith.addi %scan3A_92, %add3A_130 : i32
          %lt3A = arith.constant 40 : i32
          %lt3A_132 = arith.cmpi slt, %add3A_131, %lt3A : i32
          %convert_element_type3A_133 = arith.extui %lt3A_132 : i1 to i32
          %cond3A_134 = arith.constant 0 : i32
          %cond3A_135 = arith.cmpi ne, %convert_element_type3A_133, %cond3A_134 : i32
          scf.if %cond3A_135 {
            %add3A_142 = arith.constant 2 : i32
            %add3A_143 = arith.addi %scan3A_92, %add3A_142 : i32
            %dma_start3A_144 = arith.constant 0 : i32
            %dma_start3A_145 = tpu.memref_slice %arg6[%add3A_143, %dma_start3A_144] : memref<40x64xi32, #tpu.memory_space<vmem>> -> memref<1x64xi32, #tpu.memory_space<vmem>>
            %dma_start3A_146 = tpu.memref_squeeze %dma_start3A_145 : memref<1x64xi32, #tpu.memory_space<vmem>> -> memref<64xi32, #tpu.memory_space<vmem>>
            %dma_start3A_147 = arith.constant 0 : i32
            %dma_start3A_148 = arith.constant 0 : i32
            %dma_start3A_149 = tpu.memref_slice %arg4[%dma_start3A_147, %dma_start3A_148] : memref<10000x128xf32, #tpu.memory_space<hbm>> -> memref<10000x128xf32, #tpu.memory_space<hbm>>
            tpu.enqueue_indirect_dma source(%dma_start3A_149 : memref<10000x128xf32, #tpu.memory_space<hbm>>) target(%arg10 : memref<64x128xf32, #tpu.memory_space<vmem>>) offsets(%dma_start3A_146 : memref<64xi32, #tpu.memory_space<vmem>>) semaphore(%arg15 : memref<!tpu.dma_semaphore, #tpu.memory_space<semaphore_mem>>)
          } else {
          }
          %dma_start3A_136 = arith.constant 0 : i32
          %dma_start3A_137 = tpu.memref_slice %arg7[%scan3A_92, %dma_start3A_136] : memref<40x64xi32, #tpu.memory_space<vmem>> -> memref<1x64xi32, #tpu.memory_space<vmem>>
          %dma_start3A_138 = tpu.memref_squeeze %dma_start3A_137 : memref<1x64xi32, #tpu.memory_space<vmem>> -> memref<64xi32, #tpu.memory_space<vmem>>
          %dma_start3A_139 = arith.constant 0 : i32
          %dma_start3A_140 = arith.constant 0 : i32
          %dma_start3A_141 = tpu.memref_slice %arg12[%dma_start3A_139, %dma_start3A_140] : memref<10112x128xf32, #tpu.memory_space<vmem_shared>> -> memref<10112x128xf32, #tpu.memory_space<vmem_shared>>
          tpu.enqueue_indirect_dma source(%arg8 : memref<64x128xf32, #tpu.memory_space<vmem>>) target(%dma_start3A_141 : memref<10112x128xf32, #tpu.memory_space<vmem_shared>>) offsets(%dma_start3A_138 : memref<64xi32, #tpu.memory_space<vmem>>) semaphore(%arg17 : memref<!tpu.dma_semaphore, #tpu.memory_space<semaphore_mem>>) {add = true}
        } else {
        }
        %rem3A_98 = arith.constant 4 : i32
        %rem3A_99 = arith.remsi %scan3A_92, %rem3A_98 : i32
        %eq3A_100 = arith.constant 1 : i32
        %eq3A_101 = arith.cmpi eq, %rem3A_99, %eq3A_100 : i32
        %convert_element_type3A_102 = arith.extui %eq3A_101 : i1 to i32
        %cond3A_103 = arith.constant 0 : i32
        %cond3A_104 = arith.cmpi ne, %convert_element_type3A_102, %cond3A_103 : i32
        scf.if %cond3A_104 {
          %dma_wait3A_120 = arith.constant 0 : i32
          %dma_wait3A_121 = arith.constant 0 : i32
          %dma_wait3A_122 = tpu.memref_slice %arg4[%dma_wait3A_120, %dma_wait3A_121] : memref<10000x128xf32, #tpu.memory_space<hbm>> -> memref<64x128xf32, #tpu.memory_space<hbm>>
          %dma_wait3A_123 = arith.constant 0 : i32
          %dma_wait3A_124 = arith.constant 0 : i32
          %dma_wait3A_125 = tpu.memref_slice %arg4[%dma_wait3A_123, %dma_wait3A_124] : memref<10000x128xf32, #tpu.memory_space<hbm>> -> memref<64x128xf32, #tpu.memory_space<hbm>>
          tpu.wait_dma2 semaphore(%arg14 : memref<!tpu.dma_semaphore, #tpu.memory_space<semaphore_mem>>) src(%dma_wait3A_125 : memref<64x128xf32, #tpu.memory_space<hbm>>) dst(%arg9 : memref<64x128xf32, #tpu.memory_space<vmem>>)
          %ge3A = arith.constant 2 : i32
          %ge3A_126 = arith.cmpi sge, %scan3A_92, %ge3A : i32
          %convert_element_type3A_127 = arith.extui %ge3A_126 : i1 to i32
          %cond3A_128 = arith.constant 0 : i32
          %cond3A_129 = arith.cmpi ne, %convert_element_type3A_127, %cond3A_128 : i32
          scf.if %cond3A_129 {
            %dma_wait3A_142 = arith.constant 0 : i32
            %dma_wait3A_143 = arith.constant 0 : i32
            %dma_wait3A_144 = tpu.memref_slice %arg12[%dma_wait3A_142, %dma_wait3A_143] : memref<10112x128xf32, #tpu.memory_space<vmem_shared>> -> memref<64x128xf32, #tpu.memory_space<vmem_shared>>
            %dma_wait3A_145 = arith.constant 0 : i32
            %dma_wait3A_146 = arith.constant 0 : i32
            %dma_wait3A_147 = tpu.memref_slice %arg12[%dma_wait3A_145, %dma_wait3A_146] : memref<10112x128xf32, #tpu.memory_space<vmem_shared>> -> memref<64x128xf32, #tpu.memory_space<vmem_shared>>
            tpu.wait_dma2 semaphore(%arg20 : memref<!tpu.dma_semaphore, #tpu.memory_space<semaphore_mem>>) src(%arg11 : memref<64x128xf32, #tpu.memory_space<vmem>>) dst(%dma_wait3A_147 : memref<64x128xf32, #tpu.memory_space<vmem_shared>>)
          } else {
          }
          %add3A_130 = arith.constant 2 : i32
          %add3A_131 = arith.addi %scan3A_92, %add3A_130 : i32
          %lt3A = arith.constant 40 : i32
          %lt3A_132 = arith.cmpi slt, %add3A_131, %lt3A : i32
          %convert_element_type3A_133 = arith.extui %lt3A_132 : i1 to i32
          %cond3A_134 = arith.constant 0 : i32
          %cond3A_135 = arith.cmpi ne, %convert_element_type3A_133, %cond3A_134 : i32
          scf.if %cond3A_135 {
            %add3A_142 = arith.constant 2 : i32
            %add3A_143 = arith.addi %scan3A_92, %add3A_142 : i32
            %dma_start3A_144 = arith.constant 0 : i32
            %dma_start3A_145 = tpu.memref_slice %arg6[%add3A_143, %dma_start3A_144] : memref<40x64xi32, #tpu.memory_space<vmem>> -> memref<1x64xi32, #tpu.memory_space<vmem>>
            %dma_start3A_146 = tpu.memref_squeeze %dma_start3A_145 : memref<1x64xi32, #tpu.memory_space<vmem>> -> memref<64xi32, #tpu.memory_space<vmem>>
            %dma_start3A_147 = arith.constant 0 : i32
            %dma_start3A_148 = arith.constant 0 : i32
            %dma_start3A_149 = tpu.memref_slice %arg4[%dma_start3A_147, %dma_start3A_148] : memref<10000x128xf32, #tpu.memory_space<hbm>> -> memref<10000x128xf32, #tpu.memory_space<hbm>>
            tpu.enqueue_indirect_dma source(%dma_start3A_149 : memref<10000x128xf32, #tpu.memory_space<hbm>>) target(%arg11 : memref<64x128xf32, #tpu.memory_space<vmem>>) offsets(%dma_start3A_146 : memref<64xi32, #tpu.memory_space<vmem>>) semaphore(%arg16 : memref<!tpu.dma_semaphore, #tpu.memory_space<semaphore_mem>>)
          } else {
          }
          %dma_start3A_136 = arith.constant 0 : i32
          %dma_start3A_137 = tpu.memref_slice %arg7[%scan3A_92, %dma_start3A_136] : memref<40x64xi32, #tpu.memory_space<vmem>> -> memref<1x64xi32, #tpu.memory_space<vmem>>
          %dma_start3A_138 = tpu.memref_squeeze %dma_start3A_137 : memref<1x64xi32, #tpu.memory_space<vmem>> -> memref<64xi32, #tpu.memory_space<vmem>>
          %dma_start3A_139 = arith.constant 0 : i32
          %dma_start3A_140 = arith.constant 0 : i32
          %dma_start3A_141 = tpu.memref_slice %arg12[%dma_start3A_139, %dma_start3A_140] : memref<10112x128xf32, #tpu.memory_space<vmem_shared>> -> memref<10112x128xf32, #tpu.memory_space<vmem_shared>>
          tpu.enqueue_indirect_dma source(%arg9 : memref<64x128xf32, #tpu.memory_space<vmem>>) target(%dma_start3A_141 : memref<10112x128xf32, #tpu.memory_space<vmem_shared>>) offsets(%dma_start3A_138 : memref<64xi32, #tpu.memory_space<vmem>>) semaphore(%arg18 : memref<!tpu.dma_semaphore, #tpu.memory_space<semaphore_mem>>) {add = true}
        } else {
        }
        %rem3A_105 = arith.constant 4 : i32
        %rem3A_106 = arith.remsi %scan3A_92, %rem3A_105 : i32
        %eq3A_107 = arith.constant 2 : i32
        %eq3A_108 = arith.cmpi eq, %rem3A_106, %eq3A_107 : i32
        %convert_element_type3A_109 = arith.extui %eq3A_108 : i1 to i32
        %cond3A_110 = arith.constant 0 : i32
        %cond3A_111 = arith.cmpi ne, %convert_element_type3A_109, %cond3A_110 : i32
        scf.if %cond3A_111 {
          %dma_wait3A_120 = arith.constant 0 : i32
          %dma_wait3A_121 = arith.constant 0 : i32
          %dma_wait3A_122 = tpu.memref_slice %arg4[%dma_wait3A_120, %dma_wait3A_121] : memref<10000x128xf32, #tpu.memory_space<hbm>> -> memref<64x128xf32, #tpu.memory_space<hbm>>
          %dma_wait3A_123 = arith.constant 0 : i32
          %dma_wait3A_124 = arith.constant 0 : i32
          %dma_wait3A_125 = tpu.memref_slice %arg4[%dma_wait3A_123, %dma_wait3A_124] : memref<10000x128xf32, #tpu.memory_space<hbm>> -> memref<64x128xf32, #tpu.memory_space<hbm>>
          tpu.wait_dma2 semaphore(%arg15 : memref<!tpu.dma_semaphore, #tpu.memory_space<semaphore_mem>>) src(%dma_wait3A_125 : memref<64x128xf32, #tpu.memory_space<hbm>>) dst(%arg10 : memref<64x128xf32, #tpu.memory_space<vmem>>)
          %ge3A = arith.constant 2 : i32
          %ge3A_126 = arith.cmpi sge, %scan3A_92, %ge3A : i32
          %convert_element_type3A_127 = arith.extui %ge3A_126 : i1 to i32
          %cond3A_128 = arith.constant 0 : i32
          %cond3A_129 = arith.cmpi ne, %convert_element_type3A_127, %cond3A_128 : i32
          scf.if %cond3A_129 {
            %dma_wait3A_142 = arith.constant 0 : i32
            %dma_wait3A_143 = arith.constant 0 : i32
            %dma_wait3A_144 = tpu.memref_slice %arg12[%dma_wait3A_142, %dma_wait3A_143] : memref<10112x128xf32, #tpu.memory_space<vmem_shared>> -> memref<64x128xf32, #tpu.memory_space<vmem_shared>>
            %dma_wait3A_145 = arith.constant 0 : i32
            %dma_wait3A_146 = arith.constant 0 : i32
            %dma_wait3A_147 = tpu.memref_slice %arg12[%dma_wait3A_145, %dma_wait3A_146] : memref<10112x128xf32, #tpu.memory_space<vmem_shared>> -> memref<64x128xf32, #tpu.memory_space<vmem_shared>>
            tpu.wait_dma2 semaphore(%arg17 : memref<!tpu.dma_semaphore, #tpu.memory_space<semaphore_mem>>) src(%arg8 : memref<64x128xf32, #tpu.memory_space<vmem>>) dst(%dma_wait3A_147 : memref<64x128xf32, #tpu.memory_space<vmem_shared>>)
          } else {
          }
          %add3A_130 = arith.constant 2 : i32
          %add3A_131 = arith.addi %scan3A_92, %add3A_130 : i32
          %lt3A = arith.constant 40 : i32
          %lt3A_132 = arith.cmpi slt, %add3A_131, %lt3A : i32
          %convert_element_type3A_133 = arith.extui %lt3A_132 : i1 to i32
          %cond3A_134 = arith.constant 0 : i32
          %cond3A_135 = arith.cmpi ne, %convert_element_type3A_133, %cond3A_134 : i32
          scf.if %cond3A_135 {
            %add3A_142 = arith.constant 2 : i32
            %add3A_143 = arith.addi %scan3A_92, %add3A_142 : i32
            %dma_start3A_144 = arith.constant 0 : i32
            %dma_start3A_145 = tpu.memref_slice %arg6[%add3A_143, %dma_start3A_144] : memref<40x64xi32, #tpu.memory_space<vmem>> -> memref<1x64xi32, #tpu.memory_space<vmem>>
            %dma_start3A_146 = tpu.memref_squeeze %dma_start3A_145 : memref<1x64xi32, #tpu.memory_space<vmem>> -> memref<64xi32, #tpu.memory_space<vmem>>
            %dma_start3A_147 = arith.constant 0 : i32
            %dma_start3A_148 = arith.constant 0 : i32
            %dma_start3A_149 = tpu.memref_slice %arg4[%dma_start3A_147, %dma_start3A_148] : memref<10000x128xf32, #tpu.memory_space<hbm>> -> memref<10000x128xf32, #tpu.memory_space<hbm>>
            tpu.enqueue_indirect_dma source(%dma_start3A_149 : memref<10000x128xf32, #tpu.memory_space<hbm>>) target(%arg8 : memref<64x128xf32, #tpu.memory_space<vmem>>) offsets(%dma_start3A_146 : memref<64xi32, #tpu.memory_space<vmem>>) semaphore(%arg13 : memref<!tpu.dma_semaphore, #tpu.memory_space<semaphore_mem>>)
          } else {
          }
          %dma_start3A_136 = arith.constant 0 : i32
          %dma_start3A_137 = tpu.memref_slice %arg7[%scan3A_92, %dma_start3A_136] : memref<40x64xi32, #tpu.memory_space<vmem>> -> memref<1x64xi32, #tpu.memory_space<vmem>>
          %dma_start3A_138 = tpu.memref_squeeze %dma_start3A_137 : memref<1x64xi32, #tpu.memory_space<vmem>> -> memref<64xi32, #tpu.memory_space<vmem>>
          %dma_start3A_139 = arith.constant 0 : i32
          %dma_start3A_140 = arith.constant 0 : i32
          %dma_start3A_141 = tpu.memref_slice %arg12[%dma_start3A_139, %dma_start3A_140] : memref<10112x128xf32, #tpu.memory_space<vmem_shared>> -> memref<10112x128xf32, #tpu.memory_space<vmem_shared>>
          tpu.enqueue_indirect_dma source(%arg10 : memref<64x128xf32, #tpu.memory_space<vmem>>) target(%dma_start3A_141 : memref<10112x128xf32, #tpu.memory_space<vmem_shared>>) offsets(%dma_start3A_138 : memref<64xi32, #tpu.memory_space<vmem>>) semaphore(%arg19 : memref<!tpu.dma_semaphore, #tpu.memory_space<semaphore_mem>>) {add = true}
        } else {
        }
        %rem3A_112 = arith.constant 4 : i32
        %rem3A_113 = arith.remsi %scan3A_92, %rem3A_112 : i32
        %eq3A_114 = arith.constant 3 : i32
        %eq3A_115 = arith.cmpi eq, %rem3A_113, %eq3A_114 : i32
        %convert_element_type3A_116 = arith.extui %eq3A_115 : i1 to i32
        %cond3A_117 = arith.constant 0 : i32
        %cond3A_118 = arith.cmpi ne, %convert_element_type3A_116, %cond3A_117 : i32
        scf.if %cond3A_118 {
          %dma_wait3A_120 = arith.constant 0 : i32
          %dma_wait3A_121 = arith.constant 0 : i32
          %dma_wait3A_122 = tpu.memref_slice %arg4[%dma_wait3A_120, %dma_wait3A_121] : memref<10000x128xf32, #tpu.memory_space<hbm>> -> memref<64x128xf32, #tpu.memory_space<hbm>>
          %dma_wait3A_123 = arith.constant 0 : i32
          %dma_wait3A_124 = arith.constant 0 : i32
          %dma_wait3A_125 = tpu.memref_slice %arg4[%dma_wait3A_123, %dma_wait3A_124] : memref<10000x128xf32, #tpu.memory_space<hbm>> -> memref<64x128xf32, #tpu.memory_space<hbm>>
          tpu.wait_dma2 semaphore(%arg16 : memref<!tpu.dma_semaphore, #tpu.memory_space<semaphore_mem>>) src(%dma_wait3A_125 : memref<64x128xf32, #tpu.memory_space<hbm>>) dst(%arg11 : memref<64x128xf32, #tpu.memory_space<vmem>>)
          %ge3A = arith.constant 2 : i32
          %ge3A_126 = arith.cmpi sge, %scan3A_92, %ge3A : i32
          %convert_element_type3A_127 = arith.extui %ge3A_126 : i1 to i32
          %cond3A_128 = arith.constant 0 : i32
          %cond3A_129 = arith.cmpi ne, %convert_element_type3A_127, %cond3A_128 : i32
          scf.if %cond3A_129 {
            %dma_wait3A_142 = arith.constant 0 : i32
            %dma_wait3A_143 = arith.constant 0 : i32
            %dma_wait3A_144 = tpu.memref_slice %arg12[%dma_wait3A_142, %dma_wait3A_143] : memref<10112x128xf32, #tpu.memory_space<vmem_shared>> -> memref<64x128xf32, #tpu.memory_space<vmem_shared>>
            %dma_wait3A_145 = arith.constant 0 : i32
            %dma_wait3A_146 = arith.constant 0 : i32
            %dma_wait3A_147 = tpu.memref_slice %arg12[%dma_wait3A_145, %dma_wait3A_146] : memref<10112x128xf32, #tpu.memory_space<vmem_shared>> -> memref<64x128xf32, #tpu.memory_space<vmem_shared>>
            tpu.wait_dma2 semaphore(%arg18 : memref<!tpu.dma_semaphore, #tpu.memory_space<semaphore_mem>>) src(%arg9 : memref<64x128xf32, #tpu.memory_space<vmem>>) dst(%dma_wait3A_147 : memref<64x128xf32, #tpu.memory_space<vmem_shared>>)
          } else {
          }
          %add3A_130 = arith.constant 2 : i32
          %add3A_131 = arith.addi %scan3A_92, %add3A_130 : i32
          %lt3A = arith.constant 40 : i32
          %lt3A_132 = arith.cmpi slt, %add3A_131, %lt3A : i32
          %convert_element_type3A_133 = arith.extui %lt3A_132 : i1 to i32
          %cond3A_134 = arith.constant 0 : i32
          %cond3A_135 = arith.cmpi ne, %convert_element_type3A_133, %cond3A_134 : i32
          scf.if %cond3A_135 {
            %add3A_142 = arith.constant 2 : i32
            %add3A_143 = arith.addi %scan3A_92, %add3A_142 : i32
            %dma_start3A_144 = arith.constant 0 : i32
            %dma_start3A_145 = tpu.memref_slice %arg6[%add3A_143, %dma_start3A_144] : memref<40x64xi32, #tpu.memory_space<vmem>> -> memref<1x64xi32, #tpu.memory_space<vmem>>
            %dma_start3A_146 = tpu.memref_squeeze %dma_start3A_145 : memref<1x64xi32, #tpu.memory_space<vmem>> -> memref<64xi32, #tpu.memory_space<vmem>>
            %dma_start3A_147 = arith.constant 0 : i32
            %dma_start3A_148 = arith.constant 0 : i32
            %dma_start3A_149 = tpu.memref_slice %arg4[%dma_start3A_147, %dma_start3A_148] : memref<10000x128xf32, #tpu.memory_space<hbm>> -> memref<10000x128xf32, #tpu.memory_space<hbm>>
            tpu.enqueue_indirect_dma source(%dma_start3A_149 : memref<10000x128xf32, #tpu.memory_space<hbm>>) target(%arg9 : memref<64x128xf32, #tpu.memory_space<vmem>>) offsets(%dma_start3A_146 : memref<64xi32, #tpu.memory_space<vmem>>) semaphore(%arg14 : memref<!tpu.dma_semaphore, #tpu.memory_space<semaphore_mem>>)
          } else {
          }
          %dma_start3A_136 = arith.constant 0 : i32
          %dma_start3A_137 = tpu.memref_slice %arg7[%scan3A_92, %dma_start3A_136] : memref<40x64xi32, #tpu.memory_space<vmem>> -> memref<1x64xi32, #tpu.memory_space<vmem>>
          %dma_start3A_138 = tpu.memref_squeeze %dma_start3A_137 : memref<1x64xi32, #tpu.memory_space<vmem>> -> memref<64xi32, #tpu.memory_space<vmem>>
          %dma_start3A_139 = arith.constant 0 : i32
          %dma_start3A_140 = arith.constant 0 : i32
          %dma_start3A_141 = tpu.memref_slice %arg12[%dma_start3A_139, %dma_start3A_140] : memref<10112x128xf32, #tpu.memory_space<vmem_shared>> -> memref<10112x128xf32, #tpu.memory_space<vmem_shared>>
          tpu.enqueue_indirect_dma source(%arg11 : memref<64x128xf32, #tpu.memory_space<vmem>>) target(%dma_start3A_141 : memref<10112x128xf32, #tpu.memory_space<vmem_shared>>) offsets(%dma_start3A_138 : memref<64xi32, #tpu.memory_space<vmem>>) semaphore(%arg20 : memref<!tpu.dma_semaphore, #tpu.memory_space<semaphore_mem>>) {add = true}
        } else {
        }
        %scan3A_119 = arith.constant 0 : i32
        scf.yield %scan3A_119 : i32
      }
      %scan3A_79 = arith.constant 40 : i32
      %dma_wait3A = arith.constant 0 : i32
      %dma_wait3A_80 = arith.constant 0 : i32
      %dma_wait3A_81 = tpu.memref_slice %arg12[%dma_wait3A, %dma_wait3A_80] : memref<10112x128xf32, #tpu.memory_space<vmem_shared>> -> memref<64x128xf32, #tpu.memory_space<vmem_shared>>
      %dma_wait3A_82 = arith.constant 0 : i32
      %dma_wait3A_83 = arith.constant 0 : i32
      %dma_wait3A_84 = tpu.memref_slice %arg12[%dma_wait3A_82, %dma_wait3A_83] : memref<10112x128xf32, #tpu.memory_space<vmem_shared>> -> memref<64x128xf32, #tpu.memory_space<vmem_shared>>
      tpu.wait_dma2 semaphore(%arg19 : memref<!tpu.dma_semaphore, #tpu.memory_space<semaphore_mem>>) src(%arg10 : memref<64x128xf32, #tpu.memory_space<vmem>>) dst(%dma_wait3A_84 : memref<64x128xf32, #tpu.memory_space<vmem_shared>>)
      %dma_wait3A_85 = arith.constant 0 : i32
      %dma_wait3A_86 = arith.constant 0 : i32
      %dma_wait3A_87 = tpu.memref_slice %arg12[%dma_wait3A_85, %dma_wait3A_86] : memref<10112x128xf32, #tpu.memory_space<vmem_shared>> -> memref<64x128xf32, #tpu.memory_space<vmem_shared>>
      %dma_wait3A_88 = arith.constant 0 : i32
      %dma_wait3A_89 = arith.constant 0 : i32
      %dma_wait3A_90 = tpu.memref_slice %arg12[%dma_wait3A_88, %dma_wait3A_89] : memref<10112x128xf32, #tpu.memory_space<vmem_shared>> -> memref<64x128xf32, #tpu.memory_space<vmem_shared>>
      tpu.wait_dma2 semaphore(%arg20 : memref<!tpu.dma_semaphore, #tpu.memory_space<semaphore_mem>>) src(%arg11 : memref<64x128xf32, #tpu.memory_space<vmem>>) dst(%dma_wait3A_90 : memref<64x128xf32, #tpu.memory_space<vmem_shared>>)
      %while3A_91 = arith.constant 0 : i32
      scf.yield %while3A_91 : i32
    }
    %barrier3A_51 = arith.constant 0 : index
    tpu.barrier barrier_id(%barrier3A_51)
    %mul3A_52 = arith.constant 10112 : i32
    %mul3A_53 = arith.muli %arg0, %mul3A_52 : i32
    %add3A_54 = arith.addi %mul3A_53, %mul3A_8 : i32
    "tpu.region"() ({
      %run_scoped3A = tpu.sem_alloc : memref<!tpu.dma_semaphore, #tpu.memory_space<semaphore_mem>>
      %dma_start3A = arith.constant 0 : i32
      %dma_start3A_55 = tpu.memref_slice %arg5[%add3A_54, %dma_start3A] : memref<20224x128xf32, #tpu.memory_space<hbm>> -> memref<632x128xf32, #tpu.memory_space<hbm>>
      %dma_start3A_56 = arith.constant 0 : i32
      %dma_start3A_57 = tpu.memref_slice %arg12[%mul3A_8, %dma_start3A_56] : memref<10112x128xf32, #tpu.memory_space<vmem_shared>> -> memref<632x128xf32, #tpu.memory_space<vmem_shared>>
      tpu.enqueue_dma source(%dma_start3A_57 : memref<632x128xf32, #tpu.memory_space<vmem_shared>>) target(%dma_start3A_55 : memref<632x128xf32, #tpu.memory_space<hbm>>) target_semaphore(%run_scoped3A : memref<!tpu.dma_semaphore, #tpu.memory_space<semaphore_mem>>)
      %dma_wait3A = arith.constant 0 : i32
      %dma_wait3A_58 = tpu.memref_slice %arg5[%add3A_54, %dma_wait3A] : memref<20224x128xf32, #tpu.memory_space<hbm>> -> memref<632x128xf32, #tpu.memory_space<hbm>>
      %dma_wait3A_59 = arith.constant 0 : i32
      %dma_wait3A_60 = tpu.memref_slice %arg12[%mul3A_8, %dma_wait3A_59] : memref<10112x128xf32, #tpu.memory_space<vmem_shared>> -> memref<632x128xf32, #tpu.memory_space<vmem_shared>>
      tpu.wait_dma2 semaphore(%run_scoped3A : memref<!tpu.dma_semaphore, #tpu.memory_space<semaphore_mem>>) src(%dma_wait3A_60 : memref<632x128xf32, #tpu.memory_space<vmem_shared>>) dst(%dma_wait3A_58 : memref<632x128xf32, #tpu.memory_space<hbm>>)
      tpu.yield
    }) : () -> ()
    return
  }
}

#map = affine_map<(d0, d1) -> (0, 0)>
module attributes {stable_mosaic.version = 14 : i64} {
  func.func @_agg_kernel(%arg0: i32, %arg1: i32, %arg2: memref<5120x64xi32, #tpu.memory_space<hbm>>, %arg3: memref<5120x64xi32, #tpu.memory_space<hbm>>, %arg4: memref<10000x128xf32, #tpu.memory_space<hbm>>, %arg5: memref<20224x128xf32, #tpu.memory_space<hbm>>, %arg6: memref<40x64xi32, #tpu.memory_space<vmem>>, %arg7: memref<40x64xi32, #tpu.memory_space<vmem>>, %arg8: memref<64x128xf32, #tpu.memory_space<vmem>>, %arg9: memref<64x128xf32, #tpu.memory_space<vmem>>, %arg10: memref<64x128xf32, #tpu.memory_space<vmem>>, %arg11: memref<64x128xf32, #tpu.memory_space<vmem>>, %arg12: memref<10112x128xf32, #tpu.memory_space<vmem_shared>>, %arg13: memref<!tpu.dma_semaphore, #tpu.memory_space<semaphore_mem>>, %arg14: memref<!tpu.dma_semaphore, #tpu.memory_space<semaphore_mem>>, %arg15: memref<!tpu.dma_semaphore, #tpu.memory_space<semaphore_mem>>, %arg16: memref<!tpu.dma_semaphore, #tpu.memory_space<semaphore_mem>>, %arg17: memref<!tpu.dma_semaphore, #tpu.memory_space<semaphore_mem>>, %arg18: memref<!tpu.dma_semaphore, #tpu.memory_space<semaphore_mem>>, %arg19: memref<!tpu.dma_semaphore, #tpu.memory_space<semaphore_mem>>, %arg20: memref<!tpu.dma_semaphore, #tpu.memory_space<semaphore_mem>>) attributes {dimension_semantics = [#tpu.dimension_semantics<core_parallel>, #tpu.dimension_semantics<subcore_parallel>], iteration_bounds = array<i64: 2, 16>, scalar_prefetch = 0 : i64, scratch_operands = 15 : i64, tpu.core_type = #tpu.core_type<sc_vector_subcore>, window_params = [{transform_indices = #map}, {transform_indices = #map}, {transform_indices = #map}, {transform_indices = #map}]} {
    %mul3A = arith.constant 16 : i32
    %mul3A_0 = arith.muli %arg0, %mul3A : i32
    %add3A = arith.addi %mul3A_0, %arg1 : i32
    %scan3A = arith.constant 0 : i32
    %scan3A_1 = arith.constant 0 : i32
    %scan3A_2 = arith.constant 64 : i32
    %scan3A_3 = arith.addi %scan3A_1, %scan3A_2 : i32
    %scan3A_4 = arith.constant 1 : i32
    %scan3A_5 = scf.for %scan3A_55 = %scan3A_1 to %scan3A_3 step %scan3A_4 iter_args(%scan3A_56 = %scan3A) -> (i32)  : i32 {
      %broadcast_in_dim3A = arith.constant 0.000000e+00 : f32
      %broadcast_in_dim3A_57 = vector.broadcast %broadcast_in_dim3A : f32 to vector<16xf32>
      %swap3A = arith.index_cast %scan3A_55 : i32 to index
      %swap3A_58 = arith.constant 0 : index
      %swap3A_59 = tpu.vector_load %arg8[%swap3A, %swap3A_58] {strides = array<i32>} : memref<64x128xf32, #tpu.memory_space<vmem>>, vector<1x16xf32>,
      %swap3A_60 = vector.shape_cast %swap3A_59 : vector<1x16xf32> to vector<16xf32>
      %swap3A_61 = vector.shape_cast %broadcast_in_dim3A_57 : vector<16xf32> to vector<1x16xf32>
      tpu.vector_store %arg8[%swap3A, %swap3A_58], %swap3A_61 {strides = array<i32>} : memref<64x128xf32, #tpu.memory_space<vmem>>, vector<1x16xf32>,
      %broadcast_in_dim3A_62 = arith.constant 0.000000e+00 : f32
      %broadcast_in_dim3A_63 = vector.broadcast %broadcast_in_dim3A_62 : f32 to vector<16xf32>
      %swap3A_64 = arith.index_cast %scan3A_55 : i32 to index
      %swap3A_65 = arith.constant 16 : index
      %swap3A_66 = tpu.vector_load %arg8[%swap3A_64, %swap3A_65] {strides = array<i32>} : memref<64x128xf32, #tpu.memory_space<vmem>>, vector<1x16xf32>,
      %swap3A_67 = vector.shape_cast %swap3A_66 : vector<1x16xf32> to vector<16xf32>
      %swap3A_68 = vector.shape_cast %broadcast_in_dim3A_63 : vector<16xf32> to vector<1x16xf32>
      tpu.vector_store %arg8[%swap3A_64, %swap3A_65], %swap3A_68 {strides = array<i32>} : memref<64x128xf32, #tpu.memory_space<vmem>>, vector<1x16xf32>,
      %broadcast_in_dim3A_69 = arith.constant 0.000000e+00 : f32
      %broadcast_in_dim3A_70 = vector.broadcast %broadcast_in_dim3A_69 : f32 to vector<16xf32>
      %swap3A_71 = arith.index_cast %scan3A_55 : i32 to index
      %swap3A_72 = arith.constant 32 : index
      %swap3A_73 = tpu.vector_load %arg8[%swap3A_71, %swap3A_72] {strides = array<i32>} : memref<64x128xf32, #tpu.memory_space<vmem>>, vector<1x16xf32>,
      %swap3A_74 = vector.shape_cast %swap3A_73 : vector<1x16xf32> to vector<16xf32>
      %swap3A_75 = vector.shape_cast %broadcast_in_dim3A_70 : vector<16xf32> to vector<1x16xf32>
      tpu.vector_store %arg8[%swap3A_71, %swap3A_72], %swap3A_75 {strides = array<i32>} : memref<64x128xf32, #tpu.memory_space<vmem>>, vector<1x16xf32>,
      %broadcast_in_dim3A_76 = arith.constant 0.000000e+00 : f32
      %broadcast_in_dim3A_77 = vector.broadcast %broadcast_in_dim3A_76 : f32 to vector<16xf32>
      %swap3A_78 = arith.index_cast %scan3A_55 : i32 to index
      %swap3A_79 = arith.constant 48 : index
      %swap3A_80 = tpu.vector_load %arg8[%swap3A_78, %swap3A_79] {strides = array<i32>} : memref<64x128xf32, #tpu.memory_space<vmem>>, vector<1x16xf32>,
      %swap3A_81 = vector.shape_cast %swap3A_80 : vector<1x16xf32> to vector<16xf32>
      %swap3A_82 = vector.shape_cast %broadcast_in_dim3A_77 : vector<16xf32> to vector<1x16xf32>
      tpu.vector_store %arg8[%swap3A_78, %swap3A_79], %swap3A_82 {strides = array<i32>} : memref<64x128xf32, #tpu.memory_space<vmem>>, vector<1x16xf32>,
      %broadcast_in_dim3A_83 = arith.constant 0.000000e+00 : f32
      %broadcast_in_dim3A_84 = vector.broadcast %broadcast_in_dim3A_83 : f32 to vector<16xf32>
      %swap3A_85 = arith.index_cast %scan3A_55 : i32 to index
      %swap3A_86 = arith.constant 64 : index
      %swap3A_87 = tpu.vector_load %arg8[%swap3A_85, %swap3A_86] {strides = array<i32>} : memref<64x128xf32, #tpu.memory_space<vmem>>, vector<1x16xf32>,
      %swap3A_88 = vector.shape_cast %swap3A_87 : vector<1x16xf32> to vector<16xf32>
      %swap3A_89 = vector.shape_cast %broadcast_in_dim3A_84 : vector<16xf32> to vector<1x16xf32>
      tpu.vector_store %arg8[%swap3A_85, %swap3A_86], %swap3A_89 {strides = array<i32>} : memref<64x128xf32, #tpu.memory_space<vmem>>, vector<1x16xf32>,
      %broadcast_in_dim3A_90 = arith.constant 0.000000e+00 : f32
      %broadcast_in_dim3A_91 = vector.broadcast %broadcast_in_dim3A_90 : f32 to vector<16xf32>
      %swap3A_92 = arith.index_cast %scan3A_55 : i32 to index
      %swap3A_93 = arith.constant 80 : index
      %swap3A_94 = tpu.vector_load %arg8[%swap3A_92, %swap3A_93] {strides = array<i32>} : memref<64x128xf32, #tpu.memory_space<vmem>>, vector<1x16xf32>,
      %swap3A_95 = vector.shape_cast %swap3A_94 : vector<1x16xf32> to vector<16xf32>
      %swap3A_96 = vector.shape_cast %broadcast_in_dim3A_91 : vector<16xf32> to vector<1x16xf32>
      tpu.vector_store %arg8[%swap3A_92, %swap3A_93], %swap3A_96 {strides = array<i32>} : memref<64x128xf32, #tpu.memory_space<vmem>>, vector<1x16xf32>,
      %broadcast_in_dim3A_97 = arith.constant 0.000000e+00 : f32
      %broadcast_in_dim3A_98 = vector.broadcast %broadcast_in_dim3A_97 : f32 to vector<16xf32>
      %swap3A_99 = arith.index_cast %scan3A_55 : i32 to index
      %swap3A_100 = arith.constant 96 : index
      %swap3A_101 = tpu.vector_load %arg8[%swap3A_99, %swap3A_100] {strides = array<i32>} : memref<64x128xf32, #tpu.memory_space<vmem>>, vector<1x16xf32>,
      %swap3A_102 = vector.shape_cast %swap3A_101 : vector<1x16xf32> to vector<16xf32>
      %swap3A_103 = vector.shape_cast %broadcast_in_dim3A_98 : vector<16xf32> to vector<1x16xf32>
      tpu.vector_store %arg8[%swap3A_99, %swap3A_100], %swap3A_103 {strides = array<i32>} : memref<64x128xf32, #tpu.memory_space<vmem>>, vector<1x16xf32>,
      %broadcast_in_dim3A_104 = arith.constant 0.000000e+00 : f32
      %broadcast_in_dim3A_105 = vector.broadcast %broadcast_in_dim3A_104 : f32 to vector<16xf32>
      %swap3A_106 = arith.index_cast %scan3A_55 : i32 to index
      %swap3A_107 = arith.constant 112 : index
      %swap3A_108 = tpu.vector_load %arg8[%swap3A_106, %swap3A_107] {strides = array<i32>} : memref<64x128xf32, #tpu.memory_space<vmem>>, vector<1x16xf32>,
      %swap3A_109 = vector.shape_cast %swap3A_108 : vector<1x16xf32> to vector<16xf32>
      %swap3A_110 = vector.shape_cast %broadcast_in_dim3A_105 : vector<16xf32> to vector<1x16xf32>
      tpu.vector_store %arg8[%swap3A_106, %swap3A_107], %swap3A_110 {strides = array<i32>} : memref<64x128xf32, #tpu.memory_space<vmem>>, vector<1x16xf32>,
      %scan3A_111 = arith.constant 0 : i32
      scf.yield %scan3A_111 : i32
    }
    %scan3A_6 = arith.constant 64 : i32
    %mul3A_7 = arith.constant 632 : i32
    %mul3A_8 = arith.muli %arg1, %mul3A_7 : i32
    %add3A_9 = arith.constant 0 : i32
    %add3A_10 = arith.addi %mul3A_8, %add3A_9 : i32
    "tpu.region"() ({
      %run_scoped3A = tpu.sem_alloc : memref<!tpu.dma_semaphore, #tpu.memory_space<semaphore_mem>>
      %dma_start3A = arith.constant 0 : i32
      %dma_start3A_55 = tpu.memref_slice %arg12[%add3A_10, %dma_start3A] : memref<10112x128xf32, #tpu.memory_space<vmem_shared>> -> memref<64x128xf32, #tpu.memory_space<vmem_shared>>
      %dma_start3A_56 = arith.constant 0 : i32
      %dma_start3A_57 = tpu.memref_slice %arg12[%add3A_10, %dma_start3A_56] : memref<10112x128xf32, #tpu.memory_space<vmem_shared>> -> memref<64x128xf32, #tpu.memory_space<vmem_shared>>
      tpu.enqueue_dma source(%arg8 : memref<64x128xf32, #tpu.memory_space<vmem>>) target(%dma_start3A_57 : memref<64x128xf32, #tpu.memory_space<vmem_shared>>) target_semaphore(%run_scoped3A : memref<!tpu.dma_semaphore, #tpu.memory_space<semaphore_mem>>)
      %dma_wait3A = arith.constant 0 : i32
      %dma_wait3A_58 = tpu.memref_slice %arg12[%add3A_10, %dma_wait3A] : memref<10112x128xf32, #tpu.memory_space<vmem_shared>> -> memref<64x128xf32, #tpu.memory_space<vmem_shared>>
      %dma_wait3A_59 = arith.constant 0 : i32
      %dma_wait3A_60 = tpu.memref_slice %arg12[%add3A_10, %dma_wait3A_59] : memref<10112x128xf32, #tpu.memory_space<vmem_shared>> -> memref<64x128xf32, #tpu.memory_space<vmem_shared>>
      tpu.wait_dma2 semaphore(%run_scoped3A : memref<!tpu.dma_semaphore, #tpu.memory_space<semaphore_mem>>) src(%arg8 : memref<64x128xf32, #tpu.memory_space<vmem>>) dst(%dma_wait3A_60 : memref<64x128xf32, #tpu.memory_space<vmem_shared>>)
      tpu.yield
    }) : () -> ()
    %add3A_11 = arith.constant 64 : i32
    %add3A_12 = arith.addi %mul3A_8, %add3A_11 : i32
    "tpu.region"() ({
      %run_scoped3A = tpu.sem_alloc : memref<!tpu.dma_semaphore, #tpu.memory_space<semaphore_mem>>
      %dma_start3A = arith.constant 0 : i32
      %dma_start3A_55 = tpu.memref_slice %arg12[%add3A_12, %dma_start3A] : memref<10112x128xf32, #tpu.memory_space<vmem_shared>> -> memref<64x128xf32, #tpu.memory_space<vmem_shared>>
      %dma_start3A_56 = arith.constant 0 : i32
      %dma_start3A_57 = tpu.memref_slice %arg12[%add3A_12, %dma_start3A_56] : memref<10112x128xf32, #tpu.memory_space<vmem_shared>> -> memref<64x128xf32, #tpu.memory_space<vmem_shared>>
      tpu.enqueue_dma source(%arg8 : memref<64x128xf32, #tpu.memory_space<vmem>>) target(%dma_start3A_57 : memref<64x128xf32, #tpu.memory_space<vmem_shared>>) target_semaphore(%run_scoped3A : memref<!tpu.dma_semaphore, #tpu.memory_space<semaphore_mem>>)
      %dma_wait3A = arith.constant 0 : i32
      %dma_wait3A_58 = tpu.memref_slice %arg12[%add3A_12, %dma_wait3A] : memref<10112x128xf32, #tpu.memory_space<vmem_shared>> -> memref<64x128xf32, #tpu.memory_space<vmem_shared>>
      %dma_wait3A_59 = arith.constant 0 : i32
      %dma_wait3A_60 = tpu.memref_slice %arg12[%add3A_12, %dma_wait3A_59] : memref<10112x128xf32, #tpu.memory_space<vmem_shared>> -> memref<64x128xf32, #tpu.memory_space<vmem_shared>>
      tpu.wait_dma2 semaphore(%run_scoped3A : memref<!tpu.dma_semaphore, #tpu.memory_space<semaphore_mem>>) src(%arg8 : memref<64x128xf32, #tpu.memory_space<vmem>>) dst(%dma_wait3A_60 : memref<64x128xf32, #tpu.memory_space<vmem_shared>>)
      tpu.yield
    }) : () -> ()
    %add3A_13 = arith.constant 128 : i32
    %add3A_14 = arith.addi %mul3A_8, %add3A_13 : i32
    "tpu.region"() ({
      %run_scoped3A = tpu.sem_alloc : memref<!tpu.dma_semaphore, #tpu.memory_space<semaphore_mem>>
      %dma_start3A = arith.constant 0 : i32
      %dma_start3A_55 = tpu.memref_slice %arg12[%add3A_14, %dma_start3A] : memref<10112x128xf32, #tpu.memory_space<vmem_shared>> -> memref<64x128xf32, #tpu.memory_space<vmem_shared>>
      %dma_start3A_56 = arith.constant 0 : i32
      %dma_start3A_57 = tpu.memref_slice %arg12[%add3A_14, %dma_start3A_56] : memref<10112x128xf32, #tpu.memory_space<vmem_shared>> -> memref<64x128xf32, #tpu.memory_space<vmem_shared>>
      tpu.enqueue_dma source(%arg8 : memref<64x128xf32, #tpu.memory_space<vmem>>) target(%dma_start3A_57 : memref<64x128xf32, #tpu.memory_space<vmem_shared>>) target_semaphore(%run_scoped3A : memref<!tpu.dma_semaphore, #tpu.memory_space<semaphore_mem>>)
      %dma_wait3A = arith.constant 0 : i32
      %dma_wait3A_58 = tpu.memref_slice %arg12[%add3A_14, %dma_wait3A] : memref<10112x128xf32, #tpu.memory_space<vmem_shared>> -> memref<64x128xf32, #tpu.memory_space<vmem_shared>>
      %dma_wait3A_59 = arith.constant 0 : i32
      %dma_wait3A_60 = tpu.memref_slice %arg12[%add3A_14, %dma_wait3A_59] : memref<10112x128xf32, #tpu.memory_space<vmem_shared>> -> memref<64x128xf32, #tpu.memory_space<vmem_shared>>
      tpu.wait_dma2 semaphore(%run_scoped3A : memref<!tpu.dma_semaphore, #tpu.memory_space<semaphore_mem>>) src(%arg8 : memref<64x128xf32, #tpu.memory_space<vmem>>) dst(%dma_wait3A_60 : memref<64x128xf32, #tpu.memory_space<vmem_shared>>)
      tpu.yield
    }) : () -> ()
    %add3A_15 = arith.constant 192 : i32
    %add3A_16 = arith.addi %mul3A_8, %add3A_15 : i32
    "tpu.region"() ({
      %run_scoped3A = tpu.sem_alloc : memref<!tpu.dma_semaphore, #tpu.memory_space<semaphore_mem>>
      %dma_start3A = arith.constant 0 : i32
      %dma_start3A_55 = tpu.memref_slice %arg12[%add3A_16, %dma_start3A] : memref<10112x128xf32, #tpu.memory_space<vmem_shared>> -> memref<64x128xf32, #tpu.memory_space<vmem_shared>>
      %dma_start3A_56 = arith.constant 0 : i32
      %dma_start3A_57 = tpu.memref_slice %arg12[%add3A_16, %dma_start3A_56] : memref<10112x128xf32, #tpu.memory_space<vmem_shared>> -> memref<64x128xf32, #tpu.memory_space<vmem_shared>>
      tpu.enqueue_dma source(%arg8 : memref<64x128xf32, #tpu.memory_space<vmem>>) target(%dma_start3A_57 : memref<64x128xf32, #tpu.memory_space<vmem_shared>>) target_semaphore(%run_scoped3A : memref<!tpu.dma_semaphore, #tpu.memory_space<semaphore_mem>>)
      %dma_wait3A = arith.constant 0 : i32
      %dma_wait3A_58 = tpu.memref_slice %arg12[%add3A_16, %dma_wait3A] : memref<10112x128xf32, #tpu.memory_space<vmem_shared>> -> memref<64x128xf32, #tpu.memory_space<vmem_shared>>
      %dma_wait3A_59 = arith.constant 0 : i32
      %dma_wait3A_60 = tpu.memref_slice %arg12[%add3A_16, %dma_wait3A_59] : memref<10112x128xf32, #tpu.memory_space<vmem_shared>> -> memref<64x128xf32, #tpu.memory_space<vmem_shared>>
      tpu.wait_dma2 semaphore(%run_scoped3A : memref<!tpu.dma_semaphore, #tpu.memory_space<semaphore_mem>>) src(%arg8 : memref<64x128xf32, #tpu.memory_space<vmem>>) dst(%dma_wait3A_60 : memref<64x128xf32, #tpu.memory_space<vmem_shared>>)
      tpu.yield
    }) : () -> ()
    %add3A_17 = arith.constant 256 : i32
    %add3A_18 = arith.addi %mul3A_8, %add3A_17 : i32
    "tpu.region"() ({
      %run_scoped3A = tpu.sem_alloc : memref<!tpu.dma_semaphore, #tpu.memory_space<semaphore_mem>>
      %dma_start3A = arith.constant 0 : i32
      %dma_start3A_55 = tpu.memref_slice %arg12[%add3A_18, %dma_start3A] : memref<10112x128xf32, #tpu.memory_space<vmem_shared>> -> memref<64x128xf32, #tpu.memory_space<vmem_shared>>
      %dma_start3A_56 = arith.constant 0 : i32
      %dma_start3A_57 = tpu.memref_slice %arg12[%add3A_18, %dma_start3A_56] : memref<10112x128xf32, #tpu.memory_space<vmem_shared>> -> memref<64x128xf32, #tpu.memory_space<vmem_shared>>
      tpu.enqueue_dma source(%arg8 : memref<64x128xf32, #tpu.memory_space<vmem>>) target(%dma_start3A_57 : memref<64x128xf32, #tpu.memory_space<vmem_shared>>) target_semaphore(%run_scoped3A : memref<!tpu.dma_semaphore, #tpu.memory_space<semaphore_mem>>)
      %dma_wait3A = arith.constant 0 : i32
      %dma_wait3A_58 = tpu.memref_slice %arg12[%add3A_18, %dma_wait3A] : memref<10112x128xf32, #tpu.memory_space<vmem_shared>> -> memref<64x128xf32, #tpu.memory_space<vmem_shared>>
      %dma_wait3A_59 = arith.constant 0 : i32
      %dma_wait3A_60 = tpu.memref_slice %arg12[%add3A_18, %dma_wait3A_59] : memref<10112x128xf32, #tpu.memory_space<vmem_shared>> -> memref<64x128xf32, #tpu.memory_space<vmem_shared>>
      tpu.wait_dma2 semaphore(%run_scoped3A : memref<!tpu.dma_semaphore, #tpu.memory_space<semaphore_mem>>) src(%arg8 : memref<64x128xf32, #tpu.memory_space<vmem>>) dst(%dma_wait3A_60 : memref<64x128xf32, #tpu.memory_space<vmem_shared>>)
      tpu.yield
    }) : () -> ()
    %add3A_19 = arith.constant 320 : i32
    %add3A_20 = arith.addi %mul3A_8, %add3A_19 : i32
    "tpu.region"() ({
      %run_scoped3A = tpu.sem_alloc : memref<!tpu.dma_semaphore, #tpu.memory_space<semaphore_mem>>
      %dma_start3A = arith.constant 0 : i32
      %dma_start3A_55 = tpu.memref_slice %arg12[%add3A_20, %dma_start3A] : memref<10112x128xf32, #tpu.memory_space<vmem_shared>> -> memref<64x128xf32, #tpu.memory_space<vmem_shared>>
      %dma_start3A_56 = arith.constant 0 : i32
      %dma_start3A_57 = tpu.memref_slice %arg12[%add3A_20, %dma_start3A_56] : memref<10112x128xf32, #tpu.memory_space<vmem_shared>> -> memref<64x128xf32, #tpu.memory_space<vmem_shared>>
      tpu.enqueue_dma source(%arg8 : memref<64x128xf32, #tpu.memory_space<vmem>>) target(%dma_start3A_57 : memref<64x128xf32, #tpu.memory_space<vmem_shared>>) target_semaphore(%run_scoped3A : memref<!tpu.dma_semaphore, #tpu.memory_space<semaphore_mem>>)
      %dma_wait3A = arith.constant 0 : i32
      %dma_wait3A_58 = tpu.memref_slice %arg12[%add3A_20, %dma_wait3A] : memref<10112x128xf32, #tpu.memory_space<vmem_shared>> -> memref<64x128xf32, #tpu.memory_space<vmem_shared>>
      %dma_wait3A_59 = arith.constant 0 : i32
      %dma_wait3A_60 = tpu.memref_slice %arg12[%add3A_20, %dma_wait3A_59] : memref<10112x128xf32, #tpu.memory_space<vmem_shared>> -> memref<64x128xf32, #tpu.memory_space<vmem_shared>>
      tpu.wait_dma2 semaphore(%run_scoped3A : memref<!tpu.dma_semaphore, #tpu.memory_space<semaphore_mem>>) src(%arg8 : memref<64x128xf32, #tpu.memory_space<vmem>>) dst(%dma_wait3A_60 : memref<64x128xf32, #tpu.memory_space<vmem_shared>>)
      tpu.yield
    }) : () -> ()
    %add3A_21 = arith.constant 384 : i32
    %add3A_22 = arith.addi %mul3A_8, %add3A_21 : i32
    "tpu.region"() ({
      %run_scoped3A = tpu.sem_alloc : memref<!tpu.dma_semaphore, #tpu.memory_space<semaphore_mem>>
      %dma_start3A = arith.constant 0 : i32
      %dma_start3A_55 = tpu.memref_slice %arg12[%add3A_22, %dma_start3A] : memref<10112x128xf32, #tpu.memory_space<vmem_shared>> -> memref<64x128xf32, #tpu.memory_space<vmem_shared>>
      %dma_start3A_56 = arith.constant 0 : i32
      %dma_start3A_57 = tpu.memref_slice %arg12[%add3A_22, %dma_start3A_56] : memref<10112x128xf32, #tpu.memory_space<vmem_shared>> -> memref<64x128xf32, #tpu.memory_space<vmem_shared>>
      tpu.enqueue_dma source(%arg8 : memref<64x128xf32, #tpu.memory_space<vmem>>) target(%dma_start3A_57 : memref<64x128xf32, #tpu.memory_space<vmem_shared>>) target_semaphore(%run_scoped3A : memref<!tpu.dma_semaphore, #tpu.memory_space<semaphore_mem>>)
      %dma_wait3A = arith.constant 0 : i32
      %dma_wait3A_58 = tpu.memref_slice %arg12[%add3A_22, %dma_wait3A] : memref<10112x128xf32, #tpu.memory_space<vmem_shared>> -> memref<64x128xf32, #tpu.memory_space<vmem_shared>>
      %dma_wait3A_59 = arith.constant 0 : i32
      %dma_wait3A_60 = tpu.memref_slice %arg12[%add3A_22, %dma_wait3A_59] : memref<10112x128xf32, #tpu.memory_space<vmem_shared>> -> memref<64x128xf32, #tpu.memory_space<vmem_shared>>
      tpu.wait_dma2 semaphore(%run_scoped3A : memref<!tpu.dma_semaphore, #tpu.memory_space<semaphore_mem>>) src(%arg8 : memref<64x128xf32, #tpu.memory_space<vmem>>) dst(%dma_wait3A_60 : memref<64x128xf32, #tpu.memory_space<vmem_shared>>)
      tpu.yield
    }) : () -> ()
    %add3A_23 = arith.constant 448 : i32
    %add3A_24 = arith.addi %mul3A_8, %add3A_23 : i32
    "tpu.region"() ({
      %run_scoped3A = tpu.sem_alloc : memref<!tpu.dma_semaphore, #tpu.memory_space<semaphore_mem>>
      %dma_start3A = arith.constant 0 : i32
      %dma_start3A_55 = tpu.memref_slice %arg12[%add3A_24, %dma_start3A] : memref<10112x128xf32, #tpu.memory_space<vmem_shared>> -> memref<64x128xf32, #tpu.memory_space<vmem_shared>>
      %dma_start3A_56 = arith.constant 0 : i32
      %dma_start3A_57 = tpu.memref_slice %arg12[%add3A_24, %dma_start3A_56] : memref<10112x128xf32, #tpu.memory_space<vmem_shared>> -> memref<64x128xf32, #tpu.memory_space<vmem_shared>>
      tpu.enqueue_dma source(%arg8 : memref<64x128xf32, #tpu.memory_space<vmem>>) target(%dma_start3A_57 : memref<64x128xf32, #tpu.memory_space<vmem_shared>>) target_semaphore(%run_scoped3A : memref<!tpu.dma_semaphore, #tpu.memory_space<semaphore_mem>>)
      %dma_wait3A = arith.constant 0 : i32
      %dma_wait3A_58 = tpu.memref_slice %arg12[%add3A_24, %dma_wait3A] : memref<10112x128xf32, #tpu.memory_space<vmem_shared>> -> memref<64x128xf32, #tpu.memory_space<vmem_shared>>
      %dma_wait3A_59 = arith.constant 0 : i32
      %dma_wait3A_60 = tpu.memref_slice %arg12[%add3A_24, %dma_wait3A_59] : memref<10112x128xf32, #tpu.memory_space<vmem_shared>> -> memref<64x128xf32, #tpu.memory_space<vmem_shared>>
      tpu.wait_dma2 semaphore(%run_scoped3A : memref<!tpu.dma_semaphore, #tpu.memory_space<semaphore_mem>>) src(%arg8 : memref<64x128xf32, #tpu.memory_space<vmem>>) dst(%dma_wait3A_60 : memref<64x128xf32, #tpu.memory_space<vmem_shared>>)
      tpu.yield
    }) : () -> ()
    %add3A_25 = arith.constant 512 : i32
    %add3A_26 = arith.addi %mul3A_8, %add3A_25 : i32
    "tpu.region"() ({
      %run_scoped3A = tpu.sem_alloc : memref<!tpu.dma_semaphore, #tpu.memory_space<semaphore_mem>>
      %dma_start3A = arith.constant 0 : i32
      %dma_start3A_55 = tpu.memref_slice %arg12[%add3A_26, %dma_start3A] : memref<10112x128xf32, #tpu.memory_space<vmem_shared>> -> memref<64x128xf32, #tpu.memory_space<vmem_shared>>
      %dma_start3A_56 = arith.constant 0 : i32
      %dma_start3A_57 = tpu.memref_slice %arg12[%add3A_26, %dma_start3A_56] : memref<10112x128xf32, #tpu.memory_space<vmem_shared>> -> memref<64x128xf32, #tpu.memory_space<vmem_shared>>
      tpu.enqueue_dma source(%arg8 : memref<64x128xf32, #tpu.memory_space<vmem>>) target(%dma_start3A_57 : memref<64x128xf32, #tpu.memory_space<vmem_shared>>) target_semaphore(%run_scoped3A : memref<!tpu.dma_semaphore, #tpu.memory_space<semaphore_mem>>)
      %dma_wait3A = arith.constant 0 : i32
      %dma_wait3A_58 = tpu.memref_slice %arg12[%add3A_26, %dma_wait3A] : memref<10112x128xf32, #tpu.memory_space<vmem_shared>> -> memref<64x128xf32, #tpu.memory_space<vmem_shared>>
      %dma_wait3A_59 = arith.constant 0 : i32
      %dma_wait3A_60 = tpu.memref_slice %arg12[%add3A_26, %dma_wait3A_59] : memref<10112x128xf32, #tpu.memory_space<vmem_shared>> -> memref<64x128xf32, #tpu.memory_space<vmem_shared>>
      tpu.wait_dma2 semaphore(%run_scoped3A : memref<!tpu.dma_semaphore, #tpu.memory_space<semaphore_mem>>) src(%arg8 : memref<64x128xf32, #tpu.memory_space<vmem>>) dst(%dma_wait3A_60 : memref<64x128xf32, #tpu.memory_space<vmem_shared>>)
      tpu.yield
    }) : () -> ()
    %add3A_27 = arith.constant 576 : i32
    %add3A_28 = arith.addi %mul3A_8, %add3A_27 : i32
    "tpu.region"() ({
      %run_scoped3A = tpu.sem_alloc : memref<!tpu.dma_semaphore, #tpu.memory_space<semaphore_mem>>
      %dma_start3A = arith.constant 0 : i32
      %dma_start3A_55 = arith.constant 0 : i32
      %dma_start3A_56 = tpu.memref_slice %arg8[%dma_start3A, %dma_start3A_55] : memref<64x128xf32, #tpu.memory_space<vmem>> -> memref<56x128xf32, #tpu.memory_space<vmem>>
      %dma_start3A_57 = arith.constant 0 : i32
      %dma_start3A_58 = tpu.memref_slice %arg12[%add3A_28, %dma_start3A_57] : memref<10112x128xf32, #tpu.memory_space<vmem_shared>> -> memref<56x128xf32, #tpu.memory_space<vmem_shared>>
      %dma_start3A_59 = arith.constant 0 : i32
      %dma_start3A_60 = tpu.memref_slice %arg12[%add3A_28, %dma_start3A_59] : memref<10112x128xf32, #tpu.memory_space<vmem_shared>> -> memref<56x128xf32, #tpu.memory_space<vmem_shared>>
      %dma_start3A_61 = arith.constant 0 : i32
      %dma_start3A_62 = arith.constant 0 : i32
      %dma_start3A_63 = tpu.memref_slice %arg8[%dma_start3A_61, %dma_start3A_62] : memref<64x128xf32, #tpu.memory_space<vmem>> -> memref<56x128xf32, #tpu.memory_space<vmem>>
      tpu.enqueue_dma source(%dma_start3A_63 : memref<56x128xf32, #tpu.memory_space<vmem>>) target(%dma_start3A_60 : memref<56x128xf32, #tpu.memory_space<vmem_shared>>) target_semaphore(%run_scoped3A : memref<!tpu.dma_semaphore, #tpu.memory_space<semaphore_mem>>)
      %dma_wait3A = arith.constant 0 : i32
      %dma_wait3A_64 = arith.constant 0 : i32
      %dma_wait3A_65 = tpu.memref_slice %arg8[%dma_wait3A, %dma_wait3A_64] : memref<64x128xf32, #tpu.memory_space<vmem>> -> memref<56x128xf32, #tpu.memory_space<vmem>>
      %dma_wait3A_66 = arith.constant 0 : i32
      %dma_wait3A_67 = tpu.memref_slice %arg12[%add3A_28, %dma_wait3A_66] : memref<10112x128xf32, #tpu.memory_space<vmem_shared>> -> memref<56x128xf32, #tpu.memory_space<vmem_shared>>
      %dma_wait3A_68 = arith.constant 0 : i32
      %dma_wait3A_69 = tpu.memref_slice %arg12[%add3A_28, %dma_wait3A_68] : memref<10112x128xf32, #tpu.memory_space<vmem_shared>> -> memref<56x128xf32, #tpu.memory_space<vmem_shared>>
      %dma_wait3A_70 = arith.constant 0 : i32
      %dma_wait3A_71 = arith.constant 0 : i32
      %dma_wait3A_72 = tpu.memref_slice %arg8[%dma_wait3A_70, %dma_wait3A_71] : memref<64x128xf32, #tpu.memory_space<vmem>> -> memref<56x128xf32, #tpu.memory_space<vmem>>
      tpu.wait_dma2 semaphore(%run_scoped3A : memref<!tpu.dma_semaphore, #tpu.memory_space<semaphore_mem>>) src(%dma_wait3A_72 : memref<56x128xf32, #tpu.memory_space<vmem>>) dst(%dma_wait3A_69 : memref<56x128xf32, #tpu.memory_space<vmem_shared>>)
      tpu.yield
    }) : () -> ()
    %barrier3A = arith.constant 0 : index
    tpu.barrier barrier_id(%barrier3A)
    %eq3A = arith.constant 0 : i32
    %eq3A_29 = arith.cmpi eq, %arg0, %eq3A : i32
    %mul3A_30 = arith.constant 280 : i32
    %mul3A_31 = arith.muli %arg1, %mul3A_30 : i32
    %mul3A_32 = arith.constant 40 : i32
    %mul3A_33 = arith.muli %arg1, %mul3A_32 : i32
    %add3A_34 = arith.constant 4480 : i32
    %add3A_35 = arith.addi %add3A_34, %mul3A_33 : i32
    %select_n3A = arith.select %eq3A_29, %mul3A_31, %add3A_35 : i32
    %eq3A_36 = arith.constant 0 : i32
    %eq3A_37 = arith.cmpi eq, %arg0, %eq3A_36 : i32
    %jit3A = arith.constant 7 : i32
    %jit3A_38 = arith.constant 1 : i32
    %select_n3A_39 = arith.select %eq3A_37, %jit3A, %jit3A_38 : i32
    %while3A = arith.constant 0 : i32
    %while3A_40 = arith.constant 0 : i32
    %while3A_41 = arith.subi %select_n3A_39, %while3A : i32
    %while3A_42 = arith.addi %while3A, %while3A_41 : i32
    %while3A_43 = arith.constant 1 : i32
    %while3A_44 = arith.divsi %while3A_41, %while3A_43 : i32
    %while3A_45 = arith.muli %while3A_44, %while3A_43 : i32
    %while3A_46 = arith.addi %while3A, %while3A_45 : i32
    %while3A_47 = arith.constant 1 : i32
    %while3A_48 = scf.for %while3A_55 = %while3A to %while3A_46 step %while3A_47 iter_args(%while3A_56 = %while3A_40) -> (i32)  : i32 {
      %mul3A_57 = arith.constant 40 : i32
      %mul3A_58 = arith.muli %while3A_55, %mul3A_57 : i32
      %add3A_59 = arith.addi %select_n3A, %mul3A_58 : i32
      "tpu.region"() ({
        %run_scoped3A = tpu.sem_alloc : memref<!tpu.dma_semaphore, #tpu.memory_space<semaphore_mem>>
        %dma_start3A_92 = arith.constant 0 : i32
        %dma_start3A_93 = tpu.memref_slice %arg2[%add3A_59, %dma_start3A_92] : memref<5120x64xi32, #tpu.memory_space<hbm>> -> memref<40x64xi32, #tpu.memory_space<hbm>>
        %dma_start3A_94 = arith.constant 0 : i32
        %dma_start3A_95 = tpu.memref_slice %arg2[%add3A_59, %dma_start3A_94] : memref<5120x64xi32, #tpu.memory_space<hbm>> -> memref<40x64xi32, #tpu.memory_space<hbm>>
        tpu.enqueue_dma source(%dma_start3A_95 : memref<40x64xi32, #tpu.memory_space<hbm>>) target(%arg6 : memref<40x64xi32, #tpu.memory_space<vmem>>) target_semaphore(%run_scoped3A : memref<!tpu.dma_semaphore, #tpu.memory_space<semaphore_mem>>)
        %dma_wait3A_96 = arith.constant 0 : i32
        %dma_wait3A_97 = tpu.memref_slice %arg2[%add3A_59, %dma_wait3A_96] : memref<5120x64xi32, #tpu.memory_space<hbm>> -> memref<40x64xi32, #tpu.memory_space<hbm>>
        %dma_wait3A_98 = arith.constant 0 : i32
        %dma_wait3A_99 = tpu.memref_slice %arg2[%add3A_59, %dma_wait3A_98] : memref<5120x64xi32, #tpu.memory_space<hbm>> -> memref<40x64xi32, #tpu.memory_space<hbm>>
        tpu.wait_dma2 semaphore(%run_scoped3A : memref<!tpu.dma_semaphore, #tpu.memory_space<semaphore_mem>>) src(%dma_wait3A_99 : memref<40x64xi32, #tpu.memory_space<hbm>>) dst(%arg6 : memref<40x64xi32, #tpu.memory_space<vmem>>)
        tpu.yield
      }) : () -> ()
      "tpu.region"() ({
        %run_scoped3A = tpu.sem_alloc : memref<!tpu.dma_semaphore, #tpu.memory_space<semaphore_mem>>
        %dma_start3A_92 = arith.constant 0 : i32
        %dma_start3A_93 = tpu.memref_slice %arg3[%add3A_59, %dma_start3A_92] : memref<5120x64xi32, #tpu.memory_space<hbm>> -> memref<40x64xi32, #tpu.memory_space<hbm>>
        %dma_start3A_94 = arith.constant 0 : i32
        %dma_start3A_95 = tpu.memref_slice %arg3[%add3A_59, %dma_start3A_94] : memref<5120x64xi32, #tpu.memory_space<hbm>> -> memref<40x64xi32, #tpu.memory_space<hbm>>
        tpu.enqueue_dma source(%dma_start3A_95 : memref<40x64xi32, #tpu.memory_space<hbm>>) target(%arg7 : memref<40x64xi32, #tpu.memory_space<vmem>>) target_semaphore(%run_scoped3A : memref<!tpu.dma_semaphore, #tpu.memory_space<semaphore_mem>>)
        %dma_wait3A_96 = arith.constant 0 : i32
        %dma_wait3A_97 = tpu.memref_slice %arg3[%add3A_59, %dma_wait3A_96] : memref<5120x64xi32, #tpu.memory_space<hbm>> -> memref<40x64xi32, #tpu.memory_space<hbm>>
        %dma_wait3A_98 = arith.constant 0 : i32
        %dma_wait3A_99 = tpu.memref_slice %arg3[%add3A_59, %dma_wait3A_98] : memref<5120x64xi32, #tpu.memory_space<hbm>> -> memref<40x64xi32, #tpu.memory_space<hbm>>
        tpu.wait_dma2 semaphore(%run_scoped3A : memref<!tpu.dma_semaphore, #tpu.memory_space<semaphore_mem>>) src(%dma_wait3A_99 : memref<40x64xi32, #tpu.memory_space<hbm>>) dst(%arg7 : memref<40x64xi32, #tpu.memory_space<vmem>>)
        tpu.yield
      }) : () -> ()
      %dma_start3A = arith.constant 0 : i32
      %dma_start3A_60 = arith.constant 0 : i32
      %dma_start3A_61 = tpu.memref_slice %arg6[%dma_start3A, %dma_start3A_60] : memref<40x64xi32, #tpu.memory_space<vmem>> -> memref<1x64xi32, #tpu.memory_space<vmem>>
      %dma_start3A_62 = tpu.memref_squeeze %dma_start3A_61 : memref<1x64xi32, #tpu.memory_space<vmem>> -> memref<64xi32, #tpu.memory_space<vmem>>
      %dma_start3A_63 = arith.constant 0 : i32
      %dma_start3A_64 = arith.constant 0 : i32
      %dma_start3A_65 = tpu.memref_slice %arg4[%dma_start3A_63, %dma_start3A_64] : memref<10000x128xf32, #tpu.memory_space<hbm>> -> memref<10000x128xf32, #tpu.memory_space<hbm>>
      tpu.enqueue_indirect_dma source(%dma_start3A_65 : memref<10000x128xf32, #tpu.memory_space<hbm>>) target(%arg8 : memref<64x128xf32, #tpu.memory_space<vmem>>) offsets(%dma_start3A_62 : memref<64xi32, #tpu.memory_space<vmem>>) semaphore(%arg13 : memref<!tpu.dma_semaphore, #tpu.memory_space<semaphore_mem>>)
      %dma_start3A_66 = arith.constant 1 : i32
      %dma_start3A_67 = arith.constant 0 : i32
      %dma_start3A_68 = tpu.memref_slice %arg6[%dma_start3A_66, %dma_start3A_67] : memref<40x64xi32, #tpu.memory_space<vmem>> -> memref<1x64xi32, #tpu.memory_space<vmem>>
      %dma_start3A_69 = tpu.memref_squeeze %dma_start3A_68 : memref<1x64xi32, #tpu.memory_space<vmem>> -> memref<64xi32, #tpu.memory_space<vmem>>
      %dma_start3A_70 = arith.constant 0 : i32
      %dma_start3A_71 = arith.constant 0 : i32
      %dma_start3A_72 = tpu.memref_slice %arg4[%dma_start3A_70, %dma_start3A_71] : memref<10000x128xf32, #tpu.memory_space<hbm>> -> memref<10000x128xf32, #tpu.memory_space<hbm>>
      tpu.enqueue_indirect_dma source(%dma_start3A_72 : memref<10000x128xf32, #tpu.memory_space<hbm>>) target(%arg9 : memref<64x128xf32, #tpu.memory_space<vmem>>) offsets(%dma_start3A_69 : memref<64xi32, #tpu.memory_space<vmem>>) semaphore(%arg14 : memref<!tpu.dma_semaphore, #tpu.memory_space<semaphore_mem>>)
      %scan3A_73 = arith.constant 0 : i32
      %scan3A_74 = arith.constant 0 : i32
      %scan3A_75 = arith.constant 40 : i32
      %scan3A_76 = arith.addi %scan3A_74, %scan3A_75 : i32
      %scan3A_77 = arith.constant 1 : i32
      %scan3A_78 = scf.for %scan3A_92 = %scan3A_74 to %scan3A_76 step %scan3A_77 iter_args(%scan3A_93 = %scan3A_73) -> (i32)  : i32 {
        %rem3A = arith.constant 4 : i32
        %rem3A_94 = arith.remsi %scan3A_92, %rem3A : i32
        %eq3A_95 = arith.constant 0 : i32
        %eq3A_96 = arith.cmpi eq, %rem3A_94, %eq3A_95 : i32
        %convert_element_type3A = arith.extui %eq3A_96 : i1 to i32
        %cond3A = arith.constant 0 : i32
        %cond3A_97 = arith.cmpi ne, %convert_element_type3A, %cond3A : i32
        scf.if %cond3A_97 {
          %dma_wait3A_120 = arith.constant 0 : i32
          %dma_wait3A_121 = arith.constant 0 : i32
          %dma_wait3A_122 = tpu.memref_slice %arg4[%dma_wait3A_120, %dma_wait3A_121] : memref<10000x128xf32, #tpu.memory_space<hbm>> -> memref<64x128xf32, #tpu.memory_space<hbm>>
          %dma_wait3A_123 = arith.constant 0 : i32
          %dma_wait3A_124 = arith.constant 0 : i32
          %dma_wait3A_125 = tpu.memref_slice %arg4[%dma_wait3A_123, %dma_wait3A_124] : memref<10000x128xf32, #tpu.memory_space<hbm>> -> memref<64x128xf32, #tpu.memory_space<hbm>>
          tpu.wait_dma2 semaphore(%arg13 : memref<!tpu.dma_semaphore, #tpu.memory_space<semaphore_mem>>) src(%dma_wait3A_125 : memref<64x128xf32, #tpu.memory_space<hbm>>) dst(%arg8 : memref<64x128xf32, #tpu.memory_space<vmem>>)
          %ge3A = arith.constant 2 : i32
          %ge3A_126 = arith.cmpi sge, %scan3A_92, %ge3A : i32
          %convert_element_type3A_127 = arith.extui %ge3A_126 : i1 to i32
          %cond3A_128 = arith.constant 0 : i32
          %cond3A_129 = arith.cmpi ne, %convert_element_type3A_127, %cond3A_128 : i32
          scf.if %cond3A_129 {
            %dma_wait3A_142 = arith.constant 0 : i32
            %dma_wait3A_143 = arith.constant 0 : i32
            %dma_wait3A_144 = tpu.memref_slice %arg12[%dma_wait3A_142, %dma_wait3A_143] : memref<10112x128xf32, #tpu.memory_space<vmem_shared>> -> memref<64x128xf32, #tpu.memory_space<vmem_shared>>
            %dma_wait3A_145 = arith.constant 0 : i32
            %dma_wait3A_146 = arith.constant 0 : i32
            %dma_wait3A_147 = tpu.memref_slice %arg12[%dma_wait3A_145, %dma_wait3A_146] : memref<10112x128xf32, #tpu.memory_space<vmem_shared>> -> memref<64x128xf32, #tpu.memory_space<vmem_shared>>
            tpu.wait_dma2 semaphore(%arg19 : memref<!tpu.dma_semaphore, #tpu.memory_space<semaphore_mem>>) src(%arg10 : memref<64x128xf32, #tpu.memory_space<vmem>>) dst(%dma_wait3A_147 : memref<64x128xf32, #tpu.memory_space<vmem_shared>>)
          } else {
          }
          %add3A_130 = arith.constant 2 : i32
          %add3A_131 = arith.addi %scan3A_92, %add3A_130 : i32
          %lt3A = arith.constant 40 : i32
          %lt3A_132 = arith.cmpi slt, %add3A_131, %lt3A : i32
          %convert_element_type3A_133 = arith.extui %lt3A_132 : i1 to i32
          %cond3A_134 = arith.constant 0 : i32
          %cond3A_135 = arith.cmpi ne, %convert_element_type3A_133, %cond3A_134 : i32
          scf.if %cond3A_135 {
            %add3A_142 = arith.constant 2 : i32
            %add3A_143 = arith.addi %scan3A_92, %add3A_142 : i32
            %dma_start3A_144 = arith.constant 0 : i32
            %dma_start3A_145 = tpu.memref_slice %arg6[%add3A_143, %dma_start3A_144] : memref<40x64xi32, #tpu.memory_space<vmem>> -> memref<1x64xi32, #tpu.memory_space<vmem>>
            %dma_start3A_146 = tpu.memref_squeeze %dma_start3A_145 : memref<1x64xi32, #tpu.memory_space<vmem>> -> memref<64xi32, #tpu.memory_space<vmem>>
            %dma_start3A_147 = arith.constant 0 : i32
            %dma_start3A_148 = arith.constant 0 : i32
            %dma_start3A_149 = tpu.memref_slice %arg4[%dma_start3A_147, %dma_start3A_148] : memref<10000x128xf32, #tpu.memory_space<hbm>> -> memref<10000x128xf32, #tpu.memory_space<hbm>>
            tpu.enqueue_indirect_dma source(%dma_start3A_149 : memref<10000x128xf32, #tpu.memory_space<hbm>>) target(%arg10 : memref<64x128xf32, #tpu.memory_space<vmem>>) offsets(%dma_start3A_146 : memref<64xi32, #tpu.memory_space<vmem>>) semaphore(%arg15 : memref<!tpu.dma_semaphore, #tpu.memory_space<semaphore_mem>>)
          } else {
          }
          %dma_start3A_136 = arith.constant 0 : i32
          %dma_start3A_137 = tpu.memref_slice %arg7[%scan3A_92, %dma_start3A_136] : memref<40x64xi32, #tpu.memory_space<vmem>> -> memref<1x64xi32, #tpu.memory_space<vmem>>
          %dma_start3A_138 = tpu.memref_squeeze %dma_start3A_137 : memref<1x64xi32, #tpu.memory_space<vmem>> -> memref<64xi32, #tpu.memory_space<vmem>>
          %dma_start3A_139 = arith.constant 0 : i32
          %dma_start3A_140 = arith.constant 0 : i32
          %dma_start3A_141 = tpu.memref_slice %arg12[%dma_start3A_139, %dma_start3A_140] : memref<10112x128xf32, #tpu.memory_space<vmem_shared>> -> memref<10112x128xf32, #tpu.memory_space<vmem_shared>>
          tpu.enqueue_indirect_dma source(%arg8 : memref<64x128xf32, #tpu.memory_space<vmem>>) target(%dma_start3A_141 : memref<10112x128xf32, #tpu.memory_space<vmem_shared>>) offsets(%dma_start3A_138 : memref<64xi32, #tpu.memory_space<vmem>>) semaphore(%arg17 : memref<!tpu.dma_semaphore, #tpu.memory_space<semaphore_mem>>) {add = true}
        } else {
        }
        %rem3A_98 = arith.constant 4 : i32
        %rem3A_99 = arith.remsi %scan3A_92, %rem3A_98 : i32
        %eq3A_100 = arith.constant 1 : i32
        %eq3A_101 = arith.cmpi eq, %rem3A_99, %eq3A_100 : i32
        %convert_element_type3A_102 = arith.extui %eq3A_101 : i1 to i32
        %cond3A_103 = arith.constant 0 : i32
        %cond3A_104 = arith.cmpi ne, %convert_element_type3A_102, %cond3A_103 : i32
        scf.if %cond3A_104 {
          %dma_wait3A_120 = arith.constant 0 : i32
          %dma_wait3A_121 = arith.constant 0 : i32
          %dma_wait3A_122 = tpu.memref_slice %arg4[%dma_wait3A_120, %dma_wait3A_121] : memref<10000x128xf32, #tpu.memory_space<hbm>> -> memref<64x128xf32, #tpu.memory_space<hbm>>
          %dma_wait3A_123 = arith.constant 0 : i32
          %dma_wait3A_124 = arith.constant 0 : i32
          %dma_wait3A_125 = tpu.memref_slice %arg4[%dma_wait3A_123, %dma_wait3A_124] : memref<10000x128xf32, #tpu.memory_space<hbm>> -> memref<64x128xf32, #tpu.memory_space<hbm>>
          tpu.wait_dma2 semaphore(%arg14 : memref<!tpu.dma_semaphore, #tpu.memory_space<semaphore_mem>>) src(%dma_wait3A_125 : memref<64x128xf32, #tpu.memory_space<hbm>>) dst(%arg9 : memref<64x128xf32, #tpu.memory_space<vmem>>)
          %ge3A = arith.constant 2 : i32
          %ge3A_126 = arith.cmpi sge, %scan3A_92, %ge3A : i32
          %convert_element_type3A_127 = arith.extui %ge3A_126 : i1 to i32
          %cond3A_128 = arith.constant 0 : i32
          %cond3A_129 = arith.cmpi ne, %convert_element_type3A_127, %cond3A_128 : i32
          scf.if %cond3A_129 {
            %dma_wait3A_142 = arith.constant 0 : i32
            %dma_wait3A_143 = arith.constant 0 : i32
            %dma_wait3A_144 = tpu.memref_slice %arg12[%dma_wait3A_142, %dma_wait3A_143] : memref<10112x128xf32, #tpu.memory_space<vmem_shared>> -> memref<64x128xf32, #tpu.memory_space<vmem_shared>>
            %dma_wait3A_145 = arith.constant 0 : i32
            %dma_wait3A_146 = arith.constant 0 : i32
            %dma_wait3A_147 = tpu.memref_slice %arg12[%dma_wait3A_145, %dma_wait3A_146] : memref<10112x128xf32, #tpu.memory_space<vmem_shared>> -> memref<64x128xf32, #tpu.memory_space<vmem_shared>>
            tpu.wait_dma2 semaphore(%arg20 : memref<!tpu.dma_semaphore, #tpu.memory_space<semaphore_mem>>) src(%arg11 : memref<64x128xf32, #tpu.memory_space<vmem>>) dst(%dma_wait3A_147 : memref<64x128xf32, #tpu.memory_space<vmem_shared>>)
          } else {
          }
          %add3A_130 = arith.constant 2 : i32
          %add3A_131 = arith.addi %scan3A_92, %add3A_130 : i32
          %lt3A = arith.constant 40 : i32
          %lt3A_132 = arith.cmpi slt, %add3A_131, %lt3A : i32
          %convert_element_type3A_133 = arith.extui %lt3A_132 : i1 to i32
          %cond3A_134 = arith.constant 0 : i32
          %cond3A_135 = arith.cmpi ne, %convert_element_type3A_133, %cond3A_134 : i32
          scf.if %cond3A_135 {
            %add3A_142 = arith.constant 2 : i32
            %add3A_143 = arith.addi %scan3A_92, %add3A_142 : i32
            %dma_start3A_144 = arith.constant 0 : i32
            %dma_start3A_145 = tpu.memref_slice %arg6[%add3A_143, %dma_start3A_144] : memref<40x64xi32, #tpu.memory_space<vmem>> -> memref<1x64xi32, #tpu.memory_space<vmem>>
            %dma_start3A_146 = tpu.memref_squeeze %dma_start3A_145 : memref<1x64xi32, #tpu.memory_space<vmem>> -> memref<64xi32, #tpu.memory_space<vmem>>
            %dma_start3A_147 = arith.constant 0 : i32
            %dma_start3A_148 = arith.constant 0 : i32
            %dma_start3A_149 = tpu.memref_slice %arg4[%dma_start3A_147, %dma_start3A_148] : memref<10000x128xf32, #tpu.memory_space<hbm>> -> memref<10000x128xf32, #tpu.memory_space<hbm>>
            tpu.enqueue_indirect_dma source(%dma_start3A_149 : memref<10000x128xf32, #tpu.memory_space<hbm>>) target(%arg11 : memref<64x128xf32, #tpu.memory_space<vmem>>) offsets(%dma_start3A_146 : memref<64xi32, #tpu.memory_space<vmem>>) semaphore(%arg16 : memref<!tpu.dma_semaphore, #tpu.memory_space<semaphore_mem>>)
          } else {
          }
          %dma_start3A_136 = arith.constant 0 : i32
          %dma_start3A_137 = tpu.memref_slice %arg7[%scan3A_92, %dma_start3A_136] : memref<40x64xi32, #tpu.memory_space<vmem>> -> memref<1x64xi32, #tpu.memory_space<vmem>>
          %dma_start3A_138 = tpu.memref_squeeze %dma_start3A_137 : memref<1x64xi32, #tpu.memory_space<vmem>> -> memref<64xi32, #tpu.memory_space<vmem>>
          %dma_start3A_139 = arith.constant 0 : i32
          %dma_start3A_140 = arith.constant 0 : i32
          %dma_start3A_141 = tpu.memref_slice %arg12[%dma_start3A_139, %dma_start3A_140] : memref<10112x128xf32, #tpu.memory_space<vmem_shared>> -> memref<10112x128xf32, #tpu.memory_space<vmem_shared>>
          tpu.enqueue_indirect_dma source(%arg9 : memref<64x128xf32, #tpu.memory_space<vmem>>) target(%dma_start3A_141 : memref<10112x128xf32, #tpu.memory_space<vmem_shared>>) offsets(%dma_start3A_138 : memref<64xi32, #tpu.memory_space<vmem>>) semaphore(%arg18 : memref<!tpu.dma_semaphore, #tpu.memory_space<semaphore_mem>>) {add = true}
        } else {
        }
        %rem3A_105 = arith.constant 4 : i32
        %rem3A_106 = arith.remsi %scan3A_92, %rem3A_105 : i32
        %eq3A_107 = arith.constant 2 : i32
        %eq3A_108 = arith.cmpi eq, %rem3A_106, %eq3A_107 : i32
        %convert_element_type3A_109 = arith.extui %eq3A_108 : i1 to i32
        %cond3A_110 = arith.constant 0 : i32
        %cond3A_111 = arith.cmpi ne, %convert_element_type3A_109, %cond3A_110 : i32
        scf.if %cond3A_111 {
          %dma_wait3A_120 = arith.constant 0 : i32
          %dma_wait3A_121 = arith.constant 0 : i32
          %dma_wait3A_122 = tpu.memref_slice %arg4[%dma_wait3A_120, %dma_wait3A_121] : memref<10000x128xf32, #tpu.memory_space<hbm>> -> memref<64x128xf32, #tpu.memory_space<hbm>>
          %dma_wait3A_123 = arith.constant 0 : i32
          %dma_wait3A_124 = arith.constant 0 : i32
          %dma_wait3A_125 = tpu.memref_slice %arg4[%dma_wait3A_123, %dma_wait3A_124] : memref<10000x128xf32, #tpu.memory_space<hbm>> -> memref<64x128xf32, #tpu.memory_space<hbm>>
          tpu.wait_dma2 semaphore(%arg15 : memref<!tpu.dma_semaphore, #tpu.memory_space<semaphore_mem>>) src(%dma_wait3A_125 : memref<64x128xf32, #tpu.memory_space<hbm>>) dst(%arg10 : memref<64x128xf32, #tpu.memory_space<vmem>>)
          %ge3A = arith.constant 2 : i32
          %ge3A_126 = arith.cmpi sge, %scan3A_92, %ge3A : i32
          %convert_element_type3A_127 = arith.extui %ge3A_126 : i1 to i32
          %cond3A_128 = arith.constant 0 : i32
          %cond3A_129 = arith.cmpi ne, %convert_element_type3A_127, %cond3A_128 : i32
          scf.if %cond3A_129 {
            %dma_wait3A_142 = arith.constant 0 : i32
            %dma_wait3A_143 = arith.constant 0 : i32
            %dma_wait3A_144 = tpu.memref_slice %arg12[%dma_wait3A_142, %dma_wait3A_143] : memref<10112x128xf32, #tpu.memory_space<vmem_shared>> -> memref<64x128xf32, #tpu.memory_space<vmem_shared>>
            %dma_wait3A_145 = arith.constant 0 : i32
            %dma_wait3A_146 = arith.constant 0 : i32
            %dma_wait3A_147 = tpu.memref_slice %arg12[%dma_wait3A_145, %dma_wait3A_146] : memref<10112x128xf32, #tpu.memory_space<vmem_shared>> -> memref<64x128xf32, #tpu.memory_space<vmem_shared>>
            tpu.wait_dma2 semaphore(%arg17 : memref<!tpu.dma_semaphore, #tpu.memory_space<semaphore_mem>>) src(%arg8 : memref<64x128xf32, #tpu.memory_space<vmem>>) dst(%dma_wait3A_147 : memref<64x128xf32, #tpu.memory_space<vmem_shared>>)
          } else {
          }
          %add3A_130 = arith.constant 2 : i32
          %add3A_131 = arith.addi %scan3A_92, %add3A_130 : i32
          %lt3A = arith.constant 40 : i32
          %lt3A_132 = arith.cmpi slt, %add3A_131, %lt3A : i32
          %convert_element_type3A_133 = arith.extui %lt3A_132 : i1 to i32
          %cond3A_134 = arith.constant 0 : i32
          %cond3A_135 = arith.cmpi ne, %convert_element_type3A_133, %cond3A_134 : i32
          scf.if %cond3A_135 {
            %add3A_142 = arith.constant 2 : i32
            %add3A_143 = arith.addi %scan3A_92, %add3A_142 : i32
            %dma_start3A_144 = arith.constant 0 : i32
            %dma_start3A_145 = tpu.memref_slice %arg6[%add3A_143, %dma_start3A_144] : memref<40x64xi32, #tpu.memory_space<vmem>> -> memref<1x64xi32, #tpu.memory_space<vmem>>
            %dma_start3A_146 = tpu.memref_squeeze %dma_start3A_145 : memref<1x64xi32, #tpu.memory_space<vmem>> -> memref<64xi32, #tpu.memory_space<vmem>>
            %dma_start3A_147 = arith.constant 0 : i32
            %dma_start3A_148 = arith.constant 0 : i32
            %dma_start3A_149 = tpu.memref_slice %arg4[%dma_start3A_147, %dma_start3A_148] : memref<10000x128xf32, #tpu.memory_space<hbm>> -> memref<10000x128xf32, #tpu.memory_space<hbm>>
            tpu.enqueue_indirect_dma source(%dma_start3A_149 : memref<10000x128xf32, #tpu.memory_space<hbm>>) target(%arg8 : memref<64x128xf32, #tpu.memory_space<vmem>>) offsets(%dma_start3A_146 : memref<64xi32, #tpu.memory_space<vmem>>) semaphore(%arg13 : memref<!tpu.dma_semaphore, #tpu.memory_space<semaphore_mem>>)
          } else {
          }
          %dma_start3A_136 = arith.constant 0 : i32
          %dma_start3A_137 = tpu.memref_slice %arg7[%scan3A_92, %dma_start3A_136] : memref<40x64xi32, #tpu.memory_space<vmem>> -> memref<1x64xi32, #tpu.memory_space<vmem>>
          %dma_start3A_138 = tpu.memref_squeeze %dma_start3A_137 : memref<1x64xi32, #tpu.memory_space<vmem>> -> memref<64xi32, #tpu.memory_space<vmem>>
          %dma_start3A_139 = arith.constant 0 : i32
          %dma_start3A_140 = arith.constant 0 : i32
          %dma_start3A_141 = tpu.memref_slice %arg12[%dma_start3A_139, %dma_start3A_140] : memref<10112x128xf32, #tpu.memory_space<vmem_shared>> -> memref<10112x128xf32, #tpu.memory_space<vmem_shared>>
          tpu.enqueue_indirect_dma source(%arg10 : memref<64x128xf32, #tpu.memory_space<vmem>>) target(%dma_start3A_141 : memref<10112x128xf32, #tpu.memory_space<vmem_shared>>) offsets(%dma_start3A_138 : memref<64xi32, #tpu.memory_space<vmem>>) semaphore(%arg19 : memref<!tpu.dma_semaphore, #tpu.memory_space<semaphore_mem>>) {add = true}
        } else {
        }
        %rem3A_112 = arith.constant 4 : i32
        %rem3A_113 = arith.remsi %scan3A_92, %rem3A_112 : i32
        %eq3A_114 = arith.constant 3 : i32
        %eq3A_115 = arith.cmpi eq, %rem3A_113, %eq3A_114 : i32
        %convert_element_type3A_116 = arith.extui %eq3A_115 : i1 to i32
        %cond3A_117 = arith.constant 0 : i32
        %cond3A_118 = arith.cmpi ne, %convert_element_type3A_116, %cond3A_117 : i32
        scf.if %cond3A_118 {
          %dma_wait3A_120 = arith.constant 0 : i32
          %dma_wait3A_121 = arith.constant 0 : i32
          %dma_wait3A_122 = tpu.memref_slice %arg4[%dma_wait3A_120, %dma_wait3A_121] : memref<10000x128xf32, #tpu.memory_space<hbm>> -> memref<64x128xf32, #tpu.memory_space<hbm>>
          %dma_wait3A_123 = arith.constant 0 : i32
          %dma_wait3A_124 = arith.constant 0 : i32
          %dma_wait3A_125 = tpu.memref_slice %arg4[%dma_wait3A_123, %dma_wait3A_124] : memref<10000x128xf32, #tpu.memory_space<hbm>> -> memref<64x128xf32, #tpu.memory_space<hbm>>
          tpu.wait_dma2 semaphore(%arg16 : memref<!tpu.dma_semaphore, #tpu.memory_space<semaphore_mem>>) src(%dma_wait3A_125 : memref<64x128xf32, #tpu.memory_space<hbm>>) dst(%arg11 : memref<64x128xf32, #tpu.memory_space<vmem>>)
          %ge3A = arith.constant 2 : i32
          %ge3A_126 = arith.cmpi sge, %scan3A_92, %ge3A : i32
          %convert_element_type3A_127 = arith.extui %ge3A_126 : i1 to i32
          %cond3A_128 = arith.constant 0 : i32
          %cond3A_129 = arith.cmpi ne, %convert_element_type3A_127, %cond3A_128 : i32
          scf.if %cond3A_129 {
            %dma_wait3A_142 = arith.constant 0 : i32
            %dma_wait3A_143 = arith.constant 0 : i32
            %dma_wait3A_144 = tpu.memref_slice %arg12[%dma_wait3A_142, %dma_wait3A_143] : memref<10112x128xf32, #tpu.memory_space<vmem_shared>> -> memref<64x128xf32, #tpu.memory_space<vmem_shared>>
            %dma_wait3A_145 = arith.constant 0 : i32
            %dma_wait3A_146 = arith.constant 0 : i32
            %dma_wait3A_147 = tpu.memref_slice %arg12[%dma_wait3A_145, %dma_wait3A_146] : memref<10112x128xf32, #tpu.memory_space<vmem_shared>> -> memref<64x128xf32, #tpu.memory_space<vmem_shared>>
            tpu.wait_dma2 semaphore(%arg18 : memref<!tpu.dma_semaphore, #tpu.memory_space<semaphore_mem>>) src(%arg9 : memref<64x128xf32, #tpu.memory_space<vmem>>) dst(%dma_wait3A_147 : memref<64x128xf32, #tpu.memory_space<vmem_shared>>)
          } else {
          }
          %add3A_130 = arith.constant 2 : i32
          %add3A_131 = arith.addi %scan3A_92, %add3A_130 : i32
          %lt3A = arith.constant 40 : i32
          %lt3A_132 = arith.cmpi slt, %add3A_131, %lt3A : i32
          %convert_element_type3A_133 = arith.extui %lt3A_132 : i1 to i32
          %cond3A_134 = arith.constant 0 : i32
          %cond3A_135 = arith.cmpi ne, %convert_element_type3A_133, %cond3A_134 : i32
          scf.if %cond3A_135 {
            %add3A_142 = arith.constant 2 : i32
            %add3A_143 = arith.addi %scan3A_92, %add3A_142 : i32
            %dma_start3A_144 = arith.constant 0 : i32
            %dma_start3A_145 = tpu.memref_slice %arg6[%add3A_143, %dma_start3A_144] : memref<40x64xi32, #tpu.memory_space<vmem>> -> memref<1x64xi32, #tpu.memory_space<vmem>>
            %dma_start3A_146 = tpu.memref_squeeze %dma_start3A_145 : memref<1x64xi32, #tpu.memory_space<vmem>> -> memref<64xi32, #tpu.memory_space<vmem>>
            %dma_start3A_147 = arith.constant 0 : i32
            %dma_start3A_148 = arith.constant 0 : i32
            %dma_start3A_149 = tpu.memref_slice %arg4[%dma_start3A_147, %dma_start3A_148] : memref<10000x128xf32, #tpu.memory_space<hbm>> -> memref<10000x128xf32, #tpu.memory_space<hbm>>
            tpu.enqueue_indirect_dma source(%dma_start3A_149 : memref<10000x128xf32, #tpu.memory_space<hbm>>) target(%arg9 : memref<64x128xf32, #tpu.memory_space<vmem>>) offsets(%dma_start3A_146 : memref<64xi32, #tpu.memory_space<vmem>>) semaphore(%arg14 : memref<!tpu.dma_semaphore, #tpu.memory_space<semaphore_mem>>)
          } else {
          }
          %dma_start3A_136 = arith.constant 0 : i32
          %dma_start3A_137 = tpu.memref_slice %arg7[%scan3A_92, %dma_start3A_136] : memref<40x64xi32, #tpu.memory_space<vmem>> -> memref<1x64xi32, #tpu.memory_space<vmem>>
          %dma_start3A_138 = tpu.memref_squeeze %dma_start3A_137 : memref<1x64xi32, #tpu.memory_space<vmem>> -> memref<64xi32, #tpu.memory_space<vmem>>
          %dma_start3A_139 = arith.constant 0 : i32
          %dma_start3A_140 = arith.constant 0 : i32
          %dma_start3A_141 = tpu.memref_slice %arg12[%dma_start3A_139, %dma_start3A_140] : memref<10112x128xf32, #tpu.memory_space<vmem_shared>> -> memref<10112x128xf32, #tpu.memory_space<vmem_shared>>
          tpu.enqueue_indirect_dma source(%arg11 : memref<64x128xf32, #tpu.memory_space<vmem>>) target(%dma_start3A_141 : memref<10112x128xf32, #tpu.memory_space<vmem_shared>>) offsets(%dma_start3A_138 : memref<64xi32, #tpu.memory_space<vmem>>) semaphore(%arg20 : memref<!tpu.dma_semaphore, #tpu.memory_space<semaphore_mem>>) {add = true}
        } else {
        }
        %scan3A_119 = arith.constant 0 : i32
        scf.yield %scan3A_119 : i32
      }
      %scan3A_79 = arith.constant 40 : i32
      %dma_wait3A = arith.constant 0 : i32
      %dma_wait3A_80 = arith.constant 0 : i32
      %dma_wait3A_81 = tpu.memref_slice %arg12[%dma_wait3A, %dma_wait3A_80] : memref<10112x128xf32, #tpu.memory_space<vmem_shared>> -> memref<64x128xf32, #tpu.memory_space<vmem_shared>>
      %dma_wait3A_82 = arith.constant 0 : i32
      %dma_wait3A_83 = arith.constant 0 : i32
      %dma_wait3A_84 = tpu.memref_slice %arg12[%dma_wait3A_82, %dma_wait3A_83] : memref<10112x128xf32, #tpu.memory_space<vmem_shared>> -> memref<64x128xf32, #tpu.memory_space<vmem_shared>>
      tpu.wait_dma2 semaphore(%arg19 : memref<!tpu.dma_semaphore, #tpu.memory_space<semaphore_mem>>) src(%arg10 : memref<64x128xf32, #tpu.memory_space<vmem>>) dst(%dma_wait3A_84 : memref<64x128xf32, #tpu.memory_space<vmem_shared>>)
      %dma_wait3A_85 = arith.constant 0 : i32
      %dma_wait3A_86 = arith.constant 0 : i32
      %dma_wait3A_87 = tpu.memref_slice %arg12[%dma_wait3A_85, %dma_wait3A_86] : memref<10112x128xf32, #tpu.memory_space<vmem_shared>> -> memref<64x128xf32, #tpu.memory_space<vmem_shared>>
      %dma_wait3A_88 = arith.constant 0 : i32
      %dma_wait3A_89 = arith.constant 0 : i32
      %dma_wait3A_90 = tpu.memref_slice %arg12[%dma_wait3A_88, %dma_wait3A_89] : memref<10112x128xf32, #tpu.memory_space<vmem_shared>> -> memref<64x128xf32, #tpu.memory_space<vmem_shared>>
      tpu.wait_dma2 semaphore(%arg20 : memref<!tpu.dma_semaphore, #tpu.memory_space<semaphore_mem>>) src(%arg11 : memref<64x128xf32, #tpu.memory_space<vmem>>) dst(%dma_wait3A_90 : memref<64x128xf32, #tpu.memory_space<vmem_shared>>)
      %while3A_91 = arith.constant 0 : i32
      scf.yield %while3A_91 : i32
    }
    %while3A_49 = arith.constant 1 : i32
    %while3A_50 = scf.for %while3A_55 = %while3A_46 to %while3A_42 step %while3A_49 iter_args(%while3A_56 = %while3A_48) -> (i32)  : i32 {
      %mul3A_57 = arith.constant 40 : i32
      %mul3A_58 = arith.muli %while3A_55, %mul3A_57 : i32
      %add3A_59 = arith.addi %select_n3A, %mul3A_58 : i32
      "tpu.region"() ({
        %run_scoped3A = tpu.sem_alloc : memref<!tpu.dma_semaphore, #tpu.memory_space<semaphore_mem>>
        %dma_start3A_92 = arith.constant 0 : i32
        %dma_start3A_93 = tpu.memref_slice %arg2[%add3A_59, %dma_start3A_92] : memref<5120x64xi32, #tpu.memory_space<hbm>> -> memref<40x64xi32, #tpu.memory_space<hbm>>
        %dma_start3A_94 = arith.constant 0 : i32
        %dma_start3A_95 = tpu.memref_slice %arg2[%add3A_59, %dma_start3A_94] : memref<5120x64xi32, #tpu.memory_space<hbm>> -> memref<40x64xi32, #tpu.memory_space<hbm>>
        tpu.enqueue_dma source(%dma_start3A_95 : memref<40x64xi32, #tpu.memory_space<hbm>>) target(%arg6 : memref<40x64xi32, #tpu.memory_space<vmem>>) target_semaphore(%run_scoped3A : memref<!tpu.dma_semaphore, #tpu.memory_space<semaphore_mem>>)
        %dma_wait3A_96 = arith.constant 0 : i32
        %dma_wait3A_97 = tpu.memref_slice %arg2[%add3A_59, %dma_wait3A_96] : memref<5120x64xi32, #tpu.memory_space<hbm>> -> memref<40x64xi32, #tpu.memory_space<hbm>>
        %dma_wait3A_98 = arith.constant 0 : i32
        %dma_wait3A_99 = tpu.memref_slice %arg2[%add3A_59, %dma_wait3A_98] : memref<5120x64xi32, #tpu.memory_space<hbm>> -> memref<40x64xi32, #tpu.memory_space<hbm>>
        tpu.wait_dma2 semaphore(%run_scoped3A : memref<!tpu.dma_semaphore, #tpu.memory_space<semaphore_mem>>) src(%dma_wait3A_99 : memref<40x64xi32, #tpu.memory_space<hbm>>) dst(%arg6 : memref<40x64xi32, #tpu.memory_space<vmem>>)
        tpu.yield
      }) : () -> ()
      "tpu.region"() ({
        %run_scoped3A = tpu.sem_alloc : memref<!tpu.dma_semaphore, #tpu.memory_space<semaphore_mem>>
        %dma_start3A_92 = arith.constant 0 : i32
        %dma_start3A_93 = tpu.memref_slice %arg3[%add3A_59, %dma_start3A_92] : memref<5120x64xi32, #tpu.memory_space<hbm>> -> memref<40x64xi32, #tpu.memory_space<hbm>>
        %dma_start3A_94 = arith.constant 0 : i32
        %dma_start3A_95 = tpu.memref_slice %arg3[%add3A_59, %dma_start3A_94] : memref<5120x64xi32, #tpu.memory_space<hbm>> -> memref<40x64xi32, #tpu.memory_space<hbm>>
        tpu.enqueue_dma source(%dma_start3A_95 : memref<40x64xi32, #tpu.memory_space<hbm>>) target(%arg7 : memref<40x64xi32, #tpu.memory_space<vmem>>) target_semaphore(%run_scoped3A : memref<!tpu.dma_semaphore, #tpu.memory_space<semaphore_mem>>)
        %dma_wait3A_96 = arith.constant 0 : i32
        %dma_wait3A_97 = tpu.memref_slice %arg3[%add3A_59, %dma_wait3A_96] : memref<5120x64xi32, #tpu.memory_space<hbm>> -> memref<40x64xi32, #tpu.memory_space<hbm>>
        %dma_wait3A_98 = arith.constant 0 : i32
        %dma_wait3A_99 = tpu.memref_slice %arg3[%add3A_59, %dma_wait3A_98] : memref<5120x64xi32, #tpu.memory_space<hbm>> -> memref<40x64xi32, #tpu.memory_space<hbm>>
        tpu.wait_dma2 semaphore(%run_scoped3A : memref<!tpu.dma_semaphore, #tpu.memory_space<semaphore_mem>>) src(%dma_wait3A_99 : memref<40x64xi32, #tpu.memory_space<hbm>>) dst(%arg7 : memref<40x64xi32, #tpu.memory_space<vmem>>)
        tpu.yield
      }) : () -> ()
      %dma_start3A = arith.constant 0 : i32
      %dma_start3A_60 = arith.constant 0 : i32
      %dma_start3A_61 = tpu.memref_slice %arg6[%dma_start3A, %dma_start3A_60] : memref<40x64xi32, #tpu.memory_space<vmem>> -> memref<1x64xi32, #tpu.memory_space<vmem>>
      %dma_start3A_62 = tpu.memref_squeeze %dma_start3A_61 : memref<1x64xi32, #tpu.memory_space<vmem>> -> memref<64xi32, #tpu.memory_space<vmem>>
      %dma_start3A_63 = arith.constant 0 : i32
      %dma_start3A_64 = arith.constant 0 : i32
      %dma_start3A_65 = tpu.memref_slice %arg4[%dma_start3A_63, %dma_start3A_64] : memref<10000x128xf32, #tpu.memory_space<hbm>> -> memref<10000x128xf32, #tpu.memory_space<hbm>>
      tpu.enqueue_indirect_dma source(%dma_start3A_65 : memref<10000x128xf32, #tpu.memory_space<hbm>>) target(%arg8 : memref<64x128xf32, #tpu.memory_space<vmem>>) offsets(%dma_start3A_62 : memref<64xi32, #tpu.memory_space<vmem>>) semaphore(%arg13 : memref<!tpu.dma_semaphore, #tpu.memory_space<semaphore_mem>>)
      %dma_start3A_66 = arith.constant 1 : i32
      %dma_start3A_67 = arith.constant 0 : i32
      %dma_start3A_68 = tpu.memref_slice %arg6[%dma_start3A_66, %dma_start3A_67] : memref<40x64xi32, #tpu.memory_space<vmem>> -> memref<1x64xi32, #tpu.memory_space<vmem>>
      %dma_start3A_69 = tpu.memref_squeeze %dma_start3A_68 : memref<1x64xi32, #tpu.memory_space<vmem>> -> memref<64xi32, #tpu.memory_space<vmem>>
      %dma_start3A_70 = arith.constant 0 : i32
      %dma_start3A_71 = arith.constant 0 : i32
      %dma_start3A_72 = tpu.memref_slice %arg4[%dma_start3A_70, %dma_start3A_71] : memref<10000x128xf32, #tpu.memory_space<hbm>> -> memref<10000x128xf32, #tpu.memory_space<hbm>>
      tpu.enqueue_indirect_dma source(%dma_start3A_72 : memref<10000x128xf32, #tpu.memory_space<hbm>>) target(%arg9 : memref<64x128xf32, #tpu.memory_space<vmem>>) offsets(%dma_start3A_69 : memref<64xi32, #tpu.memory_space<vmem>>) semaphore(%arg14 : memref<!tpu.dma_semaphore, #tpu.memory_space<semaphore_mem>>)
      %scan3A_73 = arith.constant 0 : i32
      %scan3A_74 = arith.constant 0 : i32
      %scan3A_75 = arith.constant 40 : i32
      %scan3A_76 = arith.addi %scan3A_74, %scan3A_75 : i32
      %scan3A_77 = arith.constant 1 : i32
      %scan3A_78 = scf.for %scan3A_92 = %scan3A_74 to %scan3A_76 step %scan3A_77 iter_args(%scan3A_93 = %scan3A_73) -> (i32)  : i32 {
        %rem3A = arith.constant 4 : i32
        %rem3A_94 = arith.remsi %scan3A_92, %rem3A : i32
        %eq3A_95 = arith.constant 0 : i32
        %eq3A_96 = arith.cmpi eq, %rem3A_94, %eq3A_95 : i32
        %convert_element_type3A = arith.extui %eq3A_96 : i1 to i32
        %cond3A = arith.constant 0 : i32
        %cond3A_97 = arith.cmpi ne, %convert_element_type3A, %cond3A : i32
        scf.if %cond3A_97 {
          %dma_wait3A_120 = arith.constant 0 : i32
          %dma_wait3A_121 = arith.constant 0 : i32
          %dma_wait3A_122 = tpu.memref_slice %arg4[%dma_wait3A_120, %dma_wait3A_121] : memref<10000x128xf32, #tpu.memory_space<hbm>> -> memref<64x128xf32, #tpu.memory_space<hbm>>
          %dma_wait3A_123 = arith.constant 0 : i32
          %dma_wait3A_124 = arith.constant 0 : i32
          %dma_wait3A_125 = tpu.memref_slice %arg4[%dma_wait3A_123, %dma_wait3A_124] : memref<10000x128xf32, #tpu.memory_space<hbm>> -> memref<64x128xf32, #tpu.memory_space<hbm>>
          tpu.wait_dma2 semaphore(%arg13 : memref<!tpu.dma_semaphore, #tpu.memory_space<semaphore_mem>>) src(%dma_wait3A_125 : memref<64x128xf32, #tpu.memory_space<hbm>>) dst(%arg8 : memref<64x128xf32, #tpu.memory_space<vmem>>)
          %ge3A = arith.constant 2 : i32
          %ge3A_126 = arith.cmpi sge, %scan3A_92, %ge3A : i32
          %convert_element_type3A_127 = arith.extui %ge3A_126 : i1 to i32
          %cond3A_128 = arith.constant 0 : i32
          %cond3A_129 = arith.cmpi ne, %convert_element_type3A_127, %cond3A_128 : i32
          scf.if %cond3A_129 {
            %dma_wait3A_142 = arith.constant 0 : i32
            %dma_wait3A_143 = arith.constant 0 : i32
            %dma_wait3A_144 = tpu.memref_slice %arg12[%dma_wait3A_142, %dma_wait3A_143] : memref<10112x128xf32, #tpu.memory_space<vmem_shared>> -> memref<64x128xf32, #tpu.memory_space<vmem_shared>>
            %dma_wait3A_145 = arith.constant 0 : i32
            %dma_wait3A_146 = arith.constant 0 : i32
            %dma_wait3A_147 = tpu.memref_slice %arg12[%dma_wait3A_145, %dma_wait3A_146] : memref<10112x128xf32, #tpu.memory_space<vmem_shared>> -> memref<64x128xf32, #tpu.memory_space<vmem_shared>>
            tpu.wait_dma2 semaphore(%arg19 : memref<!tpu.dma_semaphore, #tpu.memory_space<semaphore_mem>>) src(%arg10 : memref<64x128xf32, #tpu.memory_space<vmem>>) dst(%dma_wait3A_147 : memref<64x128xf32, #tpu.memory_space<vmem_shared>>)
          } else {
          }
          %add3A_130 = arith.constant 2 : i32
          %add3A_131 = arith.addi %scan3A_92, %add3A_130 : i32
          %lt3A = arith.constant 40 : i32
          %lt3A_132 = arith.cmpi slt, %add3A_131, %lt3A : i32
          %convert_element_type3A_133 = arith.extui %lt3A_132 : i1 to i32
          %cond3A_134 = arith.constant 0 : i32
          %cond3A_135 = arith.cmpi ne, %convert_element_type3A_133, %cond3A_134 : i32
          scf.if %cond3A_135 {
            %add3A_142 = arith.constant 2 : i32
            %add3A_143 = arith.addi %scan3A_92, %add3A_142 : i32
            %dma_start3A_144 = arith.constant 0 : i32
            %dma_start3A_145 = tpu.memref_slice %arg6[%add3A_143, %dma_start3A_144] : memref<40x64xi32, #tpu.memory_space<vmem>> -> memref<1x64xi32, #tpu.memory_space<vmem>>
            %dma_start3A_146 = tpu.memref_squeeze %dma_start3A_145 : memref<1x64xi32, #tpu.memory_space<vmem>> -> memref<64xi32, #tpu.memory_space<vmem>>
            %dma_start3A_147 = arith.constant 0 : i32
            %dma_start3A_148 = arith.constant 0 : i32
            %dma_start3A_149 = tpu.memref_slice %arg4[%dma_start3A_147, %dma_start3A_148] : memref<10000x128xf32, #tpu.memory_space<hbm>> -> memref<10000x128xf32, #tpu.memory_space<hbm>>
            tpu.enqueue_indirect_dma source(%dma_start3A_149 : memref<10000x128xf32, #tpu.memory_space<hbm>>) target(%arg10 : memref<64x128xf32, #tpu.memory_space<vmem>>) offsets(%dma_start3A_146 : memref<64xi32, #tpu.memory_space<vmem>>) semaphore(%arg15 : memref<!tpu.dma_semaphore, #tpu.memory_space<semaphore_mem>>)
          } else {
          }
          %dma_start3A_136 = arith.constant 0 : i32
          %dma_start3A_137 = tpu.memref_slice %arg7[%scan3A_92, %dma_start3A_136] : memref<40x64xi32, #tpu.memory_space<vmem>> -> memref<1x64xi32, #tpu.memory_space<vmem>>
          %dma_start3A_138 = tpu.memref_squeeze %dma_start3A_137 : memref<1x64xi32, #tpu.memory_space<vmem>> -> memref<64xi32, #tpu.memory_space<vmem>>
          %dma_start3A_139 = arith.constant 0 : i32
          %dma_start3A_140 = arith.constant 0 : i32
          %dma_start3A_141 = tpu.memref_slice %arg12[%dma_start3A_139, %dma_start3A_140] : memref<10112x128xf32, #tpu.memory_space<vmem_shared>> -> memref<10112x128xf32, #tpu.memory_space<vmem_shared>>
          tpu.enqueue_indirect_dma source(%arg8 : memref<64x128xf32, #tpu.memory_space<vmem>>) target(%dma_start3A_141 : memref<10112x128xf32, #tpu.memory_space<vmem_shared>>) offsets(%dma_start3A_138 : memref<64xi32, #tpu.memory_space<vmem>>) semaphore(%arg17 : memref<!tpu.dma_semaphore, #tpu.memory_space<semaphore_mem>>) {add = true}
        } else {
        }
        %rem3A_98 = arith.constant 4 : i32
        %rem3A_99 = arith.remsi %scan3A_92, %rem3A_98 : i32
        %eq3A_100 = arith.constant 1 : i32
        %eq3A_101 = arith.cmpi eq, %rem3A_99, %eq3A_100 : i32
        %convert_element_type3A_102 = arith.extui %eq3A_101 : i1 to i32
        %cond3A_103 = arith.constant 0 : i32
        %cond3A_104 = arith.cmpi ne, %convert_element_type3A_102, %cond3A_103 : i32
        scf.if %cond3A_104 {
          %dma_wait3A_120 = arith.constant 0 : i32
          %dma_wait3A_121 = arith.constant 0 : i32
          %dma_wait3A_122 = tpu.memref_slice %arg4[%dma_wait3A_120, %dma_wait3A_121] : memref<10000x128xf32, #tpu.memory_space<hbm>> -> memref<64x128xf32, #tpu.memory_space<hbm>>
          %dma_wait3A_123 = arith.constant 0 : i32
          %dma_wait3A_124 = arith.constant 0 : i32
          %dma_wait3A_125 = tpu.memref_slice %arg4[%dma_wait3A_123, %dma_wait3A_124] : memref<10000x128xf32, #tpu.memory_space<hbm>> -> memref<64x128xf32, #tpu.memory_space<hbm>>
          tpu.wait_dma2 semaphore(%arg14 : memref<!tpu.dma_semaphore, #tpu.memory_space<semaphore_mem>>) src(%dma_wait3A_125 : memref<64x128xf32, #tpu.memory_space<hbm>>) dst(%arg9 : memref<64x128xf32, #tpu.memory_space<vmem>>)
          %ge3A = arith.constant 2 : i32
          %ge3A_126 = arith.cmpi sge, %scan3A_92, %ge3A : i32
          %convert_element_type3A_127 = arith.extui %ge3A_126 : i1 to i32
          %cond3A_128 = arith.constant 0 : i32
          %cond3A_129 = arith.cmpi ne, %convert_element_type3A_127, %cond3A_128 : i32
          scf.if %cond3A_129 {
            %dma_wait3A_142 = arith.constant 0 : i32
            %dma_wait3A_143 = arith.constant 0 : i32
            %dma_wait3A_144 = tpu.memref_slice %arg12[%dma_wait3A_142, %dma_wait3A_143] : memref<10112x128xf32, #tpu.memory_space<vmem_shared>> -> memref<64x128xf32, #tpu.memory_space<vmem_shared>>
            %dma_wait3A_145 = arith.constant 0 : i32
            %dma_wait3A_146 = arith.constant 0 : i32
            %dma_wait3A_147 = tpu.memref_slice %arg12[%dma_wait3A_145, %dma_wait3A_146] : memref<10112x128xf32, #tpu.memory_space<vmem_shared>> -> memref<64x128xf32, #tpu.memory_space<vmem_shared>>
            tpu.wait_dma2 semaphore(%arg20 : memref<!tpu.dma_semaphore, #tpu.memory_space<semaphore_mem>>) src(%arg11 : memref<64x128xf32, #tpu.memory_space<vmem>>) dst(%dma_wait3A_147 : memref<64x128xf32, #tpu.memory_space<vmem_shared>>)
          } else {
          }
          %add3A_130 = arith.constant 2 : i32
          %add3A_131 = arith.addi %scan3A_92, %add3A_130 : i32
          %lt3A = arith.constant 40 : i32
          %lt3A_132 = arith.cmpi slt, %add3A_131, %lt3A : i32
          %convert_element_type3A_133 = arith.extui %lt3A_132 : i1 to i32
          %cond3A_134 = arith.constant 0 : i32
          %cond3A_135 = arith.cmpi ne, %convert_element_type3A_133, %cond3A_134 : i32
          scf.if %cond3A_135 {
            %add3A_142 = arith.constant 2 : i32
            %add3A_143 = arith.addi %scan3A_92, %add3A_142 : i32
            %dma_start3A_144 = arith.constant 0 : i32
            %dma_start3A_145 = tpu.memref_slice %arg6[%add3A_143, %dma_start3A_144] : memref<40x64xi32, #tpu.memory_space<vmem>> -> memref<1x64xi32, #tpu.memory_space<vmem>>
            %dma_start3A_146 = tpu.memref_squeeze %dma_start3A_145 : memref<1x64xi32, #tpu.memory_space<vmem>> -> memref<64xi32, #tpu.memory_space<vmem>>
            %dma_start3A_147 = arith.constant 0 : i32
            %dma_start3A_148 = arith.constant 0 : i32
            %dma_start3A_149 = tpu.memref_slice %arg4[%dma_start3A_147, %dma_start3A_148] : memref<10000x128xf32, #tpu.memory_space<hbm>> -> memref<10000x128xf32, #tpu.memory_space<hbm>>
            tpu.enqueue_indirect_dma source(%dma_start3A_149 : memref<10000x128xf32, #tpu.memory_space<hbm>>) target(%arg11 : memref<64x128xf32, #tpu.memory_space<vmem>>) offsets(%dma_start3A_146 : memref<64xi32, #tpu.memory_space<vmem>>) semaphore(%arg16 : memref<!tpu.dma_semaphore, #tpu.memory_space<semaphore_mem>>)
          } else {
          }
          %dma_start3A_136 = arith.constant 0 : i32
          %dma_start3A_137 = tpu.memref_slice %arg7[%scan3A_92, %dma_start3A_136] : memref<40x64xi32, #tpu.memory_space<vmem>> -> memref<1x64xi32, #tpu.memory_space<vmem>>
          %dma_start3A_138 = tpu.memref_squeeze %dma_start3A_137 : memref<1x64xi32, #tpu.memory_space<vmem>> -> memref<64xi32, #tpu.memory_space<vmem>>
          %dma_start3A_139 = arith.constant 0 : i32
          %dma_start3A_140 = arith.constant 0 : i32
          %dma_start3A_141 = tpu.memref_slice %arg12[%dma_start3A_139, %dma_start3A_140] : memref<10112x128xf32, #tpu.memory_space<vmem_shared>> -> memref<10112x128xf32, #tpu.memory_space<vmem_shared>>
          tpu.enqueue_indirect_dma source(%arg9 : memref<64x128xf32, #tpu.memory_space<vmem>>) target(%dma_start3A_141 : memref<10112x128xf32, #tpu.memory_space<vmem_shared>>) offsets(%dma_start3A_138 : memref<64xi32, #tpu.memory_space<vmem>>) semaphore(%arg18 : memref<!tpu.dma_semaphore, #tpu.memory_space<semaphore_mem>>) {add = true}
        } else {
        }
        %rem3A_105 = arith.constant 4 : i32
        %rem3A_106 = arith.remsi %scan3A_92, %rem3A_105 : i32
        %eq3A_107 = arith.constant 2 : i32
        %eq3A_108 = arith.cmpi eq, %rem3A_106, %eq3A_107 : i32
        %convert_element_type3A_109 = arith.extui %eq3A_108 : i1 to i32
        %cond3A_110 = arith.constant 0 : i32
        %cond3A_111 = arith.cmpi ne, %convert_element_type3A_109, %cond3A_110 : i32
        scf.if %cond3A_111 {
          %dma_wait3A_120 = arith.constant 0 : i32
          %dma_wait3A_121 = arith.constant 0 : i32
          %dma_wait3A_122 = tpu.memref_slice %arg4[%dma_wait3A_120, %dma_wait3A_121] : memref<10000x128xf32, #tpu.memory_space<hbm>> -> memref<64x128xf32, #tpu.memory_space<hbm>>
          %dma_wait3A_123 = arith.constant 0 : i32
          %dma_wait3A_124 = arith.constant 0 : i32
          %dma_wait3A_125 = tpu.memref_slice %arg4[%dma_wait3A_123, %dma_wait3A_124] : memref<10000x128xf32, #tpu.memory_space<hbm>> -> memref<64x128xf32, #tpu.memory_space<hbm>>
          tpu.wait_dma2 semaphore(%arg15 : memref<!tpu.dma_semaphore, #tpu.memory_space<semaphore_mem>>) src(%dma_wait3A_125 : memref<64x128xf32, #tpu.memory_space<hbm>>) dst(%arg10 : memref<64x128xf32, #tpu.memory_space<vmem>>)
          %ge3A = arith.constant 2 : i32
          %ge3A_126 = arith.cmpi sge, %scan3A_92, %ge3A : i32
          %convert_element_type3A_127 = arith.extui %ge3A_126 : i1 to i32
          %cond3A_128 = arith.constant 0 : i32
          %cond3A_129 = arith.cmpi ne, %convert_element_type3A_127, %cond3A_128 : i32
          scf.if %cond3A_129 {
            %dma_wait3A_142 = arith.constant 0 : i32
            %dma_wait3A_143 = arith.constant 0 : i32
            %dma_wait3A_144 = tpu.memref_slice %arg12[%dma_wait3A_142, %dma_wait3A_143] : memref<10112x128xf32, #tpu.memory_space<vmem_shared>> -> memref<64x128xf32, #tpu.memory_space<vmem_shared>>
            %dma_wait3A_145 = arith.constant 0 : i32
            %dma_wait3A_146 = arith.constant 0 : i32
            %dma_wait3A_147 = tpu.memref_slice %arg12[%dma_wait3A_145, %dma_wait3A_146] : memref<10112x128xf32, #tpu.memory_space<vmem_shared>> -> memref<64x128xf32, #tpu.memory_space<vmem_shared>>
            tpu.wait_dma2 semaphore(%arg17 : memref<!tpu.dma_semaphore, #tpu.memory_space<semaphore_mem>>) src(%arg8 : memref<64x128xf32, #tpu.memory_space<vmem>>) dst(%dma_wait3A_147 : memref<64x128xf32, #tpu.memory_space<vmem_shared>>)
          } else {
          }
          %add3A_130 = arith.constant 2 : i32
          %add3A_131 = arith.addi %scan3A_92, %add3A_130 : i32
          %lt3A = arith.constant 40 : i32
          %lt3A_132 = arith.cmpi slt, %add3A_131, %lt3A : i32
          %convert_element_type3A_133 = arith.extui %lt3A_132 : i1 to i32
          %cond3A_134 = arith.constant 0 : i32
          %cond3A_135 = arith.cmpi ne, %convert_element_type3A_133, %cond3A_134 : i32
          scf.if %cond3A_135 {
            %add3A_142 = arith.constant 2 : i32
            %add3A_143 = arith.addi %scan3A_92, %add3A_142 : i32
            %dma_start3A_144 = arith.constant 0 : i32
            %dma_start3A_145 = tpu.memref_slice %arg6[%add3A_143, %dma_start3A_144] : memref<40x64xi32, #tpu.memory_space<vmem>> -> memref<1x64xi32, #tpu.memory_space<vmem>>
            %dma_start3A_146 = tpu.memref_squeeze %dma_start3A_145 : memref<1x64xi32, #tpu.memory_space<vmem>> -> memref<64xi32, #tpu.memory_space<vmem>>
            %dma_start3A_147 = arith.constant 0 : i32
            %dma_start3A_148 = arith.constant 0 : i32
            %dma_start3A_149 = tpu.memref_slice %arg4[%dma_start3A_147, %dma_start3A_148] : memref<10000x128xf32, #tpu.memory_space<hbm>> -> memref<10000x128xf32, #tpu.memory_space<hbm>>
            tpu.enqueue_indirect_dma source(%dma_start3A_149 : memref<10000x128xf32, #tpu.memory_space<hbm>>) target(%arg8 : memref<64x128xf32, #tpu.memory_space<vmem>>) offsets(%dma_start3A_146 : memref<64xi32, #tpu.memory_space<vmem>>) semaphore(%arg13 : memref<!tpu.dma_semaphore, #tpu.memory_space<semaphore_mem>>)
          } else {
          }
          %dma_start3A_136 = arith.constant 0 : i32
          %dma_start3A_137 = tpu.memref_slice %arg7[%scan3A_92, %dma_start3A_136] : memref<40x64xi32, #tpu.memory_space<vmem>> -> memref<1x64xi32, #tpu.memory_space<vmem>>
          %dma_start3A_138 = tpu.memref_squeeze %dma_start3A_137 : memref<1x64xi32, #tpu.memory_space<vmem>> -> memref<64xi32, #tpu.memory_space<vmem>>
          %dma_start3A_139 = arith.constant 0 : i32
          %dma_start3A_140 = arith.constant 0 : i32
          %dma_start3A_141 = tpu.memref_slice %arg12[%dma_start3A_139, %dma_start3A_140] : memref<10112x128xf32, #tpu.memory_space<vmem_shared>> -> memref<10112x128xf32, #tpu.memory_space<vmem_shared>>
          tpu.enqueue_indirect_dma source(%arg10 : memref<64x128xf32, #tpu.memory_space<vmem>>) target(%dma_start3A_141 : memref<10112x128xf32, #tpu.memory_space<vmem_shared>>) offsets(%dma_start3A_138 : memref<64xi32, #tpu.memory_space<vmem>>) semaphore(%arg19 : memref<!tpu.dma_semaphore, #tpu.memory_space<semaphore_mem>>) {add = true}
        } else {
        }
        %rem3A_112 = arith.constant 4 : i32
        %rem3A_113 = arith.remsi %scan3A_92, %rem3A_112 : i32
        %eq3A_114 = arith.constant 3 : i32
        %eq3A_115 = arith.cmpi eq, %rem3A_113, %eq3A_114 : i32
        %convert_element_type3A_116 = arith.extui %eq3A_115 : i1 to i32
        %cond3A_117 = arith.constant 0 : i32
        %cond3A_118 = arith.cmpi ne, %convert_element_type3A_116, %cond3A_117 : i32
        scf.if %cond3A_118 {
          %dma_wait3A_120 = arith.constant 0 : i32
          %dma_wait3A_121 = arith.constant 0 : i32
          %dma_wait3A_122 = tpu.memref_slice %arg4[%dma_wait3A_120, %dma_wait3A_121] : memref<10000x128xf32, #tpu.memory_space<hbm>> -> memref<64x128xf32, #tpu.memory_space<hbm>>
          %dma_wait3A_123 = arith.constant 0 : i32
          %dma_wait3A_124 = arith.constant 0 : i32
          %dma_wait3A_125 = tpu.memref_slice %arg4[%dma_wait3A_123, %dma_wait3A_124] : memref<10000x128xf32, #tpu.memory_space<hbm>> -> memref<64x128xf32, #tpu.memory_space<hbm>>
          tpu.wait_dma2 semaphore(%arg16 : memref<!tpu.dma_semaphore, #tpu.memory_space<semaphore_mem>>) src(%dma_wait3A_125 : memref<64x128xf32, #tpu.memory_space<hbm>>) dst(%arg11 : memref<64x128xf32, #tpu.memory_space<vmem>>)
          %ge3A = arith.constant 2 : i32
          %ge3A_126 = arith.cmpi sge, %scan3A_92, %ge3A : i32
          %convert_element_type3A_127 = arith.extui %ge3A_126 : i1 to i32
          %cond3A_128 = arith.constant 0 : i32
          %cond3A_129 = arith.cmpi ne, %convert_element_type3A_127, %cond3A_128 : i32
          scf.if %cond3A_129 {
            %dma_wait3A_142 = arith.constant 0 : i32
            %dma_wait3A_143 = arith.constant 0 : i32
            %dma_wait3A_144 = tpu.memref_slice %arg12[%dma_wait3A_142, %dma_wait3A_143] : memref<10112x128xf32, #tpu.memory_space<vmem_shared>> -> memref<64x128xf32, #tpu.memory_space<vmem_shared>>
            %dma_wait3A_145 = arith.constant 0 : i32
            %dma_wait3A_146 = arith.constant 0 : i32
            %dma_wait3A_147 = tpu.memref_slice %arg12[%dma_wait3A_145, %dma_wait3A_146] : memref<10112x128xf32, #tpu.memory_space<vmem_shared>> -> memref<64x128xf32, #tpu.memory_space<vmem_shared>>
            tpu.wait_dma2 semaphore(%arg18 : memref<!tpu.dma_semaphore, #tpu.memory_space<semaphore_mem>>) src(%arg9 : memref<64x128xf32, #tpu.memory_space<vmem>>) dst(%dma_wait3A_147 : memref<64x128xf32, #tpu.memory_space<vmem_shared>>)
          } else {
          }
          %add3A_130 = arith.constant 2 : i32
          %add3A_131 = arith.addi %scan3A_92, %add3A_130 : i32
          %lt3A = arith.constant 40 : i32
          %lt3A_132 = arith.cmpi slt, %add3A_131, %lt3A : i32
          %convert_element_type3A_133 = arith.extui %lt3A_132 : i1 to i32
          %cond3A_134 = arith.constant 0 : i32
          %cond3A_135 = arith.cmpi ne, %convert_element_type3A_133, %cond3A_134 : i32
          scf.if %cond3A_135 {
            %add3A_142 = arith.constant 2 : i32
            %add3A_143 = arith.addi %scan3A_92, %add3A_142 : i32
            %dma_start3A_144 = arith.constant 0 : i32
            %dma_start3A_145 = tpu.memref_slice %arg6[%add3A_143, %dma_start3A_144] : memref<40x64xi32, #tpu.memory_space<vmem>> -> memref<1x64xi32, #tpu.memory_space<vmem>>
            %dma_start3A_146 = tpu.memref_squeeze %dma_start3A_145 : memref<1x64xi32, #tpu.memory_space<vmem>> -> memref<64xi32, #tpu.memory_space<vmem>>
            %dma_start3A_147 = arith.constant 0 : i32
            %dma_start3A_148 = arith.constant 0 : i32
            %dma_start3A_149 = tpu.memref_slice %arg4[%dma_start3A_147, %dma_start3A_148] : memref<10000x128xf32, #tpu.memory_space<hbm>> -> memref<10000x128xf32, #tpu.memory_space<hbm>>
            tpu.enqueue_indirect_dma source(%dma_start3A_149 : memref<10000x128xf32, #tpu.memory_space<hbm>>) target(%arg9 : memref<64x128xf32, #tpu.memory_space<vmem>>) offsets(%dma_start3A_146 : memref<64xi32, #tpu.memory_space<vmem>>) semaphore(%arg14 : memref<!tpu.dma_semaphore, #tpu.memory_space<semaphore_mem>>)
          } else {
          }
          %dma_start3A_136 = arith.constant 0 : i32
          %dma_start3A_137 = tpu.memref_slice %arg7[%scan3A_92, %dma_start3A_136] : memref<40x64xi32, #tpu.memory_space<vmem>> -> memref<1x64xi32, #tpu.memory_space<vmem>>
          %dma_start3A_138 = tpu.memref_squeeze %dma_start3A_137 : memref<1x64xi32, #tpu.memory_space<vmem>> -> memref<64xi32, #tpu.memory_space<vmem>>
          %dma_start3A_139 = arith.constant 0 : i32
          %dma_start3A_140 = arith.constant 0 : i32
          %dma_start3A_141 = tpu.memref_slice %arg12[%dma_start3A_139, %dma_start3A_140] : memref<10112x128xf32, #tpu.memory_space<vmem_shared>> -> memref<10112x128xf32, #tpu.memory_space<vmem_shared>>
          tpu.enqueue_indirect_dma source(%arg11 : memref<64x128xf32, #tpu.memory_space<vmem>>) target(%dma_start3A_141 : memref<10112x128xf32, #tpu.memory_space<vmem_shared>>) offsets(%dma_start3A_138 : memref<64xi32, #tpu.memory_space<vmem>>) semaphore(%arg20 : memref<!tpu.dma_semaphore, #tpu.memory_space<semaphore_mem>>) {add = true}
        } else {
        }
        %scan3A_119 = arith.constant 0 : i32
        scf.yield %scan3A_119 : i32
      }
      %scan3A_79 = arith.constant 40 : i32
      %dma_wait3A = arith.constant 0 : i32
      %dma_wait3A_80 = arith.constant 0 : i32
      %dma_wait3A_81 = tpu.memref_slice %arg12[%dma_wait3A, %dma_wait3A_80] : memref<10112x128xf32, #tpu.memory_space<vmem_shared>> -> memref<64x128xf32, #tpu.memory_space<vmem_shared>>
      %dma_wait3A_82 = arith.constant 0 : i32
      %dma_wait3A_83 = arith.constant 0 : i32
      %dma_wait3A_84 = tpu.memref_slice %arg12[%dma_wait3A_82, %dma_wait3A_83] : memref<10112x128xf32, #tpu.memory_space<vmem_shared>> -> memref<64x128xf32, #tpu.memory_space<vmem_shared>>
      tpu.wait_dma2 semaphore(%arg19 : memref<!tpu.dma_semaphore, #tpu.memory_space<semaphore_mem>>) src(%arg10 : memref<64x128xf32, #tpu.memory_space<vmem>>) dst(%dma_wait3A_84 : memref<64x128xf32, #tpu.memory_space<vmem_shared>>)
      %dma_wait3A_85 = arith.constant 0 : i32
      %dma_wait3A_86 = arith.constant 0 : i32
      %dma_wait3A_87 = tpu.memref_slice %arg12[%dma_wait3A_85, %dma_wait3A_86] : memref<10112x128xf32, #tpu.memory_space<vmem_shared>> -> memref<64x128xf32, #tpu.memory_space<vmem_shared>>
      %dma_wait3A_88 = arith.constant 0 : i32
      %dma_wait3A_89 = arith.constant 0 : i32
      %dma_wait3A_90 = tpu.memref_slice %arg12[%dma_wait3A_88, %dma_wait3A_89] : memref<10112x128xf32, #tpu.memory_space<vmem_shared>> -> memref<64x128xf32, #tpu.memory_space<vmem_shared>>
      tpu.wait_dma2 semaphore(%arg20 : memref<!tpu.dma_semaphore, #tpu.memory_space<semaphore_mem>>) src(%arg11 : memref<64x128xf32, #tpu.memory_space<vmem>>) dst(%dma_wait3A_90 : memref<64x128xf32, #tpu.memory_space<vmem_shared>>)
      %while3A_91 = arith.constant 0 : i32
      scf.yield %while3A_91 : i32
    }
    %barrier3A_51 = arith.constant 0 : index
    tpu.barrier barrier_id(%barrier3A_51)
    %mul3A_52 = arith.constant 10112 : i32
    %mul3A_53 = arith.muli %arg0, %mul3A_52 : i32
    %add3A_54 = arith.addi %mul3A_53, %mul3A_8 : i32
    "tpu.region"() ({
      %run_scoped3A = tpu.sem_alloc : memref<!tpu.dma_semaphore, #tpu.memory_space<semaphore_mem>>
      %dma_start3A = arith.constant 0 : i32
      %dma_start3A_55 = tpu.memref_slice %arg5[%add3A_54, %dma_start3A] : memref<20224x128xf32, #tpu.memory_space<hbm>> -> memref<632x128xf32, #tpu.memory_space<hbm>>
      %dma_start3A_56 = arith.constant 0 : i32
      %dma_start3A_57 = tpu.memref_slice %arg12[%mul3A_8, %dma_start3A_56] : memref<10112x128xf32, #tpu.memory_space<vmem_shared>> -> memref<632x128xf32, #tpu.memory_space<vmem_shared>>
      tpu.enqueue_dma source(%dma_start3A_57 : memref<632x128xf32, #tpu.memory_space<vmem_shared>>) target(%dma_start3A_55 : memref<632x128xf32, #tpu.memory_space<hbm>>) target_semaphore(%run_scoped3A : memref<!tpu.dma_semaphore, #tpu.memory_space<semaphore_mem>>)
      %dma_wait3A = arith.constant 0 : i32
      %dma_wait3A_58 = tpu.memref_slice %arg5[%add3A_54, %dma_wait3A] : memref<20224x128xf32, #tpu.memory_space<hbm>> -> memref<632x128xf32, #tpu.memory_space<hbm>>
      %dma_wait3A_59 = arith.constant 0 : i32
      %dma_wait3A_60 = tpu.memref_slice %arg12[%mul3A_8, %dma_wait3A_59] : memref<10112x128xf32, #tpu.memory_space<vmem_shared>> -> memref<632x128xf32, #tpu.memory_space<vmem_shared>>
      tpu.wait_dma2 semaphore(%run_scoped3A : memref<!tpu.dma_semaphore, #tpu.memory_space<semaphore_mem>>) src(%dma_wait3A_60 : memref<632x128xf32, #tpu.memory_space<vmem_shared>>) dst(%dma_wait3A_58 : memref<632x128xf32, #tpu.memory_space<hbm>>)
      tpu.yield
    }) : () -> ()
    return
  }
}

#map = affine_map<(d0, d1) -> (0, 0)>
module attributes {stable_mosaic.version = 14 : i64} {
  func.func @_agg_kernel(%arg0: i32, %arg1: i32, %arg2: memref<5120x64xi32, #tpu.memory_space<hbm>>, %arg3: memref<5120x64xi32, #tpu.memory_space<hbm>>, %arg4: memref<10000x128xf32, #tpu.memory_space<hbm>>, %arg5: memref<20224x128xf32, #tpu.memory_space<hbm>>, %arg6: memref<40x64xi32, #tpu.memory_space<vmem>>, %arg7: memref<40x64xi32, #tpu.memory_space<vmem>>, %arg8: memref<64x128xf32, #tpu.memory_space<vmem>>, %arg9: memref<64x128xf32, #tpu.memory_space<vmem>>, %arg10: memref<64x128xf32, #tpu.memory_space<vmem>>, %arg11: memref<64x128xf32, #tpu.memory_space<vmem>>, %arg12: memref<10112x128xf32, #tpu.memory_space<vmem_shared>>, %arg13: memref<!tpu.dma_semaphore, #tpu.memory_space<semaphore_mem>>, %arg14: memref<!tpu.dma_semaphore, #tpu.memory_space<semaphore_mem>>, %arg15: memref<!tpu.dma_semaphore, #tpu.memory_space<semaphore_mem>>, %arg16: memref<!tpu.dma_semaphore, #tpu.memory_space<semaphore_mem>>, %arg17: memref<!tpu.dma_semaphore, #tpu.memory_space<semaphore_mem>>, %arg18: memref<!tpu.dma_semaphore, #tpu.memory_space<semaphore_mem>>, %arg19: memref<!tpu.dma_semaphore, #tpu.memory_space<semaphore_mem>>, %arg20: memref<!tpu.dma_semaphore, #tpu.memory_space<semaphore_mem>>) attributes {dimension_semantics = [#tpu.dimension_semantics<core_parallel>, #tpu.dimension_semantics<subcore_parallel>], iteration_bounds = array<i64: 2, 16>, scalar_prefetch = 0 : i64, scratch_operands = 15 : i64, tpu.core_type = #tpu.core_type<sc_vector_subcore>, window_params = [{transform_indices = #map}, {transform_indices = #map}, {transform_indices = #map}, {transform_indices = #map}]} {
    %mul3A = arith.constant 16 : i32
    %mul3A_0 = arith.muli %arg0, %mul3A : i32
    %add3A = arith.addi %mul3A_0, %arg1 : i32
    %scan3A = arith.constant 0 : i32
    %scan3A_1 = arith.constant 0 : i32
    %scan3A_2 = arith.constant 64 : i32
    %scan3A_3 = arith.addi %scan3A_1, %scan3A_2 : i32
    %scan3A_4 = arith.constant 1 : i32
    %scan3A_5 = scf.for %scan3A_55 = %scan3A_1 to %scan3A_3 step %scan3A_4 iter_args(%scan3A_56 = %scan3A) -> (i32)  : i32 {
      %broadcast_in_dim3A = arith.constant 0.000000e+00 : f32
      %broadcast_in_dim3A_57 = vector.broadcast %broadcast_in_dim3A : f32 to vector<16xf32>
      %swap3A = arith.index_cast %scan3A_55 : i32 to index
      %swap3A_58 = arith.constant 0 : index
      %swap3A_59 = tpu.vector_load %arg8[%swap3A, %swap3A_58] {strides = array<i32>} : memref<64x128xf32, #tpu.memory_space<vmem>>, vector<1x16xf32>,
      %swap3A_60 = vector.shape_cast %swap3A_59 : vector<1x16xf32> to vector<16xf32>
      %swap3A_61 = vector.shape_cast %broadcast_in_dim3A_57 : vector<16xf32> to vector<1x16xf32>
      tpu.vector_store %arg8[%swap3A, %swap3A_58], %swap3A_61 {strides = array<i32>} : memref<64x128xf32, #tpu.memory_space<vmem>>, vector<1x16xf32>,
      %broadcast_in_dim3A_62 = arith.constant 0.000000e+00 : f32
      %broadcast_in_dim3A_63 = vector.broadcast %broadcast_in_dim3A_62 : f32 to vector<16xf32>
      %swap3A_64 = arith.index_cast %scan3A_55 : i32 to index
      %swap3A_65 = arith.constant 16 : index
      %swap3A_66 = tpu.vector_load %arg8[%swap3A_64, %swap3A_65] {strides = array<i32>} : memref<64x128xf32, #tpu.memory_space<vmem>>, vector<1x16xf32>,
      %swap3A_67 = vector.shape_cast %swap3A_66 : vector<1x16xf32> to vector<16xf32>
      %swap3A_68 = vector.shape_cast %broadcast_in_dim3A_63 : vector<16xf32> to vector<1x16xf32>
      tpu.vector_store %arg8[%swap3A_64, %swap3A_65], %swap3A_68 {strides = array<i32>} : memref<64x128xf32, #tpu.memory_space<vmem>>, vector<1x16xf32>,
      %broadcast_in_dim3A_69 = arith.constant 0.000000e+00 : f32
      %broadcast_in_dim3A_70 = vector.broadcast %broadcast_in_dim3A_69 : f32 to vector<16xf32>
      %swap3A_71 = arith.index_cast %scan3A_55 : i32 to index
      %swap3A_72 = arith.constant 32 : index
      %swap3A_73 = tpu.vector_load %arg8[%swap3A_71, %swap3A_72] {strides = array<i32>} : memref<64x128xf32, #tpu.memory_space<vmem>>, vector<1x16xf32>,
      %swap3A_74 = vector.shape_cast %swap3A_73 : vector<1x16xf32> to vector<16xf32>
      %swap3A_75 = vector.shape_cast %broadcast_in_dim3A_70 : vector<16xf32> to vector<1x16xf32>
      tpu.vector_store %arg8[%swap3A_71, %swap3A_72], %swap3A_75 {strides = array<i32>} : memref<64x128xf32, #tpu.memory_space<vmem>>, vector<1x16xf32>,
      %broadcast_in_dim3A_76 = arith.constant 0.000000e+00 : f32
      %broadcast_in_dim3A_77 = vector.broadcast %broadcast_in_dim3A_76 : f32 to vector<16xf32>
      %swap3A_78 = arith.index_cast %scan3A_55 : i32 to index
      %swap3A_79 = arith.constant 48 : index
      %swap3A_80 = tpu.vector_load %arg8[%swap3A_78, %swap3A_79] {strides = array<i32>} : memref<64x128xf32, #tpu.memory_space<vmem>>, vector<1x16xf32>,
      %swap3A_81 = vector.shape_cast %swap3A_80 : vector<1x16xf32> to vector<16xf32>
      %swap3A_82 = vector.shape_cast %broadcast_in_dim3A_77 : vector<16xf32> to vector<1x16xf32>
      tpu.vector_store %arg8[%swap3A_78, %swap3A_79], %swap3A_82 {strides = array<i32>} : memref<64x128xf32, #tpu.memory_space<vmem>>, vector<1x16xf32>,
      %broadcast_in_dim3A_83 = arith.constant 0.000000e+00 : f32
      %broadcast_in_dim3A_84 = vector.broadcast %broadcast_in_dim3A_83 : f32 to vector<16xf32>
      %swap3A_85 = arith.index_cast %scan3A_55 : i32 to index
      %swap3A_86 = arith.constant 64 : index
      %swap3A_87 = tpu.vector_load %arg8[%swap3A_85, %swap3A_86] {strides = array<i32>} : memref<64x128xf32, #tpu.memory_space<vmem>>, vector<1x16xf32>,
      %swap3A_88 = vector.shape_cast %swap3A_87 : vector<1x16xf32> to vector<16xf32>
      %swap3A_89 = vector.shape_cast %broadcast_in_dim3A_84 : vector<16xf32> to vector<1x16xf32>
      tpu.vector_store %arg8[%swap3A_85, %swap3A_86], %swap3A_89 {strides = array<i32>} : memref<64x128xf32, #tpu.memory_space<vmem>>, vector<1x16xf32>,
      %broadcast_in_dim3A_90 = arith.constant 0.000000e+00 : f32
      %broadcast_in_dim3A_91 = vector.broadcast %broadcast_in_dim3A_90 : f32 to vector<16xf32>
      %swap3A_92 = arith.index_cast %scan3A_55 : i32 to index
      %swap3A_93 = arith.constant 80 : index
      %swap3A_94 = tpu.vector_load %arg8[%swap3A_92, %swap3A_93] {strides = array<i32>} : memref<64x128xf32, #tpu.memory_space<vmem>>, vector<1x16xf32>,
      %swap3A_95 = vector.shape_cast %swap3A_94 : vector<1x16xf32> to vector<16xf32>
      %swap3A_96 = vector.shape_cast %broadcast_in_dim3A_91 : vector<16xf32> to vector<1x16xf32>
      tpu.vector_store %arg8[%swap3A_92, %swap3A_93], %swap3A_96 {strides = array<i32>} : memref<64x128xf32, #tpu.memory_space<vmem>>, vector<1x16xf32>,
      %broadcast_in_dim3A_97 = arith.constant 0.000000e+00 : f32
      %broadcast_in_dim3A_98 = vector.broadcast %broadcast_in_dim3A_97 : f32 to vector<16xf32>
      %swap3A_99 = arith.index_cast %scan3A_55 : i32 to index
      %swap3A_100 = arith.constant 96 : index
      %swap3A_101 = tpu.vector_load %arg8[%swap3A_99, %swap3A_100] {strides = array<i32>} : memref<64x128xf32, #tpu.memory_space<vmem>>, vector<1x16xf32>,
      %swap3A_102 = vector.shape_cast %swap3A_101 : vector<1x16xf32> to vector<16xf32>
      %swap3A_103 = vector.shape_cast %broadcast_in_dim3A_98 : vector<16xf32> to vector<1x16xf32>
      tpu.vector_store %arg8[%swap3A_99, %swap3A_100], %swap3A_103 {strides = array<i32>} : memref<64x128xf32, #tpu.memory_space<vmem>>, vector<1x16xf32>,
      %broadcast_in_dim3A_104 = arith.constant 0.000000e+00 : f32
      %broadcast_in_dim3A_105 = vector.broadcast %broadcast_in_dim3A_104 : f32 to vector<16xf32>
      %swap3A_106 = arith.index_cast %scan3A_55 : i32 to index
      %swap3A_107 = arith.constant 112 : index
      %swap3A_108 = tpu.vector_load %arg8[%swap3A_106, %swap3A_107] {strides = array<i32>} : memref<64x128xf32, #tpu.memory_space<vmem>>, vector<1x16xf32>,
      %swap3A_109 = vector.shape_cast %swap3A_108 : vector<1x16xf32> to vector<16xf32>
      %swap3A_110 = vector.shape_cast %broadcast_in_dim3A_105 : vector<16xf32> to vector<1x16xf32>
      tpu.vector_store %arg8[%swap3A_106, %swap3A_107], %swap3A_110 {strides = array<i32>} : memref<64x128xf32, #tpu.memory_space<vmem>>, vector<1x16xf32>,
      %scan3A_111 = arith.constant 0 : i32
      scf.yield %scan3A_111 : i32
    }
    %scan3A_6 = arith.constant 64 : i32
    %mul3A_7 = arith.constant 632 : i32
    %mul3A_8 = arith.muli %arg1, %mul3A_7 : i32
    %add3A_9 = arith.constant 0 : i32
    %add3A_10 = arith.addi %mul3A_8, %add3A_9 : i32
    "tpu.region"() ({
      %run_scoped3A = tpu.sem_alloc : memref<!tpu.dma_semaphore, #tpu.memory_space<semaphore_mem>>
      %dma_start3A = arith.constant 0 : i32
      %dma_start3A_55 = tpu.memref_slice %arg12[%add3A_10, %dma_start3A] : memref<10112x128xf32, #tpu.memory_space<vmem_shared>> -> memref<64x128xf32, #tpu.memory_space<vmem_shared>>
      %dma_start3A_56 = arith.constant 0 : i32
      %dma_start3A_57 = tpu.memref_slice %arg12[%add3A_10, %dma_start3A_56] : memref<10112x128xf32, #tpu.memory_space<vmem_shared>> -> memref<64x128xf32, #tpu.memory_space<vmem_shared>>
      tpu.enqueue_dma source(%arg8 : memref<64x128xf32, #tpu.memory_space<vmem>>) target(%dma_start3A_57 : memref<64x128xf32, #tpu.memory_space<vmem_shared>>) target_semaphore(%run_scoped3A : memref<!tpu.dma_semaphore, #tpu.memory_space<semaphore_mem>>)
      %dma_wait3A = arith.constant 0 : i32
      %dma_wait3A_58 = tpu.memref_slice %arg12[%add3A_10, %dma_wait3A] : memref<10112x128xf32, #tpu.memory_space<vmem_shared>> -> memref<64x128xf32, #tpu.memory_space<vmem_shared>>
      %dma_wait3A_59 = arith.constant 0 : i32
      %dma_wait3A_60 = tpu.memref_slice %arg12[%add3A_10, %dma_wait3A_59] : memref<10112x128xf32, #tpu.memory_space<vmem_shared>> -> memref<64x128xf32, #tpu.memory_space<vmem_shared>>
      tpu.wait_dma2 semaphore(%run_scoped3A : memref<!tpu.dma_semaphore, #tpu.memory_space<semaphore_mem>>) src(%arg8 : memref<64x128xf32, #tpu.memory_space<vmem>>) dst(%dma_wait3A_60 : memref<64x128xf32, #tpu.memory_space<vmem_shared>>)
      tpu.yield
    }) : () -> ()
    %add3A_11 = arith.constant 64 : i32
    %add3A_12 = arith.addi %mul3A_8, %add3A_11 : i32
    "tpu.region"() ({
      %run_scoped3A = tpu.sem_alloc : memref<!tpu.dma_semaphore, #tpu.memory_space<semaphore_mem>>
      %dma_start3A = arith.constant 0 : i32
      %dma_start3A_55 = tpu.memref_slice %arg12[%add3A_12, %dma_start3A] : memref<10112x128xf32, #tpu.memory_space<vmem_shared>> -> memref<64x128xf32, #tpu.memory_space<vmem_shared>>
      %dma_start3A_56 = arith.constant 0 : i32
      %dma_start3A_57 = tpu.memref_slice %arg12[%add3A_12, %dma_start3A_56] : memref<10112x128xf32, #tpu.memory_space<vmem_shared>> -> memref<64x128xf32, #tpu.memory_space<vmem_shared>>
      tpu.enqueue_dma source(%arg8 : memref<64x128xf32, #tpu.memory_space<vmem>>) target(%dma_start3A_57 : memref<64x128xf32, #tpu.memory_space<vmem_shared>>) target_semaphore(%run_scoped3A : memref<!tpu.dma_semaphore, #tpu.memory_space<semaphore_mem>>)
      %dma_wait3A = arith.constant 0 : i32
      %dma_wait3A_58 = tpu.memref_slice %arg12[%add3A_12, %dma_wait3A] : memref<10112x128xf32, #tpu.memory_space<vmem_shared>> -> memref<64x128xf32, #tpu.memory_space<vmem_shared>>
      %dma_wait3A_59 = arith.constant 0 : i32
      %dma_wait3A_60 = tpu.memref_slice %arg12[%add3A_12, %dma_wait3A_59] : memref<10112x128xf32, #tpu.memory_space<vmem_shared>> -> memref<64x128xf32, #tpu.memory_space<vmem_shared>>
      tpu.wait_dma2 semaphore(%run_scoped3A : memref<!tpu.dma_semaphore, #tpu.memory_space<semaphore_mem>>) src(%arg8 : memref<64x128xf32, #tpu.memory_space<vmem>>) dst(%dma_wait3A_60 : memref<64x128xf32, #tpu.memory_space<vmem_shared>>)
      tpu.yield
    }) : () -> ()
    %add3A_13 = arith.constant 128 : i32
    %add3A_14 = arith.addi %mul3A_8, %add3A_13 : i32
    "tpu.region"() ({
      %run_scoped3A = tpu.sem_alloc : memref<!tpu.dma_semaphore, #tpu.memory_space<semaphore_mem>>
      %dma_start3A = arith.constant 0 : i32
      %dma_start3A_55 = tpu.memref_slice %arg12[%add3A_14, %dma_start3A] : memref<10112x128xf32, #tpu.memory_space<vmem_shared>> -> memref<64x128xf32, #tpu.memory_space<vmem_shared>>
      %dma_start3A_56 = arith.constant 0 : i32
      %dma_start3A_57 = tpu.memref_slice %arg12[%add3A_14, %dma_start3A_56] : memref<10112x128xf32, #tpu.memory_space<vmem_shared>> -> memref<64x128xf32, #tpu.memory_space<vmem_shared>>
      tpu.enqueue_dma source(%arg8 : memref<64x128xf32, #tpu.memory_space<vmem>>) target(%dma_start3A_57 : memref<64x128xf32, #tpu.memory_space<vmem_shared>>) target_semaphore(%run_scoped3A : memref<!tpu.dma_semaphore, #tpu.memory_space<semaphore_mem>>)
      %dma_wait3A = arith.constant 0 : i32
      %dma_wait3A_58 = tpu.memref_slice %arg12[%add3A_14, %dma_wait3A] : memref<10112x128xf32, #tpu.memory_space<vmem_shared>> -> memref<64x128xf32, #tpu.memory_space<vmem_shared>>
      %dma_wait3A_59 = arith.constant 0 : i32
      %dma_wait3A_60 = tpu.memref_slice %arg12[%add3A_14, %dma_wait3A_59] : memref<10112x128xf32, #tpu.memory_space<vmem_shared>> -> memref<64x128xf32, #tpu.memory_space<vmem_shared>>
      tpu.wait_dma2 semaphore(%run_scoped3A : memref<!tpu.dma_semaphore, #tpu.memory_space<semaphore_mem>>) src(%arg8 : memref<64x128xf32, #tpu.memory_space<vmem>>) dst(%dma_wait3A_60 : memref<64x128xf32, #tpu.memory_space<vmem_shared>>)
      tpu.yield
    }) : () -> ()
    %add3A_15 = arith.constant 192 : i32
    %add3A_16 = arith.addi %mul3A_8, %add3A_15 : i32
    "tpu.region"() ({
      %run_scoped3A = tpu.sem_alloc : memref<!tpu.dma_semaphore, #tpu.memory_space<semaphore_mem>>
      %dma_start3A = arith.constant 0 : i32
      %dma_start3A_55 = tpu.memref_slice %arg12[%add3A_16, %dma_start3A] : memref<10112x128xf32, #tpu.memory_space<vmem_shared>> -> memref<64x128xf32, #tpu.memory_space<vmem_shared>>
      %dma_start3A_56 = arith.constant 0 : i32
      %dma_start3A_57 = tpu.memref_slice %arg12[%add3A_16, %dma_start3A_56] : memref<10112x128xf32, #tpu.memory_space<vmem_shared>> -> memref<64x128xf32, #tpu.memory_space<vmem_shared>>
      tpu.enqueue_dma source(%arg8 : memref<64x128xf32, #tpu.memory_space<vmem>>) target(%dma_start3A_57 : memref<64x128xf32, #tpu.memory_space<vmem_shared>>) target_semaphore(%run_scoped3A : memref<!tpu.dma_semaphore, #tpu.memory_space<semaphore_mem>>)
      %dma_wait3A = arith.constant 0 : i32
      %dma_wait3A_58 = tpu.memref_slice %arg12[%add3A_16, %dma_wait3A] : memref<10112x128xf32, #tpu.memory_space<vmem_shared>> -> memref<64x128xf32, #tpu.memory_space<vmem_shared>>
      %dma_wait3A_59 = arith.constant 0 : i32
      %dma_wait3A_60 = tpu.memref_slice %arg12[%add3A_16, %dma_wait3A_59] : memref<10112x128xf32, #tpu.memory_space<vmem_shared>> -> memref<64x128xf32, #tpu.memory_space<vmem_shared>>
      tpu.wait_dma2 semaphore(%run_scoped3A : memref<!tpu.dma_semaphore, #tpu.memory_space<semaphore_mem>>) src(%arg8 : memref<64x128xf32, #tpu.memory_space<vmem>>) dst(%dma_wait3A_60 : memref<64x128xf32, #tpu.memory_space<vmem_shared>>)
      tpu.yield
    }) : () -> ()
    %add3A_17 = arith.constant 256 : i32
    %add3A_18 = arith.addi %mul3A_8, %add3A_17 : i32
    "tpu.region"() ({
      %run_scoped3A = tpu.sem_alloc : memref<!tpu.dma_semaphore, #tpu.memory_space<semaphore_mem>>
      %dma_start3A = arith.constant 0 : i32
      %dma_start3A_55 = tpu.memref_slice %arg12[%add3A_18, %dma_start3A] : memref<10112x128xf32, #tpu.memory_space<vmem_shared>> -> memref<64x128xf32, #tpu.memory_space<vmem_shared>>
      %dma_start3A_56 = arith.constant 0 : i32
      %dma_start3A_57 = tpu.memref_slice %arg12[%add3A_18, %dma_start3A_56] : memref<10112x128xf32, #tpu.memory_space<vmem_shared>> -> memref<64x128xf32, #tpu.memory_space<vmem_shared>>
      tpu.enqueue_dma source(%arg8 : memref<64x128xf32, #tpu.memory_space<vmem>>) target(%dma_start3A_57 : memref<64x128xf32, #tpu.memory_space<vmem_shared>>) target_semaphore(%run_scoped3A : memref<!tpu.dma_semaphore, #tpu.memory_space<semaphore_mem>>)
      %dma_wait3A = arith.constant 0 : i32
      %dma_wait3A_58 = tpu.memref_slice %arg12[%add3A_18, %dma_wait3A] : memref<10112x128xf32, #tpu.memory_space<vmem_shared>> -> memref<64x128xf32, #tpu.memory_space<vmem_shared>>
      %dma_wait3A_59 = arith.constant 0 : i32
      %dma_wait3A_60 = tpu.memref_slice %arg12[%add3A_18, %dma_wait3A_59] : memref<10112x128xf32, #tpu.memory_space<vmem_shared>> -> memref<64x128xf32, #tpu.memory_space<vmem_shared>>
      tpu.wait_dma2 semaphore(%run_scoped3A : memref<!tpu.dma_semaphore, #tpu.memory_space<semaphore_mem>>) src(%arg8 : memref<64x128xf32, #tpu.memory_space<vmem>>) dst(%dma_wait3A_60 : memref<64x128xf32, #tpu.memory_space<vmem_shared>>)
      tpu.yield
    }) : () -> ()
    %add3A_19 = arith.constant 320 : i32
    %add3A_20 = arith.addi %mul3A_8, %add3A_19 : i32
    "tpu.region"() ({
      %run_scoped3A = tpu.sem_alloc : memref<!tpu.dma_semaphore, #tpu.memory_space<semaphore_mem>>
      %dma_start3A = arith.constant 0 : i32
      %dma_start3A_55 = tpu.memref_slice %arg12[%add3A_20, %dma_start3A] : memref<10112x128xf32, #tpu.memory_space<vmem_shared>> -> memref<64x128xf32, #tpu.memory_space<vmem_shared>>
      %dma_start3A_56 = arith.constant 0 : i32
      %dma_start3A_57 = tpu.memref_slice %arg12[%add3A_20, %dma_start3A_56] : memref<10112x128xf32, #tpu.memory_space<vmem_shared>> -> memref<64x128xf32, #tpu.memory_space<vmem_shared>>
      tpu.enqueue_dma source(%arg8 : memref<64x128xf32, #tpu.memory_space<vmem>>) target(%dma_start3A_57 : memref<64x128xf32, #tpu.memory_space<vmem_shared>>) target_semaphore(%run_scoped3A : memref<!tpu.dma_semaphore, #tpu.memory_space<semaphore_mem>>)
      %dma_wait3A = arith.constant 0 : i32
      %dma_wait3A_58 = tpu.memref_slice %arg12[%add3A_20, %dma_wait3A] : memref<10112x128xf32, #tpu.memory_space<vmem_shared>> -> memref<64x128xf32, #tpu.memory_space<vmem_shared>>
      %dma_wait3A_59 = arith.constant 0 : i32
      %dma_wait3A_60 = tpu.memref_slice %arg12[%add3A_20, %dma_wait3A_59] : memref<10112x128xf32, #tpu.memory_space<vmem_shared>> -> memref<64x128xf32, #tpu.memory_space<vmem_shared>>
      tpu.wait_dma2 semaphore(%run_scoped3A : memref<!tpu.dma_semaphore, #tpu.memory_space<semaphore_mem>>) src(%arg8 : memref<64x128xf32, #tpu.memory_space<vmem>>) dst(%dma_wait3A_60 : memref<64x128xf32, #tpu.memory_space<vmem_shared>>)
      tpu.yield
    }) : () -> ()
    %add3A_21 = arith.constant 384 : i32
    %add3A_22 = arith.addi %mul3A_8, %add3A_21 : i32
    "tpu.region"() ({
      %run_scoped3A = tpu.sem_alloc : memref<!tpu.dma_semaphore, #tpu.memory_space<semaphore_mem>>
      %dma_start3A = arith.constant 0 : i32
      %dma_start3A_55 = tpu.memref_slice %arg12[%add3A_22, %dma_start3A] : memref<10112x128xf32, #tpu.memory_space<vmem_shared>> -> memref<64x128xf32, #tpu.memory_space<vmem_shared>>
      %dma_start3A_56 = arith.constant 0 : i32
      %dma_start3A_57 = tpu.memref_slice %arg12[%add3A_22, %dma_start3A_56] : memref<10112x128xf32, #tpu.memory_space<vmem_shared>> -> memref<64x128xf32, #tpu.memory_space<vmem_shared>>
      tpu.enqueue_dma source(%arg8 : memref<64x128xf32, #tpu.memory_space<vmem>>) target(%dma_start3A_57 : memref<64x128xf32, #tpu.memory_space<vmem_shared>>) target_semaphore(%run_scoped3A : memref<!tpu.dma_semaphore, #tpu.memory_space<semaphore_mem>>)
      %dma_wait3A = arith.constant 0 : i32
      %dma_wait3A_58 = tpu.memref_slice %arg12[%add3A_22, %dma_wait3A] : memref<10112x128xf32, #tpu.memory_space<vmem_shared>> -> memref<64x128xf32, #tpu.memory_space<vmem_shared>>
      %dma_wait3A_59 = arith.constant 0 : i32
      %dma_wait3A_60 = tpu.memref_slice %arg12[%add3A_22, %dma_wait3A_59] : memref<10112x128xf32, #tpu.memory_space<vmem_shared>> -> memref<64x128xf32, #tpu.memory_space<vmem_shared>>
      tpu.wait_dma2 semaphore(%run_scoped3A : memref<!tpu.dma_semaphore, #tpu.memory_space<semaphore_mem>>) src(%arg8 : memref<64x128xf32, #tpu.memory_space<vmem>>) dst(%dma_wait3A_60 : memref<64x128xf32, #tpu.memory_space<vmem_shared>>)
      tpu.yield
    }) : () -> ()
    %add3A_23 = arith.constant 448 : i32
    %add3A_24 = arith.addi %mul3A_8, %add3A_23 : i32
    "tpu.region"() ({
      %run_scoped3A = tpu.sem_alloc : memref<!tpu.dma_semaphore, #tpu.memory_space<semaphore_mem>>
      %dma_start3A = arith.constant 0 : i32
      %dma_start3A_55 = tpu.memref_slice %arg12[%add3A_24, %dma_start3A] : memref<10112x128xf32, #tpu.memory_space<vmem_shared>> -> memref<64x128xf32, #tpu.memory_space<vmem_shared>>
      %dma_start3A_56 = arith.constant 0 : i32
      %dma_start3A_57 = tpu.memref_slice %arg12[%add3A_24, %dma_start3A_56] : memref<10112x128xf32, #tpu.memory_space<vmem_shared>> -> memref<64x128xf32, #tpu.memory_space<vmem_shared>>
      tpu.enqueue_dma source(%arg8 : memref<64x128xf32, #tpu.memory_space<vmem>>) target(%dma_start3A_57 : memref<64x128xf32, #tpu.memory_space<vmem_shared>>) target_semaphore(%run_scoped3A : memref<!tpu.dma_semaphore, #tpu.memory_space<semaphore_mem>>)
      %dma_wait3A = arith.constant 0 : i32
      %dma_wait3A_58 = tpu.memref_slice %arg12[%add3A_24, %dma_wait3A] : memref<10112x128xf32, #tpu.memory_space<vmem_shared>> -> memref<64x128xf32, #tpu.memory_space<vmem_shared>>
      %dma_wait3A_59 = arith.constant 0 : i32
      %dma_wait3A_60 = tpu.memref_slice %arg12[%add3A_24, %dma_wait3A_59] : memref<10112x128xf32, #tpu.memory_space<vmem_shared>> -> memref<64x128xf32, #tpu.memory_space<vmem_shared>>
      tpu.wait_dma2 semaphore(%run_scoped3A : memref<!tpu.dma_semaphore, #tpu.memory_space<semaphore_mem>>) src(%arg8 : memref<64x128xf32, #tpu.memory_space<vmem>>) dst(%dma_wait3A_60 : memref<64x128xf32, #tpu.memory_space<vmem_shared>>)
      tpu.yield
    }) : () -> ()
    %add3A_25 = arith.constant 512 : i32
    %add3A_26 = arith.addi %mul3A_8, %add3A_25 : i32
    "tpu.region"() ({
      %run_scoped3A = tpu.sem_alloc : memref<!tpu.dma_semaphore, #tpu.memory_space<semaphore_mem>>
      %dma_start3A = arith.constant 0 : i32
      %dma_start3A_55 = tpu.memref_slice %arg12[%add3A_26, %dma_start3A] : memref<10112x128xf32, #tpu.memory_space<vmem_shared>> -> memref<64x128xf32, #tpu.memory_space<vmem_shared>>
      %dma_start3A_56 = arith.constant 0 : i32
      %dma_start3A_57 = tpu.memref_slice %arg12[%add3A_26, %dma_start3A_56] : memref<10112x128xf32, #tpu.memory_space<vmem_shared>> -> memref<64x128xf32, #tpu.memory_space<vmem_shared>>
      tpu.enqueue_dma source(%arg8 : memref<64x128xf32, #tpu.memory_space<vmem>>) target(%dma_start3A_57 : memref<64x128xf32, #tpu.memory_space<vmem_shared>>) target_semaphore(%run_scoped3A : memref<!tpu.dma_semaphore, #tpu.memory_space<semaphore_mem>>)
      %dma_wait3A = arith.constant 0 : i32
      %dma_wait3A_58 = tpu.memref_slice %arg12[%add3A_26, %dma_wait3A] : memref<10112x128xf32, #tpu.memory_space<vmem_shared>> -> memref<64x128xf32, #tpu.memory_space<vmem_shared>>
      %dma_wait3A_59 = arith.constant 0 : i32
      %dma_wait3A_60 = tpu.memref_slice %arg12[%add3A_26, %dma_wait3A_59] : memref<10112x128xf32, #tpu.memory_space<vmem_shared>> -> memref<64x128xf32, #tpu.memory_space<vmem_shared>>
      tpu.wait_dma2 semaphore(%run_scoped3A : memref<!tpu.dma_semaphore, #tpu.memory_space<semaphore_mem>>) src(%arg8 : memref<64x128xf32, #tpu.memory_space<vmem>>) dst(%dma_wait3A_60 : memref<64x128xf32, #tpu.memory_space<vmem_shared>>)
      tpu.yield
    }) : () -> ()
    %add3A_27 = arith.constant 576 : i32
    %add3A_28 = arith.addi %mul3A_8, %add3A_27 : i32
    "tpu.region"() ({
      %run_scoped3A = tpu.sem_alloc : memref<!tpu.dma_semaphore, #tpu.memory_space<semaphore_mem>>
      %dma_start3A = arith.constant 0 : i32
      %dma_start3A_55 = arith.constant 0 : i32
      %dma_start3A_56 = tpu.memref_slice %arg8[%dma_start3A, %dma_start3A_55] : memref<64x128xf32, #tpu.memory_space<vmem>> -> memref<56x128xf32, #tpu.memory_space<vmem>>
      %dma_start3A_57 = arith.constant 0 : i32
      %dma_start3A_58 = tpu.memref_slice %arg12[%add3A_28, %dma_start3A_57] : memref<10112x128xf32, #tpu.memory_space<vmem_shared>> -> memref<56x128xf32, #tpu.memory_space<vmem_shared>>
      %dma_start3A_59 = arith.constant 0 : i32
      %dma_start3A_60 = tpu.memref_slice %arg12[%add3A_28, %dma_start3A_59] : memref<10112x128xf32, #tpu.memory_space<vmem_shared>> -> memref<56x128xf32, #tpu.memory_space<vmem_shared>>
      %dma_start3A_61 = arith.constant 0 : i32
      %dma_start3A_62 = arith.constant 0 : i32
      %dma_start3A_63 = tpu.memref_slice %arg8[%dma_start3A_61, %dma_start3A_62] : memref<64x128xf32, #tpu.memory_space<vmem>> -> memref<56x128xf32, #tpu.memory_space<vmem>>
      tpu.enqueue_dma source(%dma_start3A_63 : memref<56x128xf32, #tpu.memory_space<vmem>>) target(%dma_start3A_60 : memref<56x128xf32, #tpu.memory_space<vmem_shared>>) target_semaphore(%run_scoped3A : memref<!tpu.dma_semaphore, #tpu.memory_space<semaphore_mem>>)
      %dma_wait3A = arith.constant 0 : i32
      %dma_wait3A_64 = arith.constant 0 : i32
      %dma_wait3A_65 = tpu.memref_slice %arg8[%dma_wait3A, %dma_wait3A_64] : memref<64x128xf32, #tpu.memory_space<vmem>> -> memref<56x128xf32, #tpu.memory_space<vmem>>
      %dma_wait3A_66 = arith.constant 0 : i32
      %dma_wait3A_67 = tpu.memref_slice %arg12[%add3A_28, %dma_wait3A_66] : memref<10112x128xf32, #tpu.memory_space<vmem_shared>> -> memref<56x128xf32, #tpu.memory_space<vmem_shared>>
      %dma_wait3A_68 = arith.constant 0 : i32
      %dma_wait3A_69 = tpu.memref_slice %arg12[%add3A_28, %dma_wait3A_68] : memref<10112x128xf32, #tpu.memory_space<vmem_shared>> -> memref<56x128xf32, #tpu.memory_space<vmem_shared>>
      %dma_wait3A_70 = arith.constant 0 : i32
      %dma_wait3A_71 = arith.constant 0 : i32
      %dma_wait3A_72 = tpu.memref_slice %arg8[%dma_wait3A_70, %dma_wait3A_71] : memref<64x128xf32, #tpu.memory_space<vmem>> -> memref<56x128xf32, #tpu.memory_space<vmem>>
      tpu.wait_dma2 semaphore(%run_scoped3A : memref<!tpu.dma_semaphore, #tpu.memory_space<semaphore_mem>>) src(%dma_wait3A_72 : memref<56x128xf32, #tpu.memory_space<vmem>>) dst(%dma_wait3A_69 : memref<56x128xf32, #tpu.memory_space<vmem_shared>>)
      tpu.yield
    }) : () -> ()
    %barrier3A = arith.constant 0 : index
    tpu.barrier barrier_id(%barrier3A)
    %eq3A = arith.constant 0 : i32
    %eq3A_29 = arith.cmpi eq, %arg0, %eq3A : i32
    %mul3A_30 = arith.constant 280 : i32
    %mul3A_31 = arith.muli %arg1, %mul3A_30 : i32
    %mul3A_32 = arith.constant 40 : i32
    %mul3A_33 = arith.muli %arg1, %mul3A_32 : i32
    %add3A_34 = arith.constant 4480 : i32
    %add3A_35 = arith.addi %add3A_34, %mul3A_33 : i32
    %select_n3A = arith.select %eq3A_29, %mul3A_31, %add3A_35 : i32
    %eq3A_36 = arith.constant 0 : i32
    %eq3A_37 = arith.cmpi eq, %arg0, %eq3A_36 : i32
    %jit3A = arith.constant 7 : i32
    %jit3A_38 = arith.constant 1 : i32
    %select_n3A_39 = arith.select %eq3A_37, %jit3A, %jit3A_38 : i32
    %while3A = arith.constant 0 : i32
    %while3A_40 = arith.constant 0 : i32
    %while3A_41 = arith.subi %select_n3A_39, %while3A : i32
    %while3A_42 = arith.addi %while3A, %while3A_41 : i32
    %while3A_43 = arith.constant 1 : i32
    %while3A_44 = arith.divsi %while3A_41, %while3A_43 : i32
    %while3A_45 = arith.muli %while3A_44, %while3A_43 : i32
    %while3A_46 = arith.addi %while3A, %while3A_45 : i32
    %while3A_47 = arith.constant 1 : i32
    %while3A_48 = scf.for %while3A_55 = %while3A to %while3A_46 step %while3A_47 iter_args(%while3A_56 = %while3A_40) -> (i32)  : i32 {
      %mul3A_57 = arith.constant 40 : i32
      %mul3A_58 = arith.muli %while3A_55, %mul3A_57 : i32
      %add3A_59 = arith.addi %select_n3A, %mul3A_58 : i32
      "tpu.region"() ({
        %run_scoped3A = tpu.sem_alloc : memref<!tpu.dma_semaphore, #tpu.memory_space<semaphore_mem>>
        %dma_start3A_92 = arith.constant 0 : i32
        %dma_start3A_93 = tpu.memref_slice %arg2[%add3A_59, %dma_start3A_92] : memref<5120x64xi32, #tpu.memory_space<hbm>> -> memref<40x64xi32, #tpu.memory_space<hbm>>
        %dma_start3A_94 = arith.constant 0 : i32
        %dma_start3A_95 = tpu.memref_slice %arg2[%add3A_59, %dma_start3A_94] : memref<5120x64xi32, #tpu.memory_space<hbm>> -> memref<40x64xi32, #tpu.memory_space<hbm>>
        tpu.enqueue_dma source(%dma_start3A_95 : memref<40x64xi32, #tpu.memory_space<hbm>>) target(%arg6 : memref<40x64xi32, #tpu.memory_space<vmem>>) target_semaphore(%run_scoped3A : memref<!tpu.dma_semaphore, #tpu.memory_space<semaphore_mem>>)
        %dma_wait3A_96 = arith.constant 0 : i32
        %dma_wait3A_97 = tpu.memref_slice %arg2[%add3A_59, %dma_wait3A_96] : memref<5120x64xi32, #tpu.memory_space<hbm>> -> memref<40x64xi32, #tpu.memory_space<hbm>>
        %dma_wait3A_98 = arith.constant 0 : i32
        %dma_wait3A_99 = tpu.memref_slice %arg2[%add3A_59, %dma_wait3A_98] : memref<5120x64xi32, #tpu.memory_space<hbm>> -> memref<40x64xi32, #tpu.memory_space<hbm>>
        tpu.wait_dma2 semaphore(%run_scoped3A : memref<!tpu.dma_semaphore, #tpu.memory_space<semaphore_mem>>) src(%dma_wait3A_99 : memref<40x64xi32, #tpu.memory_space<hbm>>) dst(%arg6 : memref<40x64xi32, #tpu.memory_space<vmem>>)
        tpu.yield
      }) : () -> ()
      "tpu.region"() ({
        %run_scoped3A = tpu.sem_alloc : memref<!tpu.dma_semaphore, #tpu.memory_space<semaphore_mem>>
        %dma_start3A_92 = arith.constant 0 : i32
        %dma_start3A_93 = tpu.memref_slice %arg3[%add3A_59, %dma_start3A_92] : memref<5120x64xi32, #tpu.memory_space<hbm>> -> memref<40x64xi32, #tpu.memory_space<hbm>>
        %dma_start3A_94 = arith.constant 0 : i32
        %dma_start3A_95 = tpu.memref_slice %arg3[%add3A_59, %dma_start3A_94] : memref<5120x64xi32, #tpu.memory_space<hbm>> -> memref<40x64xi32, #tpu.memory_space<hbm>>
        tpu.enqueue_dma source(%dma_start3A_95 : memref<40x64xi32, #tpu.memory_space<hbm>>) target(%arg7 : memref<40x64xi32, #tpu.memory_space<vmem>>) target_semaphore(%run_scoped3A : memref<!tpu.dma_semaphore, #tpu.memory_space<semaphore_mem>>)
        %dma_wait3A_96 = arith.constant 0 : i32
        %dma_wait3A_97 = tpu.memref_slice %arg3[%add3A_59, %dma_wait3A_96] : memref<5120x64xi32, #tpu.memory_space<hbm>> -> memref<40x64xi32, #tpu.memory_space<hbm>>
        %dma_wait3A_98 = arith.constant 0 : i32
        %dma_wait3A_99 = tpu.memref_slice %arg3[%add3A_59, %dma_wait3A_98] : memref<5120x64xi32, #tpu.memory_space<hbm>> -> memref<40x64xi32, #tpu.memory_space<hbm>>
        tpu.wait_dma2 semaphore(%run_scoped3A : memref<!tpu.dma_semaphore, #tpu.memory_space<semaphore_mem>>) src(%dma_wait3A_99 : memref<40x64xi32, #tpu.memory_space<hbm>>) dst(%arg7 : memref<40x64xi32, #tpu.memory_space<vmem>>)
        tpu.yield
      }) : () -> ()
      %dma_start3A = arith.constant 0 : i32
      %dma_start3A_60 = arith.constant 0 : i32
      %dma_start3A_61 = tpu.memref_slice %arg6[%dma_start3A, %dma_start3A_60] : memref<40x64xi32, #tpu.memory_space<vmem>> -> memref<1x64xi32, #tpu.memory_space<vmem>>
      %dma_start3A_62 = tpu.memref_squeeze %dma_start3A_61 : memref<1x64xi32, #tpu.memory_space<vmem>> -> memref<64xi32, #tpu.memory_space<vmem>>
      %dma_start3A_63 = arith.constant 0 : i32
      %dma_start3A_64 = arith.constant 0 : i32
      %dma_start3A_65 = tpu.memref_slice %arg4[%dma_start3A_63, %dma_start3A_64] : memref<10000x128xf32, #tpu.memory_space<hbm>> -> memref<10000x128xf32, #tpu.memory_space<hbm>>
      tpu.enqueue_indirect_dma source(%dma_start3A_65 : memref<10000x128xf32, #tpu.memory_space<hbm>>) target(%arg8 : memref<64x128xf32, #tpu.memory_space<vmem>>) offsets(%dma_start3A_62 : memref<64xi32, #tpu.memory_space<vmem>>) semaphore(%arg13 : memref<!tpu.dma_semaphore, #tpu.memory_space<semaphore_mem>>)
      %dma_start3A_66 = arith.constant 1 : i32
      %dma_start3A_67 = arith.constant 0 : i32
      %dma_start3A_68 = tpu.memref_slice %arg6[%dma_start3A_66, %dma_start3A_67] : memref<40x64xi32, #tpu.memory_space<vmem>> -> memref<1x64xi32, #tpu.memory_space<vmem>>
      %dma_start3A_69 = tpu.memref_squeeze %dma_start3A_68 : memref<1x64xi32, #tpu.memory_space<vmem>> -> memref<64xi32, #tpu.memory_space<vmem>>
      %dma_start3A_70 = arith.constant 0 : i32
      %dma_start3A_71 = arith.constant 0 : i32
      %dma_start3A_72 = tpu.memref_slice %arg4[%dma_start3A_70, %dma_start3A_71] : memref<10000x128xf32, #tpu.memory_space<hbm>> -> memref<10000x128xf32, #tpu.memory_space<hbm>>
      tpu.enqueue_indirect_dma source(%dma_start3A_72 : memref<10000x128xf32, #tpu.memory_space<hbm>>) target(%arg9 : memref<64x128xf32, #tpu.memory_space<vmem>>) offsets(%dma_start3A_69 : memref<64xi32, #tpu.memory_space<vmem>>) semaphore(%arg14 : memref<!tpu.dma_semaphore, #tpu.memory_space<semaphore_mem>>)
      %scan3A_73 = arith.constant 0 : i32
      %scan3A_74 = arith.constant 0 : i32
      %scan3A_75 = arith.constant 40 : i32
      %scan3A_76 = arith.addi %scan3A_74, %scan3A_75 : i32
      %scan3A_77 = arith.constant 1 : i32
      %scan3A_78 = scf.for %scan3A_92 = %scan3A_74 to %scan3A_76 step %scan3A_77 iter_args(%scan3A_93 = %scan3A_73) -> (i32)  : i32 {
        %rem3A = arith.constant 4 : i32
        %rem3A_94 = arith.remsi %scan3A_92, %rem3A : i32
        %eq3A_95 = arith.constant 0 : i32
        %eq3A_96 = arith.cmpi eq, %rem3A_94, %eq3A_95 : i32
        %convert_element_type3A = arith.extui %eq3A_96 : i1 to i32
        %cond3A = arith.constant 0 : i32
        %cond3A_97 = arith.cmpi ne, %convert_element_type3A, %cond3A : i32
        scf.if %cond3A_97 {
          %dma_wait3A_120 = arith.constant 0 : i32
          %dma_wait3A_121 = arith.constant 0 : i32
          %dma_wait3A_122 = tpu.memref_slice %arg4[%dma_wait3A_120, %dma_wait3A_121] : memref<10000x128xf32, #tpu.memory_space<hbm>> -> memref<64x128xf32, #tpu.memory_space<hbm>>
          %dma_wait3A_123 = arith.constant 0 : i32
          %dma_wait3A_124 = arith.constant 0 : i32
          %dma_wait3A_125 = tpu.memref_slice %arg4[%dma_wait3A_123, %dma_wait3A_124] : memref<10000x128xf32, #tpu.memory_space<hbm>> -> memref<64x128xf32, #tpu.memory_space<hbm>>
          tpu.wait_dma2 semaphore(%arg13 : memref<!tpu.dma_semaphore, #tpu.memory_space<semaphore_mem>>) src(%dma_wait3A_125 : memref<64x128xf32, #tpu.memory_space<hbm>>) dst(%arg8 : memref<64x128xf32, #tpu.memory_space<vmem>>)
          %ge3A = arith.constant 2 : i32
          %ge3A_126 = arith.cmpi sge, %scan3A_92, %ge3A : i32
          %convert_element_type3A_127 = arith.extui %ge3A_126 : i1 to i32
          %cond3A_128 = arith.constant 0 : i32
          %cond3A_129 = arith.cmpi ne, %convert_element_type3A_127, %cond3A_128 : i32
          scf.if %cond3A_129 {
            %dma_wait3A_142 = arith.constant 0 : i32
            %dma_wait3A_143 = arith.constant 0 : i32
            %dma_wait3A_144 = tpu.memref_slice %arg12[%dma_wait3A_142, %dma_wait3A_143] : memref<10112x128xf32, #tpu.memory_space<vmem_shared>> -> memref<64x128xf32, #tpu.memory_space<vmem_shared>>
            %dma_wait3A_145 = arith.constant 0 : i32
            %dma_wait3A_146 = arith.constant 0 : i32
            %dma_wait3A_147 = tpu.memref_slice %arg12[%dma_wait3A_145, %dma_wait3A_146] : memref<10112x128xf32, #tpu.memory_space<vmem_shared>> -> memref<64x128xf32, #tpu.memory_space<vmem_shared>>
            tpu.wait_dma2 semaphore(%arg19 : memref<!tpu.dma_semaphore, #tpu.memory_space<semaphore_mem>>) src(%arg10 : memref<64x128xf32, #tpu.memory_space<vmem>>) dst(%dma_wait3A_147 : memref<64x128xf32, #tpu.memory_space<vmem_shared>>)
          } else {
          }
          %add3A_130 = arith.constant 2 : i32
          %add3A_131 = arith.addi %scan3A_92, %add3A_130 : i32
          %lt3A = arith.constant 40 : i32
          %lt3A_132 = arith.cmpi slt, %add3A_131, %lt3A : i32
          %convert_element_type3A_133 = arith.extui %lt3A_132 : i1 to i32
          %cond3A_134 = arith.constant 0 : i32
          %cond3A_135 = arith.cmpi ne, %convert_element_type3A_133, %cond3A_134 : i32
          scf.if %cond3A_135 {
            %add3A_142 = arith.constant 2 : i32
            %add3A_143 = arith.addi %scan3A_92, %add3A_142 : i32
            %dma_start3A_144 = arith.constant 0 : i32
            %dma_start3A_145 = tpu.memref_slice %arg6[%add3A_143, %dma_start3A_144] : memref<40x64xi32, #tpu.memory_space<vmem>> -> memref<1x64xi32, #tpu.memory_space<vmem>>
            %dma_start3A_146 = tpu.memref_squeeze %dma_start3A_145 : memref<1x64xi32, #tpu.memory_space<vmem>> -> memref<64xi32, #tpu.memory_space<vmem>>
            %dma_start3A_147 = arith.constant 0 : i32
            %dma_start3A_148 = arith.constant 0 : i32
            %dma_start3A_149 = tpu.memref_slice %arg4[%dma_start3A_147, %dma_start3A_148] : memref<10000x128xf32, #tpu.memory_space<hbm>> -> memref<10000x128xf32, #tpu.memory_space<hbm>>
            tpu.enqueue_indirect_dma source(%dma_start3A_149 : memref<10000x128xf32, #tpu.memory_space<hbm>>) target(%arg10 : memref<64x128xf32, #tpu.memory_space<vmem>>) offsets(%dma_start3A_146 : memref<64xi32, #tpu.memory_space<vmem>>) semaphore(%arg15 : memref<!tpu.dma_semaphore, #tpu.memory_space<semaphore_mem>>)
          } else {
          }
          %dma_start3A_136 = arith.constant 0 : i32
          %dma_start3A_137 = tpu.memref_slice %arg7[%scan3A_92, %dma_start3A_136] : memref<40x64xi32, #tpu.memory_space<vmem>> -> memref<1x64xi32, #tpu.memory_space<vmem>>
          %dma_start3A_138 = tpu.memref_squeeze %dma_start3A_137 : memref<1x64xi32, #tpu.memory_space<vmem>> -> memref<64xi32, #tpu.memory_space<vmem>>
          %dma_start3A_139 = arith.constant 0 : i32
          %dma_start3A_140 = arith.constant 0 : i32
          %dma_start3A_141 = tpu.memref_slice %arg12[%dma_start3A_139, %dma_start3A_140] : memref<10112x128xf32, #tpu.memory_space<vmem_shared>> -> memref<10112x128xf32, #tpu.memory_space<vmem_shared>>
          tpu.enqueue_indirect_dma source(%arg8 : memref<64x128xf32, #tpu.memory_space<vmem>>) target(%dma_start3A_141 : memref<10112x128xf32, #tpu.memory_space<vmem_shared>>) offsets(%dma_start3A_138 : memref<64xi32, #tpu.memory_space<vmem>>) semaphore(%arg17 : memref<!tpu.dma_semaphore, #tpu.memory_space<semaphore_mem>>) {add = true}
        } else {
        }
        %rem3A_98 = arith.constant 4 : i32
        %rem3A_99 = arith.remsi %scan3A_92, %rem3A_98 : i32
        %eq3A_100 = arith.constant 1 : i32
        %eq3A_101 = arith.cmpi eq, %rem3A_99, %eq3A_100 : i32
        %convert_element_type3A_102 = arith.extui %eq3A_101 : i1 to i32
        %cond3A_103 = arith.constant 0 : i32
        %cond3A_104 = arith.cmpi ne, %convert_element_type3A_102, %cond3A_103 : i32
        scf.if %cond3A_104 {
          %dma_wait3A_120 = arith.constant 0 : i32
          %dma_wait3A_121 = arith.constant 0 : i32
          %dma_wait3A_122 = tpu.memref_slice %arg4[%dma_wait3A_120, %dma_wait3A_121] : memref<10000x128xf32, #tpu.memory_space<hbm>> -> memref<64x128xf32, #tpu.memory_space<hbm>>
          %dma_wait3A_123 = arith.constant 0 : i32
          %dma_wait3A_124 = arith.constant 0 : i32
          %dma_wait3A_125 = tpu.memref_slice %arg4[%dma_wait3A_123, %dma_wait3A_124] : memref<10000x128xf32, #tpu.memory_space<hbm>> -> memref<64x128xf32, #tpu.memory_space<hbm>>
          tpu.wait_dma2 semaphore(%arg14 : memref<!tpu.dma_semaphore, #tpu.memory_space<semaphore_mem>>) src(%dma_wait3A_125 : memref<64x128xf32, #tpu.memory_space<hbm>>) dst(%arg9 : memref<64x128xf32, #tpu.memory_space<vmem>>)
          %ge3A = arith.constant 2 : i32
          %ge3A_126 = arith.cmpi sge, %scan3A_92, %ge3A : i32
          %convert_element_type3A_127 = arith.extui %ge3A_126 : i1 to i32
          %cond3A_128 = arith.constant 0 : i32
          %cond3A_129 = arith.cmpi ne, %convert_element_type3A_127, %cond3A_128 : i32
          scf.if %cond3A_129 {
            %dma_wait3A_142 = arith.constant 0 : i32
            %dma_wait3A_143 = arith.constant 0 : i32
            %dma_wait3A_144 = tpu.memref_slice %arg12[%dma_wait3A_142, %dma_wait3A_143] : memref<10112x128xf32, #tpu.memory_space<vmem_shared>> -> memref<64x128xf32, #tpu.memory_space<vmem_shared>>
            %dma_wait3A_145 = arith.constant 0 : i32
            %dma_wait3A_146 = arith.constant 0 : i32
            %dma_wait3A_147 = tpu.memref_slice %arg12[%dma_wait3A_145, %dma_wait3A_146] : memref<10112x128xf32, #tpu.memory_space<vmem_shared>> -> memref<64x128xf32, #tpu.memory_space<vmem_shared>>
            tpu.wait_dma2 semaphore(%arg20 : memref<!tpu.dma_semaphore, #tpu.memory_space<semaphore_mem>>) src(%arg11 : memref<64x128xf32, #tpu.memory_space<vmem>>) dst(%dma_wait3A_147 : memref<64x128xf32, #tpu.memory_space<vmem_shared>>)
          } else {
          }
          %add3A_130 = arith.constant 2 : i32
          %add3A_131 = arith.addi %scan3A_92, %add3A_130 : i32
          %lt3A = arith.constant 40 : i32
          %lt3A_132 = arith.cmpi slt, %add3A_131, %lt3A : i32
          %convert_element_type3A_133 = arith.extui %lt3A_132 : i1 to i32
          %cond3A_134 = arith.constant 0 : i32
          %cond3A_135 = arith.cmpi ne, %convert_element_type3A_133, %cond3A_134 : i32
          scf.if %cond3A_135 {
            %add3A_142 = arith.constant 2 : i32
            %add3A_143 = arith.addi %scan3A_92, %add3A_142 : i32
            %dma_start3A_144 = arith.constant 0 : i32
            %dma_start3A_145 = tpu.memref_slice %arg6[%add3A_143, %dma_start3A_144] : memref<40x64xi32, #tpu.memory_space<vmem>> -> memref<1x64xi32, #tpu.memory_space<vmem>>
            %dma_start3A_146 = tpu.memref_squeeze %dma_start3A_145 : memref<1x64xi32, #tpu.memory_space<vmem>> -> memref<64xi32, #tpu.memory_space<vmem>>
            %dma_start3A_147 = arith.constant 0 : i32
            %dma_start3A_148 = arith.constant 0 : i32
            %dma_start3A_149 = tpu.memref_slice %arg4[%dma_start3A_147, %dma_start3A_148] : memref<10000x128xf32, #tpu.memory_space<hbm>> -> memref<10000x128xf32, #tpu.memory_space<hbm>>
            tpu.enqueue_indirect_dma source(%dma_start3A_149 : memref<10000x128xf32, #tpu.memory_space<hbm>>) target(%arg11 : memref<64x128xf32, #tpu.memory_space<vmem>>) offsets(%dma_start3A_146 : memref<64xi32, #tpu.memory_space<vmem>>) semaphore(%arg16 : memref<!tpu.dma_semaphore, #tpu.memory_space<semaphore_mem>>)
          } else {
          }
          %dma_start3A_136 = arith.constant 0 : i32
          %dma_start3A_137 = tpu.memref_slice %arg7[%scan3A_92, %dma_start3A_136] : memref<40x64xi32, #tpu.memory_space<vmem>> -> memref<1x64xi32, #tpu.memory_space<vmem>>
          %dma_start3A_138 = tpu.memref_squeeze %dma_start3A_137 : memref<1x64xi32, #tpu.memory_space<vmem>> -> memref<64xi32, #tpu.memory_space<vmem>>
          %dma_start3A_139 = arith.constant 0 : i32
          %dma_start3A_140 = arith.constant 0 : i32
          %dma_start3A_141 = tpu.memref_slice %arg12[%dma_start3A_139, %dma_start3A_140] : memref<10112x128xf32, #tpu.memory_space<vmem_shared>> -> memref<10112x128xf32, #tpu.memory_space<vmem_shared>>
          tpu.enqueue_indirect_dma source(%arg9 : memref<64x128xf32, #tpu.memory_space<vmem>>) target(%dma_start3A_141 : memref<10112x128xf32, #tpu.memory_space<vmem_shared>>) offsets(%dma_start3A_138 : memref<64xi32, #tpu.memory_space<vmem>>) semaphore(%arg18 : memref<!tpu.dma_semaphore, #tpu.memory_space<semaphore_mem>>) {add = true}
        } else {
        }
        %rem3A_105 = arith.constant 4 : i32
        %rem3A_106 = arith.remsi %scan3A_92, %rem3A_105 : i32
        %eq3A_107 = arith.constant 2 : i32
        %eq3A_108 = arith.cmpi eq, %rem3A_106, %eq3A_107 : i32
        %convert_element_type3A_109 = arith.extui %eq3A_108 : i1 to i32
        %cond3A_110 = arith.constant 0 : i32
        %cond3A_111 = arith.cmpi ne, %convert_element_type3A_109, %cond3A_110 : i32
        scf.if %cond3A_111 {
          %dma_wait3A_120 = arith.constant 0 : i32
          %dma_wait3A_121 = arith.constant 0 : i32
          %dma_wait3A_122 = tpu.memref_slice %arg4[%dma_wait3A_120, %dma_wait3A_121] : memref<10000x128xf32, #tpu.memory_space<hbm>> -> memref<64x128xf32, #tpu.memory_space<hbm>>
          %dma_wait3A_123 = arith.constant 0 : i32
          %dma_wait3A_124 = arith.constant 0 : i32
          %dma_wait3A_125 = tpu.memref_slice %arg4[%dma_wait3A_123, %dma_wait3A_124] : memref<10000x128xf32, #tpu.memory_space<hbm>> -> memref<64x128xf32, #tpu.memory_space<hbm>>
          tpu.wait_dma2 semaphore(%arg15 : memref<!tpu.dma_semaphore, #tpu.memory_space<semaphore_mem>>) src(%dma_wait3A_125 : memref<64x128xf32, #tpu.memory_space<hbm>>) dst(%arg10 : memref<64x128xf32, #tpu.memory_space<vmem>>)
          %ge3A = arith.constant 2 : i32
          %ge3A_126 = arith.cmpi sge, %scan3A_92, %ge3A : i32
          %convert_element_type3A_127 = arith.extui %ge3A_126 : i1 to i32
          %cond3A_128 = arith.constant 0 : i32
          %cond3A_129 = arith.cmpi ne, %convert_element_type3A_127, %cond3A_128 : i32
          scf.if %cond3A_129 {
            %dma_wait3A_142 = arith.constant 0 : i32
            %dma_wait3A_143 = arith.constant 0 : i32
            %dma_wait3A_144 = tpu.memref_slice %arg12[%dma_wait3A_142, %dma_wait3A_143] : memref<10112x128xf32, #tpu.memory_space<vmem_shared>> -> memref<64x128xf32, #tpu.memory_space<vmem_shared>>
            %dma_wait3A_145 = arith.constant 0 : i32
            %dma_wait3A_146 = arith.constant 0 : i32
            %dma_wait3A_147 = tpu.memref_slice %arg12[%dma_wait3A_145, %dma_wait3A_146] : memref<10112x128xf32, #tpu.memory_space<vmem_shared>> -> memref<64x128xf32, #tpu.memory_space<vmem_shared>>
            tpu.wait_dma2 semaphore(%arg17 : memref<!tpu.dma_semaphore, #tpu.memory_space<semaphore_mem>>) src(%arg8 : memref<64x128xf32, #tpu.memory_space<vmem>>) dst(%dma_wait3A_147 : memref<64x128xf32, #tpu.memory_space<vmem_shared>>)
          } else {
          }
          %add3A_130 = arith.constant 2 : i32
          %add3A_131 = arith.addi %scan3A_92, %add3A_130 : i32
          %lt3A = arith.constant 40 : i32
          %lt3A_132 = arith.cmpi slt, %add3A_131, %lt3A : i32
          %convert_element_type3A_133 = arith.extui %lt3A_132 : i1 to i32
          %cond3A_134 = arith.constant 0 : i32
          %cond3A_135 = arith.cmpi ne, %convert_element_type3A_133, %cond3A_134 : i32
          scf.if %cond3A_135 {
            %add3A_142 = arith.constant 2 : i32
            %add3A_143 = arith.addi %scan3A_92, %add3A_142 : i32
            %dma_start3A_144 = arith.constant 0 : i32
            %dma_start3A_145 = tpu.memref_slice %arg6[%add3A_143, %dma_start3A_144] : memref<40x64xi32, #tpu.memory_space<vmem>> -> memref<1x64xi32, #tpu.memory_space<vmem>>
            %dma_start3A_146 = tpu.memref_squeeze %dma_start3A_145 : memref<1x64xi32, #tpu.memory_space<vmem>> -> memref<64xi32, #tpu.memory_space<vmem>>
            %dma_start3A_147 = arith.constant 0 : i32
            %dma_start3A_148 = arith.constant 0 : i32
            %dma_start3A_149 = tpu.memref_slice %arg4[%dma_start3A_147, %dma_start3A_148] : memref<10000x128xf32, #tpu.memory_space<hbm>> -> memref<10000x128xf32, #tpu.memory_space<hbm>>
            tpu.enqueue_indirect_dma source(%dma_start3A_149 : memref<10000x128xf32, #tpu.memory_space<hbm>>) target(%arg8 : memref<64x128xf32, #tpu.memory_space<vmem>>) offsets(%dma_start3A_146 : memref<64xi32, #tpu.memory_space<vmem>>) semaphore(%arg13 : memref<!tpu.dma_semaphore, #tpu.memory_space<semaphore_mem>>)
          } else {
          }
          %dma_start3A_136 = arith.constant 0 : i32
          %dma_start3A_137 = tpu.memref_slice %arg7[%scan3A_92, %dma_start3A_136] : memref<40x64xi32, #tpu.memory_space<vmem>> -> memref<1x64xi32, #tpu.memory_space<vmem>>
          %dma_start3A_138 = tpu.memref_squeeze %dma_start3A_137 : memref<1x64xi32, #tpu.memory_space<vmem>> -> memref<64xi32, #tpu.memory_space<vmem>>
          %dma_start3A_139 = arith.constant 0 : i32
          %dma_start3A_140 = arith.constant 0 : i32
          %dma_start3A_141 = tpu.memref_slice %arg12[%dma_start3A_139, %dma_start3A_140] : memref<10112x128xf32, #tpu.memory_space<vmem_shared>> -> memref<10112x128xf32, #tpu.memory_space<vmem_shared>>
          tpu.enqueue_indirect_dma source(%arg10 : memref<64x128xf32, #tpu.memory_space<vmem>>) target(%dma_start3A_141 : memref<10112x128xf32, #tpu.memory_space<vmem_shared>>) offsets(%dma_start3A_138 : memref<64xi32, #tpu.memory_space<vmem>>) semaphore(%arg19 : memref<!tpu.dma_semaphore, #tpu.memory_space<semaphore_mem>>) {add = true}
        } else {
        }
        %rem3A_112 = arith.constant 4 : i32
        %rem3A_113 = arith.remsi %scan3A_92, %rem3A_112 : i32
        %eq3A_114 = arith.constant 3 : i32
        %eq3A_115 = arith.cmpi eq, %rem3A_113, %eq3A_114 : i32
        %convert_element_type3A_116 = arith.extui %eq3A_115 : i1 to i32
        %cond3A_117 = arith.constant 0 : i32
        %cond3A_118 = arith.cmpi ne, %convert_element_type3A_116, %cond3A_117 : i32
        scf.if %cond3A_118 {
          %dma_wait3A_120 = arith.constant 0 : i32
          %dma_wait3A_121 = arith.constant 0 : i32
          %dma_wait3A_122 = tpu.memref_slice %arg4[%dma_wait3A_120, %dma_wait3A_121] : memref<10000x128xf32, #tpu.memory_space<hbm>> -> memref<64x128xf32, #tpu.memory_space<hbm>>
          %dma_wait3A_123 = arith.constant 0 : i32
          %dma_wait3A_124 = arith.constant 0 : i32
          %dma_wait3A_125 = tpu.memref_slice %arg4[%dma_wait3A_123, %dma_wait3A_124] : memref<10000x128xf32, #tpu.memory_space<hbm>> -> memref<64x128xf32, #tpu.memory_space<hbm>>
          tpu.wait_dma2 semaphore(%arg16 : memref<!tpu.dma_semaphore, #tpu.memory_space<semaphore_mem>>) src(%dma_wait3A_125 : memref<64x128xf32, #tpu.memory_space<hbm>>) dst(%arg11 : memref<64x128xf32, #tpu.memory_space<vmem>>)
          %ge3A = arith.constant 2 : i32
          %ge3A_126 = arith.cmpi sge, %scan3A_92, %ge3A : i32
          %convert_element_type3A_127 = arith.extui %ge3A_126 : i1 to i32
          %cond3A_128 = arith.constant 0 : i32
          %cond3A_129 = arith.cmpi ne, %convert_element_type3A_127, %cond3A_128 : i32
          scf.if %cond3A_129 {
            %dma_wait3A_142 = arith.constant 0 : i32
            %dma_wait3A_143 = arith.constant 0 : i32
            %dma_wait3A_144 = tpu.memref_slice %arg12[%dma_wait3A_142, %dma_wait3A_143] : memref<10112x128xf32, #tpu.memory_space<vmem_shared>> -> memref<64x128xf32, #tpu.memory_space<vmem_shared>>
            %dma_wait3A_145 = arith.constant 0 : i32
            %dma_wait3A_146 = arith.constant 0 : i32
            %dma_wait3A_147 = tpu.memref_slice %arg12[%dma_wait3A_145, %dma_wait3A_146] : memref<10112x128xf32, #tpu.memory_space<vmem_shared>> -> memref<64x128xf32, #tpu.memory_space<vmem_shared>>
            tpu.wait_dma2 semaphore(%arg18 : memref<!tpu.dma_semaphore, #tpu.memory_space<semaphore_mem>>) src(%arg9 : memref<64x128xf32, #tpu.memory_space<vmem>>) dst(%dma_wait3A_147 : memref<64x128xf32, #tpu.memory_space<vmem_shared>>)
          } else {
          }
          %add3A_130 = arith.constant 2 : i32
          %add3A_131 = arith.addi %scan3A_92, %add3A_130 : i32
          %lt3A = arith.constant 40 : i32
          %lt3A_132 = arith.cmpi slt, %add3A_131, %lt3A : i32
          %convert_element_type3A_133 = arith.extui %lt3A_132 : i1 to i32
          %cond3A_134 = arith.constant 0 : i32
          %cond3A_135 = arith.cmpi ne, %convert_element_type3A_133, %cond3A_134 : i32
          scf.if %cond3A_135 {
            %add3A_142 = arith.constant 2 : i32
            %add3A_143 = arith.addi %scan3A_92, %add3A_142 : i32
            %dma_start3A_144 = arith.constant 0 : i32
            %dma_start3A_145 = tpu.memref_slice %arg6[%add3A_143, %dma_start3A_144] : memref<40x64xi32, #tpu.memory_space<vmem>> -> memref<1x64xi32, #tpu.memory_space<vmem>>
            %dma_start3A_146 = tpu.memref_squeeze %dma_start3A_145 : memref<1x64xi32, #tpu.memory_space<vmem>> -> memref<64xi32, #tpu.memory_space<vmem>>
            %dma_start3A_147 = arith.constant 0 : i32
            %dma_start3A_148 = arith.constant 0 : i32
            %dma_start3A_149 = tpu.memref_slice %arg4[%dma_start3A_147, %dma_start3A_148] : memref<10000x128xf32, #tpu.memory_space<hbm>> -> memref<10000x128xf32, #tpu.memory_space<hbm>>
            tpu.enqueue_indirect_dma source(%dma_start3A_149 : memref<10000x128xf32, #tpu.memory_space<hbm>>) target(%arg9 : memref<64x128xf32, #tpu.memory_space<vmem>>) offsets(%dma_start3A_146 : memref<64xi32, #tpu.memory_space<vmem>>) semaphore(%arg14 : memref<!tpu.dma_semaphore, #tpu.memory_space<semaphore_mem>>)
          } else {
          }
          %dma_start3A_136 = arith.constant 0 : i32
          %dma_start3A_137 = tpu.memref_slice %arg7[%scan3A_92, %dma_start3A_136] : memref<40x64xi32, #tpu.memory_space<vmem>> -> memref<1x64xi32, #tpu.memory_space<vmem>>
          %dma_start3A_138 = tpu.memref_squeeze %dma_start3A_137 : memref<1x64xi32, #tpu.memory_space<vmem>> -> memref<64xi32, #tpu.memory_space<vmem>>
          %dma_start3A_139 = arith.constant 0 : i32
          %dma_start3A_140 = arith.constant 0 : i32
          %dma_start3A_141 = tpu.memref_slice %arg12[%dma_start3A_139, %dma_start3A_140] : memref<10112x128xf32, #tpu.memory_space<vmem_shared>> -> memref<10112x128xf32, #tpu.memory_space<vmem_shared>>
          tpu.enqueue_indirect_dma source(%arg11 : memref<64x128xf32, #tpu.memory_space<vmem>>) target(%dma_start3A_141 : memref<10112x128xf32, #tpu.memory_space<vmem_shared>>) offsets(%dma_start3A_138 : memref<64xi32, #tpu.memory_space<vmem>>) semaphore(%arg20 : memref<!tpu.dma_semaphore, #tpu.memory_space<semaphore_mem>>) {add = true}
        } else {
        }
        %scan3A_119 = arith.constant 0 : i32
        scf.yield %scan3A_119 : i32
      }
      %scan3A_79 = arith.constant 40 : i32
      %dma_wait3A = arith.constant 0 : i32
      %dma_wait3A_80 = arith.constant 0 : i32
      %dma_wait3A_81 = tpu.memref_slice %arg12[%dma_wait3A, %dma_wait3A_80] : memref<10112x128xf32, #tpu.memory_space<vmem_shared>> -> memref<64x128xf32, #tpu.memory_space<vmem_shared>>
      %dma_wait3A_82 = arith.constant 0 : i32
      %dma_wait3A_83 = arith.constant 0 : i32
      %dma_wait3A_84 = tpu.memref_slice %arg12[%dma_wait3A_82, %dma_wait3A_83] : memref<10112x128xf32, #tpu.memory_space<vmem_shared>> -> memref<64x128xf32, #tpu.memory_space<vmem_shared>>
      tpu.wait_dma2 semaphore(%arg19 : memref<!tpu.dma_semaphore, #tpu.memory_space<semaphore_mem>>) src(%arg10 : memref<64x128xf32, #tpu.memory_space<vmem>>) dst(%dma_wait3A_84 : memref<64x128xf32, #tpu.memory_space<vmem_shared>>)
      %dma_wait3A_85 = arith.constant 0 : i32
      %dma_wait3A_86 = arith.constant 0 : i32
      %dma_wait3A_87 = tpu.memref_slice %arg12[%dma_wait3A_85, %dma_wait3A_86] : memref<10112x128xf32, #tpu.memory_space<vmem_shared>> -> memref<64x128xf32, #tpu.memory_space<vmem_shared>>
      %dma_wait3A_88 = arith.constant 0 : i32
      %dma_wait3A_89 = arith.constant 0 : i32
      %dma_wait3A_90 = tpu.memref_slice %arg12[%dma_wait3A_88, %dma_wait3A_89] : memref<10112x128xf32, #tpu.memory_space<vmem_shared>> -> memref<64x128xf32, #tpu.memory_space<vmem_shared>>
      tpu.wait_dma2 semaphore(%arg20 : memref<!tpu.dma_semaphore, #tpu.memory_space<semaphore_mem>>) src(%arg11 : memref<64x128xf32, #tpu.memory_space<vmem>>) dst(%dma_wait3A_90 : memref<64x128xf32, #tpu.memory_space<vmem_shared>>)
      %while3A_91 = arith.constant 0 : i32
      scf.yield %while3A_91 : i32
    }
    %while3A_49 = arith.constant 1 : i32
    %while3A_50 = scf.for %while3A_55 = %while3A_46 to %while3A_42 step %while3A_49 iter_args(%while3A_56 = %while3A_48) -> (i32)  : i32 {
      %mul3A_57 = arith.constant 40 : i32
      %mul3A_58 = arith.muli %while3A_55, %mul3A_57 : i32
      %add3A_59 = arith.addi %select_n3A, %mul3A_58 : i32
      "tpu.region"() ({
        %run_scoped3A = tpu.sem_alloc : memref<!tpu.dma_semaphore, #tpu.memory_space<semaphore_mem>>
        %dma_start3A_92 = arith.constant 0 : i32
        %dma_start3A_93 = tpu.memref_slice %arg2[%add3A_59, %dma_start3A_92] : memref<5120x64xi32, #tpu.memory_space<hbm>> -> memref<40x64xi32, #tpu.memory_space<hbm>>
        %dma_start3A_94 = arith.constant 0 : i32
        %dma_start3A_95 = tpu.memref_slice %arg2[%add3A_59, %dma_start3A_94] : memref<5120x64xi32, #tpu.memory_space<hbm>> -> memref<40x64xi32, #tpu.memory_space<hbm>>
        tpu.enqueue_dma source(%dma_start3A_95 : memref<40x64xi32, #tpu.memory_space<hbm>>) target(%arg6 : memref<40x64xi32, #tpu.memory_space<vmem>>) target_semaphore(%run_scoped3A : memref<!tpu.dma_semaphore, #tpu.memory_space<semaphore_mem>>)
        %dma_wait3A_96 = arith.constant 0 : i32
        %dma_wait3A_97 = tpu.memref_slice %arg2[%add3A_59, %dma_wait3A_96] : memref<5120x64xi32, #tpu.memory_space<hbm>> -> memref<40x64xi32, #tpu.memory_space<hbm>>
        %dma_wait3A_98 = arith.constant 0 : i32
        %dma_wait3A_99 = tpu.memref_slice %arg2[%add3A_59, %dma_wait3A_98] : memref<5120x64xi32, #tpu.memory_space<hbm>> -> memref<40x64xi32, #tpu.memory_space<hbm>>
        tpu.wait_dma2 semaphore(%run_scoped3A : memref<!tpu.dma_semaphore, #tpu.memory_space<semaphore_mem>>) src(%dma_wait3A_99 : memref<40x64xi32, #tpu.memory_space<hbm>>) dst(%arg6 : memref<40x64xi32, #tpu.memory_space<vmem>>)
        tpu.yield
      }) : () -> ()
      "tpu.region"() ({
        %run_scoped3A = tpu.sem_alloc : memref<!tpu.dma_semaphore, #tpu.memory_space<semaphore_mem>>
        %dma_start3A_92 = arith.constant 0 : i32
        %dma_start3A_93 = tpu.memref_slice %arg3[%add3A_59, %dma_start3A_92] : memref<5120x64xi32, #tpu.memory_space<hbm>> -> memref<40x64xi32, #tpu.memory_space<hbm>>
        %dma_start3A_94 = arith.constant 0 : i32
        %dma_start3A_95 = tpu.memref_slice %arg3[%add3A_59, %dma_start3A_94] : memref<5120x64xi32, #tpu.memory_space<hbm>> -> memref<40x64xi32, #tpu.memory_space<hbm>>
        tpu.enqueue_dma source(%dma_start3A_95 : memref<40x64xi32, #tpu.memory_space<hbm>>) target(%arg7 : memref<40x64xi32, #tpu.memory_space<vmem>>) target_semaphore(%run_scoped3A : memref<!tpu.dma_semaphore, #tpu.memory_space<semaphore_mem>>)
        %dma_wait3A_96 = arith.constant 0 : i32
        %dma_wait3A_97 = tpu.memref_slice %arg3[%add3A_59, %dma_wait3A_96] : memref<5120x64xi32, #tpu.memory_space<hbm>> -> memref<40x64xi32, #tpu.memory_space<hbm>>
        %dma_wait3A_98 = arith.constant 0 : i32
        %dma_wait3A_99 = tpu.memref_slice %arg3[%add3A_59, %dma_wait3A_98] : memref<5120x64xi32, #tpu.memory_space<hbm>> -> memref<40x64xi32, #tpu.memory_space<hbm>>
        tpu.wait_dma2 semaphore(%run_scoped3A : memref<!tpu.dma_semaphore, #tpu.memory_space<semaphore_mem>>) src(%dma_wait3A_99 : memref<40x64xi32, #tpu.memory_space<hbm>>) dst(%arg7 : memref<40x64xi32, #tpu.memory_space<vmem>>)
        tpu.yield
      }) : () -> ()
      %dma_start3A = arith.constant 0 : i32
      %dma_start3A_60 = arith.constant 0 : i32
      %dma_start3A_61 = tpu.memref_slice %arg6[%dma_start3A, %dma_start3A_60] : memref<40x64xi32, #tpu.memory_space<vmem>> -> memref<1x64xi32, #tpu.memory_space<vmem>>
      %dma_start3A_62 = tpu.memref_squeeze %dma_start3A_61 : memref<1x64xi32, #tpu.memory_space<vmem>> -> memref<64xi32, #tpu.memory_space<vmem>>
      %dma_start3A_63 = arith.constant 0 : i32
      %dma_start3A_64 = arith.constant 0 : i32
      %dma_start3A_65 = tpu.memref_slice %arg4[%dma_start3A_63, %dma_start3A_64] : memref<10000x128xf32, #tpu.memory_space<hbm>> -> memref<10000x128xf32, #tpu.memory_space<hbm>>
      tpu.enqueue_indirect_dma source(%dma_start3A_65 : memref<10000x128xf32, #tpu.memory_space<hbm>>) target(%arg8 : memref<64x128xf32, #tpu.memory_space<vmem>>) offsets(%dma_start3A_62 : memref<64xi32, #tpu.memory_space<vmem>>) semaphore(%arg13 : memref<!tpu.dma_semaphore, #tpu.memory_space<semaphore_mem>>)
      %dma_start3A_66 = arith.constant 1 : i32
      %dma_start3A_67 = arith.constant 0 : i32
      %dma_start3A_68 = tpu.memref_slice %arg6[%dma_start3A_66, %dma_start3A_67] : memref<40x64xi32, #tpu.memory_space<vmem>> -> memref<1x64xi32, #tpu.memory_space<vmem>>
      %dma_start3A_69 = tpu.memref_squeeze %dma_start3A_68 : memref<1x64xi32, #tpu.memory_space<vmem>> -> memref<64xi32, #tpu.memory_space<vmem>>
      %dma_start3A_70 = arith.constant 0 : i32
      %dma_start3A_71 = arith.constant 0 : i32
      %dma_start3A_72 = tpu.memref_slice %arg4[%dma_start3A_70, %dma_start3A_71] : memref<10000x128xf32, #tpu.memory_space<hbm>> -> memref<10000x128xf32, #tpu.memory_space<hbm>>
      tpu.enqueue_indirect_dma source(%dma_start3A_72 : memref<10000x128xf32, #tpu.memory_space<hbm>>) target(%arg9 : memref<64x128xf32, #tpu.memory_space<vmem>>) offsets(%dma_start3A_69 : memref<64xi32, #tpu.memory_space<vmem>>) semaphore(%arg14 : memref<!tpu.dma_semaphore, #tpu.memory_space<semaphore_mem>>)
      %scan3A_73 = arith.constant 0 : i32
      %scan3A_74 = arith.constant 0 : i32
      %scan3A_75 = arith.constant 40 : i32
      %scan3A_76 = arith.addi %scan3A_74, %scan3A_75 : i32
      %scan3A_77 = arith.constant 1 : i32
      %scan3A_78 = scf.for %scan3A_92 = %scan3A_74 to %scan3A_76 step %scan3A_77 iter_args(%scan3A_93 = %scan3A_73) -> (i32)  : i32 {
        %rem3A = arith.constant 4 : i32
        %rem3A_94 = arith.remsi %scan3A_92, %rem3A : i32
        %eq3A_95 = arith.constant 0 : i32
        %eq3A_96 = arith.cmpi eq, %rem3A_94, %eq3A_95 : i32
        %convert_element_type3A = arith.extui %eq3A_96 : i1 to i32
        %cond3A = arith.constant 0 : i32
        %cond3A_97 = arith.cmpi ne, %convert_element_type3A, %cond3A : i32
        scf.if %cond3A_97 {
          %dma_wait3A_120 = arith.constant 0 : i32
          %dma_wait3A_121 = arith.constant 0 : i32
          %dma_wait3A_122 = tpu.memref_slice %arg4[%dma_wait3A_120, %dma_wait3A_121] : memref<10000x128xf32, #tpu.memory_space<hbm>> -> memref<64x128xf32, #tpu.memory_space<hbm>>
          %dma_wait3A_123 = arith.constant 0 : i32
          %dma_wait3A_124 = arith.constant 0 : i32
          %dma_wait3A_125 = tpu.memref_slice %arg4[%dma_wait3A_123, %dma_wait3A_124] : memref<10000x128xf32, #tpu.memory_space<hbm>> -> memref<64x128xf32, #tpu.memory_space<hbm>>
          tpu.wait_dma2 semaphore(%arg13 : memref<!tpu.dma_semaphore, #tpu.memory_space<semaphore_mem>>) src(%dma_wait3A_125 : memref<64x128xf32, #tpu.memory_space<hbm>>) dst(%arg8 : memref<64x128xf32, #tpu.memory_space<vmem>>)
          %ge3A = arith.constant 2 : i32
          %ge3A_126 = arith.cmpi sge, %scan3A_92, %ge3A : i32
          %convert_element_type3A_127 = arith.extui %ge3A_126 : i1 to i32
          %cond3A_128 = arith.constant 0 : i32
          %cond3A_129 = arith.cmpi ne, %convert_element_type3A_127, %cond3A_128 : i32
          scf.if %cond3A_129 {
            %dma_wait3A_142 = arith.constant 0 : i32
            %dma_wait3A_143 = arith.constant 0 : i32
            %dma_wait3A_144 = tpu.memref_slice %arg12[%dma_wait3A_142, %dma_wait3A_143] : memref<10112x128xf32, #tpu.memory_space<vmem_shared>> -> memref<64x128xf32, #tpu.memory_space<vmem_shared>>
            %dma_wait3A_145 = arith.constant 0 : i32
            %dma_wait3A_146 = arith.constant 0 : i32
            %dma_wait3A_147 = tpu.memref_slice %arg12[%dma_wait3A_145, %dma_wait3A_146] : memref<10112x128xf32, #tpu.memory_space<vmem_shared>> -> memref<64x128xf32, #tpu.memory_space<vmem_shared>>
            tpu.wait_dma2 semaphore(%arg19 : memref<!tpu.dma_semaphore, #tpu.memory_space<semaphore_mem>>) src(%arg10 : memref<64x128xf32, #tpu.memory_space<vmem>>) dst(%dma_wait3A_147 : memref<64x128xf32, #tpu.memory_space<vmem_shared>>)
          } else {
          }
          %add3A_130 = arith.constant 2 : i32
          %add3A_131 = arith.addi %scan3A_92, %add3A_130 : i32
          %lt3A = arith.constant 40 : i32
          %lt3A_132 = arith.cmpi slt, %add3A_131, %lt3A : i32
          %convert_element_type3A_133 = arith.extui %lt3A_132 : i1 to i32
          %cond3A_134 = arith.constant 0 : i32
          %cond3A_135 = arith.cmpi ne, %convert_element_type3A_133, %cond3A_134 : i32
          scf.if %cond3A_135 {
            %add3A_142 = arith.constant 2 : i32
            %add3A_143 = arith.addi %scan3A_92, %add3A_142 : i32
            %dma_start3A_144 = arith.constant 0 : i32
            %dma_start3A_145 = tpu.memref_slice %arg6[%add3A_143, %dma_start3A_144] : memref<40x64xi32, #tpu.memory_space<vmem>> -> memref<1x64xi32, #tpu.memory_space<vmem>>
            %dma_start3A_146 = tpu.memref_squeeze %dma_start3A_145 : memref<1x64xi32, #tpu.memory_space<vmem>> -> memref<64xi32, #tpu.memory_space<vmem>>
            %dma_start3A_147 = arith.constant 0 : i32
            %dma_start3A_148 = arith.constant 0 : i32
            %dma_start3A_149 = tpu.memref_slice %arg4[%dma_start3A_147, %dma_start3A_148] : memref<10000x128xf32, #tpu.memory_space<hbm>> -> memref<10000x128xf32, #tpu.memory_space<hbm>>
            tpu.enqueue_indirect_dma source(%dma_start3A_149 : memref<10000x128xf32, #tpu.memory_space<hbm>>) target(%arg10 : memref<64x128xf32, #tpu.memory_space<vmem>>) offsets(%dma_start3A_146 : memref<64xi32, #tpu.memory_space<vmem>>) semaphore(%arg15 : memref<!tpu.dma_semaphore, #tpu.memory_space<semaphore_mem>>)
          } else {
          }
          %dma_start3A_136 = arith.constant 0 : i32
          %dma_start3A_137 = tpu.memref_slice %arg7[%scan3A_92, %dma_start3A_136] : memref<40x64xi32, #tpu.memory_space<vmem>> -> memref<1x64xi32, #tpu.memory_space<vmem>>
          %dma_start3A_138 = tpu.memref_squeeze %dma_start3A_137 : memref<1x64xi32, #tpu.memory_space<vmem>> -> memref<64xi32, #tpu.memory_space<vmem>>
          %dma_start3A_139 = arith.constant 0 : i32
          %dma_start3A_140 = arith.constant 0 : i32
          %dma_start3A_141 = tpu.memref_slice %arg12[%dma_start3A_139, %dma_start3A_140] : memref<10112x128xf32, #tpu.memory_space<vmem_shared>> -> memref<10112x128xf32, #tpu.memory_space<vmem_shared>>
          tpu.enqueue_indirect_dma source(%arg8 : memref<64x128xf32, #tpu.memory_space<vmem>>) target(%dma_start3A_141 : memref<10112x128xf32, #tpu.memory_space<vmem_shared>>) offsets(%dma_start3A_138 : memref<64xi32, #tpu.memory_space<vmem>>) semaphore(%arg17 : memref<!tpu.dma_semaphore, #tpu.memory_space<semaphore_mem>>) {add = true}
        } else {
        }
        %rem3A_98 = arith.constant 4 : i32
        %rem3A_99 = arith.remsi %scan3A_92, %rem3A_98 : i32
        %eq3A_100 = arith.constant 1 : i32
        %eq3A_101 = arith.cmpi eq, %rem3A_99, %eq3A_100 : i32
        %convert_element_type3A_102 = arith.extui %eq3A_101 : i1 to i32
        %cond3A_103 = arith.constant 0 : i32
        %cond3A_104 = arith.cmpi ne, %convert_element_type3A_102, %cond3A_103 : i32
        scf.if %cond3A_104 {
          %dma_wait3A_120 = arith.constant 0 : i32
          %dma_wait3A_121 = arith.constant 0 : i32
          %dma_wait3A_122 = tpu.memref_slice %arg4[%dma_wait3A_120, %dma_wait3A_121] : memref<10000x128xf32, #tpu.memory_space<hbm>> -> memref<64x128xf32, #tpu.memory_space<hbm>>
          %dma_wait3A_123 = arith.constant 0 : i32
          %dma_wait3A_124 = arith.constant 0 : i32
          %dma_wait3A_125 = tpu.memref_slice %arg4[%dma_wait3A_123, %dma_wait3A_124] : memref<10000x128xf32, #tpu.memory_space<hbm>> -> memref<64x128xf32, #tpu.memory_space<hbm>>
          tpu.wait_dma2 semaphore(%arg14 : memref<!tpu.dma_semaphore, #tpu.memory_space<semaphore_mem>>) src(%dma_wait3A_125 : memref<64x128xf32, #tpu.memory_space<hbm>>) dst(%arg9 : memref<64x128xf32, #tpu.memory_space<vmem>>)
          %ge3A = arith.constant 2 : i32
          %ge3A_126 = arith.cmpi sge, %scan3A_92, %ge3A : i32
          %convert_element_type3A_127 = arith.extui %ge3A_126 : i1 to i32
          %cond3A_128 = arith.constant 0 : i32
          %cond3A_129 = arith.cmpi ne, %convert_element_type3A_127, %cond3A_128 : i32
          scf.if %cond3A_129 {
            %dma_wait3A_142 = arith.constant 0 : i32
            %dma_wait3A_143 = arith.constant 0 : i32
            %dma_wait3A_144 = tpu.memref_slice %arg12[%dma_wait3A_142, %dma_wait3A_143] : memref<10112x128xf32, #tpu.memory_space<vmem_shared>> -> memref<64x128xf32, #tpu.memory_space<vmem_shared>>
            %dma_wait3A_145 = arith.constant 0 : i32
            %dma_wait3A_146 = arith.constant 0 : i32
            %dma_wait3A_147 = tpu.memref_slice %arg12[%dma_wait3A_145, %dma_wait3A_146] : memref<10112x128xf32, #tpu.memory_space<vmem_shared>> -> memref<64x128xf32, #tpu.memory_space<vmem_shared>>
            tpu.wait_dma2 semaphore(%arg20 : memref<!tpu.dma_semaphore, #tpu.memory_space<semaphore_mem>>) src(%arg11 : memref<64x128xf32, #tpu.memory_space<vmem>>) dst(%dma_wait3A_147 : memref<64x128xf32, #tpu.memory_space<vmem_shared>>)
          } else {
          }
          %add3A_130 = arith.constant 2 : i32
          %add3A_131 = arith.addi %scan3A_92, %add3A_130 : i32
          %lt3A = arith.constant 40 : i32
          %lt3A_132 = arith.cmpi slt, %add3A_131, %lt3A : i32
          %convert_element_type3A_133 = arith.extui %lt3A_132 : i1 to i32
          %cond3A_134 = arith.constant 0 : i32
          %cond3A_135 = arith.cmpi ne, %convert_element_type3A_133, %cond3A_134 : i32
          scf.if %cond3A_135 {
            %add3A_142 = arith.constant 2 : i32
            %add3A_143 = arith.addi %scan3A_92, %add3A_142 : i32
            %dma_start3A_144 = arith.constant 0 : i32
            %dma_start3A_145 = tpu.memref_slice %arg6[%add3A_143, %dma_start3A_144] : memref<40x64xi32, #tpu.memory_space<vmem>> -> memref<1x64xi32, #tpu.memory_space<vmem>>
            %dma_start3A_146 = tpu.memref_squeeze %dma_start3A_145 : memref<1x64xi32, #tpu.memory_space<vmem>> -> memref<64xi32, #tpu.memory_space<vmem>>
            %dma_start3A_147 = arith.constant 0 : i32
            %dma_start3A_148 = arith.constant 0 : i32
            %dma_start3A_149 = tpu.memref_slice %arg4[%dma_start3A_147, %dma_start3A_148] : memref<10000x128xf32, #tpu.memory_space<hbm>> -> memref<10000x128xf32, #tpu.memory_space<hbm>>
            tpu.enqueue_indirect_dma source(%dma_start3A_149 : memref<10000x128xf32, #tpu.memory_space<hbm>>) target(%arg11 : memref<64x128xf32, #tpu.memory_space<vmem>>) offsets(%dma_start3A_146 : memref<64xi32, #tpu.memory_space<vmem>>) semaphore(%arg16 : memref<!tpu.dma_semaphore, #tpu.memory_space<semaphore_mem>>)
          } else {
          }
          %dma_start3A_136 = arith.constant 0 : i32
          %dma_start3A_137 = tpu.memref_slice %arg7[%scan3A_92, %dma_start3A_136] : memref<40x64xi32, #tpu.memory_space<vmem>> -> memref<1x64xi32, #tpu.memory_space<vmem>>
          %dma_start3A_138 = tpu.memref_squeeze %dma_start3A_137 : memref<1x64xi32, #tpu.memory_space<vmem>> -> memref<64xi32, #tpu.memory_space<vmem>>
          %dma_start3A_139 = arith.constant 0 : i32
          %dma_start3A_140 = arith.constant 0 : i32
          %dma_start3A_141 = tpu.memref_slice %arg12[%dma_start3A_139, %dma_start3A_140] : memref<10112x128xf32, #tpu.memory_space<vmem_shared>> -> memref<10112x128xf32, #tpu.memory_space<vmem_shared>>
          tpu.enqueue_indirect_dma source(%arg9 : memref<64x128xf32, #tpu.memory_space<vmem>>) target(%dma_start3A_141 : memref<10112x128xf32, #tpu.memory_space<vmem_shared>>) offsets(%dma_start3A_138 : memref<64xi32, #tpu.memory_space<vmem>>) semaphore(%arg18 : memref<!tpu.dma_semaphore, #tpu.memory_space<semaphore_mem>>) {add = true}
        } else {
        }
        %rem3A_105 = arith.constant 4 : i32
        %rem3A_106 = arith.remsi %scan3A_92, %rem3A_105 : i32
        %eq3A_107 = arith.constant 2 : i32
        %eq3A_108 = arith.cmpi eq, %rem3A_106, %eq3A_107 : i32
        %convert_element_type3A_109 = arith.extui %eq3A_108 : i1 to i32
        %cond3A_110 = arith.constant 0 : i32
        %cond3A_111 = arith.cmpi ne, %convert_element_type3A_109, %cond3A_110 : i32
        scf.if %cond3A_111 {
          %dma_wait3A_120 = arith.constant 0 : i32
          %dma_wait3A_121 = arith.constant 0 : i32
          %dma_wait3A_122 = tpu.memref_slice %arg4[%dma_wait3A_120, %dma_wait3A_121] : memref<10000x128xf32, #tpu.memory_space<hbm>> -> memref<64x128xf32, #tpu.memory_space<hbm>>
          %dma_wait3A_123 = arith.constant 0 : i32
          %dma_wait3A_124 = arith.constant 0 : i32
          %dma_wait3A_125 = tpu.memref_slice %arg4[%dma_wait3A_123, %dma_wait3A_124] : memref<10000x128xf32, #tpu.memory_space<hbm>> -> memref<64x128xf32, #tpu.memory_space<hbm>>
          tpu.wait_dma2 semaphore(%arg15 : memref<!tpu.dma_semaphore, #tpu.memory_space<semaphore_mem>>) src(%dma_wait3A_125 : memref<64x128xf32, #tpu.memory_space<hbm>>) dst(%arg10 : memref<64x128xf32, #tpu.memory_space<vmem>>)
          %ge3A = arith.constant 2 : i32
          %ge3A_126 = arith.cmpi sge, %scan3A_92, %ge3A : i32
          %convert_element_type3A_127 = arith.extui %ge3A_126 : i1 to i32
          %cond3A_128 = arith.constant 0 : i32
          %cond3A_129 = arith.cmpi ne, %convert_element_type3A_127, %cond3A_128 : i32
          scf.if %cond3A_129 {
            %dma_wait3A_142 = arith.constant 0 : i32
            %dma_wait3A_143 = arith.constant 0 : i32
            %dma_wait3A_144 = tpu.memref_slice %arg12[%dma_wait3A_142, %dma_wait3A_143] : memref<10112x128xf32, #tpu.memory_space<vmem_shared>> -> memref<64x128xf32, #tpu.memory_space<vmem_shared>>
            %dma_wait3A_145 = arith.constant 0 : i32
            %dma_wait3A_146 = arith.constant 0 : i32
            %dma_wait3A_147 = tpu.memref_slice %arg12[%dma_wait3A_145, %dma_wait3A_146] : memref<10112x128xf32, #tpu.memory_space<vmem_shared>> -> memref<64x128xf32, #tpu.memory_space<vmem_shared>>
            tpu.wait_dma2 semaphore(%arg17 : memref<!tpu.dma_semaphore, #tpu.memory_space<semaphore_mem>>) src(%arg8 : memref<64x128xf32, #tpu.memory_space<vmem>>) dst(%dma_wait3A_147 : memref<64x128xf32, #tpu.memory_space<vmem_shared>>)
          } else {
          }
          %add3A_130 = arith.constant 2 : i32
          %add3A_131 = arith.addi %scan3A_92, %add3A_130 : i32
          %lt3A = arith.constant 40 : i32
          %lt3A_132 = arith.cmpi slt, %add3A_131, %lt3A : i32
          %convert_element_type3A_133 = arith.extui %lt3A_132 : i1 to i32
          %cond3A_134 = arith.constant 0 : i32
          %cond3A_135 = arith.cmpi ne, %convert_element_type3A_133, %cond3A_134 : i32
          scf.if %cond3A_135 {
            %add3A_142 = arith.constant 2 : i32
            %add3A_143 = arith.addi %scan3A_92, %add3A_142 : i32
            %dma_start3A_144 = arith.constant 0 : i32
            %dma_start3A_145 = tpu.memref_slice %arg6[%add3A_143, %dma_start3A_144] : memref<40x64xi32, #tpu.memory_space<vmem>> -> memref<1x64xi32, #tpu.memory_space<vmem>>
            %dma_start3A_146 = tpu.memref_squeeze %dma_start3A_145 : memref<1x64xi32, #tpu.memory_space<vmem>> -> memref<64xi32, #tpu.memory_space<vmem>>
            %dma_start3A_147 = arith.constant 0 : i32
            %dma_start3A_148 = arith.constant 0 : i32
            %dma_start3A_149 = tpu.memref_slice %arg4[%dma_start3A_147, %dma_start3A_148] : memref<10000x128xf32, #tpu.memory_space<hbm>> -> memref<10000x128xf32, #tpu.memory_space<hbm>>
            tpu.enqueue_indirect_dma source(%dma_start3A_149 : memref<10000x128xf32, #tpu.memory_space<hbm>>) target(%arg8 : memref<64x128xf32, #tpu.memory_space<vmem>>) offsets(%dma_start3A_146 : memref<64xi32, #tpu.memory_space<vmem>>) semaphore(%arg13 : memref<!tpu.dma_semaphore, #tpu.memory_space<semaphore_mem>>)
          } else {
          }
          %dma_start3A_136 = arith.constant 0 : i32
          %dma_start3A_137 = tpu.memref_slice %arg7[%scan3A_92, %dma_start3A_136] : memref<40x64xi32, #tpu.memory_space<vmem>> -> memref<1x64xi32, #tpu.memory_space<vmem>>
          %dma_start3A_138 = tpu.memref_squeeze %dma_start3A_137 : memref<1x64xi32, #tpu.memory_space<vmem>> -> memref<64xi32, #tpu.memory_space<vmem>>
          %dma_start3A_139 = arith.constant 0 : i32
          %dma_start3A_140 = arith.constant 0 : i32
          %dma_start3A_141 = tpu.memref_slice %arg12[%dma_start3A_139, %dma_start3A_140] : memref<10112x128xf32, #tpu.memory_space<vmem_shared>> -> memref<10112x128xf32, #tpu.memory_space<vmem_shared>>
          tpu.enqueue_indirect_dma source(%arg10 : memref<64x128xf32, #tpu.memory_space<vmem>>) target(%dma_start3A_141 : memref<10112x128xf32, #tpu.memory_space<vmem_shared>>) offsets(%dma_start3A_138 : memref<64xi32, #tpu.memory_space<vmem>>) semaphore(%arg19 : memref<!tpu.dma_semaphore, #tpu.memory_space<semaphore_mem>>) {add = true}
        } else {
        }
        %rem3A_112 = arith.constant 4 : i32
        %rem3A_113 = arith.remsi %scan3A_92, %rem3A_112 : i32
        %eq3A_114 = arith.constant 3 : i32
        %eq3A_115 = arith.cmpi eq, %rem3A_113, %eq3A_114 : i32
        %convert_element_type3A_116 = arith.extui %eq3A_115 : i1 to i32
        %cond3A_117 = arith.constant 0 : i32
        %cond3A_118 = arith.cmpi ne, %convert_element_type3A_116, %cond3A_117 : i32
        scf.if %cond3A_118 {
          %dma_wait3A_120 = arith.constant 0 : i32
          %dma_wait3A_121 = arith.constant 0 : i32
          %dma_wait3A_122 = tpu.memref_slice %arg4[%dma_wait3A_120, %dma_wait3A_121] : memref<10000x128xf32, #tpu.memory_space<hbm>> -> memref<64x128xf32, #tpu.memory_space<hbm>>
          %dma_wait3A_123 = arith.constant 0 : i32
          %dma_wait3A_124 = arith.constant 0 : i32
          %dma_wait3A_125 = tpu.memref_slice %arg4[%dma_wait3A_123, %dma_wait3A_124] : memref<10000x128xf32, #tpu.memory_space<hbm>> -> memref<64x128xf32, #tpu.memory_space<hbm>>
          tpu.wait_dma2 semaphore(%arg16 : memref<!tpu.dma_semaphore, #tpu.memory_space<semaphore_mem>>) src(%dma_wait3A_125 : memref<64x128xf32, #tpu.memory_space<hbm>>) dst(%arg11 : memref<64x128xf32, #tpu.memory_space<vmem>>)
          %ge3A = arith.constant 2 : i32
          %ge3A_126 = arith.cmpi sge, %scan3A_92, %ge3A : i32
          %convert_element_type3A_127 = arith.extui %ge3A_126 : i1 to i32
          %cond3A_128 = arith.constant 0 : i32
          %cond3A_129 = arith.cmpi ne, %convert_element_type3A_127, %cond3A_128 : i32
          scf.if %cond3A_129 {
            %dma_wait3A_142 = arith.constant 0 : i32
            %dma_wait3A_143 = arith.constant 0 : i32
            %dma_wait3A_144 = tpu.memref_slice %arg12[%dma_wait3A_142, %dma_wait3A_143] : memref<10112x128xf32, #tpu.memory_space<vmem_shared>> -> memref<64x128xf32, #tpu.memory_space<vmem_shared>>
            %dma_wait3A_145 = arith.constant 0 : i32
            %dma_wait3A_146 = arith.constant 0 : i32
            %dma_wait3A_147 = tpu.memref_slice %arg12[%dma_wait3A_145, %dma_wait3A_146] : memref<10112x128xf32, #tpu.memory_space<vmem_shared>> -> memref<64x128xf32, #tpu.memory_space<vmem_shared>>
            tpu.wait_dma2 semaphore(%arg18 : memref<!tpu.dma_semaphore, #tpu.memory_space<semaphore_mem>>) src(%arg9 : memref<64x128xf32, #tpu.memory_space<vmem>>) dst(%dma_wait3A_147 : memref<64x128xf32, #tpu.memory_space<vmem_shared>>)
          } else {
          }
          %add3A_130 = arith.constant 2 : i32
          %add3A_131 = arith.addi %scan3A_92, %add3A_130 : i32
          %lt3A = arith.constant 40 : i32
          %lt3A_132 = arith.cmpi slt, %add3A_131, %lt3A : i32
          %convert_element_type3A_133 = arith.extui %lt3A_132 : i1 to i32
          %cond3A_134 = arith.constant 0 : i32
          %cond3A_135 = arith.cmpi ne, %convert_element_type3A_133, %cond3A_134 : i32
          scf.if %cond3A_135 {
            %add3A_142 = arith.constant 2 : i32
            %add3A_143 = arith.addi %scan3A_92, %add3A_142 : i32
            %dma_start3A_144 = arith.constant 0 : i32
            %dma_start3A_145 = tpu.memref_slice %arg6[%add3A_143, %dma_start3A_144] : memref<40x64xi32, #tpu.memory_space<vmem>> -> memref<1x64xi32, #tpu.memory_space<vmem>>
            %dma_start3A_146 = tpu.memref_squeeze %dma_start3A_145 : memref<1x64xi32, #tpu.memory_space<vmem>> -> memref<64xi32, #tpu.memory_space<vmem>>
            %dma_start3A_147 = arith.constant 0 : i32
            %dma_start3A_148 = arith.constant 0 : i32
            %dma_start3A_149 = tpu.memref_slice %arg4[%dma_start3A_147, %dma_start3A_148] : memref<10000x128xf32, #tpu.memory_space<hbm>> -> memref<10000x128xf32, #tpu.memory_space<hbm>>
            tpu.enqueue_indirect_dma source(%dma_start3A_149 : memref<10000x128xf32, #tpu.memory_space<hbm>>) target(%arg9 : memref<64x128xf32, #tpu.memory_space<vmem>>) offsets(%dma_start3A_146 : memref<64xi32, #tpu.memory_space<vmem>>) semaphore(%arg14 : memref<!tpu.dma_semaphore, #tpu.memory_space<semaphore_mem>>)
          } else {
          }
          %dma_start3A_136 = arith.constant 0 : i32
          %dma_start3A_137 = tpu.memref_slice %arg7[%scan3A_92, %dma_start3A_136] : memref<40x64xi32, #tpu.memory_space<vmem>> -> memref<1x64xi32, #tpu.memory_space<vmem>>
          %dma_start3A_138 = tpu.memref_squeeze %dma_start3A_137 : memref<1x64xi32, #tpu.memory_space<vmem>> -> memref<64xi32, #tpu.memory_space<vmem>>
          %dma_start3A_139 = arith.constant 0 : i32
          %dma_start3A_140 = arith.constant 0 : i32
          %dma_start3A_141 = tpu.memref_slice %arg12[%dma_start3A_139, %dma_start3A_140] : memref<10112x128xf32, #tpu.memory_space<vmem_shared>> -> memref<10112x128xf32, #tpu.memory_space<vmem_shared>>
          tpu.enqueue_indirect_dma source(%arg11 : memref<64x128xf32, #tpu.memory_space<vmem>>) target(%dma_start3A_141 : memref<10112x128xf32, #tpu.memory_space<vmem_shared>>) offsets(%dma_start3A_138 : memref<64xi32, #tpu.memory_space<vmem>>) semaphore(%arg20 : memref<!tpu.dma_semaphore, #tpu.memory_space<semaphore_mem>>) {add = true}
        } else {
        }
        %scan3A_119 = arith.constant 0 : i32
        scf.yield %scan3A_119 : i32
      }
      %scan3A_79 = arith.constant 40 : i32
      %dma_wait3A = arith.constant 0 : i32
      %dma_wait3A_80 = arith.constant 0 : i32
      %dma_wait3A_81 = tpu.memref_slice %arg12[%dma_wait3A, %dma_wait3A_80] : memref<10112x128xf32, #tpu.memory_space<vmem_shared>> -> memref<64x128xf32, #tpu.memory_space<vmem_shared>>
      %dma_wait3A_82 = arith.constant 0 : i32
      %dma_wait3A_83 = arith.constant 0 : i32
      %dma_wait3A_84 = tpu.memref_slice %arg12[%dma_wait3A_82, %dma_wait3A_83] : memref<10112x128xf32, #tpu.memory_space<vmem_shared>> -> memref<64x128xf32, #tpu.memory_space<vmem_shared>>
      tpu.wait_dma2 semaphore(%arg19 : memref<!tpu.dma_semaphore, #tpu.memory_space<semaphore_mem>>) src(%arg10 : memref<64x128xf32, #tpu.memory_space<vmem>>) dst(%dma_wait3A_84 : memref<64x128xf32, #tpu.memory_space<vmem_shared>>)
      %dma_wait3A_85 = arith.constant 0 : i32
      %dma_wait3A_86 = arith.constant 0 : i32
      %dma_wait3A_87 = tpu.memref_slice %arg12[%dma_wait3A_85, %dma_wait3A_86] : memref<10112x128xf32, #tpu.memory_space<vmem_shared>> -> memref<64x128xf32, #tpu.memory_space<vmem_shared>>
      %dma_wait3A_88 = arith.constant 0 : i32
      %dma_wait3A_89 = arith.constant 0 : i32
      %dma_wait3A_90 = tpu.memref_slice %arg12[%dma_wait3A_88, %dma_wait3A_89] : memref<10112x128xf32, #tpu.memory_space<vmem_shared>> -> memref<64x128xf32, #tpu.memory_space<vmem_shared>>
      tpu.wait_dma2 semaphore(%arg20 : memref<!tpu.dma_semaphore, #tpu.memory_space<semaphore_mem>>) src(%arg11 : memref<64x128xf32, #tpu.memory_space<vmem>>) dst(%dma_wait3A_90 : memref<64x128xf32, #tpu.memory_space<vmem_shared>>)
      %while3A_91 = arith.constant 0 : i32
      scf.yield %while3A_91 : i32
    }
    %barrier3A_51 = arith.constant 0 : index
    tpu.barrier barrier_id(%barrier3A_51)
    %mul3A_52 = arith.constant 10112 : i32
    %mul3A_53 = arith.muli %arg0, %mul3A_52 : i32
    %add3A_54 = arith.addi %mul3A_53, %mul3A_8 : i32
    "tpu.region"() ({
      %run_scoped3A = tpu.sem_alloc : memref<!tpu.dma_semaphore, #tpu.memory_space<semaphore_mem>>
      %dma_start3A = arith.constant 0 : i32
      %dma_start3A_55 = tpu.memref_slice %arg5[%add3A_54, %dma_start3A] : memref<20224x128xf32, #tpu.memory_space<hbm>> -> memref<632x128xf32, #tpu.memory_space<hbm>>
      %dma_start3A_56 = arith.constant 0 : i32
      %dma_start3A_57 = tpu.memref_slice %arg12[%mul3A_8, %dma_start3A_56] : memref<10112x128xf32, #tpu.memory_space<vmem_shared>> -> memref<632x128xf32, #tpu.memory_space<vmem_shared>>
      tpu.enqueue_dma source(%dma_start3A_57 : memref<632x128xf32, #tpu.memory_space<vmem_shared>>) target(%dma_start3A_55 : memref<632x128xf32, #tpu.memory_space<hbm>>) target_semaphore(%run_scoped3A : memref<!tpu.dma_semaphore, #tpu.memory_space<semaphore_mem>>)
      %dma_wait3A = arith.constant 0 : i32
      %dma_wait3A_58 = tpu.memref_slice %arg5[%add3A_54, %dma_wait3A] : memref<20224x128xf32, #tpu.memory_space<hbm>> -> memref<632x128xf32, #tpu.memory_space<hbm>>
      %dma_wait3A_59 = arith.constant 0 : i32
      %dma_wait3A_60 = tpu.memref_slice %arg12[%mul3A_8, %dma_wait3A_59] : memref<10112x128xf32, #tpu.memory_space<vmem_shared>> -> memref<632x128xf32, #tpu.memory_space<vmem_shared>>
      tpu.wait_dma2 semaphore(%run_scoped3A : memref<!tpu.dma_semaphore, #tpu.memory_space<semaphore_mem>>) src(%dma_wait3A_60 : memref<632x128xf32, #tpu.memory_space<vmem_shared>>) dst(%dma_wait3A_58 : memref<632x128xf32, #tpu.memory_space<hbm>>)
      tpu.yield
    }) : () -> ()
    return
  }
}

module attributes {stable_mosaic.version = 14 : i64} {
  func.func @_phase1_body(%arg0: i32, %arg1: memref<2x1000x128xf32, #tpu.memory_space<vmem>>, %arg2: memref<1000x128xf32, #tpu.memory_space<vmem>>, %arg3: memref<128x128xf32, #tpu.memory_space<vmem>>, %arg4: memref<1x128xf32, #tpu.memory_space<vmem>>, %arg5: memref<128x128xf32, #tpu.memory_space<vmem>>, %arg6: memref<1000x128xf32, #tpu.memory_space<vmem>>, %arg7: memref<1000x128xf32, #tpu.memory_space<vmem>>, %arg8: memref<1000x1xf32, #tpu.memory_space<vmem>>) attributes {dimension_semantics = [#tpu.dimension_semantics<arbitrary>], iteration_bounds = array<i64: 10>, scalar_prefetch = 0 : i64, scratch_operands = 0 : i64, tpu.core_type = #tpu.core_type<tc>, window_params = [{transform_indices = @transform_0, window_bounds = array<i64: 2, 1000, 128>}, {transform_indices = @transform_1, window_bounds = array<i64: 1000, 128>}, {pipeline_mode = #tpu.pipeline_mode<synchronous>, transform_indices = @transform_2, window_bounds = array<i64: 128, 128>}, {pipeline_mode = #tpu.pipeline_mode<synchronous>, transform_indices = @transform_3, window_bounds = array<i64: 1, 128>}, {pipeline_mode = #tpu.pipeline_mode<synchronous>, transform_indices = @transform_4, window_bounds = array<i64: 128, 128>}, {transform_indices = @transform_5, window_bounds = array<i64: 1000, 128>}, {transform_indices = @transform_6, window_bounds = array<i64: 1000, 128>}, {transform_indices = @transform_7, window_bounds = array<i64: 1000, 1>}]} {
    %get3A = arith.constant 0 : index
    %get3A_0 = arith.constant 0 : index
    %get3A_1 = arith.constant 0 : index
    %get3A_2 = vector.load %arg1[%get3A, %get3A_0, %get3A_1] : memref<2x1000x128xf32, #tpu.memory_space<vmem>>, vector<1x1000x1xf32>
    %get3A_3 = vector.shape_cast %get3A_2 : vector<1x1000x1xf32> to vector<1000x1xf32>
    %get3A_4 = arith.constant 1 : index
    %get3A_5 = arith.constant 0 : index
    %get3A_6 = arith.constant 0 : index
    %get3A_7 = vector.load %arg1[%get3A_4, %get3A_5, %get3A_6] : memref<2x1000x128xf32, #tpu.memory_space<vmem>>, vector<1x1000x1xf32>
    %get3A_8 = vector.shape_cast %get3A_7 : vector<1x1000x1xf32> to vector<1000x1xf32>
    %add3A = arith.addf %get3A_3, %get3A_8 : vector<1000x1xf32>
    %gt3A = arith.constant 0.000000e+00 : f32
    %gt3A_9 = vector.broadcast %gt3A : f32 to vector<1000x1xf32>
    %gt3A_10 = arith.cmpf ogt, %add3A, %gt3A_9 : vector<1000x1xf32>
    %max3A = arith.constant 1.000000e+00 : f32
    %max3A_11 = vector.broadcast %max3A : f32 to vector<1000x1xf32>
    %max3A_12 = arith.maximumf %add3A, %max3A_11 : vector<1000x1xf32>
    %rsqrt3A = math.rsqrt %max3A_12 : vector<1000x1xf32>
    %jit3A = arith.constant 0.000000e+00 : f32
    %broadcast_in_dim3A = vector.broadcast %jit3A : f32 to vector<1000x1xf32>
    %select_n3A = arith.select %gt3A_10, %rsqrt3A, %broadcast_in_dim3A : vector<1000x1xi1>, vector<1000x1xf32>
    %get3A_13 = arith.constant 0 : index
    %get3A_14 = arith.constant 0 : index
    %get3A_15 = vector.load %arg2[%get3A_13, %get3A_14] : memref<1000x128xf32, #tpu.memory_space<vmem>>, vector<1000x128xf32>
    %get3A_16 = arith.constant 0 : index
    %get3A_17 = arith.constant 0 : index
    %get3A_18 = vector.load %arg3[%get3A_16, %get3A_17] : memref<128x128xf32, #tpu.memory_space<vmem>>, vector<128x128xf32>
    %dot_general3A = arith.constant dense<0.000000e+00> : vector<1000x128xf32>
    %dot_general3A_19 = tpu.matmul %get3A_15, %get3A_18, %dot_general3A {dimension_numbers = #tpu.dot_dimension_numbers<[1], [0], [0], [1], [0, 0, 1, 1], [], []>, transpose_lhs_hint = false} : vector<1000x128xf32>, vector<128x128xf32>, vector<1000x128xf32> -> vector<1000x128xf32>
    %get3A_20 = arith.constant 0 : index
    %get3A_21 = arith.constant 0 : index
    %get3A_22 = vector.load %arg4[%get3A_20, %get3A_21] : memref<1x128xf32, #tpu.memory_space<vmem>>, vector<1x128xf32>
    %add3A_23 = vector.broadcast %get3A_22 : vector<1x128xf32> to vector<1000x128xf32>
    %add3A_24 = arith.addf %dot_general3A_19, %add3A_23 : vector<1000x128xf32>
    %max3A_25 = arith.constant 0.000000e+00 : f32
    %max3A_26 = vector.broadcast %max3A_25 : f32 to vector<1000x128xf32>
    %max3A_27 = arith.maximumf %add3A_24, %max3A_26 : vector<1000x128xf32>
    %swap3A = arith.constant 0 : index
    %swap3A_28 = arith.constant 0 : index
    %swap3A_29 = vector.load %arg6[%swap3A, %swap3A_28] : memref<1000x128xf32, #tpu.memory_space<vmem>>, vector<1000x128xf32>
    tpu.vector_store %arg6[%swap3A, %swap3A_28], %max3A_27 {strides = array<i32>} : memref<1000x128xf32, #tpu.memory_space<vmem>>, vector<1000x128xf32>,
    %get3A_30 = arith.constant 0 : index
    %get3A_31 = arith.constant 0 : index
    %get3A_32 = vector.load %arg5[%get3A_30, %get3A_31] : memref<128x128xf32, #tpu.memory_space<vmem>>, vector<128x128xf32>
    %dot_general3A_33 = arith.constant dense<0.000000e+00> : vector<1000x128xf32>
    %dot_general3A_34 = tpu.matmul %get3A_15, %get3A_32, %dot_general3A_33 {dimension_numbers = #tpu.dot_dimension_numbers<[1], [0], [0], [1], [0, 0, 1, 1], [], []>, transpose_lhs_hint = false} : vector<1000x128xf32>, vector<128x128xf32>, vector<1000x128xf32> -> vector<1000x128xf32>
    %mul3A = vector.broadcast %select_n3A : vector<1000x1xf32> to vector<1000x128xf32>
    %mul3A_35 = arith.mulf %mul3A, %dot_general3A_34 : vector<1000x128xf32>
    %swap3A_36 = arith.constant 0 : index
    %swap3A_37 = arith.constant 0 : index
    %swap3A_38 = vector.load %arg7[%swap3A_36, %swap3A_37] : memref<1000x128xf32, #tpu.memory_space<vmem>>, vector<1000x128xf32>
    tpu.vector_store %arg7[%swap3A_36, %swap3A_37], %mul3A_35 {strides = array<i32>} : memref<1000x128xf32, #tpu.memory_space<vmem>>, vector<1000x128xf32>,
    %swap3A_39 = arith.constant 0 : index
    %swap3A_40 = arith.constant 0 : index
    %swap3A_41 = vector.load %arg8[%swap3A_39, %swap3A_40] : memref<1000x1xf32, #tpu.memory_space<vmem>>, vector<1000x1xf32>
    tpu.vector_store %arg8[%swap3A_39, %swap3A_40], %select_n3A {strides = array<i32>} : memref<1000x1xf32, #tpu.memory_space<vmem>>, vector<1000x1xf32>,
    return
  }
  func.func @transform_0(%arg0: i32) -> (i32, i32, i32) {
    %c0_i32 = arith.constant 0 : i32
    %c0_i32_0 = arith.constant 0 : i32
    %c0_i32_1 = arith.constant 0 : i32
    return %c0_i32, %arg0, %c0_i32_0 : i32, i32, i32
  }
  func.func @transform_1(%arg0: i32) -> (i32, i32) {
    %c0_i32 = arith.constant 0 : i32
    %c0_i32_0 = arith.constant 0 : i32
    return %arg0, %c0_i32 : i32, i32
  }
  func.func @transform_2(%arg0: i32) -> (i32, i32) {
    %c0_i32 = arith.constant 0 : i32
    %c0_i32_0 = arith.constant 0 : i32
    %c0_i32_1 = arith.constant 0 : i32
    return %c0_i32, %c0_i32_0 : i32, i32
  }
  func.func @transform_3(%arg0: i32) -> (i32, i32) {
    %c0_i32 = arith.constant 0 : i32
    %c0_i32_0 = arith.constant 0 : i32
    %c0_i32_1 = arith.constant 0 : i32
    return %c0_i32, %c0_i32_0 : i32, i32
  }
  func.func @transform_4(%arg0: i32) -> (i32, i32) {
    %c0_i32 = arith.constant 0 : i32
    %c0_i32_0 = arith.constant 0 : i32
    %c0_i32_1 = arith.constant 0 : i32
    return %c0_i32, %c0_i32_0 : i32, i32
  }
  func.func @transform_5(%arg0: i32) -> (i32, i32) {
    %c0_i32 = arith.constant 0 : i32
    %c0_i32_0 = arith.constant 0 : i32
    return %arg0, %c0_i32 : i32, i32
  }
  func.func @transform_6(%arg0: i32) -> (i32, i32) {
    %c0_i32 = arith.constant 0 : i32
    %c0_i32_0 = arith.constant 0 : i32
    return %arg0, %c0_i32 : i32, i32
  }
  func.func @transform_7(%arg0: i32) -> (i32, i32) {
    %c0_i32 = arith.constant 0 : i32
    %c0_i32_0 = arith.constant 0 : i32
    return %arg0, %c0_i32 : i32, i32
  }
}

module attributes {stable_mosaic.version = 14 : i64} {
  func.func @_mid_body(%arg0: i32, %arg1: memref<2x1000x128xf32, #tpu.memory_space<vmem>>, %arg2: memref<1000x1xf32, #tpu.memory_space<vmem>>, %arg3: memref<1000x128xf32, #tpu.memory_space<vmem>>, %arg4: memref<1x128xf32, #tpu.memory_space<vmem>>, %arg5: memref<256x128xf32, #tpu.memory_space<vmem>>, %arg6: memref<1x128xf32, #tpu.memory_space<vmem>>, %arg7: memref<256x128xf32, #tpu.memory_space<vmem>>, %arg8: memref<1000x128xf32, #tpu.memory_space<vmem>>, %arg9: memref<1000x128xf32, #tpu.memory_space<vmem>>) attributes {dimension_semantics = [#tpu.dimension_semantics<arbitrary>], iteration_bounds = array<i64: 10>, scalar_prefetch = 0 : i64, scratch_operands = 0 : i64, tpu.core_type = #tpu.core_type<tc>, window_params = [{transform_indices = @transform_0, window_bounds = array<i64: 2, 1000, 128>}, {transform_indices = @transform_1, window_bounds = array<i64: 1000, 1>}, {transform_indices = @transform_2, window_bounds = array<i64: 1000, 128>}, {pipeline_mode = #tpu.pipeline_mode<synchronous>, transform_indices = @transform_3, window_bounds = array<i64: 1, 128>}, {pipeline_mode = #tpu.pipeline_mode<synchronous>, transform_indices = @transform_4, window_bounds = array<i64: 256, 128>}, {pipeline_mode = #tpu.pipeline_mode<synchronous>, transform_indices = @transform_5, window_bounds = array<i64: 1, 128>}, {pipeline_mode = #tpu.pipeline_mode<synchronous>, transform_indices = @transform_6, window_bounds = array<i64: 256, 128>}, {transform_indices = @transform_7, window_bounds = array<i64: 1000, 128>}, {transform_indices = @transform_8, window_bounds = array<i64: 1000, 128>}]} {
    %get3A = arith.constant 0 : index
    %get3A_0 = arith.constant 0 : index
    %get3A_1 = arith.constant 0 : index
    %get3A_2 = vector.load %arg1[%get3A, %get3A_0, %get3A_1] : memref<2x1000x128xf32, #tpu.memory_space<vmem>>, vector<1x1000x128xf32>
    %get3A_3 = vector.shape_cast %get3A_2 : vector<1x1000x128xf32> to vector<1000x128xf32>
    %get3A_4 = arith.constant 1 : index
    %get3A_5 = arith.constant 0 : index
    %get3A_6 = arith.constant 0 : index
    %get3A_7 = vector.load %arg1[%get3A_4, %get3A_5, %get3A_6] : memref<2x1000x128xf32, #tpu.memory_space<vmem>>, vector<1x1000x128xf32>
    %get3A_8 = vector.shape_cast %get3A_7 : vector<1x1000x128xf32> to vector<1000x128xf32>
    %add3A = arith.addf %get3A_3, %get3A_8 : vector<1000x128xf32>
    %get3A_9 = arith.constant 0 : index
    %get3A_10 = arith.constant 0 : index
    %get3A_11 = vector.load %arg2[%get3A_9, %get3A_10] : memref<1000x1xf32, #tpu.memory_space<vmem>>, vector<1000x1xf32>
    %mul3A = vector.broadcast %get3A_11 : vector<1000x1xf32> to vector<1000x128xf32>
    %mul3A_12 = arith.mulf %mul3A, %add3A : vector<1000x128xf32>
    %get3A_13 = arith.constant 0 : index
    %get3A_14 = arith.constant 0 : index
    %get3A_15 = vector.load %arg4[%get3A_13, %get3A_14] : memref<1x128xf32, #tpu.memory_space<vmem>>, vector<1x128xf32>
    %add3A_16 = vector.broadcast %get3A_15 : vector<1x128xf32> to vector<1000x128xf32>
    %add3A_17 = arith.addf %mul3A_12, %add3A_16 : vector<1000x128xf32>
    %max3A = arith.constant 0.000000e+00 : f32
    %max3A_18 = vector.broadcast %max3A : f32 to vector<1000x128xf32>
    %max3A_19 = arith.maximumf %add3A_17, %max3A_18 : vector<1000x128xf32>
    %get3A_20 = arith.constant 0 : index
    %get3A_21 = arith.constant 0 : index
    %get3A_22 = vector.load %arg3[%get3A_20, %get3A_21] : memref<1000x128xf32, #tpu.memory_space<vmem>>, vector<1000x128xf32>
    %get3A_23 = arith.constant 0 : index
    %get3A_24 = arith.constant 0 : index
    %get3A_25 = vector.load %arg5[%get3A_23, %get3A_24] : memref<256x128xf32, #tpu.memory_space<vmem>>, vector<256x128xf32>
    %slice3A = vector.extract_strided_slice %get3A_25 {offsets = [0, 0], sizes = [128, 128], strides = [1, 1]} : vector<256x128xf32> to vector<128x128xf32>
    %dot_general3A = arith.constant dense<0.000000e+00> : vector<1000x128xf32>
    %dot_general3A_26 = tpu.matmul %get3A_22, %slice3A, %dot_general3A {dimension_numbers = #tpu.dot_dimension_numbers<[1], [0], [0], [1], [0, 0, 1, 1], [], []>, transpose_lhs_hint = false} : vector<1000x128xf32>, vector<128x128xf32>, vector<1000x128xf32> -> vector<1000x128xf32>
    %slice3A_27 = vector.extract_strided_slice %get3A_25 {offsets = [128, 0], sizes = [128, 128], strides = [1, 1]} : vector<256x128xf32> to vector<128x128xf32>
    %dot_general3A_28 = arith.constant dense<0.000000e+00> : vector<1000x128xf32>
    %dot_general3A_29 = tpu.matmul %max3A_19, %slice3A_27, %dot_general3A_28 {dimension_numbers = #tpu.dot_dimension_numbers<[1], [0], [0], [1], [0, 0, 1, 1], [], []>, transpose_lhs_hint = false} : vector<1000x128xf32>, vector<128x128xf32>, vector<1000x128xf32> -> vector<1000x128xf32>
    %add3A_30 = arith.addf %dot_general3A_26, %dot_general3A_29 : vector<1000x128xf32>
    %get3A_31 = arith.constant 0 : index
    %get3A_32 = arith.constant 0 : index
    %get3A_33 = vector.load %arg6[%get3A_31, %get3A_32] : memref<1x128xf32, #tpu.memory_space<vmem>>, vector<1x128xf32>
    %add3A_34 = vector.broadcast %get3A_33 : vector<1x128xf32> to vector<1000x128xf32>
    %add3A_35 = arith.addf %add3A_30, %add3A_34 : vector<1000x128xf32>
    %max3A_36 = arith.constant 0.000000e+00 : f32
    %max3A_37 = vector.broadcast %max3A_36 : f32 to vector<1000x128xf32>
    %max3A_38 = arith.maximumf %add3A_35, %max3A_37 : vector<1000x128xf32>
    %swap3A = arith.constant 0 : index
    %swap3A_39 = arith.constant 0 : index
    %swap3A_40 = vector.load %arg8[%swap3A, %swap3A_39] : memref<1000x128xf32, #tpu.memory_space<vmem>>, vector<1000x128xf32>
    tpu.vector_store %arg8[%swap3A, %swap3A_39], %max3A_38 {strides = array<i32>} : memref<1000x128xf32, #tpu.memory_space<vmem>>, vector<1000x128xf32>,
    %get3A_41 = arith.constant 0 : index
    %get3A_42 = arith.constant 0 : index
    %get3A_43 = vector.load %arg7[%get3A_41, %get3A_42] : memref<256x128xf32, #tpu.memory_space<vmem>>, vector<256x128xf32>
    %slice3A_44 = vector.extract_strided_slice %get3A_43 {offsets = [0, 0], sizes = [128, 128], strides = [1, 1]} : vector<256x128xf32> to vector<128x128xf32>
    %dot_general3A_45 = arith.constant dense<0.000000e+00> : vector<1000x128xf32>
    %dot_general3A_46 = tpu.matmul %get3A_22, %slice3A_44, %dot_general3A_45 {dimension_numbers = #tpu.dot_dimension_numbers<[1], [0], [0], [1], [0, 0, 1, 1], [], []>, transpose_lhs_hint = false} : vector<1000x128xf32>, vector<128x128xf32>, vector<1000x128xf32> -> vector<1000x128xf32>
    %slice3A_47 = vector.extract_strided_slice %get3A_43 {offsets = [128, 0], sizes = [128, 128], strides = [1, 1]} : vector<256x128xf32> to vector<128x128xf32>
    %dot_general3A_48 = arith.constant dense<0.000000e+00> : vector<1000x128xf32>
    %dot_general3A_49 = tpu.matmul %max3A_19, %slice3A_47, %dot_general3A_48 {dimension_numbers = #tpu.dot_dimension_numbers<[1], [0], [0], [1], [0, 0, 1, 1], [], []>, transpose_lhs_hint = false} : vector<1000x128xf32>, vector<128x128xf32>, vector<1000x128xf32> -> vector<1000x128xf32>
    %add3A_50 = arith.addf %dot_general3A_46, %dot_general3A_49 : vector<1000x128xf32>
    %mul3A_51 = vector.broadcast %get3A_11 : vector<1000x1xf32> to vector<1000x128xf32>
    %mul3A_52 = arith.mulf %mul3A_51, %add3A_50 : vector<1000x128xf32>
    %swap3A_53 = arith.constant 0 : index
    %swap3A_54 = arith.constant 0 : index
    %swap3A_55 = vector.load %arg9[%swap3A_53, %swap3A_54] : memref<1000x128xf32, #tpu.memory_space<vmem>>, vector<1000x128xf32>
    tpu.vector_store %arg9[%swap3A_53, %swap3A_54], %mul3A_52 {strides = array<i32>} : memref<1000x128xf32, #tpu.memory_space<vmem>>, vector<1000x128xf32>,
    return
  }
  func.func @transform_0(%arg0: i32) -> (i32, i32, i32) {
    %c0_i32 = arith.constant 0 : i32
    %c0_i32_0 = arith.constant 0 : i32
    %c0_i32_1 = arith.constant 0 : i32
    return %c0_i32, %arg0, %c0_i32_0 : i32, i32, i32
  }
  func.func @transform_1(%arg0: i32) -> (i32, i32) {
    %c0_i32 = arith.constant 0 : i32
    %c0_i32_0 = arith.constant 0 : i32
    return %arg0, %c0_i32 : i32, i32
  }
  func.func @transform_2(%arg0: i32) -> (i32, i32) {
    %c0_i32 = arith.constant 0 : i32
    %c0_i32_0 = arith.constant 0 : i32
    return %arg0, %c0_i32 : i32, i32
  }
  func.func @transform_3(%arg0: i32) -> (i32, i32) {
    %c0_i32 = arith.constant 0 : i32
    %c0_i32_0 = arith.constant 0 : i32
    %c0_i32_1 = arith.constant 0 : i32
    return %c0_i32, %c0_i32_0 : i32, i32
  }
  func.func @transform_4(%arg0: i32) -> (i32, i32) {
    %c0_i32 = arith.constant 0 : i32
    %c0_i32_0 = arith.constant 0 : i32
    %c0_i32_1 = arith.constant 0 : i32
    return %c0_i32, %c0_i32_0 : i32, i32
  }
  func.func @transform_5(%arg0: i32) -> (i32, i32) {
    %c0_i32 = arith.constant 0 : i32
    %c0_i32_0 = arith.constant 0 : i32
    %c0_i32_1 = arith.constant 0 : i32
    return %c0_i32, %c0_i32_0 : i32, i32
  }
  func.func @transform_6(%arg0: i32) -> (i32, i32) {
    %c0_i32 = arith.constant 0 : i32
    %c0_i32_0 = arith.constant 0 : i32
    %c0_i32_1 = arith.constant 0 : i32
    return %c0_i32, %c0_i32_0 : i32, i32
  }
  func.func @transform_7(%arg0: i32) -> (i32, i32) {
    %c0_i32 = arith.constant 0 : i32
    %c0_i32_0 = arith.constant 0 : i32
    return %arg0, %c0_i32 : i32, i32
  }
  func.func @transform_8(%arg0: i32) -> (i32, i32) {
    %c0_i32 = arith.constant 0 : i32
    %c0_i32_0 = arith.constant 0 : i32
    return %arg0, %c0_i32 : i32, i32
  }
}

module attributes {stable_mosaic.version = 14 : i64} {
  func.func @_final_body(%arg0: i32, %arg1: memref<2x1000x128xf32, #tpu.memory_space<vmem>>, %arg2: memref<1000x1xf32, #tpu.memory_space<vmem>>, %arg3: memref<1000x128xf32, #tpu.memory_space<vmem>>, %arg4: memref<1x128xf32, #tpu.memory_space<vmem>>, %arg5: memref<1000x128xf32, #tpu.memory_space<vmem>>) attributes {dimension_semantics = [#tpu.dimension_semantics<arbitrary>], iteration_bounds = array<i64: 10>, scalar_prefetch = 0 : i64, scratch_operands = 0 : i64, tpu.core_type = #tpu.core_type<tc>, window_params = [{transform_indices = @transform_0, window_bounds = array<i64: 2, 1000, 128>}, {transform_indices = @transform_1, window_bounds = array<i64: 1000, 1>}, {transform_indices = @transform_2, window_bounds = array<i64: 1000, 128>}, {pipeline_mode = #tpu.pipeline_mode<synchronous>, transform_indices = @transform_3, window_bounds = array<i64: 1, 128>}, {transform_indices = @transform_4, window_bounds = array<i64: 1000, 128>}]} {
    %get3A = arith.constant 0 : index
    %get3A_0 = arith.constant 0 : index
    %get3A_1 = arith.constant 0 : index
    %get3A_2 = vector.load %arg1[%get3A, %get3A_0, %get3A_1] : memref<2x1000x128xf32, #tpu.memory_space<vmem>>, vector<1x1000x128xf32>
    %get3A_3 = vector.shape_cast %get3A_2 : vector<1x1000x128xf32> to vector<1000x128xf32>
    %get3A_4 = arith.constant 1 : index
    %get3A_5 = arith.constant 0 : index
    %get3A_6 = arith.constant 0 : index
    %get3A_7 = vector.load %arg1[%get3A_4, %get3A_5, %get3A_6] : memref<2x1000x128xf32, #tpu.memory_space<vmem>>, vector<1x1000x128xf32>
    %get3A_8 = vector.shape_cast %get3A_7 : vector<1x1000x128xf32> to vector<1000x128xf32>
    %add3A = arith.addf %get3A_3, %get3A_8 : vector<1000x128xf32>
    %get3A_9 = arith.constant 0 : index
    %get3A_10 = arith.constant 0 : index
    %get3A_11 = vector.load %arg3[%get3A_9, %get3A_10] : memref<1000x128xf32, #tpu.memory_space<vmem>>, vector<1000x128xf32>
    %get3A_12 = arith.constant 0 : index
    %get3A_13 = arith.constant 0 : index
    %get3A_14 = vector.load %arg2[%get3A_12, %get3A_13] : memref<1000x1xf32, #tpu.memory_space<vmem>>, vector<1000x1xf32>
    %mul3A = vector.broadcast %get3A_14 : vector<1000x1xf32> to vector<1000x128xf32>
    %mul3A_15 = arith.mulf %mul3A, %add3A : vector<1000x128xf32>
    %get3A_16 = arith.constant 0 : index
    %get3A_17 = arith.constant 0 : index
    %get3A_18 = vector.load %arg4[%get3A_16, %get3A_17] : memref<1x128xf32, #tpu.memory_space<vmem>>, vector<1x128xf32>
    %add3A_19 = vector.broadcast %get3A_18 : vector<1x128xf32> to vector<1000x128xf32>
    %add3A_20 = arith.addf %mul3A_15, %add3A_19 : vector<1000x128xf32>
    %max3A = arith.constant 0.000000e+00 : f32
    %max3A_21 = vector.broadcast %max3A : f32 to vector<1000x128xf32>
    %max3A_22 = arith.maximumf %add3A_20, %max3A_21 : vector<1000x128xf32>
    %add3A_23 = arith.addf %get3A_11, %max3A_22 : vector<1000x128xf32>
    %swap3A = arith.constant 0 : index
    %swap3A_24 = arith.constant 0 : index
    %swap3A_25 = vector.load %arg5[%swap3A, %swap3A_24] : memref<1000x128xf32, #tpu.memory_space<vmem>>, vector<1000x128xf32>
    tpu.vector_store %arg5[%swap3A, %swap3A_24], %add3A_23 {strides = array<i32>} : memref<1000x128xf32, #tpu.memory_space<vmem>>, vector<1000x128xf32>,
    return
  }
  func.func @transform_0(%arg0: i32) -> (i32, i32, i32) {
    %c0_i32 = arith.constant 0 : i32
    %c0_i32_0 = arith.constant 0 : i32
    %c0_i32_1 = arith.constant 0 : i32
    return %c0_i32, %arg0, %c0_i32_0 : i32, i32, i32
  }
  func.func @transform_1(%arg0: i32) -> (i32, i32) {
    %c0_i32 = arith.constant 0 : i32
    %c0_i32_0 = arith.constant 0 : i32
    return %arg0, %c0_i32 : i32, i32
  }
  func.func @transform_2(%arg0: i32) -> (i32, i32) {
    %c0_i32 = arith.constant 0 : i32
    %c0_i32_0 = arith.constant 0 : i32
    return %arg0, %c0_i32 : i32, i32
  }
  func.func @transform_3(%arg0: i32) -> (i32, i32) {
    %c0_i32 = arith.constant 0 : i32
    %c0_i32_0 = arith.constant 0 : i32
    %c0_i32_1 = arith.constant 0 : i32
    return %c0_i32, %c0_i32_0 : i32, i32
  }
  func.func @transform_4(%arg0: i32) -> (i32, i32) {
    %c0_i32 = arith.constant 0 : i32
    %c0_i32_0 = arith.constant 0 : i32
    return %arg0, %c0_i32 : i32, i32
  }
}

</mosaic_0001>

<sc_bundles>
// kernel: kernel.10.cloned.1.call-start
scs
__scs_entry_jumppad:
0x0: {  	(pc) =	sbr.rel $0x88, $3  }
0x1: {  	(tag) =	ssettag $0x0;
	lr =	simm.s32 $0x1  }
0x2: {  	[smem:$0x3F93] =	sst lr;
	_ =	strace $0xD0000000  }
0x3: {  	_ = 	snop  }
0x4: {  	_ = 	snop  }
0x5: {  	_ = 	snop  }
0x6: {  	_ = 	snop  }
0x7: {  	_ = 	snop  }
__scs_overlays_trampoline_lowered:
0x8: {  	[smem:$0x3FA2] =	sst s0  }
0x9: {  	[smem:$0x3FA3] =	sst s1  }
0xa: {  	[smem:$0x3FA4] =	sst s2  }
0xb: {  	[smem:$0x3FA5] =	sst s3  }
0xc: {  	[smem:$0x3FA6] =	sst s4  }
0xd: {  	[smem:$0x3FA7] =	sst s5  }
0xe: {  	[smem:$0x3FA8] =	sst s6  }
0xf: {  	[smem:$0x3FA9] =	sst s7  }
0x10: {  	[smem:$0x3FAA] =	sst s8  }
0x11: {  	[smem:$0x3FAB] =	sst s9;
	s0 =	simm.s32 @!p0 $0x0  }
0x12: {  	s1 =	sld [smem:$0x3F91];
	s0 =	simm.s32 @p0 $0x1  }
0x13: {  	[smem:$0x3FAC] =	sst s0;
	s0 =	simm.s32 @!p1 $0x0  }
0x14: {  	s2 =	sld [smem:$0x3F90];
	s0 =	simm.s32 @p1 $0x1  }
0x15: {  	[smem:$0x3FAD] =	sst s0;
	s0 =	simm.s32 @!p2 $0x0  }
0x16: {  	s3 =	sld [smem:$0x3FDB];
	s0 =	simm.s32 @p2 $0x1  }
0x17: {  	s4 =	simm.s32 $0x1BF5;
	[smem:$0x3FAF] =	sst s0  }
0x18: {  	s0 =	sld [smem:$0x3F92];
	_ =	swait.ge [sflag:s4], $0x0  }
0x19: {  	s7 =	sld [smem:$0x3F93]  }
0x1a: {  	s8 =	sadd.s32 $0xFFFFE003, lr  }
0x1b: {  	s9 =	sadd.s32 $0xFFFFFEF7, lr;
	s5 =	simm.s32 $0xFFFFFFFF;
	p2 =	slt.u32 s8, $0xFFFFF086  }
0x1c: {  	p1 =	slt.u32 s9, $0xF7A;
	s5 =	simm.s32 @!p2 $0x0  }
0x1d: {  	s5 =	simm.s32 @p1 $0x1;
	p0 =	seq.s32 s7, s2  }
0x1e: {  	s7 =	smul.u32 @!p0 $0xF7A, s2;
	p2 =	seq.s32 @!p0 s5, $0x0  }
0x1f: {  	s9 =	smul.u32 $0xF7A, s1;
	s8 =	simm.s32 @!p0 $0x1BF5;
	p2 =	por !p2, p0  }
0x20: {  	[sflag:s8] =	ssyncset.s32 @!p0 $0xFFFFF086;
	s6 =	sadd.s32 @!p0 s3, s7;
	s7 =	simm.s32 @!p0 $0x108  }
0x21: {  	s3 =	sadd.s32 s3, s9;
	s6 =	sadd.s32 @!p0 $0x88, s6;
	s7 =	simm.s32 @p2 $0x1082  }
0x22: {  	[simem:s7], [sflag:s8] =	dma.local @!p0 [hbm:s6], $0xF7A  }
0x23: {  	s9 =	sor.u32 $0xD0000000, s2;
	s6 =	simm.s32 $0x108;
	_ =	swait.ge @!p0 [sflag:s8], $0x0  }
0x24: {  	s3 =	sadd.s32 $0x88, s3;
	s6 =	simm.s32 @!p1 $0x1082;
	[sflag:s4] =	ssyncset.s32 $0xFFFFF086  }
0x25: {  	[simem:s6], [sflag:s4] =	dma.local [hbm:s3], $0xF7A  }
0x26: {  	[smem:$0x3F93] =	sst s1;
	(tag) =	ssettag s2;
	_ =	strace s9  }
0x27: {  	s1 =	sld [smem:$0x3FA3]  }
0x28: {  	s2 =	sld [smem:$0x3FA4]  }
0x29: {  	s4 =	sld [smem:$0x3FA6]  }
0x2a: {  	p0 =	seq.s32 s5, $0x0;
	s5 =	sld [smem:$0x3FA7]  }
0x2b: {  	s6 =	sld [smem:$0x3FA8]  }
0x2c: {  	s7 =	sld [smem:$0x3FA9]  }
0x2d: {  	s3 =	simm.s32 $0x108;
	s8 =	sld [smem:$0x3FAA]  }
0x2e: {  	s3 =	simm.s32 @!p0 $0x1082;
	s9 =	sld [smem:$0x3FAB]  }
0x2f: {  	lr =	sadd.s32 s0, s3;
	s0 =	sld [smem:$0x3FA2]  }
0x30: {  	s3 =	sld [smem:$0x3FA5]  }
0x31: {  	[smem:$0x3FAE] =	sst s10  }
0x32: {  	s10 =	sld [smem:$0x3FAC];
	_ =	sdelay $0x3  }
0x33: {  	p0 =	seq.s32 s10, $0x1;
	s10 =	sld [smem:$0x3FAE];
	_ =	sdelay $0x3  }
0x34: {  	[smem:$0x3FAE] =	sst s10  }
0x35: {  	s10 =	sld [smem:$0x3FAD];
	_ =	sdelay $0x3  }
0x36: {  	p1 =	seq.s32 s10, $0x1;
	s10 =	sld [smem:$0x3FAE];
	_ =	sdelay $0x3  }
0x37: {  	[smem:$0x3FAE] =	sst s10  }
0x38: {  	s10 =	sld [smem:$0x3FAF]  }
0x39: {  	_ = 	snop;
	(pc) =	sbr.ind lr, $3  }
0x3a: {  	_ = 	snop  }
0x3b: {  	_ = 	snop  }
0x3c: {  	p2 =	seq.s32 s10, $0x1;
	s10 =	sld [smem:$0x3FAE]  }
0x3d: {  	_ =	shalt  }
0x3e: {  	_ =	shalt  }
0x3f: {  	_ =	shalt  }
0x40: {  	_ =	shalt  }
0x41: {  	_ =	shalt  }
0x42: {  	_ =	shalt  }
0x43: {  	_ =	shalt  }
0x44: {  	_ =	shalt  }
0x45: {  	_ =	shalt  }
0x46: {  	_ =	shalt  }
0x47: {  	_ =	shalt  }
0x48: {  	_ =	shalt  }
0x49: {  	_ =	shalt  }
0x4a: {  	_ =	shalt  }
0x4b: {  	_ =	shalt  }
0x4c: {  	_ =	shalt  }
0x4d: {  	_ =	shalt  }
0x4e: {  	_ =	shalt  }
0x4f: {  	_ =	shalt  }
0x50: {  	_ =	shalt  }
0x51: {  	_ =	shalt  }
0x52: {  	_ =	shalt  }
0x53: {  	_ =	shalt  }
0x54: {  	_ =	shalt  }
0x55: {  	_ =	shalt  }
0x56: {  	_ =	shalt  }
0x57: {  	_ =	shalt  }
0x58: {  	_ =	shalt  }
0x59: {  	_ =	shalt  }
0x5a: {  	_ =	shalt  }
0x5b: {  	_ =	shalt  }
0x5c: {  	_ =	shalt  }
0x5d: {  	_ =	shalt  }
0x5e: {  	_ =	shalt  }
0x5f: {  	_ =	shalt  }
0x60: {  	_ =	shalt  }
0x61: {  	_ =	shalt  }
0x62: {  	_ =	shalt  }
0x63: {  	_ =	shalt  }
0x64: {  	_ =	shalt  }
0x65: {  	_ =	shalt  }
0x66: {  	_ =	shalt  }
0x67: {  	_ =	shalt  }
0x68: {  	_ =	shalt  }
0x69: {  	_ =	shalt  }
0x6a: {  	_ =	shalt  }
0x6b: {  	_ =	shalt  }
0x6c: {  	_ =	shalt  }
0x6d: {  	_ =	shalt  }
0x6e: {  	_ =	shalt  }
0x6f: {  	_ =	shalt  }
0x70: {  	_ =	shalt  }
0x71: {  	_ =	shalt  }
0x72: {  	_ =	shalt  }
0x73: {  	_ =	shalt  }
0x74: {  	_ =	shalt  }
0x75: {  	_ =	shalt  }
0x76: {  	_ =	shalt  }
0x77: {  	_ =	shalt  }
0x78: {  	_ =	shalt  }
0x79: {  	_ =	shalt  }
0x7a: {  	_ =	shalt  }
0x7b: {  	_ =	shalt  }
0x7c: {  	_ =	shalt  }
0x7d: {  	_ =	shalt  }
0x7e: {  	_ =	shalt  }
0x7f: {  	_ =	shalt  }
0x80: {  	_ =	shalt  }
0x81: {  	_ =	shalt  }
0x82: {  	_ =	shalt  }
0x83: {  	_ =	shalt  }
0x84: {  	_ =	shalt  }
0x85: {  	_ =	shalt  }
0x86: {  	_ =	shalt  }
0x87: {  	_ =	shalt  }
.Lfunc_end0:
.L_simem_size_0:
called_computation_lowered:
.L_overlay_start_0:
0x88: {  	s2 =	sld [smem:$0x3FD9]  }
0x89: {  	s3 =	sld [smem:$0x3FFE];
	_ =	sdelay $0x1  }
0x8a: {  	s1 =	srdreg.scid  }
0x8b: {  	s0 =	sand.u32 $0x1, s1  }
0x8c: {  	s16 =	sshll.u32 s0, $0xA;
	s2 =	sadd.s32 s3, s2  }
0x8d: {  	s2 =	sadd.s32 s2, s16  }
0x8e: {  	[smem:$0x3FBA] =	sst s2  }
0x8f: {  	_ = 	snop  }
0x90: {  	(tm) =	ssettm $0x1  }
0x91: {  	s17 =	sld [smem:$0x3FFB];
	_ =	sdelay $0x3  }
0x92: {  	_ =	strace s17  }
0x93: {  	s2 =	sld [smem:$0x3FFC];
	_ =	sdelay $0x3  }
0x94: {  	_ =	strace s2  }
0x95: {  	s2 =	sld [smem:$0x3FFD];
	_ =	sdelay $0x3  }
0x96: {  	_ =	strace s2  }
0x97: {  	_ =	strace $0x8FFFFFFF  }
0x98: {  	s18 =	sld [smem:$0x3FDB];
	_ =	sdelay $0x1  }
0x99: {  	s19 =	simm.s32 $_scs_section_size  }
0x9a: {  	s4 =	simm.s32 $_size__tile_overlayer_lowered;
	s5 =	simm.s32 $_tile_overlayer_lowered  }
0x9b: {  	s22 =	simm.s32 $0x1BFF;
	s21 =	sshll.u32 s5, $0x1;
	s2 =	sadd.s32 s19, s18  }
0x9c: {  	s6 =	simm.s32 $0x0;
	s20 =	sshll.u32 s4, $0x1;
	s4 =	sadd.s32 s21, s2  }
0x9d: {  	[timem:s6], [sflag:s22] =	dma.local [hbm:s4], s20  }
0x9e: {  	_ =	swait.ge [sflag:s22], s20  }
0x9f: {  	s3 =	ssub.s32 $0x0, s20;
	[sflag:s22] =	ssyncset.done $0x0  }
0xa0: {  	[sflag:s22] =	ssyncadd.s32 s3;
	_ =	sdelay $0x1  }
0xa1: {  	s23 =	simm.s32 $0x1B8B  }
0xa2: {  	_ =	swait.ge [sflag:s23], $0x1  }
0xa3: {  	[sflag:s23] =	ssyncset.done $0x0  }
0xa4: {  	s25 =	simm.s32 $0x1B8E;
	s24 =	sld [smem:$0x3FFE];
	[sflag:s23] =	ssyncadd.s32 $0xFFFFFFFF  }
0xa5: {  	s26 =	simm.s32 $execute0_lowered;
	[smem:$0x3FD2] =	sst s25  }
0xa6: {  	s4 =	sshll.u32 s26, $0x1;
	_ =	strace $0x80000046;
	[dreg:$0x1] =	wrdreg $0xFFFFFFFF  }
0xa7: {  	s28 =	simm.s32 $_size_execute0_lowered;
	s2 =	sadd.s32 s2, s4;
	[dreg:$0x0] =	wrdreg $0x0  }
0xa8: {  	s4 =	sshll.u32 s28, $0x1;
	[dreg:$0x2] =	wrdreg s2  }
0xa9: {  	[dreg:$0x3] =	wrdreg s4  }
0xaa: {  	[dreg:$0x4] =	wrdreg $0xC0  }
0xab: {  	_ =	task [dreg:s6], $0x5FFFF  }
0xac: {  	[dreg:$0x1] =	wrdreg $0xFFFFFFFF  }
0xad: {  	[dreg:$0x0] =	wrdreg $0x60  }
0xae: {  	[dreg:$0x2] =	wrdreg s24  }
0xaf: {  	[dreg:$0x3] =	wrdreg $0x70000  }
0xb0: {  	[dreg:$0x4] =	wrdreg $0x9  }
0xb1: {  	_ =	task.clear_ibuf [dreg:s6], $0x5FFFF;
	_ =	strace $0x90000046  }
0xb2: {  	s29 =	simm.s32 $0x9;
	_ =	strace $0x80000048  }
0xb3: {  	_ =	swait.ge [sflag:s29], $0x1  }
0xb4: {  	[sflag:s29] =	ssyncadd.s32 $0xFFFFFFFF  }
0xb5: {  	_ =	strace $0x90000048  }
0xb6: {  	_ =	sfence  }
0xb7: {  	s30 =	sld [smem:$0x0];
	_ =	sdelay $0x2  }
0xb8: {  	s31 =	sshll.u32 s1, $0xD;
	s1 =	sshrl.u32 s1, $0x2  }
0xb9: {  	s3 =	sand.u32 $0x4000, s31;
	s1 =	sadd.s32 s1, s30  }
0xba: {  	s0 =	sor.u32 s3, s0;
	s1 =	sshll.u32 s1, $0x11  }
0xbb: {  	s0 =	sor.u32 s1, s0  }
0xbc: {  	s0 =	sadd.s32 $0x8F2B, s0  }
0xbd: {  	[sflag:s0] =	ssyncadd.remote.s32 $0x1  }
0xbe: {  	_ =	sfence.sel $0xFFFF  }
0xbf: {  	[dreg:$0x0] =	wrdreg $0xFFFFFFFF;
	(pc) =	sbr.abs _section_cstart, $3  }
0xc0: {  	[dreg:$0x1] =	wrdreg $0xFFFFFFFF  }
0xc1: {  	_ =	task.clear_ibuf [dreg:s6], $0x2FFFF;
	_ =	strace $0x9FFFFFFF  }
0xc2: {  	(tm) =	ssettm $0x7FFFFFFF  }
0xc3: {  	_ =	shalt  }
tec
execute0_lowered:
.L_overlay_start_1:
0x0: {  	(tag) =	ssettag $0x1  }
0x1: {  	s0 =	srdreg.scid;
	s5 =	rddreg [dreg:$0x0]  }
0x2: {  	s2 =	rddreg [dreg:$0x1];
	s4 =	sand.u32 $0x1, s0;
	s0 =	stileid.u32  }
0x3: {  	s3 =	simm.s32 $0x0;
	s17 =	simm.s32 $0x5000;
	s7 =	smul.u32 $0x2780, s0  }
0x4: {  	s18 =	simm.s32 $0x1;
	s19 =	simm.s32 $0x40;
	s8 =	smul.u32 $0x27800, s4  }
0x5: {  	[smem:$0x7FF] =	sst s3;
	s1 =	sshll.u32 s4, $0x4;
	s9 =	smul.u32 $0x4F000, s0  }
0x6: {  	s4 =	ssub.s32 $0x2, s4;
	s20 =	sshll.u32 s0, $0x6;
	s1 =	sor.u32 s0, s1  }
0x7: {  	s30 =	sshrl.u32 s4, $0x1;
	s20 =	sor.u32 $0x1C01, s20;
	s6 =	smul.u32 $0xA00, s1  }
0x8: {  	s1 =	rddreg [dreg:$0x2];
	_ =	strace $0x80000047;
	s29 =	sadd.s32 s7, s8  }
0x9: {  	s31 =	sshrl.u32 s9, $0x2;
	s16 =	ssub.s32 s4, s30;
	s15 =	sadd.s32 s29, s5  }
0xa: {  	s4 =	sadd.s32 s31, s2;
	s16 =	smax.u32 s16, $0x1;
	s14 =	sadd.s32 s6, s5  }
0xb: {  	s5 =	sadd.s32 $0x2000, s4;
	s6 =	sadd.s32 $0x4000, s4;
	s7 =	sadd.s32 $0x6000, s4  }
0xc: {  	s8 =	sadd.s32 $0x8000, s4;
	s9 =	sadd.s32 $0xA000, s4;
	s10 =	sadd.s32 $0xC000, s4  }
0xd: {  	s11 =	sadd.s32 $0xE000, s4;
	s12 =	sadd.s32 $0x10000, s4;
	s13 =	sadd.s32 $0x12000, s4  }
0xe: {  	v0 =	vimm.f32 $0.0e+00;
	v1 =	vimm.f32 $1.000000000e+00;
	s15 =	sadd.s32 $0x17600, s15;
	s21 =	sshrl.u32 s4, $0x3;
	s14 =	sadd.s32 $0x3600, s14  }
.LBB2_1:
0xf: {  	s22 =	simm.s32 $0x0;
	s23 =	simm.s32 $0x200  }
.LBB2_2:
0x10: {  	p0 =	sne.s32 s23, $0x7E00;
	[tilespmem:s22+$0x5070] =	vst v0  }
0x11: {  	[tilespmem:s22+$0x5000] =	vst v0  }
0x12: {  	[tilespmem:s22+$0x5010] =	vst v0  }
.Ltmp0:
0x13: {  	[tilespmem:s22+$0x5020] =	vst v0;
	(pc) =	sbr.rel @p0 .LBB2_2-.Ltmp0, $4  }
0x14: {  	[tilespmem:s22+$0x5030] =	vst v0  }
0x15: {  	[tilespmem:s22+$0x5040] =	vst v0  }
0x16: {  	[tilespmem:s22+$0x5050] =	vst v0  }
0x17: {  	[tilespmem:s22+$0x5060] =	vst v0;
	s22 =	sshra.s32 s23, $0x2;
	s23 =	sadd.s32 $0x200, s23  }
0x18: {  	[tilespmem:s22+$0x5070] =	vst v0  }
0x19: {  	[tilespmem:s22+$0x5000] =	vst v0  }
0x1a: {  	[tilespmem:s22+$0x5010] =	vst v0  }
0x1b: {  	[tilespmem:s22+$0x5020] =	vst v0  }
0x1c: {  	[tilespmem:s22+$0x5030] =	vst v0  }
0x1d: {  	[tilespmem:s22+$0x5040] =	vst v0  }
0x1e: {  	[tilespmem:s22+$0x5050] =	vst v0  }
0x1f: {  	[tilespmem:s22+$0x5060] =	vst v0  }
0x20: {  	[spmem:s4] =	stream.linear.scatter [tilespmem:s17], [sflag:$0x1], $0x2000, $0x38;
	[tilespmem:$0x1AC00] =	vst v63  }
0x21: {  	_ =	swait.ge [sflag:s18], $0x2000  }
0x22: {  	[sflag:s18] =	ssyncset.done $0x0  }
0x23: {  	[sflag:s18] =	ssyncadd.s32 $0xFFFFE000  }
0x24: {  	[spmem:s5] =	stream.linear.scatter [tilespmem:s17], [sflag:$0x1], $0x2000, $0x38;
	[tilespmem:$0x1AC00] =	vst v63  }
0x25: {  	_ =	swait.ge [sflag:s18], $0x2000  }
0x26: {  	[sflag:s18] =	ssyncset.done $0x0  }
0x27: {  	[sflag:s18] =	ssyncadd.s32 $0xFFFFE000  }
0x28: {  	[spmem:s6] =	stream.linear.scatter [tilespmem:s17], [sflag:$0x1], $0x2000, $0x38;
	[tilespmem:$0x1AC00] =	vst v63  }
0x29: {  	_ =	swait.ge [sflag:s18], $0x2000  }
0x2a: {  	[sflag:s18] =	ssyncset.done $0x0  }
0x2b: {  	[sflag:s18] =	ssyncadd.s32 $0xFFFFE000  }
0x2c: {  	[spmem:s7] =	stream.linear.scatter [tilespmem:s17], [sflag:$0x1], $0x2000, $0x38;
	[tilespmem:$0x1AC00] =	vst v63  }
0x2d: {  	_ =	swait.ge [sflag:s18], $0x2000  }
0x2e: {  	[sflag:s18] =	ssyncset.done $0x0  }
0x2f: {  	[sflag:s18] =	ssyncadd.s32 $0xFFFFE000  }
0x30: {  	[spmem:s8] =	stream.linear.scatter [tilespmem:s17], [sflag:$0x1], $0x2000, $0x38;
	[tilespmem:$0x1AC00] =	vst v63  }
0x31: {  	_ =	swait.ge [sflag:s18], $0x2000  }
0x32: {  	[sflag:s18] =	ssyncset.done $0x0  }
0x33: {  	[sflag:s18] =	ssyncadd.s32 $0xFFFFE000  }
0x34: {  	[spmem:s9] =	stream.linear.scatter [tilespmem:s17], [sflag:$0x1], $0x2000, $0x38;
	[tilespmem:$0x1AC00] =	vst v63  }
0x35: {  	_ =	swait.ge [sflag:s18], $0x2000  }
0x36: {  	[sflag:s18] =	ssyncset.done $0x0  }
0x37: {  	[sflag:s18] =	ssyncadd.s32 $0xFFFFE000  }
0x38: {  	[spmem:s10] =	stream.linear.scatter [tilespmem:s17], [sflag:$0x1], $0x2000, $0x38;
	[tilespmem:$0x1AC00] =	vst v63  }
0x39: {  	_ =	swait.ge [sflag:s18], $0x2000  }
0x3a: {  	[sflag:s18] =	ssyncset.done $0x0  }
0x3b: {  	[sflag:s18] =	ssyncadd.s32 $0xFFFFE000  }
0x3c: {  	[spmem:s11] =	stream.linear.scatter [tilespmem:s17], [sflag:$0x1], $0x2000, $0x38;
	[tilespmem:$0x1AC00] =	vst v63  }
0x3d: {  	_ =	swait.ge [sflag:s18], $0x2000  }
0x3e: {  	[sflag:s18] =	ssyncset.done $0x0  }
0x3f: {  	[sflag:s18] =	ssyncadd.s32 $0xFFFFE000  }
0x40: {  	[spmem:s12] =	stream.linear.scatter [tilespmem:s17], [sflag:$0x1], $0x2000, $0x38;
	[tilespmem:$0x1AC00] =	vst v63  }
0x41: {  	_ =	swait.ge [sflag:s18], $0x2000  }
0x42: {  	[sflag:s18] =	ssyncset.done $0x0  }
0x43: {  	[sflag:s18] =	ssyncadd.s32 $0xFFFFE000  }
0x44: {  	[spmem:s13] =	stream.linear.scatter [tilespmem:s17], [sflag:$0x1], $0x1C00, $0x38;
	[tilespmem:$0x1AC00] =	vst v63  }
0x45: {  	_ =	swait.ge [sflag:s18], $0x1C00  }
0x46: {  	[sflag:s18] =	ssyncset.done $0x0  }
0x47: {  	s22 =	simm.s32 $0x0;
	s23 =	simm.s32 $0x200;
	[sflag:s18] =	ssyncadd.s32 $0xFFFFE400  }
.LBB2_4:
0x48: {  	p0 =	sne.s32 s23, $0x7E00;
	[tilespmem:s22+$0x5070] =	vst v1  }
0x49: {  	[tilespmem:s22+$0x5000] =	vst v1  }
0x4a: {  	[tilespmem:s22+$0x5010] =	vst v1  }
.Ltmp1:
0x4b: {  	[tilespmem:s22+$0x5020] =	vst v1;
	(pc) =	sbr.rel @p0 .LBB2_4-.Ltmp1, $4  }
0x4c: {  	[tilespmem:s22+$0x5030] =	vst v1  }
0x4d: {  	[tilespmem:s22+$0x5040] =	vst v1  }
0x4e: {  	[tilespmem:s22+$0x5050] =	vst v1  }
0x4f: {  	[tilespmem:s22+$0x5060] =	vst v1;
	s22 =	sshra.s32 s23, $0x2;
	s23 =	sadd.s32 $0x200, s23  }
0x50: {  	[tilespmem:s22+$0x5070] =	vst v1  }
0x51: {  	[tilespmem:s22+$0x5000] =	vst v1  }
0x52: {  	[tilespmem:s22+$0x5010] =	vst v1  }
0x53: {  	[tilespmem:s22+$0x5020] =	vst v1  }
0x54: {  	[tilespmem:s22+$0x5030] =	vst v1  }
0x55: {  	[tilespmem:s22+$0x5040] =	vst v1  }
0x56: {  	[tilespmem:s22+$0x5050] =	vst v1  }
0x57: {  	[tilespmem:s22+$0x5060] =	vst v1;
	s30 =	simm.s32 $0x0  }
0x58: {  	[tilespmem:s30], [sflag:$0x1] =	stream.linear.gather [hbm4b:s14+s30], $0x5000, $0x38;
	[tilespmem:$0x1AC00] =	vst v63  }
0x59: {  	_ =	swait.ge [sflag:s18], $0x5000  }
0x5a: {  	[sflag:s18] =	ssyncset.done $0x0  }
0x5b: {  	[sflag:s18] =	ssyncadd.s32 $0xFFFFB000  }
0x5c: {  	s31 =	simm.s32 $0x0;
	[bflag:$0x0] =	sbarrier.arrive $0xFFFF  }
0x5d: {  	[spmem:s2] =	stream.indirect.scatter.add.f32 [tilespmem:s17], [sflag:$0x1], $0x80, s31, s19, $0xb8;
	[tilespmem:$0x1AC00] =	vst v63  }
0x5e: {  	_ =	swait.ge [sflag:s18], $0x2000  }
0x5f: {  	s22 =	simm.s32 $0x200;
	[sflag:s18] =	ssyncset.done $0x0  }
.LBB2_6:
0x60: {  	s23 =	sshra.s32 s22, $0x2;
	[sflag:s18] =	ssyncadd.s32 $0xFFFFE000;
	p0 =	sne.s32 s22, $0x13E00  }
0x61: {  	[spmem:s2] =	stream.indirect.scatter.add.f32 [tilespmem:s17], [sflag:$0x1], $0x80, s23, s19, $0xb8;
	[tilespmem:$0x1AC00] =	vst v63  }
.Ltmp2:
0x62: {  	_ = 	snop;
	(pc) =	sbr.rel @p0 .LBB2_6-.Ltmp2, $4  }
0x63: {  	_ = 	snop  }
0x64: {  	s22 =	sadd.s32 $0x200, s22  }
0x65: {  	_ =	swait.ge [sflag:s18], $0x2000  }
0x66: {  	[sflag:s18] =	ssyncset.done $0x0  }
0x67: {  	s3 =	sadd.s32 $0x1, s3  }
0x68: {  	[sflag:s18] =	ssyncadd.s32 $0xFFFFE000;
	p0 =	sne.s32 s3, s16  }
.Ltmp3:
0x69: {  	[bflag:$0x0] =	sbarrier.arrive $0xFFFF;
	(pc) =	sbr.rel @p0 .LBB2_1-.Ltmp3, $4  }
0x6a: {  	[hbm:s15], [sflag:s20] =	dma.local [spmem:s21], $0x2780  }
0x6b: {  	_ =	swait.ge [sflag:s18], $0x2780  }
0x6c: {  	[sflag:s18] =	ssyncset.done $0x0  }
0x6d: {  	[sflag:s18] =	ssyncadd.s32 $0xFFFFD880  }
0x6e: {  	_ =	sfence.sel $0x180000  }
0x6f: {  	[bflag:$0x0] =	sbarrier.arrive $0xFFFF  }
0x70: {  	p0 =	sne.s32 s0, $0x0;
	_ =	strace $0x90000047  }
0x71: {  	s0 =	sadd.s32 @!p0 $0x100000, s1;
	[bflag:$0x2] =	sbarrier.arrive $0xFFFF  }
0x72: {  	[sflag:s0] =	ssyncadd.tile.s32 @!p0 $0x1;
	_ =	shalt  }
.Lfunc_end2:
_tile_overlayer_lowered:
.L_overlay_start_2:
0x73: {  	(tag) =	ssettag $0x2  }
0x74: {  	s0 =	rddreg [dreg:$0x0];
	s2 =	stileid.u32  }
0x75: {  	s1 =	rddreg [dreg:$0x1];
	p0 =	sne.s32 s2, $0x0  }
0x76: {  	s3 =	rddreg [dreg:$0x2];
	[bflag:$0x3] =	sbarrier.arrive $0xFFFF;
	s2 =	simm.s32 @!p0 $0x1C01  }
0x77: {  	[timem:s3], [sflag:s2] =	dma.local @!p0 [hbm:s0], s1  }
0x78: {  	s0 =	simm.s32 @!p0 $0x1  }
0x79: {  	_ =	swait.ge @!p0 [sflag:s0], s1  }
0x7a: {  	s1 =	ssub.s32 @!p0 $0x0, s1;
	[sflag:s0] =	ssyncset.done @!p0 $0x0  }
0x7b: {  	[sflag:s0] =	ssyncadd.s32 @!p0 s1  }
0x7c: {  	[bflag:$0x3] =	sbarrier.arrive $0xFFFF  }
0x7d: {  	_ =	shalt  }

// kernel: kernel.13.cloned.1.call-start
scs
__scs_entry_jumppad:
0x0: {  	(pc) =	sbr.rel $0x88, $3  }
0x1: {  	(tag) =	ssettag $0x0;
	lr =	simm.s32 $0x1  }
0x2: {  	[smem:$0x3F93] =	sst lr;
	_ =	strace $0xD0000000  }
0x3: {  	_ = 	snop  }
0x4: {  	_ = 	snop  }
0x5: {  	_ = 	snop  }
0x6: {  	_ = 	snop  }
0x7: {  	_ = 	snop  }
__scs_overlays_trampoline_lowered:
0x8: {  	[smem:$0x3FA2] =	sst s0  }
0x9: {  	[smem:$0x3FA3] =	sst s1  }
0xa: {  	[smem:$0x3FA4] =	sst s2  }
0xb: {  	[smem:$0x3FA5] =	sst s3  }
0xc: {  	[smem:$0x3FA6] =	sst s4  }
0xd: {  	[smem:$0x3FA7] =	sst s5  }
0xe: {  	[smem:$0x3FA8] =	sst s6  }
0xf: {  	[smem:$0x3FA9] =	sst s7  }
0x10: {  	[smem:$0x3FAA] =	sst s8  }
0x11: {  	[smem:$0x3FAB] =	sst s9;
	s0 =	simm.s32 @!p0 $0x0  }
0x12: {  	s1 =	sld [smem:$0x3F91];
	s0 =	simm.s32 @p0 $0x1  }
0x13: {  	[smem:$0x3FAC] =	sst s0;
	s0 =	simm.s32 @!p1 $0x0  }
0x14: {  	s2 =	sld [smem:$0x3F90];
	s0 =	simm.s32 @p1 $0x1  }
0x15: {  	[smem:$0x3FAD] =	sst s0;
	s0 =	simm.s32 @!p2 $0x0  }
0x16: {  	s3 =	sld [smem:$0x3FDB];
	s0 =	simm.s32 @p2 $0x1  }
0x17: {  	s4 =	simm.s32 $0x1BF5;
	[smem:$0x3FAF] =	sst s0  }
0x18: {  	s0 =	sld [smem:$0x3F92];
	_ =	swait.ge [sflag:s4], $0x0  }
0x19: {  	s7 =	sld [smem:$0x3F93]  }
0x1a: {  	s8 =	sadd.s32 $0xFFFFE003, lr  }
0x1b: {  	s9 =	sadd.s32 $0xFFFFFEF7, lr;
	s5 =	simm.s32 $0xFFFFFFFF;
	p2 =	slt.u32 s8, $0xFFFFF086  }
0x1c: {  	p1 =	slt.u32 s9, $0xF7A;
	s5 =	simm.s32 @!p2 $0x0  }
0x1d: {  	s5 =	simm.s32 @p1 $0x1;
	p0 =	seq.s32 s7, s2  }
0x1e: {  	s7 =	smul.u32 @!p0 $0xF7A, s2;
	p2 =	seq.s32 @!p0 s5, $0x0  }
0x1f: {  	s9 =	smul.u32 $0xF7A, s1;
	s8 =	simm.s32 @!p0 $0x1BF5;
	p2 =	por !p2, p0  }
0x20: {  	[sflag:s8] =	ssyncset.s32 @!p0 $0xFFFFF086;
	s6 =	sadd.s32 @!p0 s3, s7;
	s7 =	simm.s32 @!p0 $0x108  }
0x21: {  	s3 =	sadd.s32 s3, s9;
	s6 =	sadd.s32 @!p0 $0x88, s6;
	s7 =	simm.s32 @p2 $0x1082  }
0x22: {  	[simem:s7], [sflag:s8] =	dma.local @!p0 [hbm:s6], $0xF7A  }
0x23: {  	s9 =	sor.u32 $0xD0000000, s2;
	s6 =	simm.s32 $0x108;
	_ =	swait.ge @!p0 [sflag:s8], $0x0  }
0x24: {  	s3 =	sadd.s32 $0x88, s3;
	s6 =	simm.s32 @!p1 $0x1082;
	[sflag:s4] =	ssyncset.s32 $0xFFFFF086  }
0x25: {  	[simem:s6], [sflag:s4] =	dma.local [hbm:s3], $0xF7A  }
0x26: {  	[smem:$0x3F93] =	sst s1;
	(tag) =	ssettag s2;
	_ =	strace s9  }
0x27: {  	s1 =	sld [smem:$0x3FA3]  }
0x28: {  	s2 =	sld [smem:$0x3FA4]  }
0x29: {  	s4 =	sld [smem:$0x3FA6]  }
0x2a: {  	p0 =	seq.s32 s5, $0x0;
	s5 =	sld [smem:$0x3FA7]  }
0x2b: {  	s6 =	sld [smem:$0x3FA8]  }
0x2c: {  	s7 =	sld [smem:$0x3FA9]  }
0x2d: {  	s3 =	simm.s32 $0x108;
	s8 =	sld [smem:$0x3FAA]  }
0x2e: {  	s3 =	simm.s32 @!p0 $0x1082;
	s9 =	sld [smem:$0x3FAB]  }
0x2f: {  	lr =	sadd.s32 s0, s3;
	s0 =	sld [smem:$0x3FA2]  }
0x30: {  	s3 =	sld [smem:$0x3FA5]  }
0x31: {  	[smem:$0x3FAE] =	sst s10  }
0x32: {  	s10 =	sld [smem:$0x3FAC];
	_ =	sdelay $0x3  }
0x33: {  	p0 =	seq.s32 s10, $0x1;
	s10 =	sld [smem:$0x3FAE];
	_ =	sdelay $0x3  }
0x34: {  	[smem:$0x3FAE] =	sst s10  }
0x35: {  	s10 =	sld [smem:$0x3FAD];
	_ =	sdelay $0x3  }
0x36: {  	p1 =	seq.s32 s10, $0x1;
	s10 =	sld [smem:$0x3FAE];
	_ =	sdelay $0x3  }
0x37: {  	[smem:$0x3FAE] =	sst s10  }
0x38: {  	s10 =	sld [smem:$0x3FAF]  }
0x39: {  	_ = 	snop;
	(pc) =	sbr.ind lr, $3  }
0x3a: {  	_ = 	snop  }
0x3b: {  	_ = 	snop  }
0x3c: {  	p2 =	seq.s32 s10, $0x1;
	s10 =	sld [smem:$0x3FAE]  }
0x3d: {  	_ =	shalt  }
0x3e: {  	_ =	shalt  }
0x3f: {  	_ =	shalt  }
0x40: {  	_ =	shalt  }
0x41: {  	_ =	shalt  }
0x42: {  	_ =	shalt  }
0x43: {  	_ =	shalt  }
0x44: {  	_ =	shalt  }
0x45: {  	_ =	shalt  }
0x46: {  	_ =	shalt  }
0x47: {  	_ =	shalt  }
0x48: {  	_ =	shalt  }
0x49: {  	_ =	shalt  }
0x4a: {  	_ =	shalt  }
0x4b: {  	_ =	shalt  }
0x4c: {  	_ =	shalt  }
0x4d: {  	_ =	shalt  }
0x4e: {  	_ =	shalt  }
0x4f: {  	_ =	shalt  }
0x50: {  	_ =	shalt  }
0x51: {  	_ =	shalt  }
0x52: {  	_ =	shalt  }
0x53: {  	_ =	shalt  }
0x54: {  	_ =	shalt  }
0x55: {  	_ =	shalt  }
0x56: {  	_ =	shalt  }
0x57: {  	_ =	shalt  }
0x58: {  	_ =	shalt  }
0x59: {  	_ =	shalt  }
0x5a: {  	_ =	shalt  }
0x5b: {  	_ =	shalt  }
0x5c: {  	_ =	shalt  }
0x5d: {  	_ =	shalt  }
0x5e: {  	_ =	shalt  }
0x5f: {  	_ =	shalt  }
0x60: {  	_ =	shalt  }
0x61: {  	_ =	shalt  }
0x62: {  	_ =	shalt  }
0x63: {  	_ =	shalt  }
0x64: {  	_ =	shalt  }
0x65: {  	_ =	shalt  }
0x66: {  	_ =	shalt  }
0x67: {  	_ =	shalt  }
0x68: {  	_ =	shalt  }
0x69: {  	_ =	shalt  }
0x6a: {  	_ =	shalt  }
0x6b: {  	_ =	shalt  }
0x6c: {  	_ =	shalt  }
0x6d: {  	_ =	shalt  }
0x6e: {  	_ =	shalt  }
0x6f: {  	_ =	shalt  }
0x70: {  	_ =	shalt  }
0x71: {  	_ =	shalt  }
0x72: {  	_ =	shalt  }
0x73: {  	_ =	shalt  }
0x74: {  	_ =	shalt  }
0x75: {  	_ =	shalt  }
0x76: {  	_ =	shalt  }
0x77: {  	_ =	shalt  }
0x78: {  	_ =	shalt  }
0x79: {  	_ =	shalt  }
0x7a: {  	_ =	shalt  }
0x7b: {  	_ =	shalt  }
0x7c: {  	_ =	shalt  }
0x7d: {  	_ =	shalt  }
0x7e: {  	_ =	shalt  }
0x7f: {  	_ =	shalt  }
0x80: {  	_ =	shalt  }
0x81: {  	_ =	shalt  }
0x82: {  	_ =	shalt  }
0x83: {  	_ =	shalt  }
0x84: {  	_ =	shalt  }
0x85: {  	_ =	shalt  }
0x86: {  	_ =	shalt  }
0x87: {  	_ =	shalt  }
.Lfunc_end0:
.L_simem_size_0:
called_computation.1_lowered:
.L_overlay_start_0:
0x88: {  	s2 =	sld [smem:$0x3FD9]  }
0x89: {  	s3 =	sld [smem:$0x3FFE];
	_ =	sdelay $0x1  }
0x8a: {  	s1 =	srdreg.scid  }
0x8b: {  	s0 =	sand.u32 $0x1, s1  }
0x8c: {  	s17 =	sshll.u32 s0, $0xA;
	s2 =	sadd.s32 s3, s2  }
0x8d: {  	s2 =	sadd.s32 s2, s17  }
0x8e: {  	[smem:$0x3FBA] =	sst s2  }
0x8f: {  	_ = 	snop  }
0x90: {  	s2 =	sld [smem:$0x3FD0];
	(tm) =	ssettm $0x1  }
0x91: {  	s18 =	sld [smem:$0x3FFB];
	_ =	sdelay $0x3  }
0x92: {  	_ =	strace s18  }
0x93: {  	s3 =	sld [smem:$0x3FFC];
	_ =	sdelay $0x3  }
0x94: {  	_ =	strace s3  }
0x95: {  	s3 =	sld [smem:$0x3FFD];
	_ =	sdelay $0x3  }
0x96: {  	_ =	strace s3  }
0x97: {  	_ =	strace $0x8FFFFFFF  }
0x98: {  	s19 =	sld [smem:$0x3FDB];
	_ =	sdelay $0x1  }
0x99: {  	s4 =	simm.s32 $_scs_section_size  }
0x9a: {  	s5 =	simm.s32 $_size__tile_overlayer_lowered;
	s6 =	simm.s32 $_tile_overlayer_lowered  }
0x9b: {  	s22 =	simm.s32 $0x1BFF;
	s21 =	sshll.u32 s6, $0x1;
	s3 =	sadd.s32 s4, s19  }
0x9c: {  	s7 =	simm.s32 $0x0;
	s20 =	sshll.u32 s5, $0x1;
	s5 =	sadd.s32 s21, s3  }
0x9d: {  	[timem:s7], [sflag:s22] =	dma.local [hbm:s5], s20  }
0x9e: {  	_ =	swait.ge [sflag:s22], s20  }
0x9f: {  	s4 =	ssub.s32 $0x0, s20;
	[sflag:s22] =	ssyncset.done $0x0  }
0xa0: {  	[sflag:s22] =	ssyncadd.s32 s4;
	_ =	sdelay $0x1  }
0xa1: {  	s23 =	simm.s32 $0x1B8B  }
0xa2: {  	_ =	swait.ge [sflag:s23], $0x1  }
0xa3: {  	[sflag:s23] =	ssyncset.done $0x0  }
0xa4: {  	s25 =	simm.s32 $0x1B8E;
	s24 =	sld [smem:$0x3FFE];
	[sflag:s23] =	ssyncadd.s32 $0xFFFFFFFF  }
0xa5: {  	s26 =	simm.s32 $execute0_lowered;
	[smem:$0x3FD2] =	sst s25  }
0xa6: {  	s5 =	sshll.u32 s26, $0x1;
	_ =	strace $0x80000049;
	[dreg:$0x1] =	wrdreg $0xFFFFFFFF  }
0xa7: {  	s28 =	simm.s32 $_size_execute0_lowered;
	s3 =	sadd.s32 s3, s5;
	[dreg:$0x0] =	wrdreg $0x0  }
0xa8: {  	s5 =	sshll.u32 s28, $0x1;
	[dreg:$0x2] =	wrdreg s3  }
0xa9: {  	[dreg:$0x3] =	wrdreg s5  }
0xaa: {  	[dreg:$0x4] =	wrdreg $0xC0  }
0xab: {  	_ =	task [dreg:s7], $0x5FFFF  }
0xac: {  	[dreg:$0x1] =	wrdreg $0xFFFFFFFF  }
0xad: {  	[dreg:$0x0] =	wrdreg $0x60  }
0xae: {  	[dreg:$0x2] =	wrdreg s24  }
0xaf: {  	[dreg:$0x3] =	wrdreg s2  }
0xb0: {  	[dreg:$0x4] =	wrdreg $0xA8000  }
0xb1: {  	[dreg:$0x5] =	wrdreg $0x9  }
0xb2: {  	_ =	task.clear_ibuf [dreg:s7], $0x6FFFF;
	_ =	strace $0x90000049  }
0xb3: {  	s29 =	simm.s32 $0x9;
	_ =	strace $0x8000004B  }
0xb4: {  	_ =	swait.ge [sflag:s29], $0x1  }
0xb5: {  	[sflag:s29] =	ssyncadd.s32 $0xFFFFFFFF  }
0xb6: {  	_ =	strace $0x9000004B  }
0xb7: {  	_ =	sfence  }
0xb8: {  	s30 =	sld [smem:$0x0];
	_ =	sdelay $0x2  }
0xb9: {  	s31 =	sshll.u32 s1, $0xD;
	s1 =	sshrl.u32 s1, $0x2  }
0xba: {  	s3 =	sand.u32 $0x4000, s31;
	s1 =	sadd.s32 s1, s30  }
0xbb: {  	s0 =	sor.u32 s3, s0;
	s1 =	sshll.u32 s1, $0x11  }
0xbc: {  	s0 =	sor.u32 s1, s0  }
0xbd: {  	s0 =	sadd.s32 $0x8F2B, s0  }
0xbe: {  	[sflag:s0] =	ssyncadd.remote.s32 $0x1  }
0xbf: {  	_ =	sfence.sel $0xFFFF  }
0xc0: {  	[dreg:$0x0] =	wrdreg $0xFFFFFFFF;
	(pc) =	sbr.abs _section_cstart, $3  }
0xc1: {  	[dreg:$0x1] =	wrdreg $0xFFFFFFFF  }
0xc2: {  	_ =	task.clear_ibuf [dreg:s7], $0x2FFFF;
	_ =	strace $0x9FFFFFFF  }
0xc3: {  	(tm) =	ssettm $0x7FFFFFFF  }
tec
execute0_lowered:
.L_overlay_start_1:
0x0: {  	(tag) =	ssettag $0x1  }
0x1: {  	s0 =	rddreg [dreg:$0x0]  }
0x2: {  	s2 =	rddreg [dreg:$0x1]  }
0x3: {  	s3 =	rddreg [dreg:$0x2];
	s1 =	srdreg.scid  }
0x4: {  	s11 =	stileid.u32;
	s4 =	simm.s32 $0x0;
	s28 =	simm.s32 $0x2  }
0x5: {  	s29 =	simm.s32 $0x8800;
	s30 =	simm.s32 $0x7;
	s7 =	smul.u32 $0x2780, s11  }
0x6: {  	s31 =	simm.s32 $0x8;
	s1 =	sand.u32 $0x1, s1;
	s9 =	smul.u32 $0x4F000, s11  }
0x7: {  	[smem:$0x7FF] =	sst s4;
	s5 =	sadd.s32 $0x66600, s0;
	s25 =	smul.u32 $0x28, s11  }
0x8: {  	s6 =	sadd.s32 $0x3600, s0;
	s8 =	smul.u32 $0x27800, s1;
	s10 =	ssub.s32 $0x2, s1  }
0x9: {  	_ =	strace $0x8000004A;
	p0 =	seq.s32 s1, $0x0;
	s20 =	sshrl.u32 s10, $0x1  }
0xa: {  	s9 =	sshrl.u32 s9, $0x2;
	s16 =	sadd.s32 $0x1180, s25;
	s25 =	simm.s32 $0x1  }
0xb: {  	s7 =	sadd.s32 s7, s8;
	s8 =	ssub.s32 s10, s20;
	s10 =	smul.u32 $0x118, s11  }
0xc: {  	s20 =	simm.s32 $0x2800;
	s0 =	sadd.s32 s7, s0;
	s7 =	sadd.s32 s9, s3  }
0xd: {  	s19 =	smax.u32 s8, $0x1;
	s9 =	sadd.s32 $0x2000, s7;
	s21 =	sadd.s32 $0x4000, s7  }
0xe: {  	s22 =	sadd.s32 $0x6000, s7;
	s23 =	sadd.s32 $0x8000, s7;
	s24 =	sadd.s32 $0xA000, s7  }
0xf: {  	s26 =	sadd.s32 $0xC000, s7;
	s14 =	sadd.s32 $0xE000, s7;
	[dreg:$0x4] =	wrdreg s9  }
0x10: {  	s15 =	sadd.s32 $0x10000, s7;
	s17 =	sadd.s32 $0x12000, s7;
	[dreg:$0x5] =	wrdreg s21  }
.Ltmp0:
0x11: {  	s16 =	smov.u32 @p0 s10;
	[dreg:$0x6] =	wrdreg s22;
	(pc) =	sbr.rel .LBB2_1-.Ltmp0, $4  }
0x12: {  	s18 =	sadd.s32 $0x17600, s0;
	p0 =	sne.s32 s1, $0x0;
	[dreg:$0x7] =	wrdreg s23  }
0x13: {  	s0 =	simm.s32 $0x3;
	s1 =	simm.s32 $0x4;
	[dreg:$0x8] =	wrdreg s24  }
0x14: {  	[dreg:$0x9] =	wrdreg s26;
	s21 =	simm.s32 $0x9;
	s22 =	simm.s32 $0x40  }
0x15: {  	v0 =	vimm.f32 $0.0e+00;
	s23 =	simm.s32 $0x80;
	s24 =	simm.s32 $0x4800;
	s26 =	simm.s32 $0x6800  }
.LBB2_14:
0x16: {  	s8 =	stileid.u32;
	s4 =	sadd.s32 $0x1, s4  }
0x17: {  	[bflag:$0x0] =	sbarrier.arrive $0xFFFF;
	s8 =	sshll.u32 s8, $0x6;
	p1 =	sne.s32 s4, s19  }
.Ltmp1:
0x18: {  	s9 =	sshrl.u32 s7, $0x3;
	s8 =	sor.u32 $0x1C09, s8;
	(pc) =	sbr.rel @!p1 .LBB2_15-.Ltmp1, $4  }
0x19: {  	[hbm:s18], [sflag:s8] =	dma.local [spmem:s9], $0x2780  }
0x1a: {  	_ =	swait.ge [sflag:s21], $0x2780  }
0x1b: {  	[sflag:s21] =	ssyncset.done $0x0  }
0x1c: {  	[sflag:s21] =	ssyncadd.s32 $0xFFFFD880  }
.LBB2_1:
0x1d: {  	s8 =	simm.s32 $0x0;
	s9 =	simm.s32 $0x200  }
.LBB2_2:
0x1e: {  	p1 =	sne.s32 s9, $0x7E00;
	[tilespmem:s8+$0x2870] =	vst v0  }
0x1f: {  	[tilespmem:s8+$0x2800] =	vst v0  }
0x20: {  	[tilespmem:s8+$0x2810] =	vst v0  }
.Ltmp2:
0x21: {  	[tilespmem:s8+$0x2820] =	vst v0;
	(pc) =	sbr.rel @p1 .LBB2_2-.Ltmp2, $4  }
0x22: {  	[tilespmem:s8+$0x2830] =	vst v0  }
0x23: {  	[tilespmem:s8+$0x2840] =	vst v0  }
0x24: {  	[tilespmem:s8+$0x2850] =	vst v0  }
0x25: {  	[tilespmem:s8+$0x2860] =	vst v0;
	s8 =	sshra.s32 s9, $0x2;
	s9 =	sadd.s32 $0x200, s9  }
0x26: {  	[tilespmem:s8+$0x2870] =	vst v0  }
0x27: {  	[tilespmem:s8+$0x2800] =	vst v0  }
0x28: {  	[tilespmem:s8+$0x2810] =	vst v0  }
0x29: {  	[tilespmem:s8+$0x2820] =	vst v0  }
0x2a: {  	[tilespmem:s8+$0x2830] =	vst v0  }
0x2b: {  	[tilespmem:s8+$0x2840] =	vst v0  }
0x2c: {  	[tilespmem:s8+$0x2850] =	vst v0  }
0x2d: {  	[tilespmem:s8+$0x2860] =	vst v0  }
0x2e: {  	[spmem:s7] =	stream.linear.scatter [tilespmem:s20], [sflag:$0x9], $0x2000, $0x38;
	[tilespmem:$0x1E400] =	vst v63  }
0x2f: {  	_ =	swait.ge [sflag:s21], $0x2000  }
0x30: {  	[sflag:s21] =	ssyncset.done $0x0  }
0x31: {  	s13 =	rddreg [dreg:$0x4];
	[sflag:s21] =	ssyncadd.s32 $0xFFFFE000  }
0x32: {  	[spmem:s13] =	stream.linear.scatter [tilespmem:s20], [sflag:$0x9], $0x2000, $0x38;
	[tilespmem:$0x1E400] =	vst v63  }
0x33: {  	_ =	swait.ge [sflag:s21], $0x2000  }
0x34: {  	[sflag:s21] =	ssyncset.done $0x0  }
0x35: {  	s9 =	rddreg [dreg:$0x5];
	[sflag:s21] =	ssyncadd.s32 $0xFFFFE000  }
0x36: {  	[spmem:s9] =	stream.linear.scatter [tilespmem:s20], [sflag:$0x9], $0x2000, $0x38;
	[tilespmem:$0x1E400] =	vst v63  }
0x37: {  	_ =	swait.ge [sflag:s21], $0x2000  }
0x38: {  	[sflag:s21] =	ssyncset.done $0x0  }
0x39: {  	s10 =	rddreg [dreg:$0x6];
	[sflag:s21] =	ssyncadd.s32 $0xFFFFE000  }
0x3a: {  	[spmem:s10] =	stream.linear.scatter [tilespmem:s20], [sflag:$0x9], $0x2000, $0x38;
	[tilespmem:$0x1E400] =	vst v63  }
0x3b: {  	_ =	swait.ge [sflag:s21], $0x2000  }
0x3c: {  	[sflag:s21] =	ssyncset.done $0x0  }
0x3d: {  	s11 =	rddreg [dreg:$0x7];
	[sflag:s21] =	ssyncadd.s32 $0xFFFFE000  }
0x3e: {  	[spmem:s11] =	stream.linear.scatter [tilespmem:s20], [sflag:$0x9], $0x2000, $0x38;
	[tilespmem:$0x1E400] =	vst v63  }
0x3f: {  	_ =	swait.ge [sflag:s21], $0x2000  }
0x40: {  	[sflag:s21] =	ssyncset.done $0x0  }
0x41: {  	s12 =	rddreg [dreg:$0x8];
	[sflag:s21] =	ssyncadd.s32 $0xFFFFE000  }
0x42: {  	[spmem:s12] =	stream.linear.scatter [tilespmem:s20], [sflag:$0x9], $0x2000, $0x38;
	[tilespmem:$0x1E400] =	vst v63  }
0x43: {  	_ =	swait.ge [sflag:s21], $0x2000  }
0x44: {  	[sflag:s21] =	ssyncset.done $0x0  }
0x45: {  	s13 =	rddreg [dreg:$0x9];
	[sflag:s21] =	ssyncadd.s32 $0xFFFFE000  }
0x46: {  	[spmem:s13] =	stream.linear.scatter [tilespmem:s20], [sflag:$0x9], $0x2000, $0x38;
	[tilespmem:$0x1E400] =	vst v63  }
0x47: {  	_ =	swait.ge [sflag:s21], $0x2000  }
0x48: {  	[sflag:s21] =	ssyncset.done $0x0  }
0x49: {  	[sflag:s21] =	ssyncadd.s32 $0xFFFFE000  }
0x4a: {  	[spmem:s14] =	stream.linear.scatter [tilespmem:s20], [sflag:$0x9], $0x2000, $0x38;
	[tilespmem:$0x1E400] =	vst v63  }
0x4b: {  	_ =	swait.ge [sflag:s21], $0x2000  }
0x4c: {  	[sflag:s21] =	ssyncset.done $0x0  }
0x4d: {  	[sflag:s21] =	ssyncadd.s32 $0xFFFFE000  }
0x4e: {  	[spmem:s15] =	stream.linear.scatter [tilespmem:s20], [sflag:$0x9], $0x2000, $0x38;
	[tilespmem:$0x1E400] =	vst v63  }
0x4f: {  	_ =	swait.ge [sflag:s21], $0x2000  }
0x50: {  	[sflag:s21] =	ssyncset.done $0x0  }
0x51: {  	[sflag:s21] =	ssyncadd.s32 $0xFFFFE000  }
0x52: {  	[spmem:s17] =	stream.linear.scatter [tilespmem:s20], [sflag:$0x9], $0x1C00, $0x38;
	[tilespmem:$0x1E400] =	vst v63  }
.Ltmp3:
0x53: {  	_ =	swait.ge [sflag:s21], $0x1C00;
	(pc) =	sbr.rel .LBB2_4-.Ltmp3, $4  }
0x54: {  	[sflag:s21] =	ssyncset.done $0x0  }
0x55: {  	[sflag:s21] =	ssyncadd.s32 $0xFFFFE400  }
0x56: {  	[bflag:$0x0] =	sbarrier.arrive $0xFFFF  }
0x57: {  	s8 =	simm.s32 $0x0;
	s9 =	simm.s32 $0x0  }
.LBB2_13:
0x58: {  	p1 =	slt.u32 @!p0 s9, $0x6  }
0x59: {  	_ =	swait.ge [sflag:s30], $0x2000;
	p1 =	por p0, !p1  }
.Ltmp4:
0x5a: {  	[sflag:s30] =	ssyncset.done $0x0;
	(pc) =	sbr.rel @p1 .LBB2_14-.Ltmp4, $4  }
0x5b: {  	[sflag:s30] =	ssyncadd.s32 $0xFFFFE000  }
0x5c: {  	_ =	swait.ge [sflag:s31], $0x2000  }
0x5d: {  	[sflag:s31] =	ssyncset.done $0x0  }
0x5e: {  	s9 =	sadd.s32 $0x1, s9;
	[sflag:s31] =	ssyncadd.s32 $0xFFFFE000  }
.LBB2_4:
0x5f: {  	s10 =	smul.u32 $0x28, s9;
	_ =	sdelay $0x1  }
0x60: {  	s10 =	sadd.s32 s16, s10  }
0x61: {  	s10 =	sshll.u32 s10, $0x4  }
0x62: {  	s11 =	sadd.s32 s5, s10  }
0x63: {  	[tilespmem:s8], [sflag:$0x9] =	stream.linear.gather [hbm4b:s11+s8], $0x1400, $0x38;
	[tilespmem:$0x1E400] =	vst v63  }
0x64: {  	_ =	swait.ge [sflag:s21], $0x1400  }
0x65: {  	[sflag:s21] =	ssyncset.done $0x0  }
0x66: {  	s13 =	sadd.s32 s6, s10;
	s10 =	simm.s32 $0x1400;
	[sflag:s21] =	ssyncadd.s32 $0xFFFFEC00  }
0x67: {  	[tilespmem:s10], [sflag:$0x9] =	stream.linear.gather [hbm4b:s13+s8], $0x1400, $0x38;
	[tilespmem:$0x1E400] =	vst v63  }
0x68: {  	_ =	swait.ge [sflag:s21], $0x1400  }
.Ltmp5:
0x69: {  	[sflag:s21] =	ssyncset.done $0x0;
	(pc) =	sbr.rel .LBB2_5-.Ltmp5, $4  }
0x6a: {  	[sflag:s21] =	ssyncadd.s32 $0xFFFFEC00  }
0x6b: {  	[tilespmem:s20], [sflag:$0x1] =	stream.indirect.gather [hbm4b:s2+s22], $0x80, s8, s22, $0xb8;
	[tilespmem:$0x1E400] =	vst v63  }
0x6c: {  	s12 =	simm.s32 $0x0;
	s11 =	simm.s32 $0x100  }
0x6d: {  	[tilespmem:s24], [sflag:$0x2] =	stream.indirect.gather [hbm4b:s2+s22], $0x80, s23, s22, $0xb8;
	[tilespmem:$0x1E400] =	vst v63  }
.LBB2_11:
0x6e: {  	_ =	swait.ge [sflag:s1], $0x2000  }
0x6f: {  	[sflag:s1] =	ssyncset.done $0x0  }
0x70: {  	s13 =	simm.s32 @!p1 $0x6;
	[sflag:s1] =	ssyncadd.s32 $0xFFFFE000  }
0x71: {  	_ =	swait.ge @!p1 [sflag:s13], $0x2000  }
0x72: {  	[sflag:s13] =	ssyncset.done @!p1 $0x0  }
0x73: {  	p2 =	por p1, !p2;
	[sflag:s13] =	ssyncadd.s32 @!p1 $0xFFFFE000  }
0x74: {  	[tilespmem:s24], [sflag:$0x2] =	stream.indirect.gather @p2 [hbm4b:s2+s22], $0x80, s11, s22, $0xb8;
	[tilespmem:$0x1E400] =	vst v63  }
0x75: {  	_ = 	snop  }
0x76: {  	[spmem:s3] =	stream.indirect.scatter.add.f32 [tilespmem:s29], [sflag:$0x8], $0x80, s10, s22, $0xb8;
	[tilespmem:$0x1E400] =	vst v63  }
.LBB2_12:
0x77: {  	s12 =	sadd.s32 $0x1, s12  }
0x78: {  	p1 =	sne.s32 s12, $0x28  }
.Ltmp6:
0x79: {  	_ = 	snop;
	(pc) =	sbr.rel @!p1 .LBB2_13-.Ltmp6, $2  }
0x7a: {  	_ =	sdelay $0x2  }
0x7b: {  	s10 =	sadd.s32 $0x80, s10;
	s11 =	sadd.s32 $0x80, s11  }
.LBB2_5:
0x7c: {  	s13 =	sand.u32 $0x3, s12  }
0x7d: {  	p1 =	sgt.s32 s13, $0x1  }
.Ltmp7:
0x7e: {  	_ = 	snop;
	(pc) =	sbr.rel @p1 .LBB2_10-.Ltmp7, $1  }
0x7f: {  	_ =	sdelay $0x3  }
0x80: {  	p1 =	seq.s32 s13, $0x0  }
.Ltmp8:
0x81: {  	_ = 	snop;
	(pc) =	sbr.rel @!p1 .LBB2_8-.Ltmp8, $1  }
0x82: {  	_ =	sdelay $0x3  }
0x83: {  	_ =	swait.ge [sflag:s25], $0x2000  }
0x84: {  	p1 =	slt.u32 s12, $0x2;
	[sflag:s25] =	ssyncset.done $0x0  }
0x85: {  	s13 =	simm.s32 @!p1 $0x7;
	[sflag:s25] =	ssyncadd.s32 $0xFFFFE000  }
0x86: {  	_ =	swait.ge @!p1 [sflag:s13], $0x2000  }
.Ltmp9:
0x87: {  	p2 =	sgt.u32 @!p1 s12, $0x25;
	[sflag:s13] =	ssyncset.done @!p1 $0x0;
	(pc) =	sbr.rel .LBB2_12-.Ltmp9, $4  }
0x88: {  	p2 =	por p1, !p2;
	[sflag:s13] =	ssyncadd.s32 @!p1 $0xFFFFE000  }
0x89: {  	[tilespmem:s26], [sflag:$0x3] =	stream.indirect.gather @p2 [hbm4b:s2+s22], $0x80, s11, s22, $0xb8;
	[tilespmem:$0x1E400] =	vst v63  }
0x8a: {  	_ = 	snop  }
0x8b: {  	[spmem:s3] =	stream.indirect.scatter.add.f32 [tilespmem:s20], [sflag:$0x5], $0x80, s10, s22, $0xb8;
	[tilespmem:$0x1E400] =	vst v63  }
.LBB2_10:
0x8c: {  	p3 =	seq.s32 s13, $0x2  }
.Ltmp10:
0x8d: {  	_ = 	snop;
	(pc) =	sbr.rel @!p3 .LBB2_11-.Ltmp10, $3  }
0x8e: {  	_ =	sdelay $0x1  }
0x8f: {  	p1 =	slt.u32 s12, $0x2  }
0x90: {  	p2 =	sgt.u32 @!p1 s12, $0x25  }
0x91: {  	_ =	swait.ge [sflag:s0], $0x2000  }
0x92: {  	[sflag:s0] =	ssyncset.done $0x0  }
0x93: {  	s13 =	simm.s32 @!p1 $0x5;
	[sflag:s0] =	ssyncadd.s32 $0xFFFFE000  }
0x94: {  	_ =	swait.ge @!p1 [sflag:s13], $0x2000  }
.Ltmp11:
0x95: {  	[sflag:s13] =	ssyncset.done @!p1 $0x0;
	(pc) =	sbr.rel .LBB2_12-.Ltmp11, $4  }
0x96: {  	p2 =	por p1, !p2;
	[sflag:s13] =	ssyncadd.s32 @!p1 $0xFFFFE000  }
0x97: {  	[tilespmem:s20], [sflag:$0x1] =	stream.indirect.gather @p2 [hbm4b:s2+s22], $0x80, s11, s22, $0xb8;
	[tilespmem:$0x1E400] =	vst v63  }
0x98: {  	_ = 	snop  }
0x99: {  	[spmem:s3] =	stream.indirect.scatter.add.f32 [tilespmem:s26], [sflag:$0x7], $0x80, s10, s22, $0xb8;
	[tilespmem:$0x1E400] =	vst v63  }
.LBB2_8:
0x9a: {  	_ =	swait.ge [sflag:s28], $0x2000  }
0x9b: {  	p1 =	slt.u32 s12, $0x2;
	[sflag:s28] =	ssyncset.done $0x0  }
0x9c: {  	s13 =	simm.s32 @!p1 $0x8;
	[sflag:s28] =	ssyncadd.s32 $0xFFFFE000  }
0x9d: {  	_ =	swait.ge @!p1 [sflag:s13], $0x2000  }
.Ltmp12:
0x9e: {  	p2 =	sgt.u32 @!p1 s12, $0x25;
	[sflag:s13] =	ssyncset.done @!p1 $0x0;
	(pc) =	sbr.rel .LBB2_12-.Ltmp12, $4  }
0x9f: {  	p2 =	por p1, !p2;
	[sflag:s13] =	ssyncadd.s32 @!p1 $0xFFFFE000  }
0xa0: {  	[tilespmem:s29], [sflag:$0x4] =	stream.indirect.gather @p2 [hbm4b:s2+s22], $0x80, s11, s22, $0xb8;
	[tilespmem:$0x1E400] =	vst v63  }
0xa1: {  	_ = 	snop  }
0xa2: {  	[spmem:s3] =	stream.indirect.scatter.add.f32 [tilespmem:s24], [sflag:$0x6], $0x80, s10, s22, $0xb8;
	[tilespmem:$0x1E400] =	vst v63  }
.LBB2_15:
0xa3: {  	_ =	sfence.sel $0x180000  }
0xa4: {  	[bflag:$0x0] =	sbarrier.arrive $0xFFFF  }
0xa5: {  	_ =	strace $0x9000004A  }
0xa6: {  	s0 =	stileid.u32;
	[bflag:$0x2] =	sbarrier.arrive $0xFFFF  }
0xa7: {  	p0 =	sne.s32 s0, $0x0;
	s0 =	rddreg [dreg:$0x3]  }
0xa8: {  	s0 =	sadd.s32 @!p0 $0x100000, s0  }
0xa9: {  	[sflag:s0] =	ssyncadd.tile.s32 @!p0 $0x1;
	_ =	shalt  }
.Lfunc_end2:
_tile_overlayer_lowered:
.L_overlay_start_2:
0xaa: {  	(tag) =	ssettag $0x2  }
0xab: {  	s0 =	rddreg [dreg:$0x0];
	s2 =	stileid.u32  }
0xac: {  	s1 =	rddreg [dreg:$0x1];
	p0 =	sne.s32 s2, $0x0  }
0xad: {  	s3 =	rddreg [dreg:$0x2];
	[bflag:$0x3] =	sbarrier.arrive $0xFFFF;
	s2 =	simm.s32 @!p0 $0x1C09  }
0xae: {  	[timem:s3], [sflag:s2] =	dma.local @!p0 [hbm:s0], s1  }
0xaf: {  	s0 =	simm.s32 @!p0 $0x9  }
0xb0: {  	_ =	swait.ge @!p0 [sflag:s0], s1  }
0xb1: {  	s1 =	ssub.s32 @!p0 $0x0, s1;
	[sflag:s0] =	ssyncset.done @!p0 $0x0  }
0xb2: {  	[sflag:s0] =	ssyncadd.s32 @!p0 s1  }
0xb3: {  	[bflag:$0x3] =	sbarrier.arrive $0xFFFF  }
0xb4: {  	_ =	shalt  }

// kernel: kernel.16.cloned.1.call-start
scs
__scs_entry_jumppad:
0x0: {  	(pc) =	sbr.rel $0x88, $3  }
0x1: {  	(tag) =	ssettag $0x0;
	lr =	simm.s32 $0x1  }
0x2: {  	[smem:$0x3F93] =	sst lr;
	_ =	strace $0xD0000000  }
0x3: {  	_ = 	snop  }
0x4: {  	_ = 	snop  }
0x5: {  	_ = 	snop  }
0x6: {  	_ = 	snop  }
0x7: {  	_ = 	snop  }
__scs_overlays_trampoline_lowered:
0x8: {  	[smem:$0x3FA2] =	sst s0  }
0x9: {  	[smem:$0x3FA3] =	sst s1  }
0xa: {  	[smem:$0x3FA4] =	sst s2  }
0xb: {  	[smem:$0x3FA5] =	sst s3  }
0xc: {  	[smem:$0x3FA6] =	sst s4  }
0xd: {  	[smem:$0x3FA7] =	sst s5  }
0xe: {  	[smem:$0x3FA8] =	sst s6  }
0xf: {  	[smem:$0x3FA9] =	sst s7  }
0x10: {  	[smem:$0x3FAA] =	sst s8  }
0x11: {  	[smem:$0x3FAB] =	sst s9;
	s0 =	simm.s32 @!p0 $0x0  }
0x12: {  	s1 =	sld [smem:$0x3F91];
	s0 =	simm.s32 @p0 $0x1  }
0x13: {  	[smem:$0x3FAC] =	sst s0;
	s0 =	simm.s32 @!p1 $0x0  }
0x14: {  	s2 =	sld [smem:$0x3F90];
	s0 =	simm.s32 @p1 $0x1  }
0x15: {  	[smem:$0x3FAD] =	sst s0;
	s0 =	simm.s32 @!p2 $0x0  }
0x16: {  	s3 =	sld [smem:$0x3FDB];
	s0 =	simm.s32 @p2 $0x1  }
0x17: {  	s4 =	simm.s32 $0x1BF5;
	[smem:$0x3FAF] =	sst s0  }
0x18: {  	s0 =	sld [smem:$0x3F92];
	_ =	swait.ge [sflag:s4], $0x0  }
0x19: {  	s7 =	sld [smem:$0x3F93]  }
0x1a: {  	s8 =	sadd.s32 $0xFFFFE003, lr  }
0x1b: {  	s9 =	sadd.s32 $0xFFFFFEF7, lr;
	s5 =	simm.s32 $0xFFFFFFFF;
	p2 =	slt.u32 s8, $0xFFFFF086  }
0x1c: {  	p1 =	slt.u32 s9, $0xF7A;
	s5 =	simm.s32 @!p2 $0x0  }
0x1d: {  	s5 =	simm.s32 @p1 $0x1;
	p0 =	seq.s32 s7, s2  }
0x1e: {  	s7 =	smul.u32 @!p0 $0xF7A, s2;
	p2 =	seq.s32 @!p0 s5, $0x0  }
0x1f: {  	s9 =	smul.u32 $0xF7A, s1;
	s8 =	simm.s32 @!p0 $0x1BF5;
	p2 =	por !p2, p0  }
0x20: {  	[sflag:s8] =	ssyncset.s32 @!p0 $0xFFFFF086;
	s6 =	sadd.s32 @!p0 s3, s7;
	s7 =	simm.s32 @!p0 $0x108  }
0x21: {  	s3 =	sadd.s32 s3, s9;
	s6 =	sadd.s32 @!p0 $0x88, s6;
	s7 =	simm.s32 @p2 $0x1082  }
0x22: {  	[simem:s7], [sflag:s8] =	dma.local @!p0 [hbm:s6], $0xF7A  }
0x23: {  	s9 =	sor.u32 $0xD0000000, s2;
	s6 =	simm.s32 $0x108;
	_ =	swait.ge @!p0 [sflag:s8], $0x0  }
0x24: {  	s3 =	sadd.s32 $0x88, s3;
	s6 =	simm.s32 @!p1 $0x1082;
	[sflag:s4] =	ssyncset.s32 $0xFFFFF086  }
0x25: {  	[simem:s6], [sflag:s4] =	dma.local [hbm:s3], $0xF7A  }
0x26: {  	[smem:$0x3F93] =	sst s1;
	(tag) =	ssettag s2;
	_ =	strace s9  }
0x27: {  	s1 =	sld [smem:$0x3FA3]  }
0x28: {  	s2 =	sld [smem:$0x3FA4]  }
0x29: {  	s4 =	sld [smem:$0x3FA6]  }
0x2a: {  	p0 =	seq.s32 s5, $0x0;
	s5 =	sld [smem:$0x3FA7]  }
0x2b: {  	s6 =	sld [smem:$0x3FA8]  }
0x2c: {  	s7 =	sld [smem:$0x3FA9]  }
0x2d: {  	s3 =	simm.s32 $0x108;
	s8 =	sld [smem:$0x3FAA]  }
0x2e: {  	s3 =	simm.s32 @!p0 $0x1082;
	s9 =	sld [smem:$0x3FAB]  }
0x2f: {  	lr =	sadd.s32 s0, s3;
	s0 =	sld [smem:$0x3FA2]  }
0x30: {  	s3 =	sld [smem:$0x3FA5]  }
0x31: {  	[smem:$0x3FAE] =	sst s10  }
0x32: {  	s10 =	sld [smem:$0x3FAC];
	_ =	sdelay $0x3  }
0x33: {  	p0 =	seq.s32 s10, $0x1;
	s10 =	sld [smem:$0x3FAE];
	_ =	sdelay $0x3  }
0x34: {  	[smem:$0x3FAE] =	sst s10  }
0x35: {  	s10 =	sld [smem:$0x3FAD];
	_ =	sdelay $0x3  }
0x36: {  	p1 =	seq.s32 s10, $0x1;
	s10 =	sld [smem:$0x3FAE];
	_ =	sdelay $0x3  }
0x37: {  	[smem:$0x3FAE] =	sst s10  }
0x38: {  	s10 =	sld [smem:$0x3FAF]  }
0x39: {  	_ = 	snop;
	(pc) =	sbr.ind lr, $3  }
0x3a: {  	_ = 	snop  }
0x3b: {  	_ = 	snop  }
0x3c: {  	p2 =	seq.s32 s10, $0x1;
	s10 =	sld [smem:$0x3FAE]  }
0x3d: {  	_ =	shalt  }
0x3e: {  	_ =	shalt  }
0x3f: {  	_ =	shalt  }
0x40: {  	_ =	shalt  }
0x41: {  	_ =	shalt  }
0x42: {  	_ =	shalt  }
0x43: {  	_ =	shalt  }
0x44: {  	_ =	shalt  }
0x45: {  	_ =	shalt  }
0x46: {  	_ =	shalt  }
0x47: {  	_ =	shalt  }
0x48: {  	_ =	shalt  }
0x49: {  	_ =	shalt  }
0x4a: {  	_ =	shalt  }
0x4b: {  	_ =	shalt  }
0x4c: {  	_ =	shalt  }
0x4d: {  	_ =	shalt  }
0x4e: {  	_ =	shalt  }
0x4f: {  	_ =	shalt  }
0x50: {  	_ =	shalt  }
0x51: {  	_ =	shalt  }
0x52: {  	_ =	shalt  }
0x53: {  	_ =	shalt  }
0x54: {  	_ =	shalt  }
0x55: {  	_ =	shalt  }
0x56: {  	_ =	shalt  }
0x57: {  	_ =	shalt  }
0x58: {  	_ =	shalt  }
0x59: {  	_ =	shalt  }
0x5a: {  	_ =	shalt  }
0x5b: {  	_ =	shalt  }
0x5c: {  	_ =	shalt  }
0x5d: {  	_ =	shalt  }
0x5e: {  	_ =	shalt  }
0x5f: {  	_ =	shalt  }
0x60: {  	_ =	shalt  }
0x61: {  	_ =	shalt  }
0x62: {  	_ =	shalt  }
0x63: {  	_ =	shalt  }
0x64: {  	_ =	shalt  }
0x65: {  	_ =	shalt  }
0x66: {  	_ =	shalt  }
0x67: {  	_ =	shalt  }
0x68: {  	_ =	shalt  }
0x69: {  	_ =	shalt  }
0x6a: {  	_ =	shalt  }
0x6b: {  	_ =	shalt  }
0x6c: {  	_ =	shalt  }
0x6d: {  	_ =	shalt  }
0x6e: {  	_ =	shalt  }
0x6f: {  	_ =	shalt  }
0x70: {  	_ =	shalt  }
0x71: {  	_ =	shalt  }
0x72: {  	_ =	shalt  }
0x73: {  	_ =	shalt  }
0x74: {  	_ =	shalt  }
0x75: {  	_ =	shalt  }
0x76: {  	_ =	shalt  }
0x77: {  	_ =	shalt  }
0x78: {  	_ =	shalt  }
0x79: {  	_ =	shalt  }
0x7a: {  	_ =	shalt  }
0x7b: {  	_ =	shalt  }
0x7c: {  	_ =	shalt  }
0x7d: {  	_ =	shalt  }
0x7e: {  	_ =	shalt  }
0x7f: {  	_ =	shalt  }
0x80: {  	_ =	shalt  }
0x81: {  	_ =	shalt  }
0x82: {  	_ =	shalt  }
0x83: {  	_ =	shalt  }
0x84: {  	_ =	shalt  }
0x85: {  	_ =	shalt  }
0x86: {  	_ =	shalt  }
0x87: {  	_ =	shalt  }
.Lfunc_end0:
.L_simem_size_0:
called_computation.2_lowered:
.L_overlay_start_0:
0x88: {  	s2 =	sld [smem:$0x3FD9]  }
0x89: {  	s3 =	sld [smem:$0x3FFE];
	_ =	sdelay $0x1  }
0x8a: {  	s1 =	srdreg.scid  }
0x8b: {  	s0 =	sand.u32 $0x1, s1  }
0x8c: {  	s17 =	sshll.u32 s0, $0xA;
	s2 =	sadd.s32 s3, s2  }
0x8d: {  	s2 =	sadd.s32 s2, s17  }
0x8e: {  	[smem:$0x3FBA] =	sst s2  }
0x8f: {  	_ = 	snop  }
0x90: {  	s2 =	sld [smem:$0x3FD0];
	(tm) =	ssettm $0x1  }
0x91: {  	s18 =	sld [smem:$0x3FFB];
	_ =	sdelay $0x3  }
0x92: {  	_ =	strace s18  }
0x93: {  	s3 =	sld [smem:$0x3FFC];
	_ =	sdelay $0x3  }
0x94: {  	_ =	strace s3  }
0x95: {  	s3 =	sld [smem:$0x3FFD];
	_ =	sdelay $0x3  }
0x96: {  	_ =	strace s3  }
0x97: {  	_ =	strace $0x8FFFFFFF  }
0x98: {  	s19 =	sld [smem:$0x3FDB];
	_ =	sdelay $0x1  }
0x99: {  	s4 =	simm.s32 $_scs_section_size  }
0x9a: {  	s5 =	simm.s32 $_size__tile_overlayer_lowered;
	s6 =	simm.s32 $_tile_overlayer_lowered  }
0x9b: {  	s22 =	simm.s32 $0x1BFF;
	s21 =	sshll.u32 s6, $0x1;
	s3 =	sadd.s32 s4, s19  }
0x9c: {  	s7 =	simm.s32 $0x0;
	s20 =	sshll.u32 s5, $0x1;
	s5 =	sadd.s32 s21, s3  }
0x9d: {  	[timem:s7], [sflag:s22] =	dma.local [hbm:s5], s20  }
0x9e: {  	_ =	swait.ge [sflag:s22], s20  }
0x9f: {  	s4 =	ssub.s32 $0x0, s20;
	[sflag:s22] =	ssyncset.done $0x0  }
0xa0: {  	[sflag:s22] =	ssyncadd.s32 s4;
	_ =	sdelay $0x1  }
0xa1: {  	s23 =	simm.s32 $0x1B8B  }
0xa2: {  	_ =	swait.ge [sflag:s23], $0x1  }
0xa3: {  	[sflag:s23] =	ssyncset.done $0x0  }
0xa4: {  	s25 =	simm.s32 $0x1B8E;
	s24 =	sld [smem:$0x3FFE];
	[sflag:s23] =	ssyncadd.s32 $0xFFFFFFFF  }
0xa5: {  	s26 =	simm.s32 $execute0_lowered;
	[smem:$0x3FD2] =	sst s25  }
0xa6: {  	s5 =	sshll.u32 s26, $0x1;
	_ =	strace $0x8000004C;
	[dreg:$0x1] =	wrdreg $0xFFFFFFFF  }
0xa7: {  	s28 =	simm.s32 $_size_execute0_lowered;
	s3 =	sadd.s32 s3, s5;
	[dreg:$0x0] =	wrdreg $0x0  }
0xa8: {  	s5 =	sshll.u32 s28, $0x1;
	[dreg:$0x2] =	wrdreg s3  }
0xa9: {  	[dreg:$0x3] =	wrdreg s5  }
0xaa: {  	[dreg:$0x4] =	wrdreg $0xC0  }
0xab: {  	_ =	task [dreg:s7], $0x5FFFF  }
0xac: {  	[dreg:$0x1] =	wrdreg $0xFFFFFFFF  }
0xad: {  	[dreg:$0x0] =	wrdreg $0x60  }
0xae: {  	[dreg:$0x2] =	wrdreg s24  }
0xaf: {  	[dreg:$0x3] =	wrdreg s2  }
0xb0: {  	[dreg:$0x4] =	wrdreg $0xA8000  }
0xb1: {  	[dreg:$0x5] =	wrdreg $0x9  }
0xb2: {  	_ =	task.clear_ibuf [dreg:s7], $0x6FFFF;
	_ =	strace $0x9000004C  }
0xb3: {  	s29 =	simm.s32 $0x9;
	_ =	strace $0x8000004E  }
0xb4: {  	_ =	swait.ge [sflag:s29], $0x1  }
0xb5: {  	[sflag:s29] =	ssyncadd.s32 $0xFFFFFFFF  }
0xb6: {  	_ =	strace $0x9000004E  }
0xb7: {  	_ =	sfence  }
0xb8: {  	s30 =	sld [smem:$0x0];
	_ =	sdelay $0x2  }
0xb9: {  	s31 =	sshll.u32 s1, $0xD;
	s1 =	sshrl.u32 s1, $0x2  }
0xba: {  	s3 =	sand.u32 $0x4000, s31;
	s1 =	sadd.s32 s1, s30  }
0xbb: {  	s0 =	sor.u32 s3, s0;
	s1 =	sshll.u32 s1, $0x11  }
0xbc: {  	s0 =	sor.u32 s1, s0  }
0xbd: {  	s0 =	sadd.s32 $0x8F2B, s0  }
0xbe: {  	[sflag:s0] =	ssyncadd.remote.s32 $0x1  }
0xbf: {  	_ =	sfence.sel $0xFFFF  }
0xc0: {  	[dreg:$0x0] =	wrdreg $0xFFFFFFFF;
	(pc) =	sbr.abs _section_cstart, $3  }
0xc1: {  	[dreg:$0x1] =	wrdreg $0xFFFFFFFF  }
0xc2: {  	_ =	task.clear_ibuf [dreg:s7], $0x2FFFF;
	_ =	strace $0x9FFFFFFF  }
0xc3: {  	(tm) =	ssettm $0x7FFFFFFF  }
tec
execute0_lowered:
.L_overlay_start_1:
0x0: {  	(tag) =	ssettag $0x1  }
0x1: {  	s0 =	rddreg [dreg:$0x0]  }
0x2: {  	s2 =	rddreg [dreg:$0x1]  }
0x3: {  	s3 =	rddreg [dreg:$0x2];
	s1 =	srdreg.scid  }
0x4: {  	s11 =	stileid.u32;
	s4 =	simm.s32 $0x0;
	s28 =	simm.s32 $0x2  }
0x5: {  	s29 =	simm.s32 $0x8800;
	s30 =	simm.s32 $0x7;
	s7 =	smul.u32 $0x2780, s11  }
0x6: {  	s31 =	simm.s32 $0x8;
	s1 =	sand.u32 $0x1, s1;
	s9 =	smul.u32 $0x4F000, s11  }
0x7: {  	[smem:$0x7FF] =	sst s4;
	s5 =	sadd.s32 $0x66600, s0;
	s25 =	smul.u32 $0x28, s11  }
0x8: {  	s6 =	sadd.s32 $0x3600, s0;
	s8 =	smul.u32 $0x27800, s1;
	s10 =	ssub.s32 $0x2, s1  }
0x9: {  	_ =	strace $0x8000004D;
	p0 =	seq.s32 s1, $0x0;
	s20 =	sshrl.u32 s10, $0x1  }
0xa: {  	s9 =	sshrl.u32 s9, $0x2;
	s16 =	sadd.s32 $0x1180, s25;
	s25 =	simm.s32 $0x1  }
0xb: {  	s7 =	sadd.s32 s7, s8;
	s8 =	ssub.s32 s10, s20;
	s10 =	smul.u32 $0x118, s11  }
0xc: {  	s20 =	simm.s32 $0x2800;
	s0 =	sadd.s32 s7, s0;
	s7 =	sadd.s32 s9, s3  }
0xd: {  	s19 =	smax.u32 s8, $0x1;
	s9 =	sadd.s32 $0x2000, s7;
	s21 =	sadd.s32 $0x4000, s7  }
0xe: {  	s22 =	sadd.s32 $0x6000, s7;
	s23 =	sadd.s32 $0x8000, s7;
	s24 =	sadd.s32 $0xA000, s7  }
0xf: {  	s26 =	sadd.s32 $0xC000, s7;
	s14 =	sadd.s32 $0xE000, s7;
	[dreg:$0x4] =	wrdreg s9  }
0x10: {  	s15 =	sadd.s32 $0x10000, s7;
	s17 =	sadd.s32 $0x12000, s7;
	[dreg:$0x5] =	wrdreg s21  }
.Ltmp0:
0x11: {  	s16 =	smov.u32 @p0 s10;
	[dreg:$0x6] =	wrdreg s22;
	(pc) =	sbr.rel .LBB2_1-.Ltmp0, $4  }
0x12: {  	s18 =	sadd.s32 $0x17600, s0;
	p0 =	sne.s32 s1, $0x0;
	[dreg:$0x7] =	wrdreg s23  }
0x13: {  	s0 =	simm.s32 $0x3;
	s1 =	simm.s32 $0x4;
	[dreg:$0x8] =	wrdreg s24  }
0x14: {  	[dreg:$0x9] =	wrdreg s26;
	s21 =	simm.s32 $0x9;
	s22 =	simm.s32 $0x40  }
0x15: {  	v0 =	vimm.f32 $0.0e+00;
	s23 =	simm.s32 $0x80;
	s24 =	simm.s32 $0x4800;
	s26 =	simm.s32 $0x6800  }
.LBB2_14:
0x16: {  	s8 =	stileid.u32;
	s4 =	sadd.s32 $0x1, s4  }
0x17: {  	[bflag:$0x0] =	sbarrier.arrive $0xFFFF;
	s8 =	sshll.u32 s8, $0x6;
	p1 =	sne.s32 s4, s19  }
.Ltmp1:
0x18: {  	s9 =	sshrl.u32 s7, $0x3;
	s8 =	sor.u32 $0x1C09, s8;
	(pc) =	sbr.rel @!p1 .LBB2_15-.Ltmp1, $4  }
0x19: {  	[hbm:s18], [sflag:s8] =	dma.local [spmem:s9], $0x2780  }
0x1a: {  	_ =	swait.ge [sflag:s21], $0x2780  }
0x1b: {  	[sflag:s21] =	ssyncset.done $0x0  }
0x1c: {  	[sflag:s21] =	ssyncadd.s32 $0xFFFFD880  }
.LBB2_1:
0x1d: {  	s8 =	simm.s32 $0x0;
	s9 =	simm.s32 $0x200  }
.LBB2_2:
0x1e: {  	p1 =	sne.s32 s9, $0x7E00;
	[tilespmem:s8+$0x2870] =	vst v0  }
0x1f: {  	[tilespmem:s8+$0x2800] =	vst v0  }
0x20: {  	[tilespmem:s8+$0x2810] =	vst v0  }
.Ltmp2:
0x21: {  	[tilespmem:s8+$0x2820] =	vst v0;
	(pc) =	sbr.rel @p1 .LBB2_2-.Ltmp2, $4  }
0x22: {  	[tilespmem:s8+$0x2830] =	vst v0  }
0x23: {  	[tilespmem:s8+$0x2840] =	vst v0  }
0x24: {  	[tilespmem:s8+$0x2850] =	vst v0  }
0x25: {  	[tilespmem:s8+$0x2860] =	vst v0;
	s8 =	sshra.s32 s9, $0x2;
	s9 =	sadd.s32 $0x200, s9  }
0x26: {  	[tilespmem:s8+$0x2870] =	vst v0  }
0x27: {  	[tilespmem:s8+$0x2800] =	vst v0  }
0x28: {  	[tilespmem:s8+$0x2810] =	vst v0  }
0x29: {  	[tilespmem:s8+$0x2820] =	vst v0  }
0x2a: {  	[tilespmem:s8+$0x2830] =	vst v0  }
0x2b: {  	[tilespmem:s8+$0x2840] =	vst v0  }
0x2c: {  	[tilespmem:s8+$0x2850] =	vst v0  }
0x2d: {  	[tilespmem:s8+$0x2860] =	vst v0  }
0x2e: {  	[spmem:s7] =	stream.linear.scatter [tilespmem:s20], [sflag:$0x9], $0x2000, $0x38;
	[tilespmem:$0x1E400] =	vst v63  }
0x2f: {  	_ =	swait.ge [sflag:s21], $0x2000  }
0x30: {  	[sflag:s21] =	ssyncset.done $0x0  }
0x31: {  	s13 =	rddreg [dreg:$0x4];
	[sflag:s21] =	ssyncadd.s32 $0xFFFFE000  }
0x32: {  	[spmem:s13] =	stream.linear.scatter [tilespmem:s20], [sflag:$0x9], $0x2000, $0x38;
	[tilespmem:$0x1E400] =	vst v63  }
0x33: {  	_ =	swait.ge [sflag:s21], $0x2000  }
0x34: {  	[sflag:s21] =	ssyncset.done $0x0  }
0x35: {  	s9 =	rddreg [dreg:$0x5];
	[sflag:s21] =	ssyncadd.s32 $0xFFFFE000  }
0x36: {  	[spmem:s9] =	stream.linear.scatter [tilespmem:s20], [sflag:$0x9], $0x2000, $0x38;
	[tilespmem:$0x1E400] =	vst v63  }
0x37: {  	_ =	swait.ge [sflag:s21], $0x2000  }
0x38: {  	[sflag:s21] =	ssyncset.done $0x0  }
0x39: {  	s10 =	rddreg [dreg:$0x6];
	[sflag:s21] =	ssyncadd.s32 $0xFFFFE000  }
0x3a: {  	[spmem:s10] =	stream.linear.scatter [tilespmem:s20], [sflag:$0x9], $0x2000, $0x38;
	[tilespmem:$0x1E400] =	vst v63  }
0x3b: {  	_ =	swait.ge [sflag:s21], $0x2000  }
0x3c: {  	[sflag:s21] =	ssyncset.done $0x0  }
0x3d: {  	s11 =	rddreg [dreg:$0x7];
	[sflag:s21] =	ssyncadd.s32 $0xFFFFE000  }
0x3e: {  	[spmem:s11] =	stream.linear.scatter [tilespmem:s20], [sflag:$0x9], $0x2000, $0x38;
	[tilespmem:$0x1E400] =	vst v63  }
0x3f: {  	_ =	swait.ge [sflag:s21], $0x2000  }
0x40: {  	[sflag:s21] =	ssyncset.done $0x0  }
0x41: {  	s12 =	rddreg [dreg:$0x8];
	[sflag:s21] =	ssyncadd.s32 $0xFFFFE000  }
0x42: {  	[spmem:s12] =	stream.linear.scatter [tilespmem:s20], [sflag:$0x9], $0x2000, $0x38;
	[tilespmem:$0x1E400] =	vst v63  }
0x43: {  	_ =	swait.ge [sflag:s21], $0x2000  }
0x44: {  	[sflag:s21] =	ssyncset.done $0x0  }
0x45: {  	s13 =	rddreg [dreg:$0x9];
	[sflag:s21] =	ssyncadd.s32 $0xFFFFE000  }
0x46: {  	[spmem:s13] =	stream.linear.scatter [tilespmem:s20], [sflag:$0x9], $0x2000, $0x38;
	[tilespmem:$0x1E400] =	vst v63  }
0x47: {  	_ =	swait.ge [sflag:s21], $0x2000  }
0x48: {  	[sflag:s21] =	ssyncset.done $0x0  }
0x49: {  	[sflag:s21] =	ssyncadd.s32 $0xFFFFE000  }
0x4a: {  	[spmem:s14] =	stream.linear.scatter [tilespmem:s20], [sflag:$0x9], $0x2000, $0x38;
	[tilespmem:$0x1E400] =	vst v63  }
0x4b: {  	_ =	swait.ge [sflag:s21], $0x2000  }
0x4c: {  	[sflag:s21] =	ssyncset.done $0x0  }
0x4d: {  	[sflag:s21] =	ssyncadd.s32 $0xFFFFE000  }
0x4e: {  	[spmem:s15] =	stream.linear.scatter [tilespmem:s20], [sflag:$0x9], $0x2000, $0x38;
	[tilespmem:$0x1E400] =	vst v63  }
0x4f: {  	_ =	swait.ge [sflag:s21], $0x2000  }
0x50: {  	[sflag:s21] =	ssyncset.done $0x0  }
0x51: {  	[sflag:s21] =	ssyncadd.s32 $0xFFFFE000  }
0x52: {  	[spmem:s17] =	stream.linear.scatter [tilespmem:s20], [sflag:$0x9], $0x1C00, $0x38;
	[tilespmem:$0x1E400] =	vst v63  }
.Ltmp3:
0x53: {  	_ =	swait.ge [sflag:s21], $0x1C00;
	(pc) =	sbr.rel .LBB2_4-.Ltmp3, $4  }
0x54: {  	[sflag:s21] =	ssyncset.done $0x0  }
0x55: {  	[sflag:s21] =	ssyncadd.s32 $0xFFFFE400  }
0x56: {  	[bflag:$0x0] =	sbarrier.arrive $0xFFFF  }
0x57: {  	s8 =	simm.s32 $0x0;
	s9 =	simm.s32 $0x0  }
.LBB2_13:
0x58: {  	p1 =	slt.u32 @!p0 s9, $0x6  }
0x59: {  	_ =	swait.ge [sflag:s30], $0x2000;
	p1 =	por p0, !p1  }
.Ltmp4:
0x5a: {  	[sflag:s30] =	ssyncset.done $0x0;
	(pc) =	sbr.rel @p1 .LBB2_14-.Ltmp4, $4  }
0x5b: {  	[sflag:s30] =	ssyncadd.s32 $0xFFFFE000  }
0x5c: {  	_ =	swait.ge [sflag:s31], $0x2000  }
0x5d: {  	[sflag:s31] =	ssyncset.done $0x0  }
0x5e: {  	s9 =	sadd.s32 $0x1, s9;
	[sflag:s31] =	ssyncadd.s32 $0xFFFFE000  }
.LBB2_4:
0x5f: {  	s10 =	smul.u32 $0x28, s9;
	_ =	sdelay $0x1  }
0x60: {  	s10 =	sadd.s32 s16, s10  }
0x61: {  	s10 =	sshll.u32 s10, $0x4  }
0x62: {  	s11 =	sadd.s32 s5, s10  }
0x63: {  	[tilespmem:s8], [sflag:$0x9] =	stream.linear.gather [hbm4b:s11+s8], $0x1400, $0x38;
	[tilespmem:$0x1E400] =	vst v63  }
0x64: {  	_ =	swait.ge [sflag:s21], $0x1400  }
0x65: {  	[sflag:s21] =	ssyncset.done $0x0  }
0x66: {  	s13 =	sadd.s32 s6, s10;
	s10 =	simm.s32 $0x1400;
	[sflag:s21] =	ssyncadd.s32 $0xFFFFEC00  }
0x67: {  	[tilespmem:s10], [sflag:$0x9] =	stream.linear.gather [hbm4b:s13+s8], $0x1400, $0x38;
	[tilespmem:$0x1E400] =	vst v63  }
0x68: {  	_ =	swait.ge [sflag:s21], $0x1400  }
.Ltmp5:
0x69: {  	[sflag:s21] =	ssyncset.done $0x0;
	(pc) =	sbr.rel .LBB2_5-.Ltmp5, $4  }
0x6a: {  	[sflag:s21] =	ssyncadd.s32 $0xFFFFEC00  }
0x6b: {  	[tilespmem:s20], [sflag:$0x1] =	stream.indirect.gather [hbm4b:s2+s22], $0x80, s8, s22, $0xb8;
	[tilespmem:$0x1E400] =	vst v63  }
0x6c: {  	s12 =	simm.s32 $0x0;
	s11 =	simm.s32 $0x100  }
0x6d: {  	[tilespmem:s24], [sflag:$0x2] =	stream.indirect.gather [hbm4b:s2+s22], $0x80, s23, s22, $0xb8;
	[tilespmem:$0x1E400] =	vst v63  }
.LBB2_11:
0x6e: {  	_ =	swait.ge [sflag:s1], $0x2000  }
0x6f: {  	[sflag:s1] =	ssyncset.done $0x0  }
0x70: {  	s13 =	simm.s32 @!p1 $0x6;
	[sflag:s1] =	ssyncadd.s32 $0xFFFFE000  }
0x71: {  	_ =	swait.ge @!p1 [sflag:s13], $0x2000  }
0x72: {  	[sflag:s13] =	ssyncset.done @!p1 $0x0  }
0x73: {  	p2 =	por p1, !p2;
	[sflag:s13] =	ssyncadd.s32 @!p1 $0xFFFFE000  }
0x74: {  	[tilespmem:s24], [sflag:$0x2] =	stream.indirect.gather @p2 [hbm4b:s2+s22], $0x80, s11, s22, $0xb8;
	[tilespmem:$0x1E400] =	vst v63  }
0x75: {  	_ = 	snop  }
0x76: {  	[spmem:s3] =	stream.indirect.scatter.add.f32 [tilespmem:s29], [sflag:$0x8], $0x80, s10, s22, $0xb8;
	[tilespmem:$0x1E400] =	vst v63  }
.LBB2_12:
0x77: {  	s12 =	sadd.s32 $0x1, s12  }
0x78: {  	p1 =	sne.s32 s12, $0x28  }
.Ltmp6:
0x79: {  	_ = 	snop;
	(pc) =	sbr.rel @!p1 .LBB2_13-.Ltmp6, $2  }
0x7a: {  	_ =	sdelay $0x2  }
0x7b: {  	s10 =	sadd.s32 $0x80, s10;
	s11 =	sadd.s32 $0x80, s11  }
.LBB2_5:
0x7c: {  	s13 =	sand.u32 $0x3, s12  }
0x7d: {  	p1 =	sgt.s32 s13, $0x1  }
.Ltmp7:
0x7e: {  	_ = 	snop;
	(pc) =	sbr.rel @p1 .LBB2_10-.Ltmp7, $1  }
0x7f: {  	_ =	sdelay $0x3  }
0x80: {  	p1 =	seq.s32 s13, $0x0  }
.Ltmp8:
0x81: {  	_ = 	snop;
	(pc) =	sbr.rel @!p1 .LBB2_8-.Ltmp8, $1  }
0x82: {  	_ =	sdelay $0x3  }
0x83: {  	_ =	swait.ge [sflag:s25], $0x2000  }
0x84: {  	p1 =	slt.u32 s12, $0x2;
	[sflag:s25] =	ssyncset.done $0x0  }
0x85: {  	s13 =	simm.s32 @!p1 $0x7;
	[sflag:s25] =	ssyncadd.s32 $0xFFFFE000  }
0x86: {  	_ =	swait.ge @!p1 [sflag:s13], $0x2000  }
.Ltmp9:
0x87: {  	p2 =	sgt.u32 @!p1 s12, $0x25;
	[sflag:s13] =	ssyncset.done @!p1 $0x0;
	(pc) =	sbr.rel .LBB2_12-.Ltmp9, $4  }
0x88: {  	p2 =	por p1, !p2;
	[sflag:s13] =	ssyncadd.s32 @!p1 $0xFFFFE000  }
0x89: {  	[tilespmem:s26], [sflag:$0x3] =	stream.indirect.gather @p2 [hbm4b:s2+s22], $0x80, s11, s22, $0xb8;
	[tilespmem:$0x1E400] =	vst v63  }
0x8a: {  	_ = 	snop  }
0x8b: {  	[spmem:s3] =	stream.indirect.scatter.add.f32 [tilespmem:s20], [sflag:$0x5], $0x80, s10, s22, $0xb8;
	[tilespmem:$0x1E400] =	vst v63  }
.LBB2_10:
0x8c: {  	p3 =	seq.s32 s13, $0x2  }
.Ltmp10:
0x8d: {  	_ = 	snop;
	(pc) =	sbr.rel @!p3 .LBB2_11-.Ltmp10, $3  }
0x8e: {  	_ =	sdelay $0x1  }
0x8f: {  	p1 =	slt.u32 s12, $0x2  }
0x90: {  	p2 =	sgt.u32 @!p1 s12, $0x25  }
0x91: {  	_ =	swait.ge [sflag:s0], $0x2000  }
0x92: {  	[sflag:s0] =	ssyncset.done $0x0  }
0x93: {  	s13 =	simm.s32 @!p1 $0x5;
	[sflag:s0] =	ssyncadd.s32 $0xFFFFE000  }
0x94: {  	_ =	swait.ge @!p1 [sflag:s13], $0x2000  }
.Ltmp11:
0x95: {  	[sflag:s13] =	ssyncset.done @!p1 $0x0;
	(pc) =	sbr.rel .LBB2_12-.Ltmp11, $4  }
0x96: {  	p2 =	por p1, !p2;
	[sflag:s13] =	ssyncadd.s32 @!p1 $0xFFFFE000  }
0x97: {  	[tilespmem:s20], [sflag:$0x1] =	stream.indirect.gather @p2 [hbm4b:s2+s22], $0x80, s11, s22, $0xb8;
	[tilespmem:$0x1E400] =	vst v63  }
0x98: {  	_ = 	snop  }
0x99: {  	[spmem:s3] =	stream.indirect.scatter.add.f32 [tilespmem:s26], [sflag:$0x7], $0x80, s10, s22, $0xb8;
	[tilespmem:$0x1E400] =	vst v63  }
.LBB2_8:
0x9a: {  	_ =	swait.ge [sflag:s28], $0x2000  }
0x9b: {  	p1 =	slt.u32 s12, $0x2;
	[sflag:s28] =	ssyncset.done $0x0  }
0x9c: {  	s13 =	simm.s32 @!p1 $0x8;
	[sflag:s28] =	ssyncadd.s32 $0xFFFFE000  }
0x9d: {  	_ =	swait.ge @!p1 [sflag:s13], $0x2000  }
.Ltmp12:
0x9e: {  	p2 =	sgt.u32 @!p1 s12, $0x25;
	[sflag:s13] =	ssyncset.done @!p1 $0x0;
	(pc) =	sbr.rel .LBB2_12-.Ltmp12, $4  }
0x9f: {  	p2 =	por p1, !p2;
	[sflag:s13] =	ssyncadd.s32 @!p1 $0xFFFFE000  }
0xa0: {  	[tilespmem:s29], [sflag:$0x4] =	stream.indirect.gather @p2 [hbm4b:s2+s22], $0x80, s11, s22, $0xb8;
	[tilespmem:$0x1E400] =	vst v63  }
0xa1: {  	_ = 	snop  }
0xa2: {  	[spmem:s3] =	stream.indirect.scatter.add.f32 [tilespmem:s24], [sflag:$0x6], $0x80, s10, s22, $0xb8;
	[tilespmem:$0x1E400] =	vst v63  }
.LBB2_15:
0xa3: {  	_ =	sfence.sel $0x180000  }
0xa4: {  	[bflag:$0x0] =	sbarrier.arrive $0xFFFF  }
0xa5: {  	_ =	strace $0x9000004D  }
0xa6: {  	s0 =	stileid.u32;
	[bflag:$0x2] =	sbarrier.arrive $0xFFFF  }
0xa7: {  	p0 =	sne.s32 s0, $0x0;
	s0 =	rddreg [dreg:$0x3]  }
0xa8: {  	s0 =	sadd.s32 @!p0 $0x100000, s0  }
0xa9: {  	[sflag:s0] =	ssyncadd.tile.s32 @!p0 $0x1;
	_ =	shalt  }
.Lfunc_end2:
_tile_overlayer_lowered:
.L_overlay_start_2:
0xaa: {  	(tag) =	ssettag $0x2  }
0xab: {  	s0 =	rddreg [dreg:$0x0];
	s2 =	stileid.u32  }
0xac: {  	s1 =	rddreg [dreg:$0x1];
	p0 =	sne.s32 s2, $0x0  }
0xad: {  	s3 =	rddreg [dreg:$0x2];
	[bflag:$0x3] =	sbarrier.arrive $0xFFFF;
	s2 =	simm.s32 @!p0 $0x1C09  }
0xae: {  	[timem:s3], [sflag:s2] =	dma.local @!p0 [hbm:s0], s1  }
0xaf: {  	s0 =	simm.s32 @!p0 $0x9  }
0xb0: {  	_ =	swait.ge @!p0 [sflag:s0], s1  }
0xb1: {  	s1 =	ssub.s32 @!p0 $0x0, s1;
	[sflag:s0] =	ssyncset.done @!p0 $0x0  }
0xb2: {  	[sflag:s0] =	ssyncadd.s32 @!p0 s1  }
0xb3: {  	[bflag:$0x3] =	sbarrier.arrive $0xFFFF  }
0xb4: {  	_ =	shalt  }

// kernel: kernel.19.cloned.1.call-start
scs
__scs_entry_jumppad:
0x0: {  	(pc) =	sbr.rel $0x88, $3  }
0x1: {  	(tag) =	ssettag $0x0;
	lr =	simm.s32 $0x1  }
0x2: {  	[smem:$0x3F93] =	sst lr;
	_ =	strace $0xD0000000  }
0x3: {  	_ = 	snop  }
0x4: {  	_ = 	snop  }
0x5: {  	_ = 	snop  }
0x6: {  	_ = 	snop  }
0x7: {  	_ = 	snop  }
__scs_overlays_trampoline_lowered:
0x8: {  	[smem:$0x3FA2] =	sst s0  }
0x9: {  	[smem:$0x3FA3] =	sst s1  }
0xa: {  	[smem:$0x3FA4] =	sst s2  }
0xb: {  	[smem:$0x3FA5] =	sst s3  }
0xc: {  	[smem:$0x3FA6] =	sst s4  }
0xd: {  	[smem:$0x3FA7] =	sst s5  }
0xe: {  	[smem:$0x3FA8] =	sst s6  }
0xf: {  	[smem:$0x3FA9] =	sst s7  }
0x10: {  	[smem:$0x3FAA] =	sst s8  }
0x11: {  	[smem:$0x3FAB] =	sst s9;
	s0 =	simm.s32 @!p0 $0x0  }
0x12: {  	s1 =	sld [smem:$0x3F91];
	s0 =	simm.s32 @p0 $0x1  }
0x13: {  	[smem:$0x3FAC] =	sst s0;
	s0 =	simm.s32 @!p1 $0x0  }
0x14: {  	s2 =	sld [smem:$0x3F90];
	s0 =	simm.s32 @p1 $0x1  }
0x15: {  	[smem:$0x3FAD] =	sst s0;
	s0 =	simm.s32 @!p2 $0x0  }
0x16: {  	s3 =	sld [smem:$0x3FDB];
	s0 =	simm.s32 @p2 $0x1  }
0x17: {  	s4 =	simm.s32 $0x1BF5;
	[smem:$0x3FAF] =	sst s0  }
0x18: {  	s0 =	sld [smem:$0x3F92];
	_ =	swait.ge [sflag:s4], $0x0  }
0x19: {  	s7 =	sld [smem:$0x3F93]  }
0x1a: {  	s8 =	sadd.s32 $0xFFFFE003, lr  }
0x1b: {  	s9 =	sadd.s32 $0xFFFFFEF7, lr;
	s5 =	simm.s32 $0xFFFFFFFF;
	p2 =	slt.u32 s8, $0xFFFFF086  }
0x1c: {  	p1 =	slt.u32 s9, $0xF7A;
	s5 =	simm.s32 @!p2 $0x0  }
0x1d: {  	s5 =	simm.s32 @p1 $0x1;
	p0 =	seq.s32 s7, s2  }
0x1e: {  	s7 =	smul.u32 @!p0 $0xF7A, s2;
	p2 =	seq.s32 @!p0 s5, $0x0  }
0x1f: {  	s9 =	smul.u32 $0xF7A, s1;
	s8 =	simm.s32 @!p0 $0x1BF5;
	p2 =	por !p2, p0  }
0x20: {  	[sflag:s8] =	ssyncset.s32 @!p0 $0xFFFFF086;
	s6 =	sadd.s32 @!p0 s3, s7;
	s7 =	simm.s32 @!p0 $0x108  }
0x21: {  	s3 =	sadd.s32 s3, s9;
	s6 =	sadd.s32 @!p0 $0x88, s6;
	s7 =	simm.s32 @p2 $0x1082  }
0x22: {  	[simem:s7], [sflag:s8] =	dma.local @!p0 [hbm:s6], $0xF7A  }
0x23: {  	s9 =	sor.u32 $0xD0000000, s2;
	s6 =	simm.s32 $0x108;
	_ =	swait.ge @!p0 [sflag:s8], $0x0  }
0x24: {  	s3 =	sadd.s32 $0x88, s3;
	s6 =	simm.s32 @!p1 $0x1082;
	[sflag:s4] =	ssyncset.s32 $0xFFFFF086  }
0x25: {  	[simem:s6], [sflag:s4] =	dma.local [hbm:s3], $0xF7A  }
0x26: {  	[smem:$0x3F93] =	sst s1;
	(tag) =	ssettag s2;
	_ =	strace s9  }
0x27: {  	s1 =	sld [smem:$0x3FA3]  }
0x28: {  	s2 =	sld [smem:$0x3FA4]  }
0x29: {  	s4 =	sld [smem:$0x3FA6]  }
0x2a: {  	p0 =	seq.s32 s5, $0x0;
	s5 =	sld [smem:$0x3FA7]  }
0x2b: {  	s6 =	sld [smem:$0x3FA8]  }
0x2c: {  	s7 =	sld [smem:$0x3FA9]  }
0x2d: {  	s3 =	simm.s32 $0x108;
	s8 =	sld [smem:$0x3FAA]  }
0x2e: {  	s3 =	simm.s32 @!p0 $0x1082;
	s9 =	sld [smem:$0x3FAB]  }
0x2f: {  	lr =	sadd.s32 s0, s3;
	s0 =	sld [smem:$0x3FA2]  }
0x30: {  	s3 =	sld [smem:$0x3FA5]  }
0x31: {  	[smem:$0x3FAE] =	sst s10  }
0x32: {  	s10 =	sld [smem:$0x3FAC];
	_ =	sdelay $0x3  }
0x33: {  	p0 =	seq.s32 s10, $0x1;
	s10 =	sld [smem:$0x3FAE];
	_ =	sdelay $0x3  }
0x34: {  	[smem:$0x3FAE] =	sst s10  }
0x35: {  	s10 =	sld [smem:$0x3FAD];
	_ =	sdelay $0x3  }
0x36: {  	p1 =	seq.s32 s10, $0x1;
	s10 =	sld [smem:$0x3FAE];
	_ =	sdelay $0x3  }
0x37: {  	[smem:$0x3FAE] =	sst s10  }
0x38: {  	s10 =	sld [smem:$0x3FAF]  }
0x39: {  	_ = 	snop;
	(pc) =	sbr.ind lr, $3  }
0x3a: {  	_ = 	snop  }
0x3b: {  	_ = 	snop  }
0x3c: {  	p2 =	seq.s32 s10, $0x1;
	s10 =	sld [smem:$0x3FAE]  }
0x3d: {  	_ =	shalt  }
0x3e: {  	_ =	shalt  }
0x3f: {  	_ =	shalt  }
0x40: {  	_ =	shalt  }
0x41: {  	_ =	shalt  }
0x42: {  	_ =	shalt  }
0x43: {  	_ =	shalt  }
0x44: {  	_ =	shalt  }
0x45: {  	_ =	shalt  }
0x46: {  	_ =	shalt  }
0x47: {  	_ =	shalt  }
0x48: {  	_ =	shalt  }
0x49: {  	_ =	shalt  }
0x4a: {  	_ =	shalt  }
0x4b: {  	_ =	shalt  }
0x4c: {  	_ =	shalt  }
0x4d: {  	_ =	shalt  }
0x4e: {  	_ =	shalt  }
0x4f: {  	_ =	shalt  }
0x50: {  	_ =	shalt  }
0x51: {  	_ =	shalt  }
0x52: {  	_ =	shalt  }
0x53: {  	_ =	shalt  }
0x54: {  	_ =	shalt  }
0x55: {  	_ =	shalt  }
0x56: {  	_ =	shalt  }
0x57: {  	_ =	shalt  }
0x58: {  	_ =	shalt  }
0x59: {  	_ =	shalt  }
0x5a: {  	_ =	shalt  }
0x5b: {  	_ =	shalt  }
0x5c: {  	_ =	shalt  }
0x5d: {  	_ =	shalt  }
0x5e: {  	_ =	shalt  }
0x5f: {  	_ =	shalt  }
0x60: {  	_ =	shalt  }
0x61: {  	_ =	shalt  }
0x62: {  	_ =	shalt  }
0x63: {  	_ =	shalt  }
0x64: {  	_ =	shalt  }
0x65: {  	_ =	shalt  }
0x66: {  	_ =	shalt  }
0x67: {  	_ =	shalt  }
0x68: {  	_ =	shalt  }
0x69: {  	_ =	shalt  }
0x6a: {  	_ =	shalt  }
0x6b: {  	_ =	shalt  }
0x6c: {  	_ =	shalt  }
0x6d: {  	_ =	shalt  }
0x6e: {  	_ =	shalt  }
0x6f: {  	_ =	shalt  }
0x70: {  	_ =	shalt  }
0x71: {  	_ =	shalt  }
0x72: {  	_ =	shalt  }
0x73: {  	_ =	shalt  }
0x74: {  	_ =	shalt  }
0x75: {  	_ =	shalt  }
0x76: {  	_ =	shalt  }
0x77: {  	_ =	shalt  }
0x78: {  	_ =	shalt  }
0x79: {  	_ =	shalt  }
0x7a: {  	_ =	shalt  }
0x7b: {  	_ =	shalt  }
0x7c: {  	_ =	shalt  }
0x7d: {  	_ =	shalt  }
0x7e: {  	_ =	shalt  }
0x7f: {  	_ =	shalt  }
0x80: {  	_ =	shalt  }
0x81: {  	_ =	shalt  }
0x82: {  	_ =	shalt  }
0x83: {  	_ =	shalt  }
0x84: {  	_ =	shalt  }
0x85: {  	_ =	shalt  }
0x86: {  	_ =	shalt  }
0x87: {  	_ =	shalt  }
.Lfunc_end0:
.L_simem_size_0:
called_computation.3_lowered:
.L_overlay_start_0:
0x88: {  	s2 =	sld [smem:$0x3FD9]  }
0x89: {  	s3 =	sld [smem:$0x3FFE];
	_ =	sdelay $0x1  }
0x8a: {  	s1 =	srdreg.scid  }
0x8b: {  	s0 =	sand.u32 $0x1, s1  }
0x8c: {  	s17 =	sshll.u32 s0, $0xA;
	s2 =	sadd.s32 s3, s2  }
0x8d: {  	s2 =	sadd.s32 s2, s17  }
0x8e: {  	[smem:$0x3FBA] =	sst s2  }
0x8f: {  	_ = 	snop  }
0x90: {  	s2 =	sld [smem:$0x3FD0];
	(tm) =	ssettm $0x1  }
0x91: {  	s18 =	sld [smem:$0x3FFB];
	_ =	sdelay $0x3  }
0x92: {  	_ =	strace s18  }
0x93: {  	s3 =	sld [smem:$0x3FFC];
	_ =	sdelay $0x3  }
0x94: {  	_ =	strace s3  }
0x95: {  	s3 =	sld [smem:$0x3FFD];
	_ =	sdelay $0x3  }
0x96: {  	_ =	strace s3  }
0x97: {  	_ =	strace $0x8FFFFFFF  }
0x98: {  	s19 =	sld [smem:$0x3FDB];
	_ =	sdelay $0x1  }
0x99: {  	s4 =	simm.s32 $_scs_section_size  }
0x9a: {  	s5 =	simm.s32 $_size__tile_overlayer_lowered;
	s6 =	simm.s32 $_tile_overlayer_lowered  }
0x9b: {  	s22 =	simm.s32 $0x1BFF;
	s21 =	sshll.u32 s6, $0x1;
	s3 =	sadd.s32 s4, s19  }
0x9c: {  	s7 =	simm.s32 $0x0;
	s20 =	sshll.u32 s5, $0x1;
	s5 =	sadd.s32 s21, s3  }
0x9d: {  	[timem:s7], [sflag:s22] =	dma.local [hbm:s5], s20  }
0x9e: {  	_ =	swait.ge [sflag:s22], s20  }
0x9f: {  	s4 =	ssub.s32 $0x0, s20;
	[sflag:s22] =	ssyncset.done $0x0  }
0xa0: {  	[sflag:s22] =	ssyncadd.s32 s4;
	_ =	sdelay $0x1  }
0xa1: {  	s23 =	simm.s32 $0x1B8B  }
0xa2: {  	_ =	swait.ge [sflag:s23], $0x1  }
0xa3: {  	[sflag:s23] =	ssyncset.done $0x0  }
0xa4: {  	s25 =	simm.s32 $0x1B8E;
	s24 =	sld [smem:$0x3FFE];
	[sflag:s23] =	ssyncadd.s32 $0xFFFFFFFF  }
0xa5: {  	s26 =	simm.s32 $execute0_lowered;
	[smem:$0x3FD2] =	sst s25  }
0xa6: {  	s5 =	sshll.u32 s26, $0x1;
	_ =	strace $0x8000004F;
	[dreg:$0x1] =	wrdreg $0xFFFFFFFF  }
0xa7: {  	s28 =	simm.s32 $_size_execute0_lowered;
	s3 =	sadd.s32 s3, s5;
	[dreg:$0x0] =	wrdreg $0x0  }
0xa8: {  	s5 =	sshll.u32 s28, $0x1;
	[dreg:$0x2] =	wrdreg s3  }
0xa9: {  	[dreg:$0x3] =	wrdreg s5  }
0xaa: {  	[dreg:$0x4] =	wrdreg $0xC0  }
0xab: {  	_ =	task [dreg:s7], $0x5FFFF  }
0xac: {  	[dreg:$0x1] =	wrdreg $0xFFFFFFFF  }
0xad: {  	[dreg:$0x0] =	wrdreg $0x60  }
0xae: {  	[dreg:$0x2] =	wrdreg s24  }
0xaf: {  	[dreg:$0x3] =	wrdreg s2  }
0xb0: {  	[dreg:$0x4] =	wrdreg $0xA8000  }
0xb1: {  	[dreg:$0x5] =	wrdreg $0x9  }
0xb2: {  	_ =	task.clear_ibuf [dreg:s7], $0x6FFFF;
	_ =	strace $0x9000004F  }
0xb3: {  	s29 =	simm.s32 $0x9;
	_ =	strace $0x80000051  }
0xb4: {  	_ =	swait.ge [sflag:s29], $0x1  }
0xb5: {  	[sflag:s29] =	ssyncadd.s32 $0xFFFFFFFF  }
0xb6: {  	_ =	strace $0x90000051  }
0xb7: {  	_ =	sfence  }
0xb8: {  	s30 =	sld [smem:$0x0];
	_ =	sdelay $0x2  }
0xb9: {  	s31 =	sshll.u32 s1, $0xD;
	s1 =	sshrl.u32 s1, $0x2  }
0xba: {  	s3 =	sand.u32 $0x4000, s31;
	s1 =	sadd.s32 s1, s30  }
0xbb: {  	s0 =	sor.u32 s3, s0;
	s1 =	sshll.u32 s1, $0x11  }
0xbc: {  	s0 =	sor.u32 s1, s0  }
0xbd: {  	s0 =	sadd.s32 $0x8F2B, s0  }
0xbe: {  	[sflag:s0] =	ssyncadd.remote.s32 $0x1  }
0xbf: {  	_ =	sfence.sel $0xFFFF  }
0xc0: {  	[dreg:$0x0] =	wrdreg $0xFFFFFFFF;
	(pc) =	sbr.abs _section_cstart, $3  }
0xc1: {  	[dreg:$0x1] =	wrdreg $0xFFFFFFFF  }
0xc2: {  	_ =	task.clear_ibuf [dreg:s7], $0x2FFFF;
	_ =	strace $0x9FFFFFFF  }
0xc3: {  	(tm) =	ssettm $0x7FFFFFFF  }
tec
execute0_lowered:
.L_overlay_start_1:
0x0: {  	(tag) =	ssettag $0x1  }
0x1: {  	s0 =	rddreg [dreg:$0x0]  }
0x2: {  	s2 =	rddreg [dreg:$0x1]  }
0x3: {  	s3 =	rddreg [dreg:$0x2];
	s1 =	srdreg.scid  }
0x4: {  	s11 =	stileid.u32;
	s4 =	simm.s32 $0x0;
	s28 =	simm.s32 $0x2  }
0x5: {  	s29 =	simm.s32 $0x8800;
	s30 =	simm.s32 $0x7;
	s7 =	smul.u32 $0x2780, s11  }
0x6: {  	s31 =	simm.s32 $0x8;
	s1 =	sand.u32 $0x1, s1;
	s9 =	smul.u32 $0x4F000, s11  }
0x7: {  	[smem:$0x7FF] =	sst s4;
	s5 =	sadd.s32 $0x66600, s0;
	s25 =	smul.u32 $0x28, s11  }
0x8: {  	s6 =	sadd.s32 $0x3600, s0;
	s8 =	smul.u32 $0x27800, s1;
	s10 =	ssub.s32 $0x2, s1  }
0x9: {  	_ =	strace $0x80000050;
	p0 =	seq.s32 s1, $0x0;
	s20 =	sshrl.u32 s10, $0x1  }
0xa: {  	s9 =	sshrl.u32 s9, $0x2;
	s16 =	sadd.s32 $0x1180, s25;
	s25 =	simm.s32 $0x1  }
0xb: {  	s7 =	sadd.s32 s7, s8;
	s8 =	ssub.s32 s10, s20;
	s10 =	smul.u32 $0x118, s11  }
0xc: {  	s20 =	simm.s32 $0x2800;
	s0 =	sadd.s32 s7, s0;
	s7 =	sadd.s32 s9, s3  }
0xd: {  	s19 =	smax.u32 s8, $0x1;
	s9 =	sadd.s32 $0x2000, s7;
	s21 =	sadd.s32 $0x4000, s7  }
0xe: {  	s22 =	sadd.s32 $0x6000, s7;
	s23 =	sadd.s32 $0x8000, s7;
	s24 =	sadd.s32 $0xA000, s7  }
0xf: {  	s26 =	sadd.s32 $0xC000, s7;
	s14 =	sadd.s32 $0xE000, s7;
	[dreg:$0x4] =	wrdreg s9  }
0x10: {  	s15 =	sadd.s32 $0x10000, s7;
	s17 =	sadd.s32 $0x12000, s7;
	[dreg:$0x5] =	wrdreg s21  }
.Ltmp0:
0x11: {  	s16 =	smov.u32 @p0 s10;
	[dreg:$0x6] =	wrdreg s22;
	(pc) =	sbr.rel .LBB2_1-.Ltmp0, $4  }
0x12: {  	s18 =	sadd.s32 $0x17600, s0;
	p0 =	sne.s32 s1, $0x0;
	[dreg:$0x7] =	wrdreg s23  }
0x13: {  	s0 =	simm.s32 $0x3;
	s1 =	simm.s32 $0x4;
	[dreg:$0x8] =	wrdreg s24  }
0x14: {  	[dreg:$0x9] =	wrdreg s26;
	s21 =	simm.s32 $0x9;
	s22 =	simm.s32 $0x40  }
0x15: {  	v0 =	vimm.f32 $0.0e+00;
	s23 =	simm.s32 $0x80;
	s24 =	simm.s32 $0x4800;
	s26 =	simm.s32 $0x6800  }
.LBB2_14:
0x16: {  	s8 =	stileid.u32;
	s4 =	sadd.s32 $0x1, s4  }
0x17: {  	[bflag:$0x0] =	sbarrier.arrive $0xFFFF;
	s8 =	sshll.u32 s8, $0x6;
	p1 =	sne.s32 s4, s19  }
.Ltmp1:
0x18: {  	s9 =	sshrl.u32 s7, $0x3;
	s8 =	sor.u32 $0x1C09, s8;
	(pc) =	sbr.rel @!p1 .LBB2_15-.Ltmp1, $4  }
0x19: {  	[hbm:s18], [sflag:s8] =	dma.local [spmem:s9], $0x2780  }
0x1a: {  	_ =	swait.ge [sflag:s21], $0x2780  }
0x1b: {  	[sflag:s21] =	ssyncset.done $0x0  }
0x1c: {  	[sflag:s21] =	ssyncadd.s32 $0xFFFFD880  }
.LBB2_1:
0x1d: {  	s8 =	simm.s32 $0x0;
	s9 =	simm.s32 $0x200  }
.LBB2_2:
0x1e: {  	p1 =	sne.s32 s9, $0x7E00;
	[tilespmem:s8+$0x2870] =	vst v0  }
0x1f: {  	[tilespmem:s8+$0x2800] =	vst v0  }
0x20: {  	[tilespmem:s8+$0x2810] =	vst v0  }
.Ltmp2:
0x21: {  	[tilespmem:s8+$0x2820] =	vst v0;
	(pc) =	sbr.rel @p1 .LBB2_2-.Ltmp2, $4  }
0x22: {  	[tilespmem:s8+$0x2830] =	vst v0  }
0x23: {  	[tilespmem:s8+$0x2840] =	vst v0  }
0x24: {  	[tilespmem:s8+$0x2850] =	vst v0  }
0x25: {  	[tilespmem:s8+$0x2860] =	vst v0;
	s8 =	sshra.s32 s9, $0x2;
	s9 =	sadd.s32 $0x200, s9  }
0x26: {  	[tilespmem:s8+$0x2870] =	vst v0  }
0x27: {  	[tilespmem:s8+$0x2800] =	vst v0  }
0x28: {  	[tilespmem:s8+$0x2810] =	vst v0  }
0x29: {  	[tilespmem:s8+$0x2820] =	vst v0  }
0x2a: {  	[tilespmem:s8+$0x2830] =	vst v0  }
0x2b: {  	[tilespmem:s8+$0x2840] =	vst v0  }
0x2c: {  	[tilespmem:s8+$0x2850] =	vst v0  }
0x2d: {  	[tilespmem:s8+$0x2860] =	vst v0  }
0x2e: {  	[spmem:s7] =	stream.linear.scatter [tilespmem:s20], [sflag:$0x9], $0x2000, $0x38;
	[tilespmem:$0x1E400] =	vst v63  }
0x2f: {  	_ =	swait.ge [sflag:s21], $0x2000  }
0x30: {  	[sflag:s21] =	ssyncset.done $0x0  }
0x31: {  	s13 =	rddreg [dreg:$0x4];
	[sflag:s21] =	ssyncadd.s32 $0xFFFFE000  }
0x32: {  	[spmem:s13] =	stream.linear.scatter [tilespmem:s20], [sflag:$0x9], $0x2000, $0x38;
	[tilespmem:$0x1E400] =	vst v63  }
0x33: {  	_ =	swait.ge [sflag:s21], $0x2000  }
0x34: {  	[sflag:s21] =	ssyncset.done $0x0  }
0x35: {  	s9 =	rddreg [dreg:$0x5];
	[sflag:s21] =	ssyncadd.s32 $0xFFFFE000  }
0x36: {  	[spmem:s9] =	stream.linear.scatter [tilespmem:s20], [sflag:$0x9], $0x2000, $0x38;
	[tilespmem:$0x1E400] =	vst v63  }
0x37: {  	_ =	swait.ge [sflag:s21], $0x2000  }
0x38: {  	[sflag:s21] =	ssyncset.done $0x0  }
0x39: {  	s10 =	rddreg [dreg:$0x6];
	[sflag:s21] =	ssyncadd.s32 $0xFFFFE000  }
0x3a: {  	[spmem:s10] =	stream.linear.scatter [tilespmem:s20], [sflag:$0x9], $0x2000, $0x38;
	[tilespmem:$0x1E400] =	vst v63  }
0x3b: {  	_ =	swait.ge [sflag:s21], $0x2000  }
0x3c: {  	[sflag:s21] =	ssyncset.done $0x0  }
0x3d: {  	s11 =	rddreg [dreg:$0x7];
	[sflag:s21] =	ssyncadd.s32 $0xFFFFE000  }
0x3e: {  	[spmem:s11] =	stream.linear.scatter [tilespmem:s20], [sflag:$0x9], $0x2000, $0x38;
	[tilespmem:$0x1E400] =	vst v63  }
0x3f: {  	_ =	swait.ge [sflag:s21], $0x2000  }
0x40: {  	[sflag:s21] =	ssyncset.done $0x0  }
0x41: {  	s12 =	rddreg [dreg:$0x8];
	[sflag:s21] =	ssyncadd.s32 $0xFFFFE000  }
0x42: {  	[spmem:s12] =	stream.linear.scatter [tilespmem:s20], [sflag:$0x9], $0x2000, $0x38;
	[tilespmem:$0x1E400] =	vst v63  }
0x43: {  	_ =	swait.ge [sflag:s21], $0x2000  }
0x44: {  	[sflag:s21] =	ssyncset.done $0x0  }
0x45: {  	s13 =	rddreg [dreg:$0x9];
	[sflag:s21] =	ssyncadd.s32 $0xFFFFE000  }
0x46: {  	[spmem:s13] =	stream.linear.scatter [tilespmem:s20], [sflag:$0x9], $0x2000, $0x38;
	[tilespmem:$0x1E400] =	vst v63  }
0x47: {  	_ =	swait.ge [sflag:s21], $0x2000  }
0x48: {  	[sflag:s21] =	ssyncset.done $0x0  }
0x49: {  	[sflag:s21] =	ssyncadd.s32 $0xFFFFE000  }
0x4a: {  	[spmem:s14] =	stream.linear.scatter [tilespmem:s20], [sflag:$0x9], $0x2000, $0x38;
	[tilespmem:$0x1E400] =	vst v63  }
0x4b: {  	_ =	swait.ge [sflag:s21], $0x2000  }
0x4c: {  	[sflag:s21] =	ssyncset.done $0x0  }
0x4d: {  	[sflag:s21] =	ssyncadd.s32 $0xFFFFE000  }
0x4e: {  	[spmem:s15] =	stream.linear.scatter [tilespmem:s20], [sflag:$0x9], $0x2000, $0x38;
	[tilespmem:$0x1E400] =	vst v63  }
0x4f: {  	_ =	swait.ge [sflag:s21], $0x2000  }
0x50: {  	[sflag:s21] =	ssyncset.done $0x0  }
0x51: {  	[sflag:s21] =	ssyncadd.s32 $0xFFFFE000  }
0x52: {  	[spmem:s17] =	stream.linear.scatter [tilespmem:s20], [sflag:$0x9], $0x1C00, $0x38;
	[tilespmem:$0x1E400] =	vst v63  }
.Ltmp3:
0x53: {  	_ =	swait.ge [sflag:s21], $0x1C00;
	(pc) =	sbr.rel .LBB2_4-.Ltmp3, $4  }
0x54: {  	[sflag:s21] =	ssyncset.done $0x0  }
0x55: {  	[sflag:s21] =	ssyncadd.s32 $0xFFFFE400  }
0x56: {  	[bflag:$0x0] =	sbarrier.arrive $0xFFFF  }
0x57: {  	s8 =	simm.s32 $0x0;
	s9 =	simm.s32 $0x0  }
.LBB2_13:
0x58: {  	p1 =	slt.u32 @!p0 s9, $0x6  }
0x59: {  	_ =	swait.ge [sflag:s30], $0x2000;
	p1 =	por p0, !p1  }
.Ltmp4:
0x5a: {  	[sflag:s30] =	ssyncset.done $0x0;
	(pc) =	sbr.rel @p1 .LBB2_14-.Ltmp4, $4  }
0x5b: {  	[sflag:s30] =	ssyncadd.s32 $0xFFFFE000  }
0x5c: {  	_ =	swait.ge [sflag:s31], $0x2000  }
0x5d: {  	[sflag:s31] =	ssyncset.done $0x0  }
0x5e: {  	s9 =	sadd.s32 $0x1, s9;
	[sflag:s31] =	ssyncadd.s32 $0xFFFFE000  }
.LBB2_4:
0x5f: {  	s10 =	smul.u32 $0x28, s9;
	_ =	sdelay $0x1  }
0x60: {  	s10 =	sadd.s32 s16, s10  }
0x61: {  	s10 =	sshll.u32 s10, $0x4  }
0x62: {  	s11 =	sadd.s32 s5, s10  }
0x63: {  	[tilespmem:s8], [sflag:$0x9] =	stream.linear.gather [hbm4b:s11+s8], $0x1400, $0x38;
	[tilespmem:$0x1E400] =	vst v63  }
0x64: {  	_ =	swait.ge [sflag:s21], $0x1400  }
0x65: {  	[sflag:s21] =	ssyncset.done $0x0  }
0x66: {  	s13 =	sadd.s32 s6, s10;
	s10 =	simm.s32 $0x1400;
	[sflag:s21] =	ssyncadd.s32 $0xFFFFEC00  }
0x67: {  	[tilespmem:s10], [sflag:$0x9] =	stream.linear.gather [hbm4b:s13+s8], $0x1400, $0x38;
	[tilespmem:$0x1E400] =	vst v63  }
0x68: {  	_ =	swait.ge [sflag:s21], $0x1400  }
.Ltmp5:
0x69: {  	[sflag:s21] =	ssyncset.done $0x0;
	(pc) =	sbr.rel .LBB2_5-.Ltmp5, $4  }
0x6a: {  	[sflag:s21] =	ssyncadd.s32 $0xFFFFEC00  }
0x6b: {  	[tilespmem:s20], [sflag:$0x1] =	stream.indirect.gather [hbm4b:s2+s22], $0x80, s8, s22, $0xb8;
	[tilespmem:$0x1E400] =	vst v63  }
0x6c: {  	s12 =	simm.s32 $0x0;
	s11 =	simm.s32 $0x100  }
0x6d: {  	[tilespmem:s24], [sflag:$0x2] =	stream.indirect.gather [hbm4b:s2+s22], $0x80, s23, s22, $0xb8;
	[tilespmem:$0x1E400] =	vst v63  }
.LBB2_11:
0x6e: {  	_ =	swait.ge [sflag:s1], $0x2000  }
0x6f: {  	[sflag:s1] =	ssyncset.done $0x0  }
0x70: {  	s13 =	simm.s32 @!p1 $0x6;
	[sflag:s1] =	ssyncadd.s32 $0xFFFFE000  }
0x71: {  	_ =	swait.ge @!p1 [sflag:s13], $0x2000  }
0x72: {  	[sflag:s13] =	ssyncset.done @!p1 $0x0  }
0x73: {  	p2 =	por p1, !p2;
	[sflag:s13] =	ssyncadd.s32 @!p1 $0xFFFFE000  }
0x74: {  	[tilespmem:s24], [sflag:$0x2] =	stream.indirect.gather @p2 [hbm4b:s2+s22], $0x80, s11, s22, $0xb8;
	[tilespmem:$0x1E400] =	vst v63  }
0x75: {  	_ = 	snop  }
0x76: {  	[spmem:s3] =	stream.indirect.scatter.add.f32 [tilespmem:s29], [sflag:$0x8], $0x80, s10, s22, $0xb8;
	[tilespmem:$0x1E400] =	vst v63  }
.LBB2_12:
0x77: {  	s12 =	sadd.s32 $0x1, s12  }
0x78: {  	p1 =	sne.s32 s12, $0x28  }
.Ltmp6:
0x79: {  	_ = 	snop;
	(pc) =	sbr.rel @!p1 .LBB2_13-.Ltmp6, $2  }
0x7a: {  	_ =	sdelay $0x2  }
0x7b: {  	s10 =	sadd.s32 $0x80, s10;
	s11 =	sadd.s32 $0x80, s11  }
.LBB2_5:
0x7c: {  	s13 =	sand.u32 $0x3, s12  }
0x7d: {  	p1 =	sgt.s32 s13, $0x1  }
.Ltmp7:
0x7e: {  	_ = 	snop;
	(pc) =	sbr.rel @p1 .LBB2_10-.Ltmp7, $1  }
0x7f: {  	_ =	sdelay $0x3  }
0x80: {  	p1 =	seq.s32 s13, $0x0  }
.Ltmp8:
0x81: {  	_ = 	snop;
	(pc) =	sbr.rel @!p1 .LBB2_8-.Ltmp8, $1  }
0x82: {  	_ =	sdelay $0x3  }
0x83: {  	_ =	swait.ge [sflag:s25], $0x2000  }
0x84: {  	p1 =	slt.u32 s12, $0x2;
	[sflag:s25] =	ssyncset.done $0x0  }
0x85: {  	s13 =	simm.s32 @!p1 $0x7;
	[sflag:s25] =	ssyncadd.s32 $0xFFFFE000  }
0x86: {  	_ =	swait.ge @!p1 [sflag:s13], $0x2000  }
.Ltmp9:
0x87: {  	p2 =	sgt.u32 @!p1 s12, $0x25;
	[sflag:s13] =	ssyncset.done @!p1 $0x0;
	(pc) =	sbr.rel .LBB2_12-.Ltmp9, $4  }
0x88: {  	p2 =	por p1, !p2;
	[sflag:s13] =	ssyncadd.s32 @!p1 $0xFFFFE000  }
0x89: {  	[tilespmem:s26], [sflag:$0x3] =	stream.indirect.gather @p2 [hbm4b:s2+s22], $0x80, s11, s22, $0xb8;
	[tilespmem:$0x1E400] =	vst v63  }
0x8a: {  	_ = 	snop  }
0x8b: {  	[spmem:s3] =	stream.indirect.scatter.add.f32 [tilespmem:s20], [sflag:$0x5], $0x80, s10, s22, $0xb8;
	[tilespmem:$0x1E400] =	vst v63  }
.LBB2_10:
0x8c: {  	p3 =	seq.s32 s13, $0x2  }
.Ltmp10:
0x8d: {  	_ = 	snop;
	(pc) =	sbr.rel @!p3 .LBB2_11-.Ltmp10, $3  }
0x8e: {  	_ =	sdelay $0x1  }
0x8f: {  	p1 =	slt.u32 s12, $0x2  }
0x90: {  	p2 =	sgt.u32 @!p1 s12, $0x25  }
0x91: {  	_ =	swait.ge [sflag:s0], $0x2000  }
0x92: {  	[sflag:s0] =	ssyncset.done $0x0  }
0x93: {  	s13 =	simm.s32 @!p1 $0x5;
	[sflag:s0] =	ssyncadd.s32 $0xFFFFE000  }
0x94: {  	_ =	swait.ge @!p1 [sflag:s13], $0x2000  }
.Ltmp11:
0x95: {  	[sflag:s13] =	ssyncset.done @!p1 $0x0;
	(pc) =	sbr.rel .LBB2_12-.Ltmp11, $4  }
0x96: {  	p2 =	por p1, !p2;
	[sflag:s13] =	ssyncadd.s32 @!p1 $0xFFFFE000  }
0x97: {  	[tilespmem:s20], [sflag:$0x1] =	stream.indirect.gather @p2 [hbm4b:s2+s22], $0x80, s11, s22, $0xb8;
	[tilespmem:$0x1E400] =	vst v63  }
0x98: {  	_ = 	snop  }
0x99: {  	[spmem:s3] =	stream.indirect.scatter.add.f32 [tilespmem:s26], [sflag:$0x7], $0x80, s10, s22, $0xb8;
	[tilespmem:$0x1E400] =	vst v63  }
.LBB2_8:
0x9a: {  	_ =	swait.ge [sflag:s28], $0x2000  }
0x9b: {  	p1 =	slt.u32 s12, $0x2;
	[sflag:s28] =	ssyncset.done $0x0  }
0x9c: {  	s13 =	simm.s32 @!p1 $0x8;
	[sflag:s28] =	ssyncadd.s32 $0xFFFFE000  }
0x9d: {  	_ =	swait.ge @!p1 [sflag:s13], $0x2000  }
.Ltmp12:
0x9e: {  	p2 =	sgt.u32 @!p1 s12, $0x25;
	[sflag:s13] =	ssyncset.done @!p1 $0x0;
	(pc) =	sbr.rel .LBB2_12-.Ltmp12, $4  }
0x9f: {  	p2 =	por p1, !p2;
	[sflag:s13] =	ssyncadd.s32 @!p1 $0xFFFFE000  }
0xa0: {  	[tilespmem:s29], [sflag:$0x4] =	stream.indirect.gather @p2 [hbm4b:s2+s22], $0x80, s11, s22, $0xb8;
	[tilespmem:$0x1E400] =	vst v63  }
0xa1: {  	_ = 	snop  }
0xa2: {  	[spmem:s3] =	stream.indirect.scatter.add.f32 [tilespmem:s24], [sflag:$0x6], $0x80, s10, s22, $0xb8;
	[tilespmem:$0x1E400] =	vst v63  }
.LBB2_15:
0xa3: {  	_ =	sfence.sel $0x180000  }
0xa4: {  	[bflag:$0x0] =	sbarrier.arrive $0xFFFF  }
0xa5: {  	_ =	strace $0x90000050  }
0xa6: {  	s0 =	stileid.u32;
	[bflag:$0x2] =	sbarrier.arrive $0xFFFF  }
0xa7: {  	p0 =	sne.s32 s0, $0x0;
	s0 =	rddreg [dreg:$0x3]  }
0xa8: {  	s0 =	sadd.s32 @!p0 $0x100000, s0  }
0xa9: {  	[sflag:s0] =	ssyncadd.tile.s32 @!p0 $0x1;
	_ =	shalt  }
.Lfunc_end2:
_tile_overlayer_lowered:
.L_overlay_start_2:
0xaa: {  	(tag) =	ssettag $0x2  }
0xab: {  	s0 =	rddreg [dreg:$0x0];
	s2 =	stileid.u32  }
0xac: {  	s1 =	rddreg [dreg:$0x1];
	p0 =	sne.s32 s2, $0x0  }
0xad: {  	s3 =	rddreg [dreg:$0x2];
	[bflag:$0x3] =	sbarrier.arrive $0xFFFF;
	s2 =	simm.s32 @!p0 $0x1C09  }
0xae: {  	[timem:s3], [sflag:s2] =	dma.local @!p0 [hbm:s0], s1  }
0xaf: {  	s0 =	simm.s32 @!p0 $0x9  }
0xb0: {  	_ =	swait.ge @!p0 [sflag:s0], s1  }
0xb1: {  	s1 =	ssub.s32 @!p0 $0x0, s1;
	[sflag:s0] =	ssyncset.done @!p0 $0x0  }
0xb2: {  	[sflag:s0] =	ssyncadd.s32 @!p0 s1  }
0xb3: {  	[bflag:$0x3] =	sbarrier.arrive $0xFFFF  }
0xb4: {  	_ =	shalt  }

</sc_bundles>
